<compile_context>
chip_gen: v7x
topology: tpu7x:2x2x1
jax: 0.10.2.dev20260603
libtpu: 0.0.44.dev20260713+nightly
codegen_flags: <defaults>
</compile_context>

<pallas_src>
import functools

import jax
import jax.numpy as jnp
from jax import lax
from jax.experimental import pallas as pl
from jax.experimental.pallas import tpu as pltpu
from jax.experimental.pallas import tpu_sc as plsc

_NC = 2
_NS = 16
_NW = _NC * _NS
_LANES = 16
_CH = 128
_EB = 2048
_NB = 2000
_FRAC0 = 0.6


def _cdiv(a, b):
    return (a + b - 1) // b




def _dot(a, b):
    return jnp.dot(a, b, preferred_element_type=jnp.float32)


def _y_body(x_ref, wt_ref, y_ref):
    y_ref[...] = _dot(x_ref[...], wt_ref[...])


def _z0_body(ef_ref, we_ref, be_ref, wb_ref, bm_ref, z_ref):
    e = jnp.tanh(_dot(ef_ref[...], we_ref[...]) + be_ref[...])
    z_ref[...] = _dot(e, wb_ref[...]) + bm_ref[...]


def _z1_body(m_ref, wb_ref, bm_ref, z_ref):
    z_ref[...] = _dot(m_ref[...], wb_ref[...]) + bm_ref[...]


def _upd_body(x_ref, p_ref, wx_ref, wa_ref, bu_ref, wt_ref, x1_ref, y1_ref):
    aggr = p_ref[0] + p_ref[1]
    x1 = jnp.tanh(_dot(x_ref[...], wx_ref[...]) + _dot(aggr, wa_ref[...])
                  + bu_ref[...])
    x1_ref[...] = x1
    y1_ref[...] = _dot(x1, wt_ref[...])


def _fin_body(x_ref, p_ref, wx_ref, wa_ref, bu_ref, wd1_ref, bd1_ref,
              wd2_ref, bd2_ref, o_ref):
    aggr = p_ref[0] + p_ref[1]
    x2 = jnp.tanh(_dot(x_ref[...], wx_ref[...]) + _dot(aggr, wa_ref[...])
                  + bu_ref[...])
    h = jnp.tanh(_dot(x2, wd1_ref[...]) + bd1_ref[...])
    o_ref[...] = _dot(h, wd2_ref[...]) + bd2_ref[...]


def _full_spec(shape):
    return pl.BlockSpec(shape, lambda i: (0,) * len(shape))


def _node_linear(x, wt):
    n, d = x.shape
    grid = (_cdiv(n, _NB),)
    return pl.pallas_call(
        _y_body,
        grid=grid,
        in_specs=[pl.BlockSpec((_NB, d), lambda i: (i, 0)),
                  _full_spec(wt.shape)],
        out_specs=pl.BlockSpec((_NB, d), lambda i: (i, 0)),
        out_shape=jax.ShapeDtypeStruct((n, d), jnp.float32),
    )(x, wt)


def _edge_z0(ef_p, we, be, wb, bm):
    e_pad, fe = ef_p.shape
    d = wb.shape[1]
    grid = (e_pad // _EB,)
    return pl.pallas_call(
        _z0_body,
        grid=grid,
        in_specs=[pl.BlockSpec((_EB, fe), lambda i: (i, 0)),
                  _full_spec(we.shape), _full_spec(be.shape),
                  _full_spec(wb.shape), _full_spec(bm.shape)],
        out_specs=pl.BlockSpec((_EB, d), lambda i: (i, 0)),
        out_shape=jax.ShapeDtypeStruct((e_pad, d), jnp.float32),
    )(ef_p, we, be, wb, bm)


def _edge_z1(m0, wb, bm):
    e_pad, d = m0.shape
    grid = (e_pad // _EB,)
    return pl.pallas_call(
        _z1_body,
        grid=grid,
        in_specs=[pl.BlockSpec((_EB, d), lambda i: (i, 0)),
                  _full_spec(wb.shape), _full_spec(bm.shape)],
        out_specs=pl.BlockSpec((_EB, d), lambda i: (i, 0)),
        out_shape=jax.ShapeDtypeStruct((e_pad, d), jnp.float32),
    )(m0, wb, bm)


def _update(x, part, wx, wa, bu, wt):
    n, d = x.shape
    grid = (_cdiv(n, _NB),)
    return pl.pallas_call(
        _upd_body,
        grid=grid,
        in_specs=[pl.BlockSpec((_NB, d), lambda i: (i, 0)),
                  pl.BlockSpec((_NC, _NB, d), lambda i: (0, i, 0)),
                  _full_spec(wx.shape), _full_spec(wa.shape),
                  _full_spec(bu.shape), _full_spec(wt.shape)],
        out_specs=[pl.BlockSpec((_NB, d), lambda i: (i, 0)),
                   pl.BlockSpec((_NB, d), lambda i: (i, 0))],
        out_shape=[jax.ShapeDtypeStruct((n, d), jnp.float32),
                   jax.ShapeDtypeStruct((n, d), jnp.float32)],
    )(x, part, wx, wa, bu, wt)


def _final(x, part, wx, wa, bu, wd1, bd1, wd2, bd2):
    n, d = x.shape
    grid = (_cdiv(n, _NB),)
    return pl.pallas_call(
        _fin_body,
        grid=grid,
        in_specs=[pl.BlockSpec((_NB, d), lambda i: (i, 0)),
                  pl.BlockSpec((_NC, _NB, d), lambda i: (0, i, 0)),
                  _full_spec(wx.shape), _full_spec(wa.shape),
                  _full_spec(bu.shape), _full_spec(wd1.shape),
                  _full_spec(bd1.shape), _full_spec(wd2.shape),
                  _full_spec(bd2.shape)],
        out_specs=pl.BlockSpec((_NB, 1), lambda i: (i, 0)),
        out_shape=jax.ShapeDtypeStruct((n, 1), jnp.float32),
    )(x, part, wx, wa, bu, wd1, bd1, wd2, bd2)




def _tanh_inplace(gv, d):
    nvec = d // _LANES

    def row(i, _):
        for j in range(nvec):
            sl = pl.ds(j * _LANES, _LANES)
            u = gv[i, sl]
            uc = jnp.minimum(jnp.maximum(u, -15.0), 15.0)
            t = jnp.exp(uc * 2.0)
            gv[i, sl] = 1.0 - 2.0 / (1.0 + t)
        return 0

    lax.fori_loop(0, _CH, row, 0)


def _sc_edge_body(write_m, n_pad, nch0, nch1, d,
                  y_hbm, z_hbm, si_hbm, di_hbm, zero_hbm, m_hbm, part_hbm,
                  aggr_sh, sidx, didx, gv0, gv1, sz0, sz1, sg0, sg1,
                  sw0, sw1):
    cid = lax.axis_index("c")
    sid = lax.axis_index("s")
    rpt = n_pad // _NS
    r0 = pl.multiple_of(sid * rpt, 8)

    pltpu.sync_copy(zero_hbm.at[pl.ds(r0, rpt)], aggr_sh.at[pl.ds(r0, rpt)])
    plsc.subcore_barrier()

    gvs = (gv0, gv1)
    semz = (sz0, sz1)
    semg = (sg0, sg1)

    def fetch(g, b):
        pltpu.sync_copy(si_hbm.at[g], sidx.at[b])
        pltpu.sync_copy(di_hbm.at[g], didx.at[b])
        e0 = pl.multiple_of(g * _CH, _CH)
        return pltpu.async_copy(z_hbm.at[pl.ds(e0, _CH)], gvs[b], semz[b])

    def gather(g, b):
        return pltpu.async_copy(y_hbm.at[sidx.at[b]], gvs[b], semg[b],
                                add=True)

    def consume(g, b):
        _tanh_inplace(gvs[b], d)
        e0 = pl.multiple_of(g * _CH, _CH)
        if write_m:
            pltpu.sync_copy(gvs[b], m_hbm.at[pl.ds(e0, _CH)])
        pltpu.sync_copy(gvs[b], aggr_sh.at[didx.at[b]], add=True)

    base = jnp.where(cid == 0, sid * nch0, _NS * nch0 + sid * nch1)
    pairs = jnp.where(cid == 0, nch0 // 2, nch1 // 2)

    def pair(c, _):
        g0 = base + 2 * c
        g1 = g0 + 1
        f0 = fetch(g0, 0)
        f1 = fetch(g1, 1)
        f0.wait()
        cp0 = gather(g0, 0)
        f1.wait()
        cp1 = gather(g1, 1)
        cp0.wait()
        consume(g0, 0)
        cp1.wait()
        consume(g1, 1)
        return 0

    lax.fori_loop(0, pairs, pair, 0, unroll=False)

    plsc.subcore_barrier()
    pltpu.sync_copy(aggr_sh.at[pl.ds(r0, rpt)],
                    part_hbm.at[cid, pl.ds(r0, rpt)])


def _make_sc_layer(write_m, n_pad, e_pad, d):
    g_tot = e_pad // _CH
    nch0 = 2 * int(round(_FRAC0 * g_tot / _NS / 2))
    nch1 = (g_tot - _NS * nch0) // _NS
    mesh = plsc.VectorSubcoreMesh(core_axis_name="c", subcore_axis_name="s",
                                  num_cores=_NC, num_subcores=_NS)
    part_t = jax.ShapeDtypeStruct((_NC, n_pad, d), jnp.float32)
    if write_m:
        out_type = (jax.ShapeDtypeStruct((e_pad, d), jnp.float32), part_t)
    else:
        out_type = part_t
    scratch = [
        pltpu.VMEM_SHARED((n_pad, d), jnp.float32),
        pltpu.VMEM((2, _CH), jnp.int32),
        pltpu.VMEM((2, _CH), jnp.int32),
        pltpu.VMEM((_CH, d), jnp.float32),
        pltpu.VMEM((_CH, d), jnp.float32),
        pltpu.SemaphoreType.DMA,
        pltpu.SemaphoreType.DMA,
        pltpu.SemaphoreType.DMA,
        pltpu.SemaphoreType.DMA,
        pltpu.SemaphoreType.DMA,
        pltpu.SemaphoreType.DMA,
    ]

    if write_m:
        def body(y, z, si, di, zero, m, part, *s):
            _sc_edge_body(True, n_pad, nch0, nch1, d, y, z, si, di, zero, m,
                          part, *s)
    else:
        def body(y, z, si, di, zero, part, *s):
            _sc_edge_body(False, n_pad, nch0, nch1, d, y, z, si, di, zero,
                          None, part, *s)

    return pl.kernel(body, out_type=out_type, mesh=mesh,
                     scratch_types=scratch)




def kernel(node_feature, edge_index, edge_feature, batch,
           W_emb, b_emb,
           W_msg0, b_msg0, W_upd0, b_upd0,
           W_msg1, b_msg1, W_upd1, b_upd1,
           W_d1, b_d1, W_d2, b_d2):
    n, d = node_feature.shape
    e = edge_index.shape[1]
    fe = edge_feature.shape[1]

    e_pad = _cdiv(e, _NW * _CH * 2) * (_NW * _CH * 2)
    n_pad = _cdiv(n + 1, _NS * 8) * (_NS * 8)
    g_tot = e_pad // _CH

    src = edge_index[0].astype(jnp.int32)
    dst = edge_index[1].astype(jnp.int32)
    src_p = jnp.concatenate(
        [src, jnp.zeros((e_pad - e,), jnp.int32)]).reshape(g_tot, _CH)
    dst_p = jnp.concatenate(
        [dst, jnp.full((e_pad - e,), n, jnp.int32)]).reshape(g_tot, _CH)
    ef_p = jnp.zeros((e_pad, fe), jnp.float32).at[:e].set(edge_feature)
    zeros_hbm = jnp.zeros((n_pad, d), jnp.float32)

    be = b_emb.reshape(1, d)
    bm0 = b_msg0.reshape(1, d)
    bm1 = b_msg1.reshape(1, d)
    bu0 = b_upd0.reshape(1, d)
    bu1 = b_upd1.reshape(1, d)
    bd1 = b_d1.reshape(1, -1)
    bd2 = b_d2.reshape(1, -1)

    sc_l0 = _make_sc_layer(True, n_pad, e_pad, d)
    sc_l1 = _make_sc_layer(False, n_pad, e_pad, d)

    y0 = _node_linear(node_feature, W_msg0[:d])
    z0 = _edge_z0(ef_p, W_emb, be, W_msg0[d:], bm0)
    m0, part0 = sc_l0(y0, z0, src_p, dst_p, zeros_hbm)
    x1, y1 = _update(node_feature, part0, W_upd0[:d], W_upd0[d:], bu0,
                     W_msg1[:d])

    z1 = _edge_z1(m0, W_msg1[d:], bm1)
    part1 = sc_l1(y1, z1, src_p, dst_p, zeros_hbm)

    return _final(x1, part1, W_upd1[:d], W_upd1[d:], bu1,
                  W_d1, bd1, W_d2, bd2)

# --- scband reference (transcript-rebuilt; emitter-appended) ---
"""Pipeline reference for scband-message-passing-gnn-82257213653679 (READ-ONLY COPY).

The authoritative reference and input builder live on the scoring server;
editing this copy changes nothing except your own understanding.
"""

import jax, jax.numpy as jnp
import numpy as np

N = 10000
E = 320000
D = 128
FE = 4


def _lin(k, fi, fo):
    b = 1.0 / np.sqrt(fi)
    kw, kb = jax.random.split(k)
    W = jax.random.uniform(kw, (fi, fo), minval=-b, maxval=b, dtype=jnp.float32)
    bb = jax.random.uniform(kb, (fo,), minval=-b, maxval=b, dtype=jnp.float32)
    return W, bb


def setup_inputs(seed: int = 0) -> dict:
    key = jax.random.key(seed)
    ks = jax.random.split(key, 12)
    inp = {}
    inp["node_feature"] = jax.random.normal(ks[0], (N, D), dtype=jnp.float32)
    inp["edge_index"] = jax.random.randint(ks[1], (2, E), 0, N)
    inp["edge_feature"] = jax.random.normal(ks[2], (E, FE), dtype=jnp.float32)
    inp["batch"] = jnp.sort(jax.random.randint(ks[3], (N,), 0, 16))
    inp["W_emb"], inp["b_emb"] = _lin(ks[4], FE, D)
    inp["W_msg0"], inp["b_msg0"] = _lin(ks[5], 2 * D, D)
    inp["W_upd0"], inp["b_upd0"] = _lin(ks[6], 2 * D, D)
    inp["W_msg1"], inp["b_msg1"] = _lin(ks[7], 2 * D, D)
    inp["W_upd1"], inp["b_upd1"] = _lin(ks[8], 2 * D, D)
    inp["W_d1"], inp["b_d1"] = _lin(ks[9], D, D // 2)
    inp["W_d2"], inp["b_d2"] = _lin(ks[10], D // 2, 1)
    return inp


def reference(node_feature, edge_index, edge_feature, batch,
              W_emb, b_emb,
              W_msg0, b_msg0, W_upd0, b_upd0,
              W_msg1, b_msg1, W_upd1, b_upd1,
              W_d1, b_d1, W_d2, b_d2):
    # edge feature embedding: Linear + Tanh
    ef = jnp.tanh(edge_feature @ W_emb + b_emb)
    src = edge_index[0]  # j (message source)
    dst = edge_index[1]  # i (message target / aggregation index)
    n = node_feature.shape[0]
    x = node_feature
    for (Wm, bm, Wu, bu) in ((W_msg0, b_msg0, W_upd0, b_upd0),
                             (W_msg1, b_msg1, W_upd1, b_upd1)):
        # message: mlp_msg(cat(node_feature_j, edge_feature))
        m = jnp.tanh(jnp.concatenate([x[src], ef], axis=1) @ Wm + bm)
        # aggregate: sum by dst node index
        aggr = jax.ops.segment_sum(m, dst, num_segments=n)
        # update: mlp_upd(cat(node_feature, aggr_msg)); edge features become messages
        x = jnp.tanh(jnp.concatenate([x, aggr], axis=1) @ Wu + bu)
        ef = m
    # decoder: Linear -> Tanh -> Linear
    h = jnp.tanh(x @ W_d1 + b_d1)
    out = h @ W_d2 + b_d2
    return out

if __name__ == "__main__":
    import jax
    _d = setup_inputs()
    print(jax.jit(kernel)(*tuple(_d.values())))

</pallas_src>

<mosaic_0001>
#map = affine_map<(d0, d1) -> (0, 0)>
#map1 = affine_map<(d0, d1) -> (0, 0, 0)>
module attributes {stable_mosaic.version = 14 : i64} {
  func.func @body(%arg0: i32, %arg1: i32, %arg2: memref<10000x128xf32, #tpu.memory_space<hbm>>, %arg3: memref<327680x128xf32, #tpu.memory_space<hbm>>, %arg4: memref<2560x128xi32, #tpu.memory_space<hbm>>, %arg5: memref<2560x128xi32, #tpu.memory_space<hbm>>, %arg6: memref<10112x128xf32, #tpu.memory_space<hbm>>, %arg7: memref<327680x128xf32, #tpu.memory_space<hbm>>, %arg8: memref<2x10112x128xf32, #tpu.memory_space<hbm>>, %arg9: memref<10112x128xf32, #tpu.memory_space<vmem_shared>>, %arg10: memref<2x128xi32, #tpu.memory_space<vmem>>, %arg11: memref<2x128xi32, #tpu.memory_space<vmem>>, %arg12: memref<128x128xf32, #tpu.memory_space<vmem>>, %arg13: memref<128x128xf32, #tpu.memory_space<vmem>>, %arg14: memref<!tpu.dma_semaphore, #tpu.memory_space<semaphore_mem>>, %arg15: memref<!tpu.dma_semaphore, #tpu.memory_space<semaphore_mem>>, %arg16: memref<!tpu.dma_semaphore, #tpu.memory_space<semaphore_mem>>, %arg17: memref<!tpu.dma_semaphore, #tpu.memory_space<semaphore_mem>>, %arg18: memref<!tpu.dma_semaphore, #tpu.memory_space<semaphore_mem>>, %arg19: memref<!tpu.dma_semaphore, #tpu.memory_space<semaphore_mem>>) attributes {dimension_semantics = [#tpu.dimension_semantics<core_parallel>, #tpu.dimension_semantics<subcore_parallel>], iteration_bounds = array<i64: 2, 16>, scalar_prefetch = 0 : i64, scratch_operands = 11 : i64, tpu.core_type = #tpu.core_type<sc_vector_subcore>, window_params = [{transform_indices = #map}, {transform_indices = #map}, {transform_indices = #map}, {transform_indices = #map}, {transform_indices = #map}, {transform_indices = #map}, {transform_indices = #map1}]} {
    %mul3A = arith.constant 632 : i32
    %mul3A_0 = arith.muli %arg1, %mul3A : i32
    %multiple_of3A = tpu.assume_multiple %mul3A_0, 8 : i32
    "tpu.region"() ({
      %run_scoped3A = tpu.sem_alloc : memref<!tpu.dma_semaphore, #tpu.memory_space<semaphore_mem>>
      %dma_start3A = arith.constant 0 : i32
      %dma_start3A_23 = tpu.memref_slice %arg9[%multiple_of3A, %dma_start3A] : memref<10112x128xf32, #tpu.memory_space<vmem_shared>> -> memref<632x128xf32, #tpu.memory_space<vmem_shared>>
      %dma_start3A_24 = arith.constant 0 : i32
      %dma_start3A_25 = tpu.memref_slice %arg6[%multiple_of3A, %dma_start3A_24] : memref<10112x128xf32, #tpu.memory_space<hbm>> -> memref<632x128xf32, #tpu.memory_space<hbm>>
      tpu.enqueue_dma source(%dma_start3A_25 : memref<632x128xf32, #tpu.memory_space<hbm>>) target(%dma_start3A_23 : memref<632x128xf32, #tpu.memory_space<vmem_shared>>) target_semaphore(%run_scoped3A : memref<!tpu.dma_semaphore, #tpu.memory_space<semaphore_mem>>)
      %dma_wait3A = arith.constant 0 : i32
      %dma_wait3A_26 = tpu.memref_slice %arg9[%multiple_of3A, %dma_wait3A] : memref<10112x128xf32, #tpu.memory_space<vmem_shared>> -> memref<632x128xf32, #tpu.memory_space<vmem_shared>>
      %dma_wait3A_27 = arith.constant 0 : i32
      %dma_wait3A_28 = tpu.memref_slice %arg6[%multiple_of3A, %dma_wait3A_27] : memref<10112x128xf32, #tpu.memory_space<hbm>> -> memref<632x128xf32, #tpu.memory_space<hbm>>
      tpu.wait_dma2 semaphore(%run_scoped3A : memref<!tpu.dma_semaphore, #tpu.memory_space<semaphore_mem>>) src(%dma_wait3A_28 : memref<632x128xf32, #tpu.memory_space<hbm>>) dst(%dma_wait3A_26 : memref<632x128xf32, #tpu.memory_space<vmem_shared>>)
      tpu.yield
    }) : () -> ()
    %barrier3A = arith.constant 0 : index
    tpu.barrier barrier_id(%barrier3A)
    %eq3A = arith.constant 0 : i32
    %eq3A_1 = arith.cmpi eq, %arg0, %eq3A : i32
    %mul3A_2 = arith.constant 96 : i32
    %mul3A_3 = arith.muli %arg1, %mul3A_2 : i32
    %mul3A_4 = arith.constant 64 : i32
    %mul3A_5 = arith.muli %arg1, %mul3A_4 : i32
    %add3A = arith.constant 1536 : i32
    %add3A_6 = arith.addi %add3A, %mul3A_5 : i32
    %select_n3A = arith.select %eq3A_1, %mul3A_3, %add3A_6 : i32
    %eq3A_7 = arith.constant 0 : i32
    %eq3A_8 = arith.cmpi eq, %arg0, %eq3A_7 : i32
    %jit3A = arith.constant 48 : i32
    %jit3A_9 = arith.constant 32 : i32
    %select_n3A_10 = arith.select %eq3A_8, %jit3A, %jit3A_9 : i32
    %while3A = arith.constant 0 : i32
    %while3A_11 = arith.constant 0 : i32
    %while3A_12 = arith.subi %select_n3A_10, %while3A : i32
    %while3A_13 = arith.addi %while3A, %while3A_12 : i32
    %while3A_14 = arith.constant 1 : i32
    %while3A_15 = arith.divsi %while3A_12, %while3A_14 : i32
    %while3A_16 = arith.muli %while3A_15, %while3A_14 : i32
    %while3A_17 = arith.addi %while3A, %while3A_16 : i32
    %while3A_18 = arith.constant 1 : i32
    %while3A_19 = scf.for %while3A_23 = %while3A to %while3A_17 step %while3A_18 iter_args(%while3A_24 = %while3A_11) -> (i32)  : i32 {
      %mul3A_25 = arith.constant 2 : i32
      %mul3A_26 = arith.muli %mul3A_25, %while3A_23 : i32
      %add3A_27 = arith.addi %select_n3A, %mul3A_26 : i32
      %add3A_28 = arith.constant 1 : i32
      %add3A_29 = arith.addi %add3A_27, %add3A_28 : i32
      %run_scoped3A = arith.constant 0 : i32
      "tpu.region"() ({
        %run_scoped3A_103 = tpu.sem_alloc : memref<!tpu.dma_semaphore, #tpu.memory_space<semaphore_mem>>
        %dma_start3A_104 = arith.constant 0 : i32
        %dma_start3A_105 = tpu.memref_slice %arg10[%run_scoped3A, %dma_start3A_104] : memref<2x128xi32, #tpu.memory_space<vmem>> -> memref<1x128xi32, #tpu.memory_space<vmem>>
        %dma_start3A_106 = tpu.memref_squeeze %dma_start3A_105 : memref<1x128xi32, #tpu.memory_space<vmem>> -> memref<128xi32, #tpu.memory_space<vmem>>
        %dma_start3A_107 = arith.constant 0 : i32
        %dma_start3A_108 = tpu.memref_slice %arg4[%add3A_27, %dma_start3A_107] : memref<2560x128xi32, #tpu.memory_space<hbm>> -> memref<1x128xi32, #tpu.memory_space<hbm>>
        %dma_start3A_109 = tpu.memref_squeeze %dma_start3A_108 : memref<1x128xi32, #tpu.memory_space<hbm>> -> memref<128xi32, #tpu.memory_space<hbm>>
        %dma_start3A_110 = arith.constant 0 : i32
        %dma_start3A_111 = tpu.memref_slice %arg10[%run_scoped3A, %dma_start3A_110] : memref<2x128xi32, #tpu.memory_space<vmem>> -> memref<1x128xi32, #tpu.memory_space<vmem>>
        %dma_start3A_112 = tpu.memref_squeeze %dma_start3A_111 : memref<1x128xi32, #tpu.memory_space<vmem>> -> memref<128xi32, #tpu.memory_space<vmem>>
        %dma_start3A_113 = arith.constant 0 : i32
        %dma_start3A_114 = tpu.memref_slice %arg4[%add3A_27, %dma_start3A_113] : memref<2560x128xi32, #tpu.memory_space<hbm>> -> memref<1x128xi32, #tpu.memory_space<hbm>>
        %dma_start3A_115 = tpu.memref_squeeze %dma_start3A_114 : memref<1x128xi32, #tpu.memory_space<hbm>> -> memref<128xi32, #tpu.memory_space<hbm>>
        tpu.enqueue_dma source(%dma_start3A_115 : memref<128xi32, #tpu.memory_space<hbm>>) target(%dma_start3A_112 : memref<128xi32, #tpu.memory_space<vmem>>) target_semaphore(%run_scoped3A_103 : memref<!tpu.dma_semaphore, #tpu.memory_space<semaphore_mem>>)
        %dma_wait3A_116 = arith.constant 0 : i32
        %dma_wait3A_117 = tpu.memref_slice %arg10[%run_scoped3A, %dma_wait3A_116] : memref<2x128xi32, #tpu.memory_space<vmem>> -> memref<1x128xi32, #tpu.memory_space<vmem>>
        %dma_wait3A_118 = tpu.memref_squeeze %dma_wait3A_117 : memref<1x128xi32, #tpu.memory_space<vmem>> -> memref<128xi32, #tpu.memory_space<vmem>>
        %dma_wait3A_119 = arith.constant 0 : i32
        %dma_wait3A_120 = tpu.memref_slice %arg4[%add3A_27, %dma_wait3A_119] : memref<2560x128xi32, #tpu.memory_space<hbm>> -> memref<1x128xi32, #tpu.memory_space<hbm>>
        %dma_wait3A_121 = tpu.memref_squeeze %dma_wait3A_120 : memref<1x128xi32, #tpu.memory_space<hbm>> -> memref<128xi32, #tpu.memory_space<hbm>>
        %dma_wait3A_122 = arith.constant 0 : i32
        %dma_wait3A_123 = tpu.memref_slice %arg10[%run_scoped3A, %dma_wait3A_122] : memref<2x128xi32, #tpu.memory_space<vmem>> -> memref<1x128xi32, #tpu.memory_space<vmem>>
        %dma_wait3A_124 = tpu.memref_squeeze %dma_wait3A_123 : memref<1x128xi32, #tpu.memory_space<vmem>> -> memref<128xi32, #tpu.memory_space<vmem>>
        %dma_wait3A_125 = arith.constant 0 : i32
        %dma_wait3A_126 = tpu.memref_slice %arg4[%add3A_27, %dma_wait3A_125] : memref<2560x128xi32, #tpu.memory_space<hbm>> -> memref<1x128xi32, #tpu.memory_space<hbm>>
        %dma_wait3A_127 = tpu.memref_squeeze %dma_wait3A_126 : memref<1x128xi32, #tpu.memory_space<hbm>> -> memref<128xi32, #tpu.memory_space<hbm>>
        tpu.wait_dma2 semaphore(%run_scoped3A_103 : memref<!tpu.dma_semaphore, #tpu.memory_space<semaphore_mem>>) src(%dma_wait3A_127 : memref<128xi32, #tpu.memory_space<hbm>>) dst(%dma_wait3A_124 : memref<128xi32, #tpu.memory_space<vmem>>)
        tpu.yield
      }) : () -> ()
      %run_scoped3A_30 = arith.constant 0 : i32
      "tpu.region"() ({
        %run_scoped3A_103 = tpu.sem_alloc : memref<!tpu.dma_semaphore, #tpu.memory_space<semaphore_mem>>
        %dma_start3A_104 = arith.constant 0 : i32
        %dma_start3A_105 = tpu.memref_slice %arg11[%run_scoped3A_30, %dma_start3A_104] : memref<2x128xi32, #tpu.memory_space<vmem>> -> memref<1x128xi32, #tpu.memory_space<vmem>>
        %dma_start3A_106 = tpu.memref_squeeze %dma_start3A_105 : memref<1x128xi32, #tpu.memory_space<vmem>> -> memref<128xi32, #tpu.memory_space<vmem>>
        %dma_start3A_107 = arith.constant 0 : i32
        %dma_start3A_108 = tpu.memref_slice %arg5[%add3A_27, %dma_start3A_107] : memref<2560x128xi32, #tpu.memory_space<hbm>> -> memref<1x128xi32, #tpu.memory_space<hbm>>
        %dma_start3A_109 = tpu.memref_squeeze %dma_start3A_108 : memref<1x128xi32, #tpu.memory_space<hbm>> -> memref<128xi32, #tpu.memory_space<hbm>>
        %dma_start3A_110 = arith.constant 0 : i32
        %dma_start3A_111 = tpu.memref_slice %arg11[%run_scoped3A_30, %dma_start3A_110] : memref<2x128xi32, #tpu.memory_space<vmem>> -> memref<1x128xi32, #tpu.memory_space<vmem>>
        %dma_start3A_112 = tpu.memref_squeeze %dma_start3A_111 : memref<1x128xi32, #tpu.memory_space<vmem>> -> memref<128xi32, #tpu.memory_space<vmem>>
        %dma_start3A_113 = arith.constant 0 : i32
        %dma_start3A_114 = tpu.memref_slice %arg5[%add3A_27, %dma_start3A_113] : memref<2560x128xi32, #tpu.memory_space<hbm>> -> memref<1x128xi32, #tpu.memory_space<hbm>>
        %dma_start3A_115 = tpu.memref_squeeze %dma_start3A_114 : memref<1x128xi32, #tpu.memory_space<hbm>> -> memref<128xi32, #tpu.memory_space<hbm>>
        tpu.enqueue_dma source(%dma_start3A_115 : memref<128xi32, #tpu.memory_space<hbm>>) target(%dma_start3A_112 : memref<128xi32, #tpu.memory_space<vmem>>) target_semaphore(%run_scoped3A_103 : memref<!tpu.dma_semaphore, #tpu.memory_space<semaphore_mem>>)
        %dma_wait3A_116 = arith.constant 0 : i32
        %dma_wait3A_117 = tpu.memref_slice %arg11[%run_scoped3A_30, %dma_wait3A_116] : memref<2x128xi32, #tpu.memory_space<vmem>> -> memref<1x128xi32, #tpu.memory_space<vmem>>
        %dma_wait3A_118 = tpu.memref_squeeze %dma_wait3A_117 : memref<1x128xi32, #tpu.memory_space<vmem>> -> memref<128xi32, #tpu.memory_space<vmem>>
        %dma_wait3A_119 = arith.constant 0 : i32
        %dma_wait3A_120 = tpu.memref_slice %arg5[%add3A_27, %dma_wait3A_119] : memref<2560x128xi32, #tpu.memory_space<hbm>> -> memref<1x128xi32, #tpu.memory_space<hbm>>
        %dma_wait3A_121 = tpu.memref_squeeze %dma_wait3A_120 : memref<1x128xi32, #tpu.memory_space<hbm>> -> memref<128xi32, #tpu.memory_space<hbm>>
        %dma_wait3A_122 = arith.constant 0 : i32
        %dma_wait3A_123 = tpu.memref_slice %arg11[%run_scoped3A_30, %dma_wait3A_122] : memref<2x128xi32, #tpu.memory_space<vmem>> -> memref<1x128xi32, #tpu.memory_space<vmem>>
        %dma_wait3A_124 = tpu.memref_squeeze %dma_wait3A_123 : memref<1x128xi32, #tpu.memory_space<vmem>> -> memref<128xi32, #tpu.memory_space<vmem>>
        %dma_wait3A_125 = arith.constant 0 : i32
        %dma_wait3A_126 = tpu.memref_slice %arg5[%add3A_27, %dma_wait3A_125] : memref<2560x128xi32, #tpu.memory_space<hbm>> -> memref<1x128xi32, #tpu.memory_space<hbm>>
        %dma_wait3A_127 = tpu.memref_squeeze %dma_wait3A_126 : memref<1x128xi32, #tpu.memory_space<hbm>> -> memref<128xi32, #tpu.memory_space<hbm>>
        tpu.wait_dma2 semaphore(%run_scoped3A_103 : memref<!tpu.dma_semaphore, #tpu.memory_space<semaphore_mem>>) src(%dma_wait3A_127 : memref<128xi32, #tpu.memory_space<hbm>>) dst(%dma_wait3A_124 : memref<128xi32, #tpu.memory_space<vmem>>)
        tpu.yield
      }) : () -> ()
      %mul3A_31 = arith.constant 128 : i32
      %mul3A_32 = arith.muli %add3A_27, %mul3A_31 : i32
      %multiple_of3A_33 = tpu.assume_multiple %mul3A_32, 128 : i32
      %dma_start3A = arith.constant 0 : i32
      %dma_start3A_34 = tpu.memref_slice %arg3[%multiple_of3A_33, %dma_start3A] : memref<327680x128xf32, #tpu.memory_space<hbm>> -> memref<128x128xf32, #tpu.memory_space<hbm>>
      %dma_start3A_35 = arith.constant 0 : i32
      %dma_start3A_36 = tpu.memref_slice %arg3[%multiple_of3A_33, %dma_start3A_35] : memref<327680x128xf32, #tpu.memory_space<hbm>> -> memref<128x128xf32, #tpu.memory_space<hbm>>
      tpu.enqueue_dma source(%dma_start3A_36 : memref<128x128xf32, #tpu.memory_space<hbm>>) target(%arg12 : memref<128x128xf32, #tpu.memory_space<vmem>>) target_semaphore(%arg14 : memref<!tpu.dma_semaphore, #tpu.memory_space<semaphore_mem>>)
      %run_scoped3A_37 = arith.constant 1 : i32
      "tpu.region"() ({
        %run_scoped3A_103 = tpu.sem_alloc : memref<!tpu.dma_semaphore, #tpu.memory_space<semaphore_mem>>
        %dma_start3A_104 = arith.constant 0 : i32
        %dma_start3A_105 = tpu.memref_slice %arg10[%run_scoped3A_37, %dma_start3A_104] : memref<2x128xi32, #tpu.memory_space<vmem>> -> memref<1x128xi32, #tpu.memory_space<vmem>>
        %dma_start3A_106 = tpu.memref_squeeze %dma_start3A_105 : memref<1x128xi32, #tpu.memory_space<vmem>> -> memref<128xi32, #tpu.memory_space<vmem>>
        %dma_start3A_107 = arith.constant 0 : i32
        %dma_start3A_108 = tpu.memref_slice %arg4[%add3A_29, %dma_start3A_107] : memref<2560x128xi32, #tpu.memory_space<hbm>> -> memref<1x128xi32, #tpu.memory_space<hbm>>
        %dma_start3A_109 = tpu.memref_squeeze %dma_start3A_108 : memref<1x128xi32, #tpu.memory_space<hbm>> -> memref<128xi32, #tpu.memory_space<hbm>>
        %dma_start3A_110 = arith.constant 0 : i32
        %dma_start3A_111 = tpu.memref_slice %arg10[%run_scoped3A_37, %dma_start3A_110] : memref<2x128xi32, #tpu.memory_space<vmem>> -> memref<1x128xi32, #tpu.memory_space<vmem>>
        %dma_start3A_112 = tpu.memref_squeeze %dma_start3A_111 : memref<1x128xi32, #tpu.memory_space<vmem>> -> memref<128xi32, #tpu.memory_space<vmem>>
        %dma_start3A_113 = arith.constant 0 : i32
        %dma_start3A_114 = tpu.memref_slice %arg4[%add3A_29, %dma_start3A_113] : memref<2560x128xi32, #tpu.memory_space<hbm>> -> memref<1x128xi32, #tpu.memory_space<hbm>>
        %dma_start3A_115 = tpu.memref_squeeze %dma_start3A_114 : memref<1x128xi32, #tpu.memory_space<hbm>> -> memref<128xi32, #tpu.memory_space<hbm>>
        tpu.enqueue_dma source(%dma_start3A_115 : memref<128xi32, #tpu.memory_space<hbm>>) target(%dma_start3A_112 : memref<128xi32, #tpu.memory_space<vmem>>) target_semaphore(%run_scoped3A_103 : memref<!tpu.dma_semaphore, #tpu.memory_space<semaphore_mem>>)
        %dma_wait3A_116 = arith.constant 0 : i32
        %dma_wait3A_117 = tpu.memref_slice %arg10[%run_scoped3A_37, %dma_wait3A_116] : memref<2x128xi32, #tpu.memory_space<vmem>> -> memref<1x128xi32, #tpu.memory_space<vmem>>
        %dma_wait3A_118 = tpu.memref_squeeze %dma_wait3A_117 : memref<1x128xi32, #tpu.memory_space<vmem>> -> memref<128xi32, #tpu.memory_space<vmem>>
        %dma_wait3A_119 = arith.constant 0 : i32
        %dma_wait3A_120 = tpu.memref_slice %arg4[%add3A_29, %dma_wait3A_119] : memref<2560x128xi32, #tpu.memory_space<hbm>> -> memref<1x128xi32, #tpu.memory_space<hbm>>
        %dma_wait3A_121 = tpu.memref_squeeze %dma_wait3A_120 : memref<1x128xi32, #tpu.memory_space<hbm>> -> memref<128xi32, #tpu.memory_space<hbm>>
        %dma_wait3A_122 = arith.constant 0 : i32
        %dma_wait3A_123 = tpu.memref_slice %arg10[%run_scoped3A_37, %dma_wait3A_122] : memref<2x128xi32, #tpu.memory_space<vmem>> -> memref<1x128xi32, #tpu.memory_space<vmem>>
        %dma_wait3A_124 = tpu.memref_squeeze %dma_wait3A_123 : memref<1x128xi32, #tpu.memory_space<vmem>> -> memref<128xi32, #tpu.memory_space<vmem>>
        %dma_wait3A_125 = arith.constant 0 : i32
        %dma_wait3A_126 = tpu.memref_slice %arg4[%add3A_29, %dma_wait3A_125] : memref<2560x128xi32, #tpu.memory_space<hbm>> -> memref<1x128xi32, #tpu.memory_space<hbm>>
        %dma_wait3A_127 = tpu.memref_squeeze %dma_wait3A_126 : memref<1x128xi32, #tpu.memory_space<hbm>> -> memref<128xi32, #tpu.memory_space<hbm>>
        tpu.wait_dma2 semaphore(%run_scoped3A_103 : memref<!tpu.dma_semaphore, #tpu.memory_space<semaphore_mem>>) src(%dma_wait3A_127 : memref<128xi32, #tpu.memory_space<hbm>>) dst(%dma_wait3A_124 : memref<128xi32, #tpu.memory_space<vmem>>)
        tpu.yield
      }) : () -> ()
      %run_scoped3A_38 = arith.constant 1 : i32
      "tpu.region"() ({
        %run_scoped3A_103 = tpu.sem_alloc : memref<!tpu.dma_semaphore, #tpu.memory_space<semaphore_mem>>
        %dma_start3A_104 = arith.constant 0 : i32
        %dma_start3A_105 = tpu.memref_slice %arg11[%run_scoped3A_38, %dma_start3A_104] : memref<2x128xi32, #tpu.memory_space<vmem>> -> memref<1x128xi32, #tpu.memory_space<vmem>>
        %dma_start3A_106 = tpu.memref_squeeze %dma_start3A_105 : memref<1x128xi32, #tpu.memory_space<vmem>> -> memref<128xi32, #tpu.memory_space<vmem>>
        %dma_start3A_107 = arith.constant 0 : i32
        %dma_start3A_108 = tpu.memref_slice %arg5[%add3A_29, %dma_start3A_107] : memref<2560x128xi32, #tpu.memory_space<hbm>> -> memref<1x128xi32, #tpu.memory_space<hbm>>
        %dma_start3A_109 = tpu.memref_squeeze %dma_start3A_108 : memref<1x128xi32, #tpu.memory_space<hbm>> -> memref<128xi32, #tpu.memory_space<hbm>>
        %dma_start3A_110 = arith.constant 0 : i32
        %dma_start3A_111 = tpu.memref_slice %arg11[%run_scoped3A_38, %dma_start3A_110] : memref<2x128xi32, #tpu.memory_space<vmem>> -> memref<1x128xi32, #tpu.memory_space<vmem>>
        %dma_start3A_112 = tpu.memref_squeeze %dma_start3A_111 : memref<1x128xi32, #tpu.memory_space<vmem>> -> memref<128xi32, #tpu.memory_space<vmem>>
        %dma_start3A_113 = arith.constant 0 : i32
        %dma_start3A_114 = tpu.memref_slice %arg5[%add3A_29, %dma_start3A_113] : memref<2560x128xi32, #tpu.memory_space<hbm>> -> memref<1x128xi32, #tpu.memory_space<hbm>>
        %dma_start3A_115 = tpu.memref_squeeze %dma_start3A_114 : memref<1x128xi32, #tpu.memory_space<hbm>> -> memref<128xi32, #tpu.memory_space<hbm>>
        tpu.enqueue_dma source(%dma_start3A_115 : memref<128xi32, #tpu.memory_space<hbm>>) target(%dma_start3A_112 : memref<128xi32, #tpu.memory_space<vmem>>) target_semaphore(%run_scoped3A_103 : memref<!tpu.dma_semaphore, #tpu.memory_space<semaphore_mem>>)
        %dma_wait3A_116 = arith.constant 0 : i32
        %dma_wait3A_117 = tpu.memref_slice %arg11[%run_scoped3A_38, %dma_wait3A_116] : memref<2x128xi32, #tpu.memory_space<vmem>> -> memref<1x128xi32, #tpu.memory_space<vmem>>
        %dma_wait3A_118 = tpu.memref_squeeze %dma_wait3A_117 : memref<1x128xi32, #tpu.memory_space<vmem>> -> memref<128xi32, #tpu.memory_space<vmem>>
        %dma_wait3A_119 = arith.constant 0 : i32
        %dma_wait3A_120 = tpu.memref_slice %arg5[%add3A_29, %dma_wait3A_119] : memref<2560x128xi32, #tpu.memory_space<hbm>> -> memref<1x128xi32, #tpu.memory_space<hbm>>
        %dma_wait3A_121 = tpu.memref_squeeze %dma_wait3A_120 : memref<1x128xi32, #tpu.memory_space<hbm>> -> memref<128xi32, #tpu.memory_space<hbm>>
        %dma_wait3A_122 = arith.constant 0 : i32
        %dma_wait3A_123 = tpu.memref_slice %arg11[%run_scoped3A_38, %dma_wait3A_122] : memref<2x128xi32, #tpu.memory_space<vmem>> -> memref<1x128xi32, #tpu.memory_space<vmem>>
        %dma_wait3A_124 = tpu.memref_squeeze %dma_wait3A_123 : memref<1x128xi32, #tpu.memory_space<vmem>> -> memref<128xi32, #tpu.memory_space<vmem>>
        %dma_wait3A_125 = arith.constant 0 : i32
        %dma_wait3A_126 = tpu.memref_slice %arg5[%add3A_29, %dma_wait3A_125] : memref<2560x128xi32, #tpu.memory_space<hbm>> -> memref<1x128xi32, #tpu.memory_space<hbm>>
        %dma_wait3A_127 = tpu.memref_squeeze %dma_wait3A_126 : memref<1x128xi32, #tpu.memory_space<hbm>> -> memref<128xi32, #tpu.memory_space<hbm>>
        tpu.wait_dma2 semaphore(%run_scoped3A_103 : memref<!tpu.dma_semaphore, #tpu.memory_space<semaphore_mem>>) src(%dma_wait3A_127 : memref<128xi32, #tpu.memory_space<hbm>>) dst(%dma_wait3A_124 : memref<128xi32, #tpu.memory_space<vmem>>)
        tpu.yield
      }) : () -> ()
      %mul3A_39 = arith.constant 128 : i32
      %mul3A_40 = arith.muli %add3A_29, %mul3A_39 : i32
      %multiple_of3A_41 = tpu.assume_multiple %mul3A_40, 128 : i32
      %dma_start3A_42 = arith.constant 0 : i32
      %dma_start3A_43 = tpu.memref_slice %arg3[%multiple_of3A_41, %dma_start3A_42] : memref<327680x128xf32, #tpu.memory_space<hbm>> -> memref<128x128xf32, #tpu.memory_space<hbm>>
      %dma_start3A_44 = arith.constant 0 : i32
      %dma_start3A_45 = tpu.memref_slice %arg3[%multiple_of3A_41, %dma_start3A_44] : memref<327680x128xf32, #tpu.memory_space<hbm>> -> memref<128x128xf32, #tpu.memory_space<hbm>>
      tpu.enqueue_dma source(%dma_start3A_45 : memref<128x128xf32, #tpu.memory_space<hbm>>) target(%arg13 : memref<128x128xf32, #tpu.memory_space<vmem>>) target_semaphore(%arg15 : memref<!tpu.dma_semaphore, #tpu.memory_space<semaphore_mem>>)
      %dma_wait3A = arith.constant 0 : i32
      %dma_wait3A_46 = tpu.memref_slice %arg3[%multiple_of3A_33, %dma_wait3A] : memref<327680x128xf32, #tpu.memory_space<hbm>> -> memref<128x128xf32, #tpu.memory_space<hbm>>
      %dma_wait3A_47 = arith.constant 0 : i32
      %dma_wait3A_48 = tpu.memref_slice %arg3[%multiple_of3A_33, %dma_wait3A_47] : memref<327680x128xf32, #tpu.memory_space<hbm>> -> memref<128x128xf32, #tpu.memory_space<hbm>>
      tpu.wait_dma2 semaphore(%arg14 : memref<!tpu.dma_semaphore, #tpu.memory_space<semaphore_mem>>) src(%dma_wait3A_48 : memref<128x128xf32, #tpu.memory_space<hbm>>) dst(%arg12 : memref<128x128xf32, #tpu.memory_space<vmem>>)
      %dma_start3A_49 = arith.constant 0 : i32
      %dma_start3A_50 = arith.constant 0 : i32
      %dma_start3A_51 = tpu.memref_slice %arg10[%dma_start3A_49, %dma_start3A_50] : memref<2x128xi32, #tpu.memory_space<vmem>> -> memref<1x128xi32, #tpu.memory_space<vmem>>
      %dma_start3A_52 = tpu.memref_squeeze %dma_start3A_51 : memref<1x128xi32, #tpu.memory_space<vmem>> -> memref<128xi32, #tpu.memory_space<vmem>>
      %dma_start3A_53 = arith.constant 0 : i32
      %dma_start3A_54 = arith.constant 0 : i32
      %dma_start3A_55 = tpu.memref_slice %arg2[%dma_start3A_53, %dma_start3A_54] : memref<10000x128xf32, #tpu.memory_space<hbm>> -> memref<10000x128xf32, #tpu.memory_space<hbm>>
      tpu.enqueue_indirect_dma source(%dma_start3A_55 : memref<10000x128xf32, #tpu.memory_space<hbm>>) target(%arg12 : memref<128x128xf32, #tpu.memory_space<vmem>>) offsets(%dma_start3A_52 : memref<128xi32, #tpu.memory_space<vmem>>) semaphore(%arg16 : memref<!tpu.dma_semaphore, #tpu.memory_space<semaphore_mem>>) {add = true}
      %dma_wait3A_56 = arith.constant 0 : i32
      %dma_wait3A_57 = tpu.memref_slice %arg3[%multiple_of3A_41, %dma_wait3A_56] : memref<327680x128xf32, #tpu.memory_space<hbm>> -> memref<128x128xf32, #tpu.memory_space<hbm>>
      %dma_wait3A_58 = arith.constant 0 : i32
      %dma_wait3A_59 = tpu.memref_slice %arg3[%multiple_of3A_41, %dma_wait3A_58] : memref<327680x128xf32, #tpu.memory_space<hbm>> -> memref<128x128xf32, #tpu.memory_space<hbm>>
      tpu.wait_dma2 semaphore(%arg15 : memref<!tpu.dma_semaphore, #tpu.memory_space<semaphore_mem>>) src(%dma_wait3A_59 : memref<128x128xf32, #tpu.memory_space<hbm>>) dst(%arg13 : memref<128x128xf32, #tpu.memory_space<vmem>>)
      %dma_start3A_60 = arith.constant 1 : i32
      %dma_start3A_61 = arith.constant 0 : i32
      %dma_start3A_62 = tpu.memref_slice %arg10[%dma_start3A_60, %dma_start3A_61] : memref<2x128xi32, #tpu.memory_space<vmem>> -> memref<1x128xi32, #tpu.memory_space<vmem>>
      %dma_start3A_63 = tpu.memref_squeeze %dma_start3A_62 : memref<1x128xi32, #tpu.memory_space<vmem>> -> memref<128xi32, #tpu.memory_space<vmem>>
      %dma_start3A_64 = arith.constant 0 : i32
      %dma_start3A_65 = arith.constant 0 : i32
      %dma_start3A_66 = tpu.memref_slice %arg2[%dma_start3A_64, %dma_start3A_65] : memref<10000x128xf32, #tpu.memory_space<hbm>> -> memref<10000x128xf32, #tpu.memory_space<hbm>>
      tpu.enqueue_indirect_dma source(%dma_start3A_66 : memref<10000x128xf32, #tpu.memory_space<hbm>>) target(%arg13 : memref<128x128xf32, #tpu.memory_space<vmem>>) offsets(%dma_start3A_63 : memref<128xi32, #tpu.memory_space<vmem>>) semaphore(%arg17 : memref<!tpu.dma_semaphore, #tpu.memory_space<semaphore_mem>>) {add = true}
      %dma_wait3A_67 = arith.constant 0 : i32
      %dma_wait3A_68 = arith.constant 0 : i32
      %dma_wait3A_69 = tpu.memref_slice %arg10[%dma_wait3A_67, %dma_wait3A_68] : memref<2x128xi32, #tpu.memory_space<vmem>> -> memref<1x128xi32, #tpu.memory_space<vmem>>
      %dma_wait3A_70 = tpu.memref_squeeze %dma_wait3A_69 : memref<1x128xi32, #tpu.memory_space<vmem>> -> memref<128xi32, #tpu.memory_space<vmem>>
      %dma_wait3A_71 = arith.constant 0 : i32
      %dma_wait3A_72 = arith.constant 0 : i32
      %dma_wait3A_73 = tpu.memref_slice %arg2[%dma_wait3A_71, %dma_wait3A_72] : memref<10000x128xf32, #tpu.memory_space<hbm>> -> memref<10000x128xf32, #tpu.memory_space<hbm>>
      tpu.wait_indirect_dma semaphore(%arg16 : memref<!tpu.dma_semaphore, #tpu.memory_space<semaphore_mem>>) src(%dma_wait3A_73 : memref<10000x128xf32, #tpu.memory_space<hbm>>) dst(%arg12 : memref<128x128xf32, #tpu.memory_space<vmem>>)
      %scan3A = arith.constant 0 : i32
      %scan3A_74 = arith.constant 0 : i32
      %scan3A_75 = arith.constant 128 : i32
      %scan3A_76 = arith.addi %scan3A_74, %scan3A_75 : i32
      %scan3A_77 = arith.constant 1 : i32
      %scan3A_78 = scf.for %scan3A_103 = %scan3A_74 to %scan3A_76 step %scan3A_77 iter_args(%scan3A_104 = %scan3A) -> (i32)  : i32 {
        %get3A = arith.index_cast %scan3A_103 : i32 to index
        %get3A_105 = arith.constant 0 : index
        %get3A_106 = tpu.vector_load %arg12[%get3A, %get3A_105] {strides = array<i32>} : memref<128x128xf32, #tpu.memory_space<vmem>>, vector<1x16xf32>,
        %get3A_107 = vector.shape_cast %get3A_106 : vector<1x16xf32> to vector<16xf32>
        %max3A = arith.constant -1.500000e+01 : f32
        %max3A_108 = vector.broadcast %max3A : f32 to vector<16xf32>
        %max3A_109 = arith.maximumf %get3A_107, %max3A_108 : vector<16xf32>
        %min3A = arith.constant 1.500000e+01 : f32
        %min3A_110 = vector.broadcast %min3A : f32 to vector<16xf32>
        %min3A_111 = arith.minimumf %max3A_109, %min3A_110 : vector<16xf32>
        %mul3A_112 = arith.constant 2.000000e+00 : f32
        %mul3A_113 = vector.broadcast %mul3A_112 : f32 to vector<16xf32>
        %mul3A_114 = arith.mulf %min3A_111, %mul3A_113 : vector<16xf32>
        %exp3A = math.exp %mul3A_114 : vector<16xf32>
        %add3A_115 = arith.constant 1.000000e+00 : f32
        %add3A_116 = vector.broadcast %add3A_115 : f32 to vector<16xf32>
        %add3A_117 = arith.addf %add3A_116, %exp3A : vector<16xf32>
        %div3A = arith.constant 2.000000e+00 : f32
        %div3A_118 = vector.broadcast %div3A : f32 to vector<16xf32>
        %div3A_119 = arith.divf %div3A_118, %add3A_117 : vector<16xf32>
        %sub3A = arith.constant 1.000000e+00 : f32
        %sub3A_120 = vector.broadcast %sub3A : f32 to vector<16xf32>
        %sub3A_121 = arith.subf %sub3A_120, %div3A_119 : vector<16xf32>
        %swap3A = arith.index_cast %scan3A_103 : i32 to index
        %swap3A_122 = arith.constant 0 : index
        %swap3A_123 = tpu.vector_load %arg12[%swap3A, %swap3A_122] {strides = array<i32>} : memref<128x128xf32, #tpu.memory_space<vmem>>, vector<1x16xf32>,
        %swap3A_124 = vector.shape_cast %swap3A_123 : vector<1x16xf32> to vector<16xf32>
        %swap3A_125 = vector.shape_cast %sub3A_121 : vector<16xf32> to vector<1x16xf32>
        tpu.vector_store %arg12[%swap3A, %swap3A_122], %swap3A_125 {strides = array<i32>} : memref<128x128xf32, #tpu.memory_space<vmem>>, vector<1x16xf32>,
        %get3A_126 = arith.index_cast %scan3A_103 : i32 to index
        %get3A_127 = arith.constant 16 : index
        %get3A_128 = tpu.vector_load %arg12[%get3A_126, %get3A_127] {strides = array<i32>} : memref<128x128xf32, #tpu.memory_space<vmem>>, vector<1x16xf32>,
        %get3A_129 = vector.shape_cast %get3A_128 : vector<1x16xf32> to vector<16xf32>
        %max3A_130 = arith.constant -1.500000e+01 : f32
        %max3A_131 = vector.broadcast %max3A_130 : f32 to vector<16xf32>
        %max3A_132 = arith.maximumf %get3A_129, %max3A_131 : vector<16xf32>
        %min3A_133 = arith.constant 1.500000e+01 : f32
        %min3A_134 = vector.broadcast %min3A_133 : f32 to vector<16xf32>
        %min3A_135 = arith.minimumf %max3A_132, %min3A_134 : vector<16xf32>
        %mul3A_136 = arith.constant 2.000000e+00 : f32
        %mul3A_137 = vector.broadcast %mul3A_136 : f32 to vector<16xf32>
        %mul3A_138 = arith.mulf %min3A_135, %mul3A_137 : vector<16xf32>
        %exp3A_139 = math.exp %mul3A_138 : vector<16xf32>
        %add3A_140 = arith.constant 1.000000e+00 : f32
        %add3A_141 = vector.broadcast %add3A_140 : f32 to vector<16xf32>
        %add3A_142 = arith.addf %add3A_141, %exp3A_139 : vector<16xf32>
        %div3A_143 = arith.constant 2.000000e+00 : f32
        %div3A_144 = vector.broadcast %div3A_143 : f32 to vector<16xf32>
        %div3A_145 = arith.divf %div3A_144, %add3A_142 : vector<16xf32>
        %sub3A_146 = arith.constant 1.000000e+00 : f32
        %sub3A_147 = vector.broadcast %sub3A_146 : f32 to vector<16xf32>
        %sub3A_148 = arith.subf %sub3A_147, %div3A_145 : vector<16xf32>
        %swap3A_149 = arith.index_cast %scan3A_103 : i32 to index
        %swap3A_150 = arith.constant 16 : index
        %swap3A_151 = tpu.vector_load %arg12[%swap3A_149, %swap3A_150] {strides = array<i32>} : memref<128x128xf32, #tpu.memory_space<vmem>>, vector<1x16xf32>,
        %swap3A_152 = vector.shape_cast %swap3A_151 : vector<1x16xf32> to vector<16xf32>
        %swap3A_153 = vector.shape_cast %sub3A_148 : vector<16xf32> to vector<1x16xf32>
        tpu.vector_store %arg12[%swap3A_149, %swap3A_150], %swap3A_153 {strides = array<i32>} : memref<128x128xf32, #tpu.memory_space<vmem>>, vector<1x16xf32>,
        %get3A_154 = arith.index_cast %scan3A_103 : i32 to index
        %get3A_155 = arith.constant 32 : index
        %get3A_156 = tpu.vector_load %arg12[%get3A_154, %get3A_155] {strides = array<i32>} : memref<128x128xf32, #tpu.memory_space<vmem>>, vector<1x16xf32>,
        %get3A_157 = vector.shape_cast %get3A_156 : vector<1x16xf32> to vector<16xf32>
        %max3A_158 = arith.constant -1.500000e+01 : f32
        %max3A_159 = vector.broadcast %max3A_158 : f32 to vector<16xf32>
        %max3A_160 = arith.maximumf %get3A_157, %max3A_159 : vector<16xf32>
        %min3A_161 = arith.constant 1.500000e+01 : f32
        %min3A_162 = vector.broadcast %min3A_161 : f32 to vector<16xf32>
        %min3A_163 = arith.minimumf %max3A_160, %min3A_162 : vector<16xf32>
        %mul3A_164 = arith.constant 2.000000e+00 : f32
        %mul3A_165 = vector.broadcast %mul3A_164 : f32 to vector<16xf32>
        %mul3A_166 = arith.mulf %min3A_163, %mul3A_165 : vector<16xf32>
        %exp3A_167 = math.exp %mul3A_166 : vector<16xf32>
        %add3A_168 = arith.constant 1.000000e+00 : f32
        %add3A_169 = vector.broadcast %add3A_168 : f32 to vector<16xf32>
        %add3A_170 = arith.addf %add3A_169, %exp3A_167 : vector<16xf32>
        %div3A_171 = arith.constant 2.000000e+00 : f32
        %div3A_172 = vector.broadcast %div3A_171 : f32 to vector<16xf32>
        %div3A_173 = arith.divf %div3A_172, %add3A_170 : vector<16xf32>
        %sub3A_174 = arith.constant 1.000000e+00 : f32
        %sub3A_175 = vector.broadcast %sub3A_174 : f32 to vector<16xf32>
        %sub3A_176 = arith.subf %sub3A_175, %div3A_173 : vector<16xf32>
        %swap3A_177 = arith.index_cast %scan3A_103 : i32 to index
        %swap3A_178 = arith.constant 32 : index
        %swap3A_179 = tpu.vector_load %arg12[%swap3A_177, %swap3A_178] {strides = array<i32>} : memref<128x128xf32, #tpu.memory_space<vmem>>, vector<1x16xf32>,
        %swap3A_180 = vector.shape_cast %swap3A_179 : vector<1x16xf32> to vector<16xf32>
        %swap3A_181 = vector.shape_cast %sub3A_176 : vector<16xf32> to vector<1x16xf32>
        tpu.vector_store %arg12[%swap3A_177, %swap3A_178], %swap3A_181 {strides = array<i32>} : memref<128x128xf32, #tpu.memory_space<vmem>>, vector<1x16xf32>,
        %get3A_182 = arith.index_cast %scan3A_103 : i32 to index
        %get3A_183 = arith.constant 48 : index
        %get3A_184 = tpu.vector_load %arg12[%get3A_182, %get3A_183] {strides = array<i32>} : memref<128x128xf32, #tpu.memory_space<vmem>>, vector<1x16xf32>,
        %get3A_185 = vector.shape_cast %get3A_184 : vector<1x16xf32> to vector<16xf32>
        %max3A_186 = arith.constant -1.500000e+01 : f32
        %max3A_187 = vector.broadcast %max3A_186 : f32 to vector<16xf32>
        %max3A_188 = arith.maximumf %get3A_185, %max3A_187 : vector<16xf32>
        %min3A_189 = arith.constant 1.500000e+01 : f32
        %min3A_190 = vector.broadcast %min3A_189 : f32 to vector<16xf32>
        %min3A_191 = arith.minimumf %max3A_188, %min3A_190 : vector<16xf32>
        %mul3A_192 = arith.constant 2.000000e+00 : f32
        %mul3A_193 = vector.broadcast %mul3A_192 : f32 to vector<16xf32>
        %mul3A_194 = arith.mulf %min3A_191, %mul3A_193 : vector<16xf32>
        %exp3A_195 = math.exp %mul3A_194 : vector<16xf32>
        %add3A_196 = arith.constant 1.000000e+00 : f32
        %add3A_197 = vector.broadcast %add3A_196 : f32 to vector<16xf32>
        %add3A_198 = arith.addf %add3A_197, %exp3A_195 : vector<16xf32>
        %div3A_199 = arith.constant 2.000000e+00 : f32
        %div3A_200 = vector.broadcast %div3A_199 : f32 to vector<16xf32>
        %div3A_201 = arith.divf %div3A_200, %add3A_198 : vector<16xf32>
        %sub3A_202 = arith.constant 1.000000e+00 : f32
        %sub3A_203 = vector.broadcast %sub3A_202 : f32 to vector<16xf32>
        %sub3A_204 = arith.subf %sub3A_203, %div3A_201 : vector<16xf32>
        %swap3A_205 = arith.index_cast %scan3A_103 : i32 to index
        %swap3A_206 = arith.constant 48 : index
        %swap3A_207 = tpu.vector_load %arg12[%swap3A_205, %swap3A_206] {strides = array<i32>} : memref<128x128xf32, #tpu.memory_space<vmem>>, vector<1x16xf32>,
        %swap3A_208 = vector.shape_cast %swap3A_207 : vector<1x16xf32> to vector<16xf32>
        %swap3A_209 = vector.shape_cast %sub3A_204 : vector<16xf32> to vector<1x16xf32>
        tpu.vector_store %arg12[%swap3A_205, %swap3A_206], %swap3A_209 {strides = array<i32>} : memref<128x128xf32, #tpu.memory_space<vmem>>, vector<1x16xf32>,
        %get3A_210 = arith.index_cast %scan3A_103 : i32 to index
        %get3A_211 = arith.constant 64 : index
        %get3A_212 = tpu.vector_load %arg12[%get3A_210, %get3A_211] {strides = array<i32>} : memref<128x128xf32, #tpu.memory_space<vmem>>, vector<1x16xf32>,
        %get3A_213 = vector.shape_cast %get3A_212 : vector<1x16xf32> to vector<16xf32>
        %max3A_214 = arith.constant -1.500000e+01 : f32
        %max3A_215 = vector.broadcast %max3A_214 : f32 to vector<16xf32>
        %max3A_216 = arith.maximumf %get3A_213, %max3A_215 : vector<16xf32>
        %min3A_217 = arith.constant 1.500000e+01 : f32
        %min3A_218 = vector.broadcast %min3A_217 : f32 to vector<16xf32>
        %min3A_219 = arith.minimumf %max3A_216, %min3A_218 : vector<16xf32>
        %mul3A_220 = arith.constant 2.000000e+00 : f32
        %mul3A_221 = vector.broadcast %mul3A_220 : f32 to vector<16xf32>
        %mul3A_222 = arith.mulf %min3A_219, %mul3A_221 : vector<16xf32>
        %exp3A_223 = math.exp %mul3A_222 : vector<16xf32>
        %add3A_224 = arith.constant 1.000000e+00 : f32
        %add3A_225 = vector.broadcast %add3A_224 : f32 to vector<16xf32>
        %add3A_226 = arith.addf %add3A_225, %exp3A_223 : vector<16xf32>
        %div3A_227 = arith.constant 2.000000e+00 : f32
        %div3A_228 = vector.broadcast %div3A_227 : f32 to vector<16xf32>
        %div3A_229 = arith.divf %div3A_228, %add3A_226 : vector<16xf32>
        %sub3A_230 = arith.constant 1.000000e+00 : f32
        %sub3A_231 = vector.broadcast %sub3A_230 : f32 to vector<16xf32>
        %sub3A_232 = arith.subf %sub3A_231, %div3A_229 : vector<16xf32>
        %swap3A_233 = arith.index_cast %scan3A_103 : i32 to index
        %swap3A_234 = arith.constant 64 : index
        %swap3A_235 = tpu.vector_load %arg12[%swap3A_233, %swap3A_234] {strides = array<i32>} : memref<128x128xf32, #tpu.memory_space<vmem>>, vector<1x16xf32>,
        %swap3A_236 = vector.shape_cast %swap3A_235 : vector<1x16xf32> to vector<16xf32>
        %swap3A_237 = vector.shape_cast %sub3A_232 : vector<16xf32> to vector<1x16xf32>
        tpu.vector_store %arg12[%swap3A_233, %swap3A_234], %swap3A_237 {strides = array<i32>} : memref<128x128xf32, #tpu.memory_space<vmem>>, vector<1x16xf32>,
        %get3A_238 = arith.index_cast %scan3A_103 : i32 to index
        %get3A_239 = arith.constant 80 : index
        %get3A_240 = tpu.vector_load %arg12[%get3A_238, %get3A_239] {strides = array<i32>} : memref<128x128xf32, #tpu.memory_space<vmem>>, vector<1x16xf32>,
        %get3A_241 = vector.shape_cast %get3A_240 : vector<1x16xf32> to vector<16xf32>
        %max3A_242 = arith.constant -1.500000e+01 : f32
        %max3A_243 = vector.broadcast %max3A_242 : f32 to vector<16xf32>
        %max3A_244 = arith.maximumf %get3A_241, %max3A_243 : vector<16xf32>
        %min3A_245 = arith.constant 1.500000e+01 : f32
        %min3A_246 = vector.broadcast %min3A_245 : f32 to vector<16xf32>
        %min3A_247 = arith.minimumf %max3A_244, %min3A_246 : vector<16xf32>
        %mul3A_248 = arith.constant 2.000000e+00 : f32
        %mul3A_249 = vector.broadcast %mul3A_248 : f32 to vector<16xf32>
        %mul3A_250 = arith.mulf %min3A_247, %mul3A_249 : vector<16xf32>
        %exp3A_251 = math.exp %mul3A_250 : vector<16xf32>
        %add3A_252 = arith.constant 1.000000e+00 : f32
        %add3A_253 = vector.broadcast %add3A_252 : f32 to vector<16xf32>
        %add3A_254 = arith.addf %add3A_253, %exp3A_251 : vector<16xf32>
        %div3A_255 = arith.constant 2.000000e+00 : f32
        %div3A_256 = vector.broadcast %div3A_255 : f32 to vector<16xf32>
        %div3A_257 = arith.divf %div3A_256, %add3A_254 : vector<16xf32>
        %sub3A_258 = arith.constant 1.000000e+00 : f32
        %sub3A_259 = vector.broadcast %sub3A_258 : f32 to vector<16xf32>
        %sub3A_260 = arith.subf %sub3A_259, %div3A_257 : vector<16xf32>
        %swap3A_261 = arith.index_cast %scan3A_103 : i32 to index
        %swap3A_262 = arith.constant 80 : index
        %swap3A_263 = tpu.vector_load %arg12[%swap3A_261, %swap3A_262] {strides = array<i32>} : memref<128x128xf32, #tpu.memory_space<vmem>>, vector<1x16xf32>,
        %swap3A_264 = vector.shape_cast %swap3A_263 : vector<1x16xf32> to vector<16xf32>
        %swap3A_265 = vector.shape_cast %sub3A_260 : vector<16xf32> to vector<1x16xf32>
        tpu.vector_store %arg12[%swap3A_261, %swap3A_262], %swap3A_265 {strides = array<i32>} : memref<128x128xf32, #tpu.memory_space<vmem>>, vector<1x16xf32>,
        %get3A_266 = arith.index_cast %scan3A_103 : i32 to index
        %get3A_267 = arith.constant 96 : index
        %get3A_268 = tpu.vector_load %arg12[%get3A_266, %get3A_267] {strides = array<i32>} : memref<128x128xf32, #tpu.memory_space<vmem>>, vector<1x16xf32>,
        %get3A_269 = vector.shape_cast %get3A_268 : vector<1x16xf32> to vector<16xf32>
        %max3A_270 = arith.constant -1.500000e+01 : f32
        %max3A_271 = vector.broadcast %max3A_270 : f32 to vector<16xf32>
        %max3A_272 = arith.maximumf %get3A_269, %max3A_271 : vector<16xf32>
        %min3A_273 = arith.constant 1.500000e+01 : f32
        %min3A_274 = vector.broadcast %min3A_273 : f32 to vector<16xf32>
        %min3A_275 = arith.minimumf %max3A_272, %min3A_274 : vector<16xf32>
        %mul3A_276 = arith.constant 2.000000e+00 : f32
        %mul3A_277 = vector.broadcast %mul3A_276 : f32 to vector<16xf32>
        %mul3A_278 = arith.mulf %min3A_275, %mul3A_277 : vector<16xf32>
        %exp3A_279 = math.exp %mul3A_278 : vector<16xf32>
        %add3A_280 = arith.constant 1.000000e+00 : f32
        %add3A_281 = vector.broadcast %add3A_280 : f32 to vector<16xf32>
        %add3A_282 = arith.addf %add3A_281, %exp3A_279 : vector<16xf32>
        %div3A_283 = arith.constant 2.000000e+00 : f32
        %div3A_284 = vector.broadcast %div3A_283 : f32 to vector<16xf32>
        %div3A_285 = arith.divf %div3A_284, %add3A_282 : vector<16xf32>
        %sub3A_286 = arith.constant 1.000000e+00 : f32
        %sub3A_287 = vector.broadcast %sub3A_286 : f32 to vector<16xf32>
        %sub3A_288 = arith.subf %sub3A_287, %div3A_285 : vector<16xf32>
        %swap3A_289 = arith.index_cast %scan3A_103 : i32 to index
        %swap3A_290 = arith.constant 96 : index
        %swap3A_291 = tpu.vector_load %arg12[%swap3A_289, %swap3A_290] {strides = array<i32>} : memref<128x128xf32, #tpu.memory_space<vmem>>, vector<1x16xf32>,
        %swap3A_292 = vector.shape_cast %swap3A_291 : vector<1x16xf32> to vector<16xf32>
        %swap3A_293 = vector.shape_cast %sub3A_288 : vector<16xf32> to vector<1x16xf32>
        tpu.vector_store %arg12[%swap3A_289, %swap3A_290], %swap3A_293 {strides = array<i32>} : memref<128x128xf32, #tpu.memory_space<vmem>>, vector<1x16xf32>,
        %get3A_294 = arith.index_cast %scan3A_103 : i32 to index
        %get3A_295 = arith.constant 112 : index
        %get3A_296 = tpu.vector_load %arg12[%get3A_294, %get3A_295] {strides = array<i32>} : memref<128x128xf32, #tpu.memory_space<vmem>>, vector<1x16xf32>,
        %get3A_297 = vector.shape_cast %get3A_296 : vector<1x16xf32> to vector<16xf32>
        %max3A_298 = arith.constant -1.500000e+01 : f32
        %max3A_299 = vector.broadcast %max3A_298 : f32 to vector<16xf32>
        %max3A_300 = arith.maximumf %get3A_297, %max3A_299 : vector<16xf32>
        %min3A_301 = arith.constant 1.500000e+01 : f32
        %min3A_302 = vector.broadcast %min3A_301 : f32 to vector<16xf32>
        %min3A_303 = arith.minimumf %max3A_300, %min3A_302 : vector<16xf32>
        %mul3A_304 = arith.constant 2.000000e+00 : f32
        %mul3A_305 = vector.broadcast %mul3A_304 : f32 to vector<16xf32>
        %mul3A_306 = arith.mulf %min3A_303, %mul3A_305 : vector<16xf32>
        %exp3A_307 = math.exp %mul3A_306 : vector<16xf32>
        %add3A_308 = arith.constant 1.000000e+00 : f32
        %add3A_309 = vector.broadcast %add3A_308 : f32 to vector<16xf32>
        %add3A_310 = arith.addf %add3A_309, %exp3A_307 : vector<16xf32>
        %div3A_311 = arith.constant 2.000000e+00 : f32
        %div3A_312 = vector.broadcast %div3A_311 : f32 to vector<16xf32>
        %div3A_313 = arith.divf %div3A_312, %add3A_310 : vector<16xf32>
        %sub3A_314 = arith.constant 1.000000e+00 : f32
        %sub3A_315 = vector.broadcast %sub3A_314 : f32 to vector<16xf32>
        %sub3A_316 = arith.subf %sub3A_315, %div3A_313 : vector<16xf32>
        %swap3A_317 = arith.index_cast %scan3A_103 : i32 to index
        %swap3A_318 = arith.constant 112 : index
        %swap3A_319 = tpu.vector_load %arg12[%swap3A_317, %swap3A_318] {strides = array<i32>} : memref<128x128xf32, #tpu.memory_space<vmem>>, vector<1x16xf32>,
        %swap3A_320 = vector.shape_cast %swap3A_319 : vector<1x16xf32> to vector<16xf32>
        %swap3A_321 = vector.shape_cast %sub3A_316 : vector<16xf32> to vector<1x16xf32>
        tpu.vector_store %arg12[%swap3A_317, %swap3A_318], %swap3A_321 {strides = array<i32>} : memref<128x128xf32, #tpu.memory_space<vmem>>, vector<1x16xf32>,
        %scan3A_322 = arith.constant 0 : i32
        scf.yield %scan3A_322 : i32
      }
      %scan3A_79 = arith.constant 128 : i32
      %mul3A_80 = arith.constant 128 : i32
      %mul3A_81 = arith.muli %add3A_27, %mul3A_80 : i32
      %multiple_of3A_82 = tpu.assume_multiple %mul3A_81, 128 : i32
      "tpu.region"() ({
        %run_scoped3A_103 = tpu.sem_alloc : memref<!tpu.dma_semaphore, #tpu.memory_space<semaphore_mem>>
        %dma_start3A_104 = arith.constant 0 : i32
        %dma_start3A_105 = tpu.memref_slice %arg7[%multiple_of3A_82, %dma_start3A_104] : memref<327680x128xf32, #tpu.memory_space<hbm>> -> memref<128x128xf32, #tpu.memory_space<hbm>>
        %dma_start3A_106 = arith.constant 0 : i32
        %dma_start3A_107 = tpu.memref_slice %arg7[%multiple_of3A_82, %dma_start3A_106] : memref<327680x128xf32, #tpu.memory_space<hbm>> -> memref<128x128xf32, #tpu.memory_space<hbm>>
        tpu.enqueue_dma source(%arg12 : memref<128x128xf32, #tpu.memory_space<vmem>>) target(%dma_start3A_107 : memref<128x128xf32, #tpu.memory_space<hbm>>) target_semaphore(%run_scoped3A_103 : memref<!tpu.dma_semaphore, #tpu.memory_space<semaphore_mem>>)
        %dma_wait3A_108 = arith.constant 0 : i32
        %dma_wait3A_109 = tpu.memref_slice %arg7[%multiple_of3A_82, %dma_wait3A_108] : memref<327680x128xf32, #tpu.memory_space<hbm>> -> memref<128x128xf32, #tpu.memory_space<hbm>>
        %dma_wait3A_110 = arith.constant 0 : i32
        %dma_wait3A_111 = tpu.memref_slice %arg7[%multiple_of3A_82, %dma_wait3A_110] : memref<327680x128xf32, #tpu.memory_space<hbm>> -> memref<128x128xf32, #tpu.memory_space<hbm>>
        tpu.wait_dma2 semaphore(%run_scoped3A_103 : memref<!tpu.dma_semaphore, #tpu.memory_space<semaphore_mem>>) src(%arg12 : memref<128x128xf32, #tpu.memory_space<vmem>>) dst(%dma_wait3A_111 : memref<128x128xf32, #tpu.memory_space<hbm>>)
        tpu.yield
      }) : () -> ()
      %run_scoped3A_83 = arith.constant 0 : i32
      "tpu.region"() ({
        %run_scoped3A_103 = tpu.sem_alloc : memref<!tpu.dma_semaphore, #tpu.memory_space<semaphore_mem>>
        %dma_start3A_104 = arith.constant 0 : i32
        %dma_start3A_105 = tpu.memref_slice %arg11[%run_scoped3A_83, %dma_start3A_104] : memref<2x128xi32, #tpu.memory_space<vmem>> -> memref<1x128xi32, #tpu.memory_space<vmem>>
        %dma_start3A_106 = tpu.memref_squeeze %dma_start3A_105 : memref<1x128xi32, #tpu.memory_space<vmem>> -> memref<128xi32, #tpu.memory_space<vmem>>
        %dma_start3A_107 = arith.constant 0 : i32
        %dma_start3A_108 = arith.constant 0 : i32
        %dma_start3A_109 = tpu.memref_slice %arg9[%dma_start3A_107, %dma_start3A_108] : memref<10112x128xf32, #tpu.memory_space<vmem_shared>> -> memref<10112x128xf32, #tpu.memory_space<vmem_shared>>
        tpu.enqueue_indirect_dma source(%arg12 : memref<128x128xf32, #tpu.memory_space<vmem>>) target(%dma_start3A_109 : memref<10112x128xf32, #tpu.memory_space<vmem_shared>>) offsets(%dma_start3A_106 : memref<128xi32, #tpu.memory_space<vmem>>) semaphore(%run_scoped3A_103 : memref<!tpu.dma_semaphore, #tpu.memory_space<semaphore_mem>>) {add = true}
        %dma_wait3A_110 = arith.constant 0 : i32
        %dma_wait3A_111 = tpu.memref_slice %arg11[%run_scoped3A_83, %dma_wait3A_110] : memref<2x128xi32, #tpu.memory_space<vmem>> -> memref<1x128xi32, #tpu.memory_space<vmem>>
        %dma_wait3A_112 = tpu.memref_squeeze %dma_wait3A_111 : memref<1x128xi32, #tpu.memory_space<vmem>> -> memref<128xi32, #tpu.memory_space<vmem>>
        %dma_wait3A_113 = arith.constant 0 : i32
        %dma_wait3A_114 = arith.constant 0 : i32
        %dma_wait3A_115 = tpu.memref_slice %arg9[%dma_wait3A_113, %dma_wait3A_114] : memref<10112x128xf32, #tpu.memory_space<vmem_shared>> -> memref<10112x128xf32, #tpu.memory_space<vmem_shared>>
        tpu.wait_indirect_dma semaphore(%run_scoped3A_103 : memref<!tpu.dma_semaphore, #tpu.memory_space<semaphore_mem>>) src(%arg12 : memref<128x128xf32, #tpu.memory_space<vmem>>) dst(%dma_wait3A_115 : memref<10112x128xf32, #tpu.memory_space<vmem_shared>>)
        tpu.yield
      }) : () -> ()
      %dma_wait3A_84 = arith.constant 1 : i32
      %dma_wait3A_85 = arith.constant 0 : i32
      %dma_wait3A_86 = tpu.memref_slice %arg10[%dma_wait3A_84, %dma_wait3A_85] : memref<2x128xi32, #tpu.memory_space<vmem>> -> memref<1x128xi32, #tpu.memory_space<vmem>>
      %dma_wait3A_87 = tpu.memref_squeeze %dma_wait3A_86 : memref<1x128xi32, #tpu.memory_space<vmem>> -> memref<128xi32, #tpu.memory_space<vmem>>
      %dma_wait3A_88 = arith.constant 0 : i32
      %dma_wait3A_89 = arith.constant 0 : i32
      %dma_wait3A_90 = tpu.memref_slice %arg2[%dma_wait3A_88, %dma_wait3A_89] : memref<10000x128xf32, #tpu.memory_space<hbm>> -> memref<10000x128xf32, #tpu.memory_space<hbm>>
      tpu.wait_indirect_dma semaphore(%arg17 : memref<!tpu.dma_semaphore, #tpu.memory_space<semaphore_mem>>) src(%dma_wait3A_90 : memref<10000x128xf32, #tpu.memory_space<hbm>>) dst(%arg13 : memref<128x128xf32, #tpu.memory_space<vmem>>)
      %scan3A_91 = arith.constant 0 : i32
      %scan3A_92 = arith.constant 0 : i32
      %scan3A_93 = arith.constant 128 : i32
      %scan3A_94 = arith.addi %scan3A_92, %scan3A_93 : i32
      %scan3A_95 = arith.constant 1 : i32
      %scan3A_96 = scf.for %scan3A_103 = %scan3A_92 to %scan3A_94 step %scan3A_95 iter_args(%scan3A_104 = %scan3A_91) -> (i32)  : i32 {
        %get3A = arith.index_cast %scan3A_103 : i32 to index
        %get3A_105 = arith.constant 0 : index
        %get3A_106 = tpu.vector_load %arg13[%get3A, %get3A_105] {strides = array<i32>} : memref<128x128xf32, #tpu.memory_space<vmem>>, vector<1x16xf32>,
        %get3A_107 = vector.shape_cast %get3A_106 : vector<1x16xf32> to vector<16xf32>
        %max3A = arith.constant -1.500000e+01 : f32
        %max3A_108 = vector.broadcast %max3A : f32 to vector<16xf32>
        %max3A_109 = arith.maximumf %get3A_107, %max3A_108 : vector<16xf32>
        %min3A = arith.constant 1.500000e+01 : f32
        %min3A_110 = vector.broadcast %min3A : f32 to vector<16xf32>
        %min3A_111 = arith.minimumf %max3A_109, %min3A_110 : vector<16xf32>
        %mul3A_112 = arith.constant 2.000000e+00 : f32
        %mul3A_113 = vector.broadcast %mul3A_112 : f32 to vector<16xf32>
        %mul3A_114 = arith.mulf %min3A_111, %mul3A_113 : vector<16xf32>
        %exp3A = math.exp %mul3A_114 : vector<16xf32>
        %add3A_115 = arith.constant 1.000000e+00 : f32
        %add3A_116 = vector.broadcast %add3A_115 : f32 to vector<16xf32>
        %add3A_117 = arith.addf %add3A_116, %exp3A : vector<16xf32>
        %div3A = arith.constant 2.000000e+00 : f32
        %div3A_118 = vector.broadcast %div3A : f32 to vector<16xf32>
        %div3A_119 = arith.divf %div3A_118, %add3A_117 : vector<16xf32>
        %sub3A = arith.constant 1.000000e+00 : f32
        %sub3A_120 = vector.broadcast %sub3A : f32 to vector<16xf32>
        %sub3A_121 = arith.subf %sub3A_120, %div3A_119 : vector<16xf32>
        %swap3A = arith.index_cast %scan3A_103 : i32 to index
        %swap3A_122 = arith.constant 0 : index
        %swap3A_123 = tpu.vector_load %arg13[%swap3A, %swap3A_122] {strides = array<i32>} : memref<128x128xf32, #tpu.memory_space<vmem>>, vector<1x16xf32>,
        %swap3A_124 = vector.shape_cast %swap3A_123 : vector<1x16xf32> to vector<16xf32>
        %swap3A_125 = vector.shape_cast %sub3A_121 : vector<16xf32> to vector<1x16xf32>
        tpu.vector_store %arg13[%swap3A, %swap3A_122], %swap3A_125 {strides = array<i32>} : memref<128x128xf32, #tpu.memory_space<vmem>>, vector<1x16xf32>,
        %get3A_126 = arith.index_cast %scan3A_103 : i32 to index
        %get3A_127 = arith.constant 16 : index
        %get3A_128 = tpu.vector_load %arg13[%get3A_126, %get3A_127] {strides = array<i32>} : memref<128x128xf32, #tpu.memory_space<vmem>>, vector<1x16xf32>,
        %get3A_129 = vector.shape_cast %get3A_128 : vector<1x16xf32> to vector<16xf32>
        %max3A_130 = arith.constant -1.500000e+01 : f32
        %max3A_131 = vector.broadcast %max3A_130 : f32 to vector<16xf32>
        %max3A_132 = arith.maximumf %get3A_129, %max3A_131 : vector<16xf32>
        %min3A_133 = arith.constant 1.500000e+01 : f32
        %min3A_134 = vector.broadcast %min3A_133 : f32 to vector<16xf32>
        %min3A_135 = arith.minimumf %max3A_132, %min3A_134 : vector<16xf32>
        %mul3A_136 = arith.constant 2.000000e+00 : f32
        %mul3A_137 = vector.broadcast %mul3A_136 : f32 to vector<16xf32>
        %mul3A_138 = arith.mulf %min3A_135, %mul3A_137 : vector<16xf32>
        %exp3A_139 = math.exp %mul3A_138 : vector<16xf32>
        %add3A_140 = arith.constant 1.000000e+00 : f32
        %add3A_141 = vector.broadcast %add3A_140 : f32 to vector<16xf32>
        %add3A_142 = arith.addf %add3A_141, %exp3A_139 : vector<16xf32>
        %div3A_143 = arith.constant 2.000000e+00 : f32
        %div3A_144 = vector.broadcast %div3A_143 : f32 to vector<16xf32>
        %div3A_145 = arith.divf %div3A_144, %add3A_142 : vector<16xf32>
        %sub3A_146 = arith.constant 1.000000e+00 : f32
        %sub3A_147 = vector.broadcast %sub3A_146 : f32 to vector<16xf32>
        %sub3A_148 = arith.subf %sub3A_147, %div3A_145 : vector<16xf32>
        %swap3A_149 = arith.index_cast %scan3A_103 : i32 to index
        %swap3A_150 = arith.constant 16 : index
        %swap3A_151 = tpu.vector_load %arg13[%swap3A_149, %swap3A_150] {strides = array<i32>} : memref<128x128xf32, #tpu.memory_space<vmem>>, vector<1x16xf32>,
        %swap3A_152 = vector.shape_cast %swap3A_151 : vector<1x16xf32> to vector<16xf32>
        %swap3A_153 = vector.shape_cast %sub3A_148 : vector<16xf32> to vector<1x16xf32>
        tpu.vector_store %arg13[%swap3A_149, %swap3A_150], %swap3A_153 {strides = array<i32>} : memref<128x128xf32, #tpu.memory_space<vmem>>, vector<1x16xf32>,
        %get3A_154 = arith.index_cast %scan3A_103 : i32 to index
        %get3A_155 = arith.constant 32 : index
        %get3A_156 = tpu.vector_load %arg13[%get3A_154, %get3A_155] {strides = array<i32>} : memref<128x128xf32, #tpu.memory_space<vmem>>, vector<1x16xf32>,
        %get3A_157 = vector.shape_cast %get3A_156 : vector<1x16xf32> to vector<16xf32>
        %max3A_158 = arith.constant -1.500000e+01 : f32
        %max3A_159 = vector.broadcast %max3A_158 : f32 to vector<16xf32>
        %max3A_160 = arith.maximumf %get3A_157, %max3A_159 : vector<16xf32>
        %min3A_161 = arith.constant 1.500000e+01 : f32
        %min3A_162 = vector.broadcast %min3A_161 : f32 to vector<16xf32>
        %min3A_163 = arith.minimumf %max3A_160, %min3A_162 : vector<16xf32>
        %mul3A_164 = arith.constant 2.000000e+00 : f32
        %mul3A_165 = vector.broadcast %mul3A_164 : f32 to vector<16xf32>
        %mul3A_166 = arith.mulf %min3A_163, %mul3A_165 : vector<16xf32>
        %exp3A_167 = math.exp %mul3A_166 : vector<16xf32>
        %add3A_168 = arith.constant 1.000000e+00 : f32
        %add3A_169 = vector.broadcast %add3A_168 : f32 to vector<16xf32>
        %add3A_170 = arith.addf %add3A_169, %exp3A_167 : vector<16xf32>
        %div3A_171 = arith.constant 2.000000e+00 : f32
        %div3A_172 = vector.broadcast %div3A_171 : f32 to vector<16xf32>
        %div3A_173 = arith.divf %div3A_172, %add3A_170 : vector<16xf32>
        %sub3A_174 = arith.constant 1.000000e+00 : f32
        %sub3A_175 = vector.broadcast %sub3A_174 : f32 to vector<16xf32>
        %sub3A_176 = arith.subf %sub3A_175, %div3A_173 : vector<16xf32>
        %swap3A_177 = arith.index_cast %scan3A_103 : i32 to index
        %swap3A_178 = arith.constant 32 : index
        %swap3A_179 = tpu.vector_load %arg13[%swap3A_177, %swap3A_178] {strides = array<i32>} : memref<128x128xf32, #tpu.memory_space<vmem>>, vector<1x16xf32>,
        %swap3A_180 = vector.shape_cast %swap3A_179 : vector<1x16xf32> to vector<16xf32>
        %swap3A_181 = vector.shape_cast %sub3A_176 : vector<16xf32> to vector<1x16xf32>
        tpu.vector_store %arg13[%swap3A_177, %swap3A_178], %swap3A_181 {strides = array<i32>} : memref<128x128xf32, #tpu.memory_space<vmem>>, vector<1x16xf32>,
        %get3A_182 = arith.index_cast %scan3A_103 : i32 to index
        %get3A_183 = arith.constant 48 : index
        %get3A_184 = tpu.vector_load %arg13[%get3A_182, %get3A_183] {strides = array<i32>} : memref<128x128xf32, #tpu.memory_space<vmem>>, vector<1x16xf32>,
        %get3A_185 = vector.shape_cast %get3A_184 : vector<1x16xf32> to vector<16xf32>
        %max3A_186 = arith.constant -1.500000e+01 : f32
        %max3A_187 = vector.broadcast %max3A_186 : f32 to vector<16xf32>
        %max3A_188 = arith.maximumf %get3A_185, %max3A_187 : vector<16xf32>
        %min3A_189 = arith.constant 1.500000e+01 : f32
        %min3A_190 = vector.broadcast %min3A_189 : f32 to vector<16xf32>
        %min3A_191 = arith.minimumf %max3A_188, %min3A_190 : vector<16xf32>
        %mul3A_192 = arith.constant 2.000000e+00 : f32
        %mul3A_193 = vector.broadcast %mul3A_192 : f32 to vector<16xf32>
        %mul3A_194 = arith.mulf %min3A_191, %mul3A_193 : vector<16xf32>
        %exp3A_195 = math.exp %mul3A_194 : vector<16xf32>
        %add3A_196 = arith.constant 1.000000e+00 : f32
        %add3A_197 = vector.broadcast %add3A_196 : f32 to vector<16xf32>
        %add3A_198 = arith.addf %add3A_197, %exp3A_195 : vector<16xf32>
        %div3A_199 = arith.constant 2.000000e+00 : f32
        %div3A_200 = vector.broadcast %div3A_199 : f32 to vector<16xf32>
        %div3A_201 = arith.divf %div3A_200, %add3A_198 : vector<16xf32>
        %sub3A_202 = arith.constant 1.000000e+00 : f32
        %sub3A_203 = vector.broadcast %sub3A_202 : f32 to vector<16xf32>
        %sub3A_204 = arith.subf %sub3A_203, %div3A_201 : vector<16xf32>
        %swap3A_205 = arith.index_cast %scan3A_103 : i32 to index
        %swap3A_206 = arith.constant 48 : index
        %swap3A_207 = tpu.vector_load %arg13[%swap3A_205, %swap3A_206] {strides = array<i32>} : memref<128x128xf32, #tpu.memory_space<vmem>>, vector<1x16xf32>,
        %swap3A_208 = vector.shape_cast %swap3A_207 : vector<1x16xf32> to vector<16xf32>
        %swap3A_209 = vector.shape_cast %sub3A_204 : vector<16xf32> to vector<1x16xf32>
        tpu.vector_store %arg13[%swap3A_205, %swap3A_206], %swap3A_209 {strides = array<i32>} : memref<128x128xf32, #tpu.memory_space<vmem>>, vector<1x16xf32>,
        %get3A_210 = arith.index_cast %scan3A_103 : i32 to index
        %get3A_211 = arith.constant 64 : index
        %get3A_212 = tpu.vector_load %arg13[%get3A_210, %get3A_211] {strides = array<i32>} : memref<128x128xf32, #tpu.memory_space<vmem>>, vector<1x16xf32>,
        %get3A_213 = vector.shape_cast %get3A_212 : vector<1x16xf32> to vector<16xf32>
        %max3A_214 = arith.constant -1.500000e+01 : f32
        %max3A_215 = vector.broadcast %max3A_214 : f32 to vector<16xf32>
        %max3A_216 = arith.maximumf %get3A_213, %max3A_215 : vector<16xf32>
        %min3A_217 = arith.constant 1.500000e+01 : f32
        %min3A_218 = vector.broadcast %min3A_217 : f32 to vector<16xf32>
        %min3A_219 = arith.minimumf %max3A_216, %min3A_218 : vector<16xf32>
        %mul3A_220 = arith.constant 2.000000e+00 : f32
        %mul3A_221 = vector.broadcast %mul3A_220 : f32 to vector<16xf32>
        %mul3A_222 = arith.mulf %min3A_219, %mul3A_221 : vector<16xf32>
        %exp3A_223 = math.exp %mul3A_222 : vector<16xf32>
        %add3A_224 = arith.constant 1.000000e+00 : f32
        %add3A_225 = vector.broadcast %add3A_224 : f32 to vector<16xf32>
        %add3A_226 = arith.addf %add3A_225, %exp3A_223 : vector<16xf32>
        %div3A_227 = arith.constant 2.000000e+00 : f32
        %div3A_228 = vector.broadcast %div3A_227 : f32 to vector<16xf32>
        %div3A_229 = arith.divf %div3A_228, %add3A_226 : vector<16xf32>
        %sub3A_230 = arith.constant 1.000000e+00 : f32
        %sub3A_231 = vector.broadcast %sub3A_230 : f32 to vector<16xf32>
        %sub3A_232 = arith.subf %sub3A_231, %div3A_229 : vector<16xf32>
        %swap3A_233 = arith.index_cast %scan3A_103 : i32 to index
        %swap3A_234 = arith.constant 64 : index
        %swap3A_235 = tpu.vector_load %arg13[%swap3A_233, %swap3A_234] {strides = array<i32>} : memref<128x128xf32, #tpu.memory_space<vmem>>, vector<1x16xf32>,
        %swap3A_236 = vector.shape_cast %swap3A_235 : vector<1x16xf32> to vector<16xf32>
        %swap3A_237 = vector.shape_cast %sub3A_232 : vector<16xf32> to vector<1x16xf32>
        tpu.vector_store %arg13[%swap3A_233, %swap3A_234], %swap3A_237 {strides = array<i32>} : memref<128x128xf32, #tpu.memory_space<vmem>>, vector<1x16xf32>,
        %get3A_238 = arith.index_cast %scan3A_103 : i32 to index
        %get3A_239 = arith.constant 80 : index
        %get3A_240 = tpu.vector_load %arg13[%get3A_238, %get3A_239] {strides = array<i32>} : memref<128x128xf32, #tpu.memory_space<vmem>>, vector<1x16xf32>,
        %get3A_241 = vector.shape_cast %get3A_240 : vector<1x16xf32> to vector<16xf32>
        %max3A_242 = arith.constant -1.500000e+01 : f32
        %max3A_243 = vector.broadcast %max3A_242 : f32 to vector<16xf32>
        %max3A_244 = arith.maximumf %get3A_241, %max3A_243 : vector<16xf32>
        %min3A_245 = arith.constant 1.500000e+01 : f32
        %min3A_246 = vector.broadcast %min3A_245 : f32 to vector<16xf32>
        %min3A_247 = arith.minimumf %max3A_244, %min3A_246 : vector<16xf32>
        %mul3A_248 = arith.constant 2.000000e+00 : f32
        %mul3A_249 = vector.broadcast %mul3A_248 : f32 to vector<16xf32>
        %mul3A_250 = arith.mulf %min3A_247, %mul3A_249 : vector<16xf32>
        %exp3A_251 = math.exp %mul3A_250 : vector<16xf32>
        %add3A_252 = arith.constant 1.000000e+00 : f32
        %add3A_253 = vector.broadcast %add3A_252 : f32 to vector<16xf32>
        %add3A_254 = arith.addf %add3A_253, %exp3A_251 : vector<16xf32>
        %div3A_255 = arith.constant 2.000000e+00 : f32
        %div3A_256 = vector.broadcast %div3A_255 : f32 to vector<16xf32>
        %div3A_257 = arith.divf %div3A_256, %add3A_254 : vector<16xf32>
        %sub3A_258 = arith.constant 1.000000e+00 : f32
        %sub3A_259 = vector.broadcast %sub3A_258 : f32 to vector<16xf32>
        %sub3A_260 = arith.subf %sub3A_259, %div3A_257 : vector<16xf32>
        %swap3A_261 = arith.index_cast %scan3A_103 : i32 to index
        %swap3A_262 = arith.constant 80 : index
        %swap3A_263 = tpu.vector_load %arg13[%swap3A_261, %swap3A_262] {strides = array<i32>} : memref<128x128xf32, #tpu.memory_space<vmem>>, vector<1x16xf32>,
        %swap3A_264 = vector.shape_cast %swap3A_263 : vector<1x16xf32> to vector<16xf32>
        %swap3A_265 = vector.shape_cast %sub3A_260 : vector<16xf32> to vector<1x16xf32>
        tpu.vector_store %arg13[%swap3A_261, %swap3A_262], %swap3A_265 {strides = array<i32>} : memref<128x128xf32, #tpu.memory_space<vmem>>, vector<1x16xf32>,
        %get3A_266 = arith.index_cast %scan3A_103 : i32 to index
        %get3A_267 = arith.constant 96 : index
        %get3A_268 = tpu.vector_load %arg13[%get3A_266, %get3A_267] {strides = array<i32>} : memref<128x128xf32, #tpu.memory_space<vmem>>, vector<1x16xf32>,
        %get3A_269 = vector.shape_cast %get3A_268 : vector<1x16xf32> to vector<16xf32>
        %max3A_270 = arith.constant -1.500000e+01 : f32
        %max3A_271 = vector.broadcast %max3A_270 : f32 to vector<16xf32>
        %max3A_272 = arith.maximumf %get3A_269, %max3A_271 : vector<16xf32>
        %min3A_273 = arith.constant 1.500000e+01 : f32
        %min3A_274 = vector.broadcast %min3A_273 : f32 to vector<16xf32>
        %min3A_275 = arith.minimumf %max3A_272, %min3A_274 : vector<16xf32>
        %mul3A_276 = arith.constant 2.000000e+00 : f32
        %mul3A_277 = vector.broadcast %mul3A_276 : f32 to vector<16xf32>
        %mul3A_278 = arith.mulf %min3A_275, %mul3A_277 : vector<16xf32>
        %exp3A_279 = math.exp %mul3A_278 : vector<16xf32>
        %add3A_280 = arith.constant 1.000000e+00 : f32
        %add3A_281 = vector.broadcast %add3A_280 : f32 to vector<16xf32>
        %add3A_282 = arith.addf %add3A_281, %exp3A_279 : vector<16xf32>
        %div3A_283 = arith.constant 2.000000e+00 : f32
        %div3A_284 = vector.broadcast %div3A_283 : f32 to vector<16xf32>
        %div3A_285 = arith.divf %div3A_284, %add3A_282 : vector<16xf32>
        %sub3A_286 = arith.constant 1.000000e+00 : f32
        %sub3A_287 = vector.broadcast %sub3A_286 : f32 to vector<16xf32>
        %sub3A_288 = arith.subf %sub3A_287, %div3A_285 : vector<16xf32>
        %swap3A_289 = arith.index_cast %scan3A_103 : i32 to index
        %swap3A_290 = arith.constant 96 : index
        %swap3A_291 = tpu.vector_load %arg13[%swap3A_289, %swap3A_290] {strides = array<i32>} : memref<128x128xf32, #tpu.memory_space<vmem>>, vector<1x16xf32>,
        %swap3A_292 = vector.shape_cast %swap3A_291 : vector<1x16xf32> to vector<16xf32>
        %swap3A_293 = vector.shape_cast %sub3A_288 : vector<16xf32> to vector<1x16xf32>
        tpu.vector_store %arg13[%swap3A_289, %swap3A_290], %swap3A_293 {strides = array<i32>} : memref<128x128xf32, #tpu.memory_space<vmem>>, vector<1x16xf32>,
        %get3A_294 = arith.index_cast %scan3A_103 : i32 to index
        %get3A_295 = arith.constant 112 : index
        %get3A_296 = tpu.vector_load %arg13[%get3A_294, %get3A_295] {strides = array<i32>} : memref<128x128xf32, #tpu.memory_space<vmem>>, vector<1x16xf32>,
        %get3A_297 = vector.shape_cast %get3A_296 : vector<1x16xf32> to vector<16xf32>
        %max3A_298 = arith.constant -1.500000e+01 : f32
        %max3A_299 = vector.broadcast %max3A_298 : f32 to vector<16xf32>
        %max3A_300 = arith.maximumf %get3A_297, %max3A_299 : vector<16xf32>
        %min3A_301 = arith.constant 1.500000e+01 : f32
        %min3A_302 = vector.broadcast %min3A_301 : f32 to vector<16xf32>
        %min3A_303 = arith.minimumf %max3A_300, %min3A_302 : vector<16xf32>
        %mul3A_304 = arith.constant 2.000000e+00 : f32
        %mul3A_305 = vector.broadcast %mul3A_304 : f32 to vector<16xf32>
        %mul3A_306 = arith.mulf %min3A_303, %mul3A_305 : vector<16xf32>
        %exp3A_307 = math.exp %mul3A_306 : vector<16xf32>
        %add3A_308 = arith.constant 1.000000e+00 : f32
        %add3A_309 = vector.broadcast %add3A_308 : f32 to vector<16xf32>
        %add3A_310 = arith.addf %add3A_309, %exp3A_307 : vector<16xf32>
        %div3A_311 = arith.constant 2.000000e+00 : f32
        %div3A_312 = vector.broadcast %div3A_311 : f32 to vector<16xf32>
        %div3A_313 = arith.divf %div3A_312, %add3A_310 : vector<16xf32>
        %sub3A_314 = arith.constant 1.000000e+00 : f32
        %sub3A_315 = vector.broadcast %sub3A_314 : f32 to vector<16xf32>
        %sub3A_316 = arith.subf %sub3A_315, %div3A_313 : vector<16xf32>
        %swap3A_317 = arith.index_cast %scan3A_103 : i32 to index
        %swap3A_318 = arith.constant 112 : index
        %swap3A_319 = tpu.vector_load %arg13[%swap3A_317, %swap3A_318] {strides = array<i32>} : memref<128x128xf32, #tpu.memory_space<vmem>>, vector<1x16xf32>,
        %swap3A_320 = vector.shape_cast %swap3A_319 : vector<1x16xf32> to vector<16xf32>
        %swap3A_321 = vector.shape_cast %sub3A_316 : vector<16xf32> to vector<1x16xf32>
        tpu.vector_store %arg13[%swap3A_317, %swap3A_318], %swap3A_321 {strides = array<i32>} : memref<128x128xf32, #tpu.memory_space<vmem>>, vector<1x16xf32>,
        %scan3A_322 = arith.constant 0 : i32
        scf.yield %scan3A_322 : i32
      }
      %scan3A_97 = arith.constant 128 : i32
      %mul3A_98 = arith.constant 128 : i32
      %mul3A_99 = arith.muli %add3A_29, %mul3A_98 : i32
      %multiple_of3A_100 = tpu.assume_multiple %mul3A_99, 128 : i32
      "tpu.region"() ({
        %run_scoped3A_103 = tpu.sem_alloc : memref<!tpu.dma_semaphore, #tpu.memory_space<semaphore_mem>>
        %dma_start3A_104 = arith.constant 0 : i32
        %dma_start3A_105 = tpu.memref_slice %arg7[%multiple_of3A_100, %dma_start3A_104] : memref<327680x128xf32, #tpu.memory_space<hbm>> -> memref<128x128xf32, #tpu.memory_space<hbm>>
        %dma_start3A_106 = arith.constant 0 : i32
        %dma_start3A_107 = tpu.memref_slice %arg7[%multiple_of3A_100, %dma_start3A_106] : memref<327680x128xf32, #tpu.memory_space<hbm>> -> memref<128x128xf32, #tpu.memory_space<hbm>>
        tpu.enqueue_dma source(%arg13 : memref<128x128xf32, #tpu.memory_space<vmem>>) target(%dma_start3A_107 : memref<128x128xf32, #tpu.memory_space<hbm>>) target_semaphore(%run_scoped3A_103 : memref<!tpu.dma_semaphore, #tpu.memory_space<semaphore_mem>>)
        %dma_wait3A_108 = arith.constant 0 : i32
        %dma_wait3A_109 = tpu.memref_slice %arg7[%multiple_of3A_100, %dma_wait3A_108] : memref<327680x128xf32, #tpu.memory_space<hbm>> -> memref<128x128xf32, #tpu.memory_space<hbm>>
        %dma_wait3A_110 = arith.constant 0 : i32
        %dma_wait3A_111 = tpu.memref_slice %arg7[%multiple_of3A_100, %dma_wait3A_110] : memref<327680x128xf32, #tpu.memory_space<hbm>> -> memref<128x128xf32, #tpu.memory_space<hbm>>
        tpu.wait_dma2 semaphore(%run_scoped3A_103 : memref<!tpu.dma_semaphore, #tpu.memory_space<semaphore_mem>>) src(%arg13 : memref<128x128xf32, #tpu.memory_space<vmem>>) dst(%dma_wait3A_111 : memref<128x128xf32, #tpu.memory_space<hbm>>)
        tpu.yield
      }) : () -> ()
      %run_scoped3A_101 = arith.constant 1 : i32
      "tpu.region"() ({
        %run_scoped3A_103 = tpu.sem_alloc : memref<!tpu.dma_semaphore, #tpu.memory_space<semaphore_mem>>
        %dma_start3A_104 = arith.constant 0 : i32
        %dma_start3A_105 = tpu.memref_slice %arg11[%run_scoped3A_101, %dma_start3A_104] : memref<2x128xi32, #tpu.memory_space<vmem>> -> memref<1x128xi32, #tpu.memory_space<vmem>>
        %dma_start3A_106 = tpu.memref_squeeze %dma_start3A_105 : memref<1x128xi32, #tpu.memory_space<vmem>> -> memref<128xi32, #tpu.memory_space<vmem>>
        %dma_start3A_107 = arith.constant 0 : i32
        %dma_start3A_108 = arith.constant 0 : i32
        %dma_start3A_109 = tpu.memref_slice %arg9[%dma_start3A_107, %dma_start3A_108] : memref<10112x128xf32, #tpu.memory_space<vmem_shared>> -> memref<10112x128xf32, #tpu.memory_space<vmem_shared>>
        tpu.enqueue_indirect_dma source(%arg13 : memref<128x128xf32, #tpu.memory_space<vmem>>) target(%dma_start3A_109 : memref<10112x128xf32, #tpu.memory_space<vmem_shared>>) offsets(%dma_start3A_106 : memref<128xi32, #tpu.memory_space<vmem>>) semaphore(%run_scoped3A_103 : memref<!tpu.dma_semaphore, #tpu.memory_space<semaphore_mem>>) {add = true}
        %dma_wait3A_110 = arith.constant 0 : i32
        %dma_wait3A_111 = tpu.memref_slice %arg11[%run_scoped3A_101, %dma_wait3A_110] : memref<2x128xi32, #tpu.memory_space<vmem>> -> memref<1x128xi32, #tpu.memory_space<vmem>>
        %dma_wait3A_112 = tpu.memref_squeeze %dma_wait3A_111 : memref<1x128xi32, #tpu.memory_space<vmem>> -> memref<128xi32, #tpu.memory_space<vmem>>
        %dma_wait3A_113 = arith.constant 0 : i32
        %dma_wait3A_114 = arith.constant 0 : i32
        %dma_wait3A_115 = tpu.memref_slice %arg9[%dma_wait3A_113, %dma_wait3A_114] : memref<10112x128xf32, #tpu.memory_space<vmem_shared>> -> memref<10112x128xf32, #tpu.memory_space<vmem_shared>>
        tpu.wait_indirect_dma semaphore(%run_scoped3A_103 : memref<!tpu.dma_semaphore, #tpu.memory_space<semaphore_mem>>) src(%arg13 : memref<128x128xf32, #tpu.memory_space<vmem>>) dst(%dma_wait3A_115 : memref<10112x128xf32, #tpu.memory_space<vmem_shared>>)
        tpu.yield
      }) : () -> ()
      %while3A_102 = arith.constant 0 : i32
      scf.yield %while3A_102 : i32
    }
    %while3A_20 = arith.constant 1 : i32
    %while3A_21 = scf.for %while3A_23 = %while3A_17 to %while3A_13 step %while3A_20 iter_args(%while3A_24 = %while3A_19) -> (i32)  : i32 {
      %mul3A_25 = arith.constant 2 : i32
      %mul3A_26 = arith.muli %mul3A_25, %while3A_23 : i32
      %add3A_27 = arith.addi %select_n3A, %mul3A_26 : i32
      %add3A_28 = arith.constant 1 : i32
      %add3A_29 = arith.addi %add3A_27, %add3A_28 : i32
      %run_scoped3A = arith.constant 0 : i32
      "tpu.region"() ({
        %run_scoped3A_103 = tpu.sem_alloc : memref<!tpu.dma_semaphore, #tpu.memory_space<semaphore_mem>>
        %dma_start3A_104 = arith.constant 0 : i32
        %dma_start3A_105 = tpu.memref_slice %arg10[%run_scoped3A, %dma_start3A_104] : memref<2x128xi32, #tpu.memory_space<vmem>> -> memref<1x128xi32, #tpu.memory_space<vmem>>
        %dma_start3A_106 = tpu.memref_squeeze %dma_start3A_105 : memref<1x128xi32, #tpu.memory_space<vmem>> -> memref<128xi32, #tpu.memory_space<vmem>>
        %dma_start3A_107 = arith.constant 0 : i32
        %dma_start3A_108 = tpu.memref_slice %arg4[%add3A_27, %dma_start3A_107] : memref<2560x128xi32, #tpu.memory_space<hbm>> -> memref<1x128xi32, #tpu.memory_space<hbm>>
        %dma_start3A_109 = tpu.memref_squeeze %dma_start3A_108 : memref<1x128xi32, #tpu.memory_space<hbm>> -> memref<128xi32, #tpu.memory_space<hbm>>
        %dma_start3A_110 = arith.constant 0 : i32
        %dma_start3A_111 = tpu.memref_slice %arg10[%run_scoped3A, %dma_start3A_110] : memref<2x128xi32, #tpu.memory_space<vmem>> -> memref<1x128xi32, #tpu.memory_space<vmem>>
        %dma_start3A_112 = tpu.memref_squeeze %dma_start3A_111 : memref<1x128xi32, #tpu.memory_space<vmem>> -> memref<128xi32, #tpu.memory_space<vmem>>
        %dma_start3A_113 = arith.constant 0 : i32
        %dma_start3A_114 = tpu.memref_slice %arg4[%add3A_27, %dma_start3A_113] : memref<2560x128xi32, #tpu.memory_space<hbm>> -> memref<1x128xi32, #tpu.memory_space<hbm>>
        %dma_start3A_115 = tpu.memref_squeeze %dma_start3A_114 : memref<1x128xi32, #tpu.memory_space<hbm>> -> memref<128xi32, #tpu.memory_space<hbm>>
        tpu.enqueue_dma source(%dma_start3A_115 : memref<128xi32, #tpu.memory_space<hbm>>) target(%dma_start3A_112 : memref<128xi32, #tpu.memory_space<vmem>>) target_semaphore(%run_scoped3A_103 : memref<!tpu.dma_semaphore, #tpu.memory_space<semaphore_mem>>)
        %dma_wait3A_116 = arith.constant 0 : i32
        %dma_wait3A_117 = tpu.memref_slice %arg10[%run_scoped3A, %dma_wait3A_116] : memref<2x128xi32, #tpu.memory_space<vmem>> -> memref<1x128xi32, #tpu.memory_space<vmem>>
        %dma_wait3A_118 = tpu.memref_squeeze %dma_wait3A_117 : memref<1x128xi32, #tpu.memory_space<vmem>> -> memref<128xi32, #tpu.memory_space<vmem>>
        %dma_wait3A_119 = arith.constant 0 : i32
        %dma_wait3A_120 = tpu.memref_slice %arg4[%add3A_27, %dma_wait3A_119] : memref<2560x128xi32, #tpu.memory_space<hbm>> -> memref<1x128xi32, #tpu.memory_space<hbm>>
        %dma_wait3A_121 = tpu.memref_squeeze %dma_wait3A_120 : memref<1x128xi32, #tpu.memory_space<hbm>> -> memref<128xi32, #tpu.memory_space<hbm>>
        %dma_wait3A_122 = arith.constant 0 : i32
        %dma_wait3A_123 = tpu.memref_slice %arg10[%run_scoped3A, %dma_wait3A_122] : memref<2x128xi32, #tpu.memory_space<vmem>> -> memref<1x128xi32, #tpu.memory_space<vmem>>
        %dma_wait3A_124 = tpu.memref_squeeze %dma_wait3A_123 : memref<1x128xi32, #tpu.memory_space<vmem>> -> memref<128xi32, #tpu.memory_space<vmem>>
        %dma_wait3A_125 = arith.constant 0 : i32
        %dma_wait3A_126 = tpu.memref_slice %arg4[%add3A_27, %dma_wait3A_125] : memref<2560x128xi32, #tpu.memory_space<hbm>> -> memref<1x128xi32, #tpu.memory_space<hbm>>
        %dma_wait3A_127 = tpu.memref_squeeze %dma_wait3A_126 : memref<1x128xi32, #tpu.memory_space<hbm>> -> memref<128xi32, #tpu.memory_space<hbm>>
        tpu.wait_dma2 semaphore(%run_scoped3A_103 : memref<!tpu.dma_semaphore, #tpu.memory_space<semaphore_mem>>) src(%dma_wait3A_127 : memref<128xi32, #tpu.memory_space<hbm>>) dst(%dma_wait3A_124 : memref<128xi32, #tpu.memory_space<vmem>>)
        tpu.yield
      }) : () -> ()
      %run_scoped3A_30 = arith.constant 0 : i32
      "tpu.region"() ({
        %run_scoped3A_103 = tpu.sem_alloc : memref<!tpu.dma_semaphore, #tpu.memory_space<semaphore_mem>>
        %dma_start3A_104 = arith.constant 0 : i32
        %dma_start3A_105 = tpu.memref_slice %arg11[%run_scoped3A_30, %dma_start3A_104] : memref<2x128xi32, #tpu.memory_space<vmem>> -> memref<1x128xi32, #tpu.memory_space<vmem>>
        %dma_start3A_106 = tpu.memref_squeeze %dma_start3A_105 : memref<1x128xi32, #tpu.memory_space<vmem>> -> memref<128xi32, #tpu.memory_space<vmem>>
        %dma_start3A_107 = arith.constant 0 : i32
        %dma_start3A_108 = tpu.memref_slice %arg5[%add3A_27, %dma_start3A_107] : memref<2560x128xi32, #tpu.memory_space<hbm>> -> memref<1x128xi32, #tpu.memory_space<hbm>>
        %dma_start3A_109 = tpu.memref_squeeze %dma_start3A_108 : memref<1x128xi32, #tpu.memory_space<hbm>> -> memref<128xi32, #tpu.memory_space<hbm>>
        %dma_start3A_110 = arith.constant 0 : i32
        %dma_start3A_111 = tpu.memref_slice %arg11[%run_scoped3A_30, %dma_start3A_110] : memref<2x128xi32, #tpu.memory_space<vmem>> -> memref<1x128xi32, #tpu.memory_space<vmem>>
        %dma_start3A_112 = tpu.memref_squeeze %dma_start3A_111 : memref<1x128xi32, #tpu.memory_space<vmem>> -> memref<128xi32, #tpu.memory_space<vmem>>
        %dma_start3A_113 = arith.constant 0 : i32
        %dma_start3A_114 = tpu.memref_slice %arg5[%add3A_27, %dma_start3A_113] : memref<2560x128xi32, #tpu.memory_space<hbm>> -> memref<1x128xi32, #tpu.memory_space<hbm>>
        %dma_start3A_115 = tpu.memref_squeeze %dma_start3A_114 : memref<1x128xi32, #tpu.memory_space<hbm>> -> memref<128xi32, #tpu.memory_space<hbm>>
        tpu.enqueue_dma source(%dma_start3A_115 : memref<128xi32, #tpu.memory_space<hbm>>) target(%dma_start3A_112 : memref<128xi32, #tpu.memory_space<vmem>>) target_semaphore(%run_scoped3A_103 : memref<!tpu.dma_semaphore, #tpu.memory_space<semaphore_mem>>)
        %dma_wait3A_116 = arith.constant 0 : i32
        %dma_wait3A_117 = tpu.memref_slice %arg11[%run_scoped3A_30, %dma_wait3A_116] : memref<2x128xi32, #tpu.memory_space<vmem>> -> memref<1x128xi32, #tpu.memory_space<vmem>>
        %dma_wait3A_118 = tpu.memref_squeeze %dma_wait3A_117 : memref<1x128xi32, #tpu.memory_space<vmem>> -> memref<128xi32, #tpu.memory_space<vmem>>
        %dma_wait3A_119 = arith.constant 0 : i32
        %dma_wait3A_120 = tpu.memref_slice %arg5[%add3A_27, %dma_wait3A_119] : memref<2560x128xi32, #tpu.memory_space<hbm>> -> memref<1x128xi32, #tpu.memory_space<hbm>>
        %dma_wait3A_121 = tpu.memref_squeeze %dma_wait3A_120 : memref<1x128xi32, #tpu.memory_space<hbm>> -> memref<128xi32, #tpu.memory_space<hbm>>
        %dma_wait3A_122 = arith.constant 0 : i32
        %dma_wait3A_123 = tpu.memref_slice %arg11[%run_scoped3A_30, %dma_wait3A_122] : memref<2x128xi32, #tpu.memory_space<vmem>> -> memref<1x128xi32, #tpu.memory_space<vmem>>
        %dma_wait3A_124 = tpu.memref_squeeze %dma_wait3A_123 : memref<1x128xi32, #tpu.memory_space<vmem>> -> memref<128xi32, #tpu.memory_space<vmem>>
        %dma_wait3A_125 = arith.constant 0 : i32
        %dma_wait3A_126 = tpu.memref_slice %arg5[%add3A_27, %dma_wait3A_125] : memref<2560x128xi32, #tpu.memory_space<hbm>> -> memref<1x128xi32, #tpu.memory_space<hbm>>
        %dma_wait3A_127 = tpu.memref_squeeze %dma_wait3A_126 : memref<1x128xi32, #tpu.memory_space<hbm>> -> memref<128xi32, #tpu.memory_space<hbm>>
        tpu.wait_dma2 semaphore(%run_scoped3A_103 : memref<!tpu.dma_semaphore, #tpu.memory_space<semaphore_mem>>) src(%dma_wait3A_127 : memref<128xi32, #tpu.memory_space<hbm>>) dst(%dma_wait3A_124 : memref<128xi32, #tpu.memory_space<vmem>>)
        tpu.yield
      }) : () -> ()
      %mul3A_31 = arith.constant 128 : i32
      %mul3A_32 = arith.muli %add3A_27, %mul3A_31 : i32
      %multiple_of3A_33 = tpu.assume_multiple %mul3A_32, 128 : i32
      %dma_start3A = arith.constant 0 : i32
      %dma_start3A_34 = tpu.memref_slice %arg3[%multiple_of3A_33, %dma_start3A] : memref<327680x128xf32, #tpu.memory_space<hbm>> -> memref<128x128xf32, #tpu.memory_space<hbm>>
      %dma_start3A_35 = arith.constant 0 : i32
      %dma_start3A_36 = tpu.memref_slice %arg3[%multiple_of3A_33, %dma_start3A_35] : memref<327680x128xf32, #tpu.memory_space<hbm>> -> memref<128x128xf32, #tpu.memory_space<hbm>>
      tpu.enqueue_dma source(%dma_start3A_36 : memref<128x128xf32, #tpu.memory_space<hbm>>) target(%arg12 : memref<128x128xf32, #tpu.memory_space<vmem>>) target_semaphore(%arg14 : memref<!tpu.dma_semaphore, #tpu.memory_space<semaphore_mem>>)
      %run_scoped3A_37 = arith.constant 1 : i32
      "tpu.region"() ({
        %run_scoped3A_103 = tpu.sem_alloc : memref<!tpu.dma_semaphore, #tpu.memory_space<semaphore_mem>>
        %dma_start3A_104 = arith.constant 0 : i32
        %dma_start3A_105 = tpu.memref_slice %arg10[%run_scoped3A_37, %dma_start3A_104] : memref<2x128xi32, #tpu.memory_space<vmem>> -> memref<1x128xi32, #tpu.memory_space<vmem>>
        %dma_start3A_106 = tpu.memref_squeeze %dma_start3A_105 : memref<1x128xi32, #tpu.memory_space<vmem>> -> memref<128xi32, #tpu.memory_space<vmem>>
        %dma_start3A_107 = arith.constant 0 : i32
        %dma_start3A_108 = tpu.memref_slice %arg4[%add3A_29, %dma_start3A_107] : memref<2560x128xi32, #tpu.memory_space<hbm>> -> memref<1x128xi32, #tpu.memory_space<hbm>>
        %dma_start3A_109 = tpu.memref_squeeze %dma_start3A_108 : memref<1x128xi32, #tpu.memory_space<hbm>> -> memref<128xi32, #tpu.memory_space<hbm>>
        %dma_start3A_110 = arith.constant 0 : i32
        %dma_start3A_111 = tpu.memref_slice %arg10[%run_scoped3A_37, %dma_start3A_110] : memref<2x128xi32, #tpu.memory_space<vmem>> -> memref<1x128xi32, #tpu.memory_space<vmem>>
        %dma_start3A_112 = tpu.memref_squeeze %dma_start3A_111 : memref<1x128xi32, #tpu.memory_space<vmem>> -> memref<128xi32, #tpu.memory_space<vmem>>
        %dma_start3A_113 = arith.constant 0 : i32
        %dma_start3A_114 = tpu.memref_slice %arg4[%add3A_29, %dma_start3A_113] : memref<2560x128xi32, #tpu.memory_space<hbm>> -> memref<1x128xi32, #tpu.memory_space<hbm>>
        %dma_start3A_115 = tpu.memref_squeeze %dma_start3A_114 : memref<1x128xi32, #tpu.memory_space<hbm>> -> memref<128xi32, #tpu.memory_space<hbm>>
        tpu.enqueue_dma source(%dma_start3A_115 : memref<128xi32, #tpu.memory_space<hbm>>) target(%dma_start3A_112 : memref<128xi32, #tpu.memory_space<vmem>>) target_semaphore(%run_scoped3A_103 : memref<!tpu.dma_semaphore, #tpu.memory_space<semaphore_mem>>)
        %dma_wait3A_116 = arith.constant 0 : i32
        %dma_wait3A_117 = tpu.memref_slice %arg10[%run_scoped3A_37, %dma_wait3A_116] : memref<2x128xi32, #tpu.memory_space<vmem>> -> memref<1x128xi32, #tpu.memory_space<vmem>>
        %dma_wait3A_118 = tpu.memref_squeeze %dma_wait3A_117 : memref<1x128xi32, #tpu.memory_space<vmem>> -> memref<128xi32, #tpu.memory_space<vmem>>
        %dma_wait3A_119 = arith.constant 0 : i32
        %dma_wait3A_120 = tpu.memref_slice %arg4[%add3A_29, %dma_wait3A_119] : memref<2560x128xi32, #tpu.memory_space<hbm>> -> memref<1x128xi32, #tpu.memory_space<hbm>>
        %dma_wait3A_121 = tpu.memref_squeeze %dma_wait3A_120 : memref<1x128xi32, #tpu.memory_space<hbm>> -> memref<128xi32, #tpu.memory_space<hbm>>
        %dma_wait3A_122 = arith.constant 0 : i32
        %dma_wait3A_123 = tpu.memref_slice %arg10[%run_scoped3A_37, %dma_wait3A_122] : memref<2x128xi32, #tpu.memory_space<vmem>> -> memref<1x128xi32, #tpu.memory_space<vmem>>
        %dma_wait3A_124 = tpu.memref_squeeze %dma_wait3A_123 : memref<1x128xi32, #tpu.memory_space<vmem>> -> memref<128xi32, #tpu.memory_space<vmem>>
        %dma_wait3A_125 = arith.constant 0 : i32
        %dma_wait3A_126 = tpu.memref_slice %arg4[%add3A_29, %dma_wait3A_125] : memref<2560x128xi32, #tpu.memory_space<hbm>> -> memref<1x128xi32, #tpu.memory_space<hbm>>
        %dma_wait3A_127 = tpu.memref_squeeze %dma_wait3A_126 : memref<1x128xi32, #tpu.memory_space<hbm>> -> memref<128xi32, #tpu.memory_space<hbm>>
        tpu.wait_dma2 semaphore(%run_scoped3A_103 : memref<!tpu.dma_semaphore, #tpu.memory_space<semaphore_mem>>) src(%dma_wait3A_127 : memref<128xi32, #tpu.memory_space<hbm>>) dst(%dma_wait3A_124 : memref<128xi32, #tpu.memory_space<vmem>>)
        tpu.yield
      }) : () -> ()
      %run_scoped3A_38 = arith.constant 1 : i32
      "tpu.region"() ({
        %run_scoped3A_103 = tpu.sem_alloc : memref<!tpu.dma_semaphore, #tpu.memory_space<semaphore_mem>>
        %dma_start3A_104 = arith.constant 0 : i32
        %dma_start3A_105 = tpu.memref_slice %arg11[%run_scoped3A_38, %dma_start3A_104] : memref<2x128xi32, #tpu.memory_space<vmem>> -> memref<1x128xi32, #tpu.memory_space<vmem>>
        %dma_start3A_106 = tpu.memref_squeeze %dma_start3A_105 : memref<1x128xi32, #tpu.memory_space<vmem>> -> memref<128xi32, #tpu.memory_space<vmem>>
        %dma_start3A_107 = arith.constant 0 : i32
        %dma_start3A_108 = tpu.memref_slice %arg5[%add3A_29, %dma_start3A_107] : memref<2560x128xi32, #tpu.memory_space<hbm>> -> memref<1x128xi32, #tpu.memory_space<hbm>>
        %dma_start3A_109 = tpu.memref_squeeze %dma_start3A_108 : memref<1x128xi32, #tpu.memory_space<hbm>> -> memref<128xi32, #tpu.memory_space<hbm>>
        %dma_start3A_110 = arith.constant 0 : i32
        %dma_start3A_111 = tpu.memref_slice %arg11[%run_scoped3A_38, %dma_start3A_110] : memref<2x128xi32, #tpu.memory_space<vmem>> -> memref<1x128xi32, #tpu.memory_space<vmem>>
        %dma_start3A_112 = tpu.memref_squeeze %dma_start3A_111 : memref<1x128xi32, #tpu.memory_space<vmem>> -> memref<128xi32, #tpu.memory_space<vmem>>
        %dma_start3A_113 = arith.constant 0 : i32
        %dma_start3A_114 = tpu.memref_slice %arg5[%add3A_29, %dma_start3A_113] : memref<2560x128xi32, #tpu.memory_space<hbm>> -> memref<1x128xi32, #tpu.memory_space<hbm>>
        %dma_start3A_115 = tpu.memref_squeeze %dma_start3A_114 : memref<1x128xi32, #tpu.memory_space<hbm>> -> memref<128xi32, #tpu.memory_space<hbm>>
        tpu.enqueue_dma source(%dma_start3A_115 : memref<128xi32, #tpu.memory_space<hbm>>) target(%dma_start3A_112 : memref<128xi32, #tpu.memory_space<vmem>>) target_semaphore(%run_scoped3A_103 : memref<!tpu.dma_semaphore, #tpu.memory_space<semaphore_mem>>)
        %dma_wait3A_116 = arith.constant 0 : i32
        %dma_wait3A_117 = tpu.memref_slice %arg11[%run_scoped3A_38, %dma_wait3A_116] : memref<2x128xi32, #tpu.memory_space<vmem>> -> memref<1x128xi32, #tpu.memory_space<vmem>>
        %dma_wait3A_118 = tpu.memref_squeeze %dma_wait3A_117 : memref<1x128xi32, #tpu.memory_space<vmem>> -> memref<128xi32, #tpu.memory_space<vmem>>
        %dma_wait3A_119 = arith.constant 0 : i32
        %dma_wait3A_120 = tpu.memref_slice %arg5[%add3A_29, %dma_wait3A_119] : memref<2560x128xi32, #tpu.memory_space<hbm>> -> memref<1x128xi32, #tpu.memory_space<hbm>>
        %dma_wait3A_121 = tpu.memref_squeeze %dma_wait3A_120 : memref<1x128xi32, #tpu.memory_space<hbm>> -> memref<128xi32, #tpu.memory_space<hbm>>
        %dma_wait3A_122 = arith.constant 0 : i32
        %dma_wait3A_123 = tpu.memref_slice %arg11[%run_scoped3A_38, %dma_wait3A_122] : memref<2x128xi32, #tpu.memory_space<vmem>> -> memref<1x128xi32, #tpu.memory_space<vmem>>
        %dma_wait3A_124 = tpu.memref_squeeze %dma_wait3A_123 : memref<1x128xi32, #tpu.memory_space<vmem>> -> memref<128xi32, #tpu.memory_space<vmem>>
        %dma_wait3A_125 = arith.constant 0 : i32
        %dma_wait3A_126 = tpu.memref_slice %arg5[%add3A_29, %dma_wait3A_125] : memref<2560x128xi32, #tpu.memory_space<hbm>> -> memref<1x128xi32, #tpu.memory_space<hbm>>
        %dma_wait3A_127 = tpu.memref_squeeze %dma_wait3A_126 : memref<1x128xi32, #tpu.memory_space<hbm>> -> memref<128xi32, #tpu.memory_space<hbm>>
        tpu.wait_dma2 semaphore(%run_scoped3A_103 : memref<!tpu.dma_semaphore, #tpu.memory_space<semaphore_mem>>) src(%dma_wait3A_127 : memref<128xi32, #tpu.memory_space<hbm>>) dst(%dma_wait3A_124 : memref<128xi32, #tpu.memory_space<vmem>>)
        tpu.yield
      }) : () -> ()
      %mul3A_39 = arith.constant 128 : i32
      %mul3A_40 = arith.muli %add3A_29, %mul3A_39 : i32
      %multiple_of3A_41 = tpu.assume_multiple %mul3A_40, 128 : i32
      %dma_start3A_42 = arith.constant 0 : i32
      %dma_start3A_43 = tpu.memref_slice %arg3[%multiple_of3A_41, %dma_start3A_42] : memref<327680x128xf32, #tpu.memory_space<hbm>> -> memref<128x128xf32, #tpu.memory_space<hbm>>
      %dma_start3A_44 = arith.constant 0 : i32
      %dma_start3A_45 = tpu.memref_slice %arg3[%multiple_of3A_41, %dma_start3A_44] : memref<327680x128xf32, #tpu.memory_space<hbm>> -> memref<128x128xf32, #tpu.memory_space<hbm>>
      tpu.enqueue_dma source(%dma_start3A_45 : memref<128x128xf32, #tpu.memory_space<hbm>>) target(%arg13 : memref<128x128xf32, #tpu.memory_space<vmem>>) target_semaphore(%arg15 : memref<!tpu.dma_semaphore, #tpu.memory_space<semaphore_mem>>)
      %dma_wait3A = arith.constant 0 : i32
      %dma_wait3A_46 = tpu.memref_slice %arg3[%multiple_of3A_33, %dma_wait3A] : memref<327680x128xf32, #tpu.memory_space<hbm>> -> memref<128x128xf32, #tpu.memory_space<hbm>>
      %dma_wait3A_47 = arith.constant 0 : i32
      %dma_wait3A_48 = tpu.memref_slice %arg3[%multiple_of3A_33, %dma_wait3A_47] : memref<327680x128xf32, #tpu.memory_space<hbm>> -> memref<128x128xf32, #tpu.memory_space<hbm>>
      tpu.wait_dma2 semaphore(%arg14 : memref<!tpu.dma_semaphore, #tpu.memory_space<semaphore_mem>>) src(%dma_wait3A_48 : memref<128x128xf32, #tpu.memory_space<hbm>>) dst(%arg12 : memref<128x128xf32, #tpu.memory_space<vmem>>)
      %dma_start3A_49 = arith.constant 0 : i32
      %dma_start3A_50 = arith.constant 0 : i32
      %dma_start3A_51 = tpu.memref_slice %arg10[%dma_start3A_49, %dma_start3A_50] : memref<2x128xi32, #tpu.memory_space<vmem>> -> memref<1x128xi32, #tpu.memory_space<vmem>>
      %dma_start3A_52 = tpu.memref_squeeze %dma_start3A_51 : memref<1x128xi32, #tpu.memory_space<vmem>> -> memref<128xi32, #tpu.memory_space<vmem>>
      %dma_start3A_53 = arith.constant 0 : i32
      %dma_start3A_54 = arith.constant 0 : i32
      %dma_start3A_55 = tpu.memref_slice %arg2[%dma_start3A_53, %dma_start3A_54] : memref<10000x128xf32, #tpu.memory_space<hbm>> -> memref<10000x128xf32, #tpu.memory_space<hbm>>
      tpu.enqueue_indirect_dma source(%dma_start3A_55 : memref<10000x128xf32, #tpu.memory_space<hbm>>) target(%arg12 : memref<128x128xf32, #tpu.memory_space<vmem>>) offsets(%dma_start3A_52 : memref<128xi32, #tpu.memory_space<vmem>>) semaphore(%arg16 : memref<!tpu.dma_semaphore, #tpu.memory_space<semaphore_mem>>) {add = true}
      %dma_wait3A_56 = arith.constant 0 : i32
      %dma_wait3A_57 = tpu.memref_slice %arg3[%multiple_of3A_41, %dma_wait3A_56] : memref<327680x128xf32, #tpu.memory_space<hbm>> -> memref<128x128xf32, #tpu.memory_space<hbm>>
      %dma_wait3A_58 = arith.constant 0 : i32
      %dma_wait3A_59 = tpu.memref_slice %arg3[%multiple_of3A_41, %dma_wait3A_58] : memref<327680x128xf32, #tpu.memory_space<hbm>> -> memref<128x128xf32, #tpu.memory_space<hbm>>
      tpu.wait_dma2 semaphore(%arg15 : memref<!tpu.dma_semaphore, #tpu.memory_space<semaphore_mem>>) src(%dma_wait3A_59 : memref<128x128xf32, #tpu.memory_space<hbm>>) dst(%arg13 : memref<128x128xf32, #tpu.memory_space<vmem>>)
      %dma_start3A_60 = arith.constant 1 : i32
      %dma_start3A_61 = arith.constant 0 : i32
      %dma_start3A_62 = tpu.memref_slice %arg10[%dma_start3A_60, %dma_start3A_61] : memref<2x128xi32, #tpu.memory_space<vmem>> -> memref<1x128xi32, #tpu.memory_space<vmem>>
      %dma_start3A_63 = tpu.memref_squeeze %dma_start3A_62 : memref<1x128xi32, #tpu.memory_space<vmem>> -> memref<128xi32, #tpu.memory_space<vmem>>
      %dma_start3A_64 = arith.constant 0 : i32
      %dma_start3A_65 = arith.constant 0 : i32
      %dma_start3A_66 = tpu.memref_slice %arg2[%dma_start3A_64, %dma_start3A_65] : memref<10000x128xf32, #tpu.memory_space<hbm>> -> memref<10000x128xf32, #tpu.memory_space<hbm>>
      tpu.enqueue_indirect_dma source(%dma_start3A_66 : memref<10000x128xf32, #tpu.memory_space<hbm>>) target(%arg13 : memref<128x128xf32, #tpu.memory_space<vmem>>) offsets(%dma_start3A_63 : memref<128xi32, #tpu.memory_space<vmem>>) semaphore(%arg17 : memref<!tpu.dma_semaphore, #tpu.memory_space<semaphore_mem>>) {add = true}
      %dma_wait3A_67 = arith.constant 0 : i32
      %dma_wait3A_68 = arith.constant 0 : i32
      %dma_wait3A_69 = tpu.memref_slice %arg10[%dma_wait3A_67, %dma_wait3A_68] : memref<2x128xi32, #tpu.memory_space<vmem>> -> memref<1x128xi32, #tpu.memory_space<vmem>>
      %dma_wait3A_70 = tpu.memref_squeeze %dma_wait3A_69 : memref<1x128xi32, #tpu.memory_space<vmem>> -> memref<128xi32, #tpu.memory_space<vmem>>
      %dma_wait3A_71 = arith.constant 0 : i32
      %dma_wait3A_72 = arith.constant 0 : i32
      %dma_wait3A_73 = tpu.memref_slice %arg2[%dma_wait3A_71, %dma_wait3A_72] : memref<10000x128xf32, #tpu.memory_space<hbm>> -> memref<10000x128xf32, #tpu.memory_space<hbm>>
      tpu.wait_indirect_dma semaphore(%arg16 : memref<!tpu.dma_semaphore, #tpu.memory_space<semaphore_mem>>) src(%dma_wait3A_73 : memref<10000x128xf32, #tpu.memory_space<hbm>>) dst(%arg12 : memref<128x128xf32, #tpu.memory_space<vmem>>)
      %scan3A = arith.constant 0 : i32
      %scan3A_74 = arith.constant 0 : i32
      %scan3A_75 = arith.constant 128 : i32
      %scan3A_76 = arith.addi %scan3A_74, %scan3A_75 : i32
      %scan3A_77 = arith.constant 1 : i32
      %scan3A_78 = scf.for %scan3A_103 = %scan3A_74 to %scan3A_76 step %scan3A_77 iter_args(%scan3A_104 = %scan3A) -> (i32)  : i32 {
        %get3A = arith.index_cast %scan3A_103 : i32 to index
        %get3A_105 = arith.constant 0 : index
        %get3A_106 = tpu.vector_load %arg12[%get3A, %get3A_105] {strides = array<i32>} : memref<128x128xf32, #tpu.memory_space<vmem>>, vector<1x16xf32>,
        %get3A_107 = vector.shape_cast %get3A_106 : vector<1x16xf32> to vector<16xf32>
        %max3A = arith.constant -1.500000e+01 : f32
        %max3A_108 = vector.broadcast %max3A : f32 to vector<16xf32>
        %max3A_109 = arith.maximumf %get3A_107, %max3A_108 : vector<16xf32>
        %min3A = arith.constant 1.500000e+01 : f32
        %min3A_110 = vector.broadcast %min3A : f32 to vector<16xf32>
        %min3A_111 = arith.minimumf %max3A_109, %min3A_110 : vector<16xf32>
        %mul3A_112 = arith.constant 2.000000e+00 : f32
        %mul3A_113 = vector.broadcast %mul3A_112 : f32 to vector<16xf32>
        %mul3A_114 = arith.mulf %min3A_111, %mul3A_113 : vector<16xf32>
        %exp3A = math.exp %mul3A_114 : vector<16xf32>
        %add3A_115 = arith.constant 1.000000e+00 : f32
        %add3A_116 = vector.broadcast %add3A_115 : f32 to vector<16xf32>
        %add3A_117 = arith.addf %add3A_116, %exp3A : vector<16xf32>
        %div3A = arith.constant 2.000000e+00 : f32
        %div3A_118 = vector.broadcast %div3A : f32 to vector<16xf32>
        %div3A_119 = arith.divf %div3A_118, %add3A_117 : vector<16xf32>
        %sub3A = arith.constant 1.000000e+00 : f32
        %sub3A_120 = vector.broadcast %sub3A : f32 to vector<16xf32>
        %sub3A_121 = arith.subf %sub3A_120, %div3A_119 : vector<16xf32>
        %swap3A = arith.index_cast %scan3A_103 : i32 to index
        %swap3A_122 = arith.constant 0 : index
        %swap3A_123 = tpu.vector_load %arg12[%swap3A, %swap3A_122] {strides = array<i32>} : memref<128x128xf32, #tpu.memory_space<vmem>>, vector<1x16xf32>,
        %swap3A_124 = vector.shape_cast %swap3A_123 : vector<1x16xf32> to vector<16xf32>
        %swap3A_125 = vector.shape_cast %sub3A_121 : vector<16xf32> to vector<1x16xf32>
        tpu.vector_store %arg12[%swap3A, %swap3A_122], %swap3A_125 {strides = array<i32>} : memref<128x128xf32, #tpu.memory_space<vmem>>, vector<1x16xf32>,
        %get3A_126 = arith.index_cast %scan3A_103 : i32 to index
        %get3A_127 = arith.constant 16 : index
        %get3A_128 = tpu.vector_load %arg12[%get3A_126, %get3A_127] {strides = array<i32>} : memref<128x128xf32, #tpu.memory_space<vmem>>, vector<1x16xf32>,
        %get3A_129 = vector.shape_cast %get3A_128 : vector<1x16xf32> to vector<16xf32>
        %max3A_130 = arith.constant -1.500000e+01 : f32
        %max3A_131 = vector.broadcast %max3A_130 : f32 to vector<16xf32>
        %max3A_132 = arith.maximumf %get3A_129, %max3A_131 : vector<16xf32>
        %min3A_133 = arith.constant 1.500000e+01 : f32
        %min3A_134 = vector.broadcast %min3A_133 : f32 to vector<16xf32>
        %min3A_135 = arith.minimumf %max3A_132, %min3A_134 : vector<16xf32>
        %mul3A_136 = arith.constant 2.000000e+00 : f32
        %mul3A_137 = vector.broadcast %mul3A_136 : f32 to vector<16xf32>
        %mul3A_138 = arith.mulf %min3A_135, %mul3A_137 : vector<16xf32>
        %exp3A_139 = math.exp %mul3A_138 : vector<16xf32>
        %add3A_140 = arith.constant 1.000000e+00 : f32
        %add3A_141 = vector.broadcast %add3A_140 : f32 to vector<16xf32>
        %add3A_142 = arith.addf %add3A_141, %exp3A_139 : vector<16xf32>
        %div3A_143 = arith.constant 2.000000e+00 : f32
        %div3A_144 = vector.broadcast %div3A_143 : f32 to vector<16xf32>
        %div3A_145 = arith.divf %div3A_144, %add3A_142 : vector<16xf32>
        %sub3A_146 = arith.constant 1.000000e+00 : f32
        %sub3A_147 = vector.broadcast %sub3A_146 : f32 to vector<16xf32>
        %sub3A_148 = arith.subf %sub3A_147, %div3A_145 : vector<16xf32>
        %swap3A_149 = arith.index_cast %scan3A_103 : i32 to index
        %swap3A_150 = arith.constant 16 : index
        %swap3A_151 = tpu.vector_load %arg12[%swap3A_149, %swap3A_150] {strides = array<i32>} : memref<128x128xf32, #tpu.memory_space<vmem>>, vector<1x16xf32>,
        %swap3A_152 = vector.shape_cast %swap3A_151 : vector<1x16xf32> to vector<16xf32>
        %swap3A_153 = vector.shape_cast %sub3A_148 : vector<16xf32> to vector<1x16xf32>
        tpu.vector_store %arg12[%swap3A_149, %swap3A_150], %swap3A_153 {strides = array<i32>} : memref<128x128xf32, #tpu.memory_space<vmem>>, vector<1x16xf32>,
        %get3A_154 = arith.index_cast %scan3A_103 : i32 to index
        %get3A_155 = arith.constant 32 : index
        %get3A_156 = tpu.vector_load %arg12[%get3A_154, %get3A_155] {strides = array<i32>} : memref<128x128xf32, #tpu.memory_space<vmem>>, vector<1x16xf32>,
        %get3A_157 = vector.shape_cast %get3A_156 : vector<1x16xf32> to vector<16xf32>
        %max3A_158 = arith.constant -1.500000e+01 : f32
        %max3A_159 = vector.broadcast %max3A_158 : f32 to vector<16xf32>
        %max3A_160 = arith.maximumf %get3A_157, %max3A_159 : vector<16xf32>
        %min3A_161 = arith.constant 1.500000e+01 : f32
        %min3A_162 = vector.broadcast %min3A_161 : f32 to vector<16xf32>
        %min3A_163 = arith.minimumf %max3A_160, %min3A_162 : vector<16xf32>
        %mul3A_164 = arith.constant 2.000000e+00 : f32
        %mul3A_165 = vector.broadcast %mul3A_164 : f32 to vector<16xf32>
        %mul3A_166 = arith.mulf %min3A_163, %mul3A_165 : vector<16xf32>
        %exp3A_167 = math.exp %mul3A_166 : vector<16xf32>
        %add3A_168 = arith.constant 1.000000e+00 : f32
        %add3A_169 = vector.broadcast %add3A_168 : f32 to vector<16xf32>
        %add3A_170 = arith.addf %add3A_169, %exp3A_167 : vector<16xf32>
        %div3A_171 = arith.constant 2.000000e+00 : f32
        %div3A_172 = vector.broadcast %div3A_171 : f32 to vector<16xf32>
        %div3A_173 = arith.divf %div3A_172, %add3A_170 : vector<16xf32>
        %sub3A_174 = arith.constant 1.000000e+00 : f32
        %sub3A_175 = vector.broadcast %sub3A_174 : f32 to vector<16xf32>
        %sub3A_176 = arith.subf %sub3A_175, %div3A_173 : vector<16xf32>
        %swap3A_177 = arith.index_cast %scan3A_103 : i32 to index
        %swap3A_178 = arith.constant 32 : index
        %swap3A_179 = tpu.vector_load %arg12[%swap3A_177, %swap3A_178] {strides = array<i32>} : memref<128x128xf32, #tpu.memory_space<vmem>>, vector<1x16xf32>,
        %swap3A_180 = vector.shape_cast %swap3A_179 : vector<1x16xf32> to vector<16xf32>
        %swap3A_181 = vector.shape_cast %sub3A_176 : vector<16xf32> to vector<1x16xf32>
        tpu.vector_store %arg12[%swap3A_177, %swap3A_178], %swap3A_181 {strides = array<i32>} : memref<128x128xf32, #tpu.memory_space<vmem>>, vector<1x16xf32>,
        %get3A_182 = arith.index_cast %scan3A_103 : i32 to index
        %get3A_183 = arith.constant 48 : index
        %get3A_184 = tpu.vector_load %arg12[%get3A_182, %get3A_183] {strides = array<i32>} : memref<128x128xf32, #tpu.memory_space<vmem>>, vector<1x16xf32>,
        %get3A_185 = vector.shape_cast %get3A_184 : vector<1x16xf32> to vector<16xf32>
        %max3A_186 = arith.constant -1.500000e+01 : f32
        %max3A_187 = vector.broadcast %max3A_186 : f32 to vector<16xf32>
        %max3A_188 = arith.maximumf %get3A_185, %max3A_187 : vector<16xf32>
        %min3A_189 = arith.constant 1.500000e+01 : f32
        %min3A_190 = vector.broadcast %min3A_189 : f32 to vector<16xf32>
        %min3A_191 = arith.minimumf %max3A_188, %min3A_190 : vector<16xf32>
        %mul3A_192 = arith.constant 2.000000e+00 : f32
        %mul3A_193 = vector.broadcast %mul3A_192 : f32 to vector<16xf32>
        %mul3A_194 = arith.mulf %min3A_191, %mul3A_193 : vector<16xf32>
        %exp3A_195 = math.exp %mul3A_194 : vector<16xf32>
        %add3A_196 = arith.constant 1.000000e+00 : f32
        %add3A_197 = vector.broadcast %add3A_196 : f32 to vector<16xf32>
        %add3A_198 = arith.addf %add3A_197, %exp3A_195 : vector<16xf32>
        %div3A_199 = arith.constant 2.000000e+00 : f32
        %div3A_200 = vector.broadcast %div3A_199 : f32 to vector<16xf32>
        %div3A_201 = arith.divf %div3A_200, %add3A_198 : vector<16xf32>
        %sub3A_202 = arith.constant 1.000000e+00 : f32
        %sub3A_203 = vector.broadcast %sub3A_202 : f32 to vector<16xf32>
        %sub3A_204 = arith.subf %sub3A_203, %div3A_201 : vector<16xf32>
        %swap3A_205 = arith.index_cast %scan3A_103 : i32 to index
        %swap3A_206 = arith.constant 48 : index
        %swap3A_207 = tpu.vector_load %arg12[%swap3A_205, %swap3A_206] {strides = array<i32>} : memref<128x128xf32, #tpu.memory_space<vmem>>, vector<1x16xf32>,
        %swap3A_208 = vector.shape_cast %swap3A_207 : vector<1x16xf32> to vector<16xf32>
        %swap3A_209 = vector.shape_cast %sub3A_204 : vector<16xf32> to vector<1x16xf32>
        tpu.vector_store %arg12[%swap3A_205, %swap3A_206], %swap3A_209 {strides = array<i32>} : memref<128x128xf32, #tpu.memory_space<vmem>>, vector<1x16xf32>,
        %get3A_210 = arith.index_cast %scan3A_103 : i32 to index
        %get3A_211 = arith.constant 64 : index
        %get3A_212 = tpu.vector_load %arg12[%get3A_210, %get3A_211] {strides = array<i32>} : memref<128x128xf32, #tpu.memory_space<vmem>>, vector<1x16xf32>,
        %get3A_213 = vector.shape_cast %get3A_212 : vector<1x16xf32> to vector<16xf32>
        %max3A_214 = arith.constant -1.500000e+01 : f32
        %max3A_215 = vector.broadcast %max3A_214 : f32 to vector<16xf32>
        %max3A_216 = arith.maximumf %get3A_213, %max3A_215 : vector<16xf32>
        %min3A_217 = arith.constant 1.500000e+01 : f32
        %min3A_218 = vector.broadcast %min3A_217 : f32 to vector<16xf32>
        %min3A_219 = arith.minimumf %max3A_216, %min3A_218 : vector<16xf32>
        %mul3A_220 = arith.constant 2.000000e+00 : f32
        %mul3A_221 = vector.broadcast %mul3A_220 : f32 to vector<16xf32>
        %mul3A_222 = arith.mulf %min3A_219, %mul3A_221 : vector<16xf32>
        %exp3A_223 = math.exp %mul3A_222 : vector<16xf32>
        %add3A_224 = arith.constant 1.000000e+00 : f32
        %add3A_225 = vector.broadcast %add3A_224 : f32 to vector<16xf32>
        %add3A_226 = arith.addf %add3A_225, %exp3A_223 : vector<16xf32>
        %div3A_227 = arith.constant 2.000000e+00 : f32
        %div3A_228 = vector.broadcast %div3A_227 : f32 to vector<16xf32>
        %div3A_229 = arith.divf %div3A_228, %add3A_226 : vector<16xf32>
        %sub3A_230 = arith.constant 1.000000e+00 : f32
        %sub3A_231 = vector.broadcast %sub3A_230 : f32 to vector<16xf32>
        %sub3A_232 = arith.subf %sub3A_231, %div3A_229 : vector<16xf32>
        %swap3A_233 = arith.index_cast %scan3A_103 : i32 to index
        %swap3A_234 = arith.constant 64 : index
        %swap3A_235 = tpu.vector_load %arg12[%swap3A_233, %swap3A_234] {strides = array<i32>} : memref<128x128xf32, #tpu.memory_space<vmem>>, vector<1x16xf32>,
        %swap3A_236 = vector.shape_cast %swap3A_235 : vector<1x16xf32> to vector<16xf32>
        %swap3A_237 = vector.shape_cast %sub3A_232 : vector<16xf32> to vector<1x16xf32>
        tpu.vector_store %arg12[%swap3A_233, %swap3A_234], %swap3A_237 {strides = array<i32>} : memref<128x128xf32, #tpu.memory_space<vmem>>, vector<1x16xf32>,
        %get3A_238 = arith.index_cast %scan3A_103 : i32 to index
        %get3A_239 = arith.constant 80 : index
        %get3A_240 = tpu.vector_load %arg12[%get3A_238, %get3A_239] {strides = array<i32>} : memref<128x128xf32, #tpu.memory_space<vmem>>, vector<1x16xf32>,
        %get3A_241 = vector.shape_cast %get3A_240 : vector<1x16xf32> to vector<16xf32>
        %max3A_242 = arith.constant -1.500000e+01 : f32
        %max3A_243 = vector.broadcast %max3A_242 : f32 to vector<16xf32>
        %max3A_244 = arith.maximumf %get3A_241, %max3A_243 : vector<16xf32>
        %min3A_245 = arith.constant 1.500000e+01 : f32
        %min3A_246 = vector.broadcast %min3A_245 : f32 to vector<16xf32>
        %min3A_247 = arith.minimumf %max3A_244, %min3A_246 : vector<16xf32>
        %mul3A_248 = arith.constant 2.000000e+00 : f32
        %mul3A_249 = vector.broadcast %mul3A_248 : f32 to vector<16xf32>
        %mul3A_250 = arith.mulf %min3A_247, %mul3A_249 : vector<16xf32>
        %exp3A_251 = math.exp %mul3A_250 : vector<16xf32>
        %add3A_252 = arith.constant 1.000000e+00 : f32
        %add3A_253 = vector.broadcast %add3A_252 : f32 to vector<16xf32>
        %add3A_254 = arith.addf %add3A_253, %exp3A_251 : vector<16xf32>
        %div3A_255 = arith.constant 2.000000e+00 : f32
        %div3A_256 = vector.broadcast %div3A_255 : f32 to vector<16xf32>
        %div3A_257 = arith.divf %div3A_256, %add3A_254 : vector<16xf32>
        %sub3A_258 = arith.constant 1.000000e+00 : f32
        %sub3A_259 = vector.broadcast %sub3A_258 : f32 to vector<16xf32>
        %sub3A_260 = arith.subf %sub3A_259, %div3A_257 : vector<16xf32>
        %swap3A_261 = arith.index_cast %scan3A_103 : i32 to index
        %swap3A_262 = arith.constant 80 : index
        %swap3A_263 = tpu.vector_load %arg12[%swap3A_261, %swap3A_262] {strides = array<i32>} : memref<128x128xf32, #tpu.memory_space<vmem>>, vector<1x16xf32>,
        %swap3A_264 = vector.shape_cast %swap3A_263 : vector<1x16xf32> to vector<16xf32>
        %swap3A_265 = vector.shape_cast %sub3A_260 : vector<16xf32> to vector<1x16xf32>
        tpu.vector_store %arg12[%swap3A_261, %swap3A_262], %swap3A_265 {strides = array<i32>} : memref<128x128xf32, #tpu.memory_space<vmem>>, vector<1x16xf32>,
        %get3A_266 = arith.index_cast %scan3A_103 : i32 to index
        %get3A_267 = arith.constant 96 : index
        %get3A_268 = tpu.vector_load %arg12[%get3A_266, %get3A_267] {strides = array<i32>} : memref<128x128xf32, #tpu.memory_space<vmem>>, vector<1x16xf32>,
        %get3A_269 = vector.shape_cast %get3A_268 : vector<1x16xf32> to vector<16xf32>
        %max3A_270 = arith.constant -1.500000e+01 : f32
        %max3A_271 = vector.broadcast %max3A_270 : f32 to vector<16xf32>
        %max3A_272 = arith.maximumf %get3A_269, %max3A_271 : vector<16xf32>
        %min3A_273 = arith.constant 1.500000e+01 : f32
        %min3A_274 = vector.broadcast %min3A_273 : f32 to vector<16xf32>
        %min3A_275 = arith.minimumf %max3A_272, %min3A_274 : vector<16xf32>
        %mul3A_276 = arith.constant 2.000000e+00 : f32
        %mul3A_277 = vector.broadcast %mul3A_276 : f32 to vector<16xf32>
        %mul3A_278 = arith.mulf %min3A_275, %mul3A_277 : vector<16xf32>
        %exp3A_279 = math.exp %mul3A_278 : vector<16xf32>
        %add3A_280 = arith.constant 1.000000e+00 : f32
        %add3A_281 = vector.broadcast %add3A_280 : f32 to vector<16xf32>
        %add3A_282 = arith.addf %add3A_281, %exp3A_279 : vector<16xf32>
        %div3A_283 = arith.constant 2.000000e+00 : f32
        %div3A_284 = vector.broadcast %div3A_283 : f32 to vector<16xf32>
        %div3A_285 = arith.divf %div3A_284, %add3A_282 : vector<16xf32>
        %sub3A_286 = arith.constant 1.000000e+00 : f32
        %sub3A_287 = vector.broadcast %sub3A_286 : f32 to vector<16xf32>
        %sub3A_288 = arith.subf %sub3A_287, %div3A_285 : vector<16xf32>
        %swap3A_289 = arith.index_cast %scan3A_103 : i32 to index
        %swap3A_290 = arith.constant 96 : index
        %swap3A_291 = tpu.vector_load %arg12[%swap3A_289, %swap3A_290] {strides = array<i32>} : memref<128x128xf32, #tpu.memory_space<vmem>>, vector<1x16xf32>,
        %swap3A_292 = vector.shape_cast %swap3A_291 : vector<1x16xf32> to vector<16xf32>
        %swap3A_293 = vector.shape_cast %sub3A_288 : vector<16xf32> to vector<1x16xf32>
        tpu.vector_store %arg12[%swap3A_289, %swap3A_290], %swap3A_293 {strides = array<i32>} : memref<128x128xf32, #tpu.memory_space<vmem>>, vector<1x16xf32>,
        %get3A_294 = arith.index_cast %scan3A_103 : i32 to index
        %get3A_295 = arith.constant 112 : index
        %get3A_296 = tpu.vector_load %arg12[%get3A_294, %get3A_295] {strides = array<i32>} : memref<128x128xf32, #tpu.memory_space<vmem>>, vector<1x16xf32>,
        %get3A_297 = vector.shape_cast %get3A_296 : vector<1x16xf32> to vector<16xf32>
        %max3A_298 = arith.constant -1.500000e+01 : f32
        %max3A_299 = vector.broadcast %max3A_298 : f32 to vector<16xf32>
        %max3A_300 = arith.maximumf %get3A_297, %max3A_299 : vector<16xf32>
        %min3A_301 = arith.constant 1.500000e+01 : f32
        %min3A_302 = vector.broadcast %min3A_301 : f32 to vector<16xf32>
        %min3A_303 = arith.minimumf %max3A_300, %min3A_302 : vector<16xf32>
        %mul3A_304 = arith.constant 2.000000e+00 : f32
        %mul3A_305 = vector.broadcast %mul3A_304 : f32 to vector<16xf32>
        %mul3A_306 = arith.mulf %min3A_303, %mul3A_305 : vector<16xf32>
        %exp3A_307 = math.exp %mul3A_306 : vector<16xf32>
        %add3A_308 = arith.constant 1.000000e+00 : f32
        %add3A_309 = vector.broadcast %add3A_308 : f32 to vector<16xf32>
        %add3A_310 = arith.addf %add3A_309, %exp3A_307 : vector<16xf32>
        %div3A_311 = arith.constant 2.000000e+00 : f32
        %div3A_312 = vector.broadcast %div3A_311 : f32 to vector<16xf32>
        %div3A_313 = arith.divf %div3A_312, %add3A_310 : vector<16xf32>
        %sub3A_314 = arith.constant 1.000000e+00 : f32
        %sub3A_315 = vector.broadcast %sub3A_314 : f32 to vector<16xf32>
        %sub3A_316 = arith.subf %sub3A_315, %div3A_313 : vector<16xf32>
        %swap3A_317 = arith.index_cast %scan3A_103 : i32 to index
        %swap3A_318 = arith.constant 112 : index
        %swap3A_319 = tpu.vector_load %arg12[%swap3A_317, %swap3A_318] {strides = array<i32>} : memref<128x128xf32, #tpu.memory_space<vmem>>, vector<1x16xf32>,
        %swap3A_320 = vector.shape_cast %swap3A_319 : vector<1x16xf32> to vector<16xf32>
        %swap3A_321 = vector.shape_cast %sub3A_316 : vector<16xf32> to vector<1x16xf32>
        tpu.vector_store %arg12[%swap3A_317, %swap3A_318], %swap3A_321 {strides = array<i32>} : memref<128x128xf32, #tpu.memory_space<vmem>>, vector<1x16xf32>,
        %scan3A_322 = arith.constant 0 : i32
        scf.yield %scan3A_322 : i32
      }
      %scan3A_79 = arith.constant 128 : i32
      %mul3A_80 = arith.constant 128 : i32
      %mul3A_81 = arith.muli %add3A_27, %mul3A_80 : i32
      %multiple_of3A_82 = tpu.assume_multiple %mul3A_81, 128 : i32
      "tpu.region"() ({
        %run_scoped3A_103 = tpu.sem_alloc : memref<!tpu.dma_semaphore, #tpu.memory_space<semaphore_mem>>
        %dma_start3A_104 = arith.constant 0 : i32
        %dma_start3A_105 = tpu.memref_slice %arg7[%multiple_of3A_82, %dma_start3A_104] : memref<327680x128xf32, #tpu.memory_space<hbm>> -> memref<128x128xf32, #tpu.memory_space<hbm>>
        %dma_start3A_106 = arith.constant 0 : i32
        %dma_start3A_107 = tpu.memref_slice %arg7[%multiple_of3A_82, %dma_start3A_106] : memref<327680x128xf32, #tpu.memory_space<hbm>> -> memref<128x128xf32, #tpu.memory_space<hbm>>
        tpu.enqueue_dma source(%arg12 : memref<128x128xf32, #tpu.memory_space<vmem>>) target(%dma_start3A_107 : memref<128x128xf32, #tpu.memory_space<hbm>>) target_semaphore(%run_scoped3A_103 : memref<!tpu.dma_semaphore, #tpu.memory_space<semaphore_mem>>)
        %dma_wait3A_108 = arith.constant 0 : i32
        %dma_wait3A_109 = tpu.memref_slice %arg7[%multiple_of3A_82, %dma_wait3A_108] : memref<327680x128xf32, #tpu.memory_space<hbm>> -> memref<128x128xf32, #tpu.memory_space<hbm>>
        %dma_wait3A_110 = arith.constant 0 : i32
        %dma_wait3A_111 = tpu.memref_slice %arg7[%multiple_of3A_82, %dma_wait3A_110] : memref<327680x128xf32, #tpu.memory_space<hbm>> -> memref<128x128xf32, #tpu.memory_space<hbm>>
        tpu.wait_dma2 semaphore(%run_scoped3A_103 : memref<!tpu.dma_semaphore, #tpu.memory_space<semaphore_mem>>) src(%arg12 : memref<128x128xf32, #tpu.memory_space<vmem>>) dst(%dma_wait3A_111 : memref<128x128xf32, #tpu.memory_space<hbm>>)
        tpu.yield
      }) : () -> ()
      %run_scoped3A_83 = arith.constant 0 : i32
      "tpu.region"() ({
        %run_scoped3A_103 = tpu.sem_alloc : memref<!tpu.dma_semaphore, #tpu.memory_space<semaphore_mem>>
        %dma_start3A_104 = arith.constant 0 : i32
        %dma_start3A_105 = tpu.memref_slice %arg11[%run_scoped3A_83, %dma_start3A_104] : memref<2x128xi32, #tpu.memory_space<vmem>> -> memref<1x128xi32, #tpu.memory_space<vmem>>
        %dma_start3A_106 = tpu.memref_squeeze %dma_start3A_105 : memref<1x128xi32, #tpu.memory_space<vmem>> -> memref<128xi32, #tpu.memory_space<vmem>>
        %dma_start3A_107 = arith.constant 0 : i32
        %dma_start3A_108 = arith.constant 0 : i32
        %dma_start3A_109 = tpu.memref_slice %arg9[%dma_start3A_107, %dma_start3A_108] : memref<10112x128xf32, #tpu.memory_space<vmem_shared>> -> memref<10112x128xf32, #tpu.memory_space<vmem_shared>>
        tpu.enqueue_indirect_dma source(%arg12 : memref<128x128xf32, #tpu.memory_space<vmem>>) target(%dma_start3A_109 : memref<10112x128xf32, #tpu.memory_space<vmem_shared>>) offsets(%dma_start3A_106 : memref<128xi32, #tpu.memory_space<vmem>>) semaphore(%run_scoped3A_103 : memref<!tpu.dma_semaphore, #tpu.memory_space<semaphore_mem>>) {add = true}
        %dma_wait3A_110 = arith.constant 0 : i32
        %dma_wait3A_111 = tpu.memref_slice %arg11[%run_scoped3A_83, %dma_wait3A_110] : memref<2x128xi32, #tpu.memory_space<vmem>> -> memref<1x128xi32, #tpu.memory_space<vmem>>
        %dma_wait3A_112 = tpu.memref_squeeze %dma_wait3A_111 : memref<1x128xi32, #tpu.memory_space<vmem>> -> memref<128xi32, #tpu.memory_space<vmem>>
        %dma_wait3A_113 = arith.constant 0 : i32
        %dma_wait3A_114 = arith.constant 0 : i32
        %dma_wait3A_115 = tpu.memref_slice %arg9[%dma_wait3A_113, %dma_wait3A_114] : memref<10112x128xf32, #tpu.memory_space<vmem_shared>> -> memref<10112x128xf32, #tpu.memory_space<vmem_shared>>
        tpu.wait_indirect_dma semaphore(%run_scoped3A_103 : memref<!tpu.dma_semaphore, #tpu.memory_space<semaphore_mem>>) src(%arg12 : memref<128x128xf32, #tpu.memory_space<vmem>>) dst(%dma_wait3A_115 : memref<10112x128xf32, #tpu.memory_space<vmem_shared>>)
        tpu.yield
      }) : () -> ()
      %dma_wait3A_84 = arith.constant 1 : i32
      %dma_wait3A_85 = arith.constant 0 : i32
      %dma_wait3A_86 = tpu.memref_slice %arg10[%dma_wait3A_84, %dma_wait3A_85] : memref<2x128xi32, #tpu.memory_space<vmem>> -> memref<1x128xi32, #tpu.memory_space<vmem>>
      %dma_wait3A_87 = tpu.memref_squeeze %dma_wait3A_86 : memref<1x128xi32, #tpu.memory_space<vmem>> -> memref<128xi32, #tpu.memory_space<vmem>>
      %dma_wait3A_88 = arith.constant 0 : i32
      %dma_wait3A_89 = arith.constant 0 : i32
      %dma_wait3A_90 = tpu.memref_slice %arg2[%dma_wait3A_88, %dma_wait3A_89] : memref<10000x128xf32, #tpu.memory_space<hbm>> -> memref<10000x128xf32, #tpu.memory_space<hbm>>
      tpu.wait_indirect_dma semaphore(%arg17 : memref<!tpu.dma_semaphore, #tpu.memory_space<semaphore_mem>>) src(%dma_wait3A_90 : memref<10000x128xf32, #tpu.memory_space<hbm>>) dst(%arg13 : memref<128x128xf32, #tpu.memory_space<vmem>>)
      %scan3A_91 = arith.constant 0 : i32
      %scan3A_92 = arith.constant 0 : i32
      %scan3A_93 = arith.constant 128 : i32
      %scan3A_94 = arith.addi %scan3A_92, %scan3A_93 : i32
      %scan3A_95 = arith.constant 1 : i32
      %scan3A_96 = scf.for %scan3A_103 = %scan3A_92 to %scan3A_94 step %scan3A_95 iter_args(%scan3A_104 = %scan3A_91) -> (i32)  : i32 {
        %get3A = arith.index_cast %scan3A_103 : i32 to index
        %get3A_105 = arith.constant 0 : index
        %get3A_106 = tpu.vector_load %arg13[%get3A, %get3A_105] {strides = array<i32>} : memref<128x128xf32, #tpu.memory_space<vmem>>, vector<1x16xf32>,
        %get3A_107 = vector.shape_cast %get3A_106 : vector<1x16xf32> to vector<16xf32>
        %max3A = arith.constant -1.500000e+01 : f32
        %max3A_108 = vector.broadcast %max3A : f32 to vector<16xf32>
        %max3A_109 = arith.maximumf %get3A_107, %max3A_108 : vector<16xf32>
        %min3A = arith.constant 1.500000e+01 : f32
        %min3A_110 = vector.broadcast %min3A : f32 to vector<16xf32>
        %min3A_111 = arith.minimumf %max3A_109, %min3A_110 : vector<16xf32>
        %mul3A_112 = arith.constant 2.000000e+00 : f32
        %mul3A_113 = vector.broadcast %mul3A_112 : f32 to vector<16xf32>
        %mul3A_114 = arith.mulf %min3A_111, %mul3A_113 : vector<16xf32>
        %exp3A = math.exp %mul3A_114 : vector<16xf32>
        %add3A_115 = arith.constant 1.000000e+00 : f32
        %add3A_116 = vector.broadcast %add3A_115 : f32 to vector<16xf32>
        %add3A_117 = arith.addf %add3A_116, %exp3A : vector<16xf32>
        %div3A = arith.constant 2.000000e+00 : f32
        %div3A_118 = vector.broadcast %div3A : f32 to vector<16xf32>
        %div3A_119 = arith.divf %div3A_118, %add3A_117 : vector<16xf32>
        %sub3A = arith.constant 1.000000e+00 : f32
        %sub3A_120 = vector.broadcast %sub3A : f32 to vector<16xf32>
        %sub3A_121 = arith.subf %sub3A_120, %div3A_119 : vector<16xf32>
        %swap3A = arith.index_cast %scan3A_103 : i32 to index
        %swap3A_122 = arith.constant 0 : index
        %swap3A_123 = tpu.vector_load %arg13[%swap3A, %swap3A_122] {strides = array<i32>} : memref<128x128xf32, #tpu.memory_space<vmem>>, vector<1x16xf32>,
        %swap3A_124 = vector.shape_cast %swap3A_123 : vector<1x16xf32> to vector<16xf32>
        %swap3A_125 = vector.shape_cast %sub3A_121 : vector<16xf32> to vector<1x16xf32>
        tpu.vector_store %arg13[%swap3A, %swap3A_122], %swap3A_125 {strides = array<i32>} : memref<128x128xf32, #tpu.memory_space<vmem>>, vector<1x16xf32>,
        %get3A_126 = arith.index_cast %scan3A_103 : i32 to index
        %get3A_127 = arith.constant 16 : index
        %get3A_128 = tpu.vector_load %arg13[%get3A_126, %get3A_127] {strides = array<i32>} : memref<128x128xf32, #tpu.memory_space<vmem>>, vector<1x16xf32>,
        %get3A_129 = vector.shape_cast %get3A_128 : vector<1x16xf32> to vector<16xf32>
        %max3A_130 = arith.constant -1.500000e+01 : f32
        %max3A_131 = vector.broadcast %max3A_130 : f32 to vector<16xf32>
        %max3A_132 = arith.maximumf %get3A_129, %max3A_131 : vector<16xf32>
        %min3A_133 = arith.constant 1.500000e+01 : f32
        %min3A_134 = vector.broadcast %min3A_133 : f32 to vector<16xf32>
        %min3A_135 = arith.minimumf %max3A_132, %min3A_134 : vector<16xf32>
        %mul3A_136 = arith.constant 2.000000e+00 : f32
        %mul3A_137 = vector.broadcast %mul3A_136 : f32 to vector<16xf32>
        %mul3A_138 = arith.mulf %min3A_135, %mul3A_137 : vector<16xf32>
        %exp3A_139 = math.exp %mul3A_138 : vector<16xf32>
        %add3A_140 = arith.constant 1.000000e+00 : f32
        %add3A_141 = vector.broadcast %add3A_140 : f32 to vector<16xf32>
        %add3A_142 = arith.addf %add3A_141, %exp3A_139 : vector<16xf32>
        %div3A_143 = arith.constant 2.000000e+00 : f32
        %div3A_144 = vector.broadcast %div3A_143 : f32 to vector<16xf32>
        %div3A_145 = arith.divf %div3A_144, %add3A_142 : vector<16xf32>
        %sub3A_146 = arith.constant 1.000000e+00 : f32
        %sub3A_147 = vector.broadcast %sub3A_146 : f32 to vector<16xf32>
        %sub3A_148 = arith.subf %sub3A_147, %div3A_145 : vector<16xf32>
        %swap3A_149 = arith.index_cast %scan3A_103 : i32 to index
        %swap3A_150 = arith.constant 16 : index
        %swap3A_151 = tpu.vector_load %arg13[%swap3A_149, %swap3A_150] {strides = array<i32>} : memref<128x128xf32, #tpu.memory_space<vmem>>, vector<1x16xf32>,
        %swap3A_152 = vector.shape_cast %swap3A_151 : vector<1x16xf32> to vector<16xf32>
        %swap3A_153 = vector.shape_cast %sub3A_148 : vector<16xf32> to vector<1x16xf32>
        tpu.vector_store %arg13[%swap3A_149, %swap3A_150], %swap3A_153 {strides = array<i32>} : memref<128x128xf32, #tpu.memory_space<vmem>>, vector<1x16xf32>,
        %get3A_154 = arith.index_cast %scan3A_103 : i32 to index
        %get3A_155 = arith.constant 32 : index
        %get3A_156 = tpu.vector_load %arg13[%get3A_154, %get3A_155] {strides = array<i32>} : memref<128x128xf32, #tpu.memory_space<vmem>>, vector<1x16xf32>,
        %get3A_157 = vector.shape_cast %get3A_156 : vector<1x16xf32> to vector<16xf32>
        %max3A_158 = arith.constant -1.500000e+01 : f32
        %max3A_159 = vector.broadcast %max3A_158 : f32 to vector<16xf32>
        %max3A_160 = arith.maximumf %get3A_157, %max3A_159 : vector<16xf32>
        %min3A_161 = arith.constant 1.500000e+01 : f32
        %min3A_162 = vector.broadcast %min3A_161 : f32 to vector<16xf32>
        %min3A_163 = arith.minimumf %max3A_160, %min3A_162 : vector<16xf32>
        %mul3A_164 = arith.constant 2.000000e+00 : f32
        %mul3A_165 = vector.broadcast %mul3A_164 : f32 to vector<16xf32>
        %mul3A_166 = arith.mulf %min3A_163, %mul3A_165 : vector<16xf32>
        %exp3A_167 = math.exp %mul3A_166 : vector<16xf32>
        %add3A_168 = arith.constant 1.000000e+00 : f32
        %add3A_169 = vector.broadcast %add3A_168 : f32 to vector<16xf32>
        %add3A_170 = arith.addf %add3A_169, %exp3A_167 : vector<16xf32>
        %div3A_171 = arith.constant 2.000000e+00 : f32
        %div3A_172 = vector.broadcast %div3A_171 : f32 to vector<16xf32>
        %div3A_173 = arith.divf %div3A_172, %add3A_170 : vector<16xf32>
        %sub3A_174 = arith.constant 1.000000e+00 : f32
        %sub3A_175 = vector.broadcast %sub3A_174 : f32 to vector<16xf32>
        %sub3A_176 = arith.subf %sub3A_175, %div3A_173 : vector<16xf32>
        %swap3A_177 = arith.index_cast %scan3A_103 : i32 to index
        %swap3A_178 = arith.constant 32 : index
        %swap3A_179 = tpu.vector_load %arg13[%swap3A_177, %swap3A_178] {strides = array<i32>} : memref<128x128xf32, #tpu.memory_space<vmem>>, vector<1x16xf32>,
        %swap3A_180 = vector.shape_cast %swap3A_179 : vector<1x16xf32> to vector<16xf32>
        %swap3A_181 = vector.shape_cast %sub3A_176 : vector<16xf32> to vector<1x16xf32>
        tpu.vector_store %arg13[%swap3A_177, %swap3A_178], %swap3A_181 {strides = array<i32>} : memref<128x128xf32, #tpu.memory_space<vmem>>, vector<1x16xf32>,
        %get3A_182 = arith.index_cast %scan3A_103 : i32 to index
        %get3A_183 = arith.constant 48 : index
        %get3A_184 = tpu.vector_load %arg13[%get3A_182, %get3A_183] {strides = array<i32>} : memref<128x128xf32, #tpu.memory_space<vmem>>, vector<1x16xf32>,
        %get3A_185 = vector.shape_cast %get3A_184 : vector<1x16xf32> to vector<16xf32>
        %max3A_186 = arith.constant -1.500000e+01 : f32
        %max3A_187 = vector.broadcast %max3A_186 : f32 to vector<16xf32>
        %max3A_188 = arith.maximumf %get3A_185, %max3A_187 : vector<16xf32>
        %min3A_189 = arith.constant 1.500000e+01 : f32
        %min3A_190 = vector.broadcast %min3A_189 : f32 to vector<16xf32>
        %min3A_191 = arith.minimumf %max3A_188, %min3A_190 : vector<16xf32>
        %mul3A_192 = arith.constant 2.000000e+00 : f32
        %mul3A_193 = vector.broadcast %mul3A_192 : f32 to vector<16xf32>
        %mul3A_194 = arith.mulf %min3A_191, %mul3A_193 : vector<16xf32>
        %exp3A_195 = math.exp %mul3A_194 : vector<16xf32>
        %add3A_196 = arith.constant 1.000000e+00 : f32
        %add3A_197 = vector.broadcast %add3A_196 : f32 to vector<16xf32>
        %add3A_198 = arith.addf %add3A_197, %exp3A_195 : vector<16xf32>
        %div3A_199 = arith.constant 2.000000e+00 : f32
        %div3A_200 = vector.broadcast %div3A_199 : f32 to vector<16xf32>
        %div3A_201 = arith.divf %div3A_200, %add3A_198 : vector<16xf32>
        %sub3A_202 = arith.constant 1.000000e+00 : f32
        %sub3A_203 = vector.broadcast %sub3A_202 : f32 to vector<16xf32>
        %sub3A_204 = arith.subf %sub3A_203, %div3A_201 : vector<16xf32>
        %swap3A_205 = arith.index_cast %scan3A_103 : i32 to index
        %swap3A_206 = arith.constant 48 : index
        %swap3A_207 = tpu.vector_load %arg13[%swap3A_205, %swap3A_206] {strides = array<i32>} : memref<128x128xf32, #tpu.memory_space<vmem>>, vector<1x16xf32>,
        %swap3A_208 = vector.shape_cast %swap3A_207 : vector<1x16xf32> to vector<16xf32>
        %swap3A_209 = vector.shape_cast %sub3A_204 : vector<16xf32> to vector<1x16xf32>
        tpu.vector_store %arg13[%swap3A_205, %swap3A_206], %swap3A_209 {strides = array<i32>} : memref<128x128xf32, #tpu.memory_space<vmem>>, vector<1x16xf32>,
        %get3A_210 = arith.index_cast %scan3A_103 : i32 to index
        %get3A_211 = arith.constant 64 : index
        %get3A_212 = tpu.vector_load %arg13[%get3A_210, %get3A_211] {strides = array<i32>} : memref<128x128xf32, #tpu.memory_space<vmem>>, vector<1x16xf32>,
        %get3A_213 = vector.shape_cast %get3A_212 : vector<1x16xf32> to vector<16xf32>
        %max3A_214 = arith.constant -1.500000e+01 : f32
        %max3A_215 = vector.broadcast %max3A_214 : f32 to vector<16xf32>
        %max3A_216 = arith.maximumf %get3A_213, %max3A_215 : vector<16xf32>
        %min3A_217 = arith.constant 1.500000e+01 : f32
        %min3A_218 = vector.broadcast %min3A_217 : f32 to vector<16xf32>
        %min3A_219 = arith.minimumf %max3A_216, %min3A_218 : vector<16xf32>
        %mul3A_220 = arith.constant 2.000000e+00 : f32
        %mul3A_221 = vector.broadcast %mul3A_220 : f32 to vector<16xf32>
        %mul3A_222 = arith.mulf %min3A_219, %mul3A_221 : vector<16xf32>
        %exp3A_223 = math.exp %mul3A_222 : vector<16xf32>
        %add3A_224 = arith.constant 1.000000e+00 : f32
        %add3A_225 = vector.broadcast %add3A_224 : f32 to vector<16xf32>
        %add3A_226 = arith.addf %add3A_225, %exp3A_223 : vector<16xf32>
        %div3A_227 = arith.constant 2.000000e+00 : f32
        %div3A_228 = vector.broadcast %div3A_227 : f32 to vector<16xf32>
        %div3A_229 = arith.divf %div3A_228, %add3A_226 : vector<16xf32>
        %sub3A_230 = arith.constant 1.000000e+00 : f32
        %sub3A_231 = vector.broadcast %sub3A_230 : f32 to vector<16xf32>
        %sub3A_232 = arith.subf %sub3A_231, %div3A_229 : vector<16xf32>
        %swap3A_233 = arith.index_cast %scan3A_103 : i32 to index
        %swap3A_234 = arith.constant 64 : index
        %swap3A_235 = tpu.vector_load %arg13[%swap3A_233, %swap3A_234] {strides = array<i32>} : memref<128x128xf32, #tpu.memory_space<vmem>>, vector<1x16xf32>,
        %swap3A_236 = vector.shape_cast %swap3A_235 : vector<1x16xf32> to vector<16xf32>
        %swap3A_237 = vector.shape_cast %sub3A_232 : vector<16xf32> to vector<1x16xf32>
        tpu.vector_store %arg13[%swap3A_233, %swap3A_234], %swap3A_237 {strides = array<i32>} : memref<128x128xf32, #tpu.memory_space<vmem>>, vector<1x16xf32>,
        %get3A_238 = arith.index_cast %scan3A_103 : i32 to index
        %get3A_239 = arith.constant 80 : index
        %get3A_240 = tpu.vector_load %arg13[%get3A_238, %get3A_239] {strides = array<i32>} : memref<128x128xf32, #tpu.memory_space<vmem>>, vector<1x16xf32>,
        %get3A_241 = vector.shape_cast %get3A_240 : vector<1x16xf32> to vector<16xf32>
        %max3A_242 = arith.constant -1.500000e+01 : f32
        %max3A_243 = vector.broadcast %max3A_242 : f32 to vector<16xf32>
        %max3A_244 = arith.maximumf %get3A_241, %max3A_243 : vector<16xf32>
        %min3A_245 = arith.constant 1.500000e+01 : f32
        %min3A_246 = vector.broadcast %min3A_245 : f32 to vector<16xf32>
        %min3A_247 = arith.minimumf %max3A_244, %min3A_246 : vector<16xf32>
        %mul3A_248 = arith.constant 2.000000e+00 : f32
        %mul3A_249 = vector.broadcast %mul3A_248 : f32 to vector<16xf32>
        %mul3A_250 = arith.mulf %min3A_247, %mul3A_249 : vector<16xf32>
        %exp3A_251 = math.exp %mul3A_250 : vector<16xf32>
        %add3A_252 = arith.constant 1.000000e+00 : f32
        %add3A_253 = vector.broadcast %add3A_252 : f32 to vector<16xf32>
        %add3A_254 = arith.addf %add3A_253, %exp3A_251 : vector<16xf32>
        %div3A_255 = arith.constant 2.000000e+00 : f32
        %div3A_256 = vector.broadcast %div3A_255 : f32 to vector<16xf32>
        %div3A_257 = arith.divf %div3A_256, %add3A_254 : vector<16xf32>
        %sub3A_258 = arith.constant 1.000000e+00 : f32
        %sub3A_259 = vector.broadcast %sub3A_258 : f32 to vector<16xf32>
        %sub3A_260 = arith.subf %sub3A_259, %div3A_257 : vector<16xf32>
        %swap3A_261 = arith.index_cast %scan3A_103 : i32 to index
        %swap3A_262 = arith.constant 80 : index
        %swap3A_263 = tpu.vector_load %arg13[%swap3A_261, %swap3A_262] {strides = array<i32>} : memref<128x128xf32, #tpu.memory_space<vmem>>, vector<1x16xf32>,
        %swap3A_264 = vector.shape_cast %swap3A_263 : vector<1x16xf32> to vector<16xf32>
        %swap3A_265 = vector.shape_cast %sub3A_260 : vector<16xf32> to vector<1x16xf32>
        tpu.vector_store %arg13[%swap3A_261, %swap3A_262], %swap3A_265 {strides = array<i32>} : memref<128x128xf32, #tpu.memory_space<vmem>>, vector<1x16xf32>,
        %get3A_266 = arith.index_cast %scan3A_103 : i32 to index
        %get3A_267 = arith.constant 96 : index
        %get3A_268 = tpu.vector_load %arg13[%get3A_266, %get3A_267] {strides = array<i32>} : memref<128x128xf32, #tpu.memory_space<vmem>>, vector<1x16xf32>,
        %get3A_269 = vector.shape_cast %get3A_268 : vector<1x16xf32> to vector<16xf32>
        %max3A_270 = arith.constant -1.500000e+01 : f32
        %max3A_271 = vector.broadcast %max3A_270 : f32 to vector<16xf32>
        %max3A_272 = arith.maximumf %get3A_269, %max3A_271 : vector<16xf32>
        %min3A_273 = arith.constant 1.500000e+01 : f32
        %min3A_274 = vector.broadcast %min3A_273 : f32 to vector<16xf32>
        %min3A_275 = arith.minimumf %max3A_272, %min3A_274 : vector<16xf32>
        %mul3A_276 = arith.constant 2.000000e+00 : f32
        %mul3A_277 = vector.broadcast %mul3A_276 : f32 to vector<16xf32>
        %mul3A_278 = arith.mulf %min3A_275, %mul3A_277 : vector<16xf32>
        %exp3A_279 = math.exp %mul3A_278 : vector<16xf32>
        %add3A_280 = arith.constant 1.000000e+00 : f32
        %add3A_281 = vector.broadcast %add3A_280 : f32 to vector<16xf32>
        %add3A_282 = arith.addf %add3A_281, %exp3A_279 : vector<16xf32>
        %div3A_283 = arith.constant 2.000000e+00 : f32
        %div3A_284 = vector.broadcast %div3A_283 : f32 to vector<16xf32>
        %div3A_285 = arith.divf %div3A_284, %add3A_282 : vector<16xf32>
        %sub3A_286 = arith.constant 1.000000e+00 : f32
        %sub3A_287 = vector.broadcast %sub3A_286 : f32 to vector<16xf32>
        %sub3A_288 = arith.subf %sub3A_287, %div3A_285 : vector<16xf32>
        %swap3A_289 = arith.index_cast %scan3A_103 : i32 to index
        %swap3A_290 = arith.constant 96 : index
        %swap3A_291 = tpu.vector_load %arg13[%swap3A_289, %swap3A_290] {strides = array<i32>} : memref<128x128xf32, #tpu.memory_space<vmem>>, vector<1x16xf32>,
        %swap3A_292 = vector.shape_cast %swap3A_291 : vector<1x16xf32> to vector<16xf32>
        %swap3A_293 = vector.shape_cast %sub3A_288 : vector<16xf32> to vector<1x16xf32>
        tpu.vector_store %arg13[%swap3A_289, %swap3A_290], %swap3A_293 {strides = array<i32>} : memref<128x128xf32, #tpu.memory_space<vmem>>, vector<1x16xf32>,
        %get3A_294 = arith.index_cast %scan3A_103 : i32 to index
        %get3A_295 = arith.constant 112 : index
        %get3A_296 = tpu.vector_load %arg13[%get3A_294, %get3A_295] {strides = array<i32>} : memref<128x128xf32, #tpu.memory_space<vmem>>, vector<1x16xf32>,
        %get3A_297 = vector.shape_cast %get3A_296 : vector<1x16xf32> to vector<16xf32>
        %max3A_298 = arith.constant -1.500000e+01 : f32
        %max3A_299 = vector.broadcast %max3A_298 : f32 to vector<16xf32>
        %max3A_300 = arith.maximumf %get3A_297, %max3A_299 : vector<16xf32>
        %min3A_301 = arith.constant 1.500000e+01 : f32
        %min3A_302 = vector.broadcast %min3A_301 : f32 to vector<16xf32>
        %min3A_303 = arith.minimumf %max3A_300, %min3A_302 : vector<16xf32>
        %mul3A_304 = arith.constant 2.000000e+00 : f32
        %mul3A_305 = vector.broadcast %mul3A_304 : f32 to vector<16xf32>
        %mul3A_306 = arith.mulf %min3A_303, %mul3A_305 : vector<16xf32>
        %exp3A_307 = math.exp %mul3A_306 : vector<16xf32>
        %add3A_308 = arith.constant 1.000000e+00 : f32
        %add3A_309 = vector.broadcast %add3A_308 : f32 to vector<16xf32>
        %add3A_310 = arith.addf %add3A_309, %exp3A_307 : vector<16xf32>
        %div3A_311 = arith.constant 2.000000e+00 : f32
        %div3A_312 = vector.broadcast %div3A_311 : f32 to vector<16xf32>
        %div3A_313 = arith.divf %div3A_312, %add3A_310 : vector<16xf32>
        %sub3A_314 = arith.constant 1.000000e+00 : f32
        %sub3A_315 = vector.broadcast %sub3A_314 : f32 to vector<16xf32>
        %sub3A_316 = arith.subf %sub3A_315, %div3A_313 : vector<16xf32>
        %swap3A_317 = arith.index_cast %scan3A_103 : i32 to index
        %swap3A_318 = arith.constant 112 : index
        %swap3A_319 = tpu.vector_load %arg13[%swap3A_317, %swap3A_318] {strides = array<i32>} : memref<128x128xf32, #tpu.memory_space<vmem>>, vector<1x16xf32>,
        %swap3A_320 = vector.shape_cast %swap3A_319 : vector<1x16xf32> to vector<16xf32>
        %swap3A_321 = vector.shape_cast %sub3A_316 : vector<16xf32> to vector<1x16xf32>
        tpu.vector_store %arg13[%swap3A_317, %swap3A_318], %swap3A_321 {strides = array<i32>} : memref<128x128xf32, #tpu.memory_space<vmem>>, vector<1x16xf32>,
        %scan3A_322 = arith.constant 0 : i32
        scf.yield %scan3A_322 : i32
      }
      %scan3A_97 = arith.constant 128 : i32
      %mul3A_98 = arith.constant 128 : i32
      %mul3A_99 = arith.muli %add3A_29, %mul3A_98 : i32
      %multiple_of3A_100 = tpu.assume_multiple %mul3A_99, 128 : i32
      "tpu.region"() ({
        %run_scoped3A_103 = tpu.sem_alloc : memref<!tpu.dma_semaphore, #tpu.memory_space<semaphore_mem>>
        %dma_start3A_104 = arith.constant 0 : i32
        %dma_start3A_105 = tpu.memref_slice %arg7[%multiple_of3A_100, %dma_start3A_104] : memref<327680x128xf32, #tpu.memory_space<hbm>> -> memref<128x128xf32, #tpu.memory_space<hbm>>
        %dma_start3A_106 = arith.constant 0 : i32
        %dma_start3A_107 = tpu.memref_slice %arg7[%multiple_of3A_100, %dma_start3A_106] : memref<327680x128xf32, #tpu.memory_space<hbm>> -> memref<128x128xf32, #tpu.memory_space<hbm>>
        tpu.enqueue_dma source(%arg13 : memref<128x128xf32, #tpu.memory_space<vmem>>) target(%dma_start3A_107 : memref<128x128xf32, #tpu.memory_space<hbm>>) target_semaphore(%run_scoped3A_103 : memref<!tpu.dma_semaphore, #tpu.memory_space<semaphore_mem>>)
        %dma_wait3A_108 = arith.constant 0 : i32
        %dma_wait3A_109 = tpu.memref_slice %arg7[%multiple_of3A_100, %dma_wait3A_108] : memref<327680x128xf32, #tpu.memory_space<hbm>> -> memref<128x128xf32, #tpu.memory_space<hbm>>
        %dma_wait3A_110 = arith.constant 0 : i32
        %dma_wait3A_111 = tpu.memref_slice %arg7[%multiple_of3A_100, %dma_wait3A_110] : memref<327680x128xf32, #tpu.memory_space<hbm>> -> memref<128x128xf32, #tpu.memory_space<hbm>>
        tpu.wait_dma2 semaphore(%run_scoped3A_103 : memref<!tpu.dma_semaphore, #tpu.memory_space<semaphore_mem>>) src(%arg13 : memref<128x128xf32, #tpu.memory_space<vmem>>) dst(%dma_wait3A_111 : memref<128x128xf32, #tpu.memory_space<hbm>>)
        tpu.yield
      }) : () -> ()
      %run_scoped3A_101 = arith.constant 1 : i32
      "tpu.region"() ({
        %run_scoped3A_103 = tpu.sem_alloc : memref<!tpu.dma_semaphore, #tpu.memory_space<semaphore_mem>>
        %dma_start3A_104 = arith.constant 0 : i32
        %dma_start3A_105 = tpu.memref_slice %arg11[%run_scoped3A_101, %dma_start3A_104] : memref<2x128xi32, #tpu.memory_space<vmem>> -> memref<1x128xi32, #tpu.memory_space<vmem>>
        %dma_start3A_106 = tpu.memref_squeeze %dma_start3A_105 : memref<1x128xi32, #tpu.memory_space<vmem>> -> memref<128xi32, #tpu.memory_space<vmem>>
        %dma_start3A_107 = arith.constant 0 : i32
        %dma_start3A_108 = arith.constant 0 : i32
        %dma_start3A_109 = tpu.memref_slice %arg9[%dma_start3A_107, %dma_start3A_108] : memref<10112x128xf32, #tpu.memory_space<vmem_shared>> -> memref<10112x128xf32, #tpu.memory_space<vmem_shared>>
        tpu.enqueue_indirect_dma source(%arg13 : memref<128x128xf32, #tpu.memory_space<vmem>>) target(%dma_start3A_109 : memref<10112x128xf32, #tpu.memory_space<vmem_shared>>) offsets(%dma_start3A_106 : memref<128xi32, #tpu.memory_space<vmem>>) semaphore(%run_scoped3A_103 : memref<!tpu.dma_semaphore, #tpu.memory_space<semaphore_mem>>) {add = true}
        %dma_wait3A_110 = arith.constant 0 : i32
        %dma_wait3A_111 = tpu.memref_slice %arg11[%run_scoped3A_101, %dma_wait3A_110] : memref<2x128xi32, #tpu.memory_space<vmem>> -> memref<1x128xi32, #tpu.memory_space<vmem>>
        %dma_wait3A_112 = tpu.memref_squeeze %dma_wait3A_111 : memref<1x128xi32, #tpu.memory_space<vmem>> -> memref<128xi32, #tpu.memory_space<vmem>>
        %dma_wait3A_113 = arith.constant 0 : i32
        %dma_wait3A_114 = arith.constant 0 : i32
        %dma_wait3A_115 = tpu.memref_slice %arg9[%dma_wait3A_113, %dma_wait3A_114] : memref<10112x128xf32, #tpu.memory_space<vmem_shared>> -> memref<10112x128xf32, #tpu.memory_space<vmem_shared>>
        tpu.wait_indirect_dma semaphore(%run_scoped3A_103 : memref<!tpu.dma_semaphore, #tpu.memory_space<semaphore_mem>>) src(%arg13 : memref<128x128xf32, #tpu.memory_space<vmem>>) dst(%dma_wait3A_115 : memref<10112x128xf32, #tpu.memory_space<vmem_shared>>)
        tpu.yield
      }) : () -> ()
      %while3A_102 = arith.constant 0 : i32
      scf.yield %while3A_102 : i32
    }
    %barrier3A_22 = arith.constant 0 : index
    tpu.barrier barrier_id(%barrier3A_22)
    "tpu.region"() ({
      %run_scoped3A = tpu.sem_alloc : memref<!tpu.dma_semaphore, #tpu.memory_space<semaphore_mem>>
      %dma_start3A = arith.constant 0 : i32
      %dma_start3A_23 = tpu.memref_slice %arg8[%arg0, %multiple_of3A, %dma_start3A] : memref<2x10112x128xf32, #tpu.memory_space<hbm>> -> memref<1x632x128xf32, #tpu.memory_space<hbm>>
      %dma_start3A_24 = tpu.memref_squeeze %dma_start3A_23 : memref<1x632x128xf32, #tpu.memory_space<hbm>> -> memref<632x128xf32, #tpu.memory_space<hbm>>
      %dma_start3A_25 = arith.constant 0 : i32
      %dma_start3A_26 = tpu.memref_slice %arg9[%multiple_of3A, %dma_start3A_25] : memref<10112x128xf32, #tpu.memory_space<vmem_shared>> -> memref<632x128xf32, #tpu.memory_space<vmem_shared>>
      tpu.enqueue_dma source(%dma_start3A_26 : memref<632x128xf32, #tpu.memory_space<vmem_shared>>) target(%dma_start3A_24 : memref<632x128xf32, #tpu.memory_space<hbm>>) target_semaphore(%run_scoped3A : memref<!tpu.dma_semaphore, #tpu.memory_space<semaphore_mem>>)
      %dma_wait3A = arith.constant 0 : i32
      %dma_wait3A_27 = tpu.memref_slice %arg8[%arg0, %multiple_of3A, %dma_wait3A] : memref<2x10112x128xf32, #tpu.memory_space<hbm>> -> memref<1x632x128xf32, #tpu.memory_space<hbm>>
      %dma_wait3A_28 = tpu.memref_squeeze %dma_wait3A_27 : memref<1x632x128xf32, #tpu.memory_space<hbm>> -> memref<632x128xf32, #tpu.memory_space<hbm>>
      %dma_wait3A_29 = arith.constant 0 : i32
      %dma_wait3A_30 = tpu.memref_slice %arg9[%multiple_of3A, %dma_wait3A_29] : memref<10112x128xf32, #tpu.memory_space<vmem_shared>> -> memref<632x128xf32, #tpu.memory_space<vmem_shared>>
      tpu.wait_dma2 semaphore(%run_scoped3A : memref<!tpu.dma_semaphore, #tpu.memory_space<semaphore_mem>>) src(%dma_wait3A_30 : memref<632x128xf32, #tpu.memory_space<vmem_shared>>) dst(%dma_wait3A_28 : memref<632x128xf32, #tpu.memory_space<hbm>>)
      tpu.yield
    }) : () -> ()
    return
  }
}

#map = affine_map<(d0, d1) -> (0, 0)>
#map1 = affine_map<(d0, d1) -> (0, 0, 0)>
module attributes {stable_mosaic.version = 14 : i64} {
  func.func @body(%arg0: i32, %arg1: i32, %arg2: memref<10000x128xf32, #tpu.memory_space<hbm>>, %arg3: memref<327680x128xf32, #tpu.memory_space<hbm>>, %arg4: memref<2560x128xi32, #tpu.memory_space<hbm>>, %arg5: memref<2560x128xi32, #tpu.memory_space<hbm>>, %arg6: memref<10112x128xf32, #tpu.memory_space<hbm>>, %arg7: memref<2x10112x128xf32, #tpu.memory_space<hbm>>, %arg8: memref<10112x128xf32, #tpu.memory_space<vmem_shared>>, %arg9: memref<2x128xi32, #tpu.memory_space<vmem>>, %arg10: memref<2x128xi32, #tpu.memory_space<vmem>>, %arg11: memref<128x128xf32, #tpu.memory_space<vmem>>, %arg12: memref<128x128xf32, #tpu.memory_space<vmem>>, %arg13: memref<!tpu.dma_semaphore, #tpu.memory_space<semaphore_mem>>, %arg14: memref<!tpu.dma_semaphore, #tpu.memory_space<semaphore_mem>>, %arg15: memref<!tpu.dma_semaphore, #tpu.memory_space<semaphore_mem>>, %arg16: memref<!tpu.dma_semaphore, #tpu.memory_space<semaphore_mem>>, %arg17: memref<!tpu.dma_semaphore, #tpu.memory_space<semaphore_mem>>, %arg18: memref<!tpu.dma_semaphore, #tpu.memory_space<semaphore_mem>>) attributes {dimension_semantics = [#tpu.dimension_semantics<core_parallel>, #tpu.dimension_semantics<subcore_parallel>], iteration_bounds = array<i64: 2, 16>, scalar_prefetch = 0 : i64, scratch_operands = 11 : i64, tpu.core_type = #tpu.core_type<sc_vector_subcore>, window_params = [{transform_indices = #map}, {transform_indices = #map}, {transform_indices = #map}, {transform_indices = #map}, {transform_indices = #map}, {transform_indices = #map1}]} {
    %mul3A = arith.constant 632 : i32
    %mul3A_0 = arith.muli %arg1, %mul3A : i32
    %multiple_of3A = tpu.assume_multiple %mul3A_0, 8 : i32
    "tpu.region"() ({
      %run_scoped3A = tpu.sem_alloc : memref<!tpu.dma_semaphore, #tpu.memory_space<semaphore_mem>>
      %dma_start3A = arith.constant 0 : i32
      %dma_start3A_23 = tpu.memref_slice %arg8[%multiple_of3A, %dma_start3A] : memref<10112x128xf32, #tpu.memory_space<vmem_shared>> -> memref<632x128xf32, #tpu.memory_space<vmem_shared>>
      %dma_start3A_24 = arith.constant 0 : i32
      %dma_start3A_25 = tpu.memref_slice %arg6[%multiple_of3A, %dma_start3A_24] : memref<10112x128xf32, #tpu.memory_space<hbm>> -> memref<632x128xf32, #tpu.memory_space<hbm>>
      tpu.enqueue_dma source(%dma_start3A_25 : memref<632x128xf32, #tpu.memory_space<hbm>>) target(%dma_start3A_23 : memref<632x128xf32, #tpu.memory_space<vmem_shared>>) target_semaphore(%run_scoped3A : memref<!tpu.dma_semaphore, #tpu.memory_space<semaphore_mem>>)
      %dma_wait3A = arith.constant 0 : i32
      %dma_wait3A_26 = tpu.memref_slice %arg8[%multiple_of3A, %dma_wait3A] : memref<10112x128xf32, #tpu.memory_space<vmem_shared>> -> memref<632x128xf32, #tpu.memory_space<vmem_shared>>
      %dma_wait3A_27 = arith.constant 0 : i32
      %dma_wait3A_28 = tpu.memref_slice %arg6[%multiple_of3A, %dma_wait3A_27] : memref<10112x128xf32, #tpu.memory_space<hbm>> -> memref<632x128xf32, #tpu.memory_space<hbm>>
      tpu.wait_dma2 semaphore(%run_scoped3A : memref<!tpu.dma_semaphore, #tpu.memory_space<semaphore_mem>>) src(%dma_wait3A_28 : memref<632x128xf32, #tpu.memory_space<hbm>>) dst(%dma_wait3A_26 : memref<632x128xf32, #tpu.memory_space<vmem_shared>>)
      tpu.yield
    }) : () -> ()
    %barrier3A = arith.constant 0 : index
    tpu.barrier barrier_id(%barrier3A)
    %eq3A = arith.constant 0 : i32
    %eq3A_1 = arith.cmpi eq, %arg0, %eq3A : i32
    %mul3A_2 = arith.constant 96 : i32
    %mul3A_3 = arith.muli %arg1, %mul3A_2 : i32
    %mul3A_4 = arith.constant 64 : i32
    %mul3A_5 = arith.muli %arg1, %mul3A_4 : i32
    %add3A = arith.constant 1536 : i32
    %add3A_6 = arith.addi %add3A, %mul3A_5 : i32
    %select_n3A = arith.select %eq3A_1, %mul3A_3, %add3A_6 : i32
    %eq3A_7 = arith.constant 0 : i32
    %eq3A_8 = arith.cmpi eq, %arg0, %eq3A_7 : i32
    %jit3A = arith.constant 48 : i32
    %jit3A_9 = arith.constant 32 : i32
    %select_n3A_10 = arith.select %eq3A_8, %jit3A, %jit3A_9 : i32
    %while3A = arith.constant 0 : i32
    %while3A_11 = arith.constant 0 : i32
    %while3A_12 = arith.subi %select_n3A_10, %while3A : i32
    %while3A_13 = arith.addi %while3A, %while3A_12 : i32
    %while3A_14 = arith.constant 1 : i32
    %while3A_15 = arith.divsi %while3A_12, %while3A_14 : i32
    %while3A_16 = arith.muli %while3A_15, %while3A_14 : i32
    %while3A_17 = arith.addi %while3A, %while3A_16 : i32
    %while3A_18 = arith.constant 1 : i32
    %while3A_19 = scf.for %while3A_23 = %while3A to %while3A_17 step %while3A_18 iter_args(%while3A_24 = %while3A_11) -> (i32)  : i32 {
      %mul3A_25 = arith.constant 2 : i32
      %mul3A_26 = arith.muli %mul3A_25, %while3A_23 : i32
      %add3A_27 = arith.addi %select_n3A, %mul3A_26 : i32
      %add3A_28 = arith.constant 1 : i32
      %add3A_29 = arith.addi %add3A_27, %add3A_28 : i32
      %run_scoped3A = arith.constant 0 : i32
      "tpu.region"() ({
        %run_scoped3A_103 = tpu.sem_alloc : memref<!tpu.dma_semaphore, #tpu.memory_space<semaphore_mem>>
        %dma_start3A_104 = arith.constant 0 : i32
        %dma_start3A_105 = tpu.memref_slice %arg9[%run_scoped3A, %dma_start3A_104] : memref<2x128xi32, #tpu.memory_space<vmem>> -> memref<1x128xi32, #tpu.memory_space<vmem>>
        %dma_start3A_106 = tpu.memref_squeeze %dma_start3A_105 : memref<1x128xi32, #tpu.memory_space<vmem>> -> memref<128xi32, #tpu.memory_space<vmem>>
        %dma_start3A_107 = arith.constant 0 : i32
        %dma_start3A_108 = tpu.memref_slice %arg4[%add3A_27, %dma_start3A_107] : memref<2560x128xi32, #tpu.memory_space<hbm>> -> memref<1x128xi32, #tpu.memory_space<hbm>>
        %dma_start3A_109 = tpu.memref_squeeze %dma_start3A_108 : memref<1x128xi32, #tpu.memory_space<hbm>> -> memref<128xi32, #tpu.memory_space<hbm>>
        %dma_start3A_110 = arith.constant 0 : i32
        %dma_start3A_111 = tpu.memref_slice %arg9[%run_scoped3A, %dma_start3A_110] : memref<2x128xi32, #tpu.memory_space<vmem>> -> memref<1x128xi32, #tpu.memory_space<vmem>>
        %dma_start3A_112 = tpu.memref_squeeze %dma_start3A_111 : memref<1x128xi32, #tpu.memory_space<vmem>> -> memref<128xi32, #tpu.memory_space<vmem>>
        %dma_start3A_113 = arith.constant 0 : i32
        %dma_start3A_114 = tpu.memref_slice %arg4[%add3A_27, %dma_start3A_113] : memref<2560x128xi32, #tpu.memory_space<hbm>> -> memref<1x128xi32, #tpu.memory_space<hbm>>
        %dma_start3A_115 = tpu.memref_squeeze %dma_start3A_114 : memref<1x128xi32, #tpu.memory_space<hbm>> -> memref<128xi32, #tpu.memory_space<hbm>>
        tpu.enqueue_dma source(%dma_start3A_115 : memref<128xi32, #tpu.memory_space<hbm>>) target(%dma_start3A_112 : memref<128xi32, #tpu.memory_space<vmem>>) target_semaphore(%run_scoped3A_103 : memref<!tpu.dma_semaphore, #tpu.memory_space<semaphore_mem>>)
        %dma_wait3A_116 = arith.constant 0 : i32
        %dma_wait3A_117 = tpu.memref_slice %arg9[%run_scoped3A, %dma_wait3A_116] : memref<2x128xi32, #tpu.memory_space<vmem>> -> memref<1x128xi32, #tpu.memory_space<vmem>>
        %dma_wait3A_118 = tpu.memref_squeeze %dma_wait3A_117 : memref<1x128xi32, #tpu.memory_space<vmem>> -> memref<128xi32, #tpu.memory_space<vmem>>
        %dma_wait3A_119 = arith.constant 0 : i32
        %dma_wait3A_120 = tpu.memref_slice %arg4[%add3A_27, %dma_wait3A_119] : memref<2560x128xi32, #tpu.memory_space<hbm>> -> memref<1x128xi32, #tpu.memory_space<hbm>>
        %dma_wait3A_121 = tpu.memref_squeeze %dma_wait3A_120 : memref<1x128xi32, #tpu.memory_space<hbm>> -> memref<128xi32, #tpu.memory_space<hbm>>
        %dma_wait3A_122 = arith.constant 0 : i32
        %dma_wait3A_123 = tpu.memref_slice %arg9[%run_scoped3A, %dma_wait3A_122] : memref<2x128xi32, #tpu.memory_space<vmem>> -> memref<1x128xi32, #tpu.memory_space<vmem>>
        %dma_wait3A_124 = tpu.memref_squeeze %dma_wait3A_123 : memref<1x128xi32, #tpu.memory_space<vmem>> -> memref<128xi32, #tpu.memory_space<vmem>>
        %dma_wait3A_125 = arith.constant 0 : i32
        %dma_wait3A_126 = tpu.memref_slice %arg4[%add3A_27, %dma_wait3A_125] : memref<2560x128xi32, #tpu.memory_space<hbm>> -> memref<1x128xi32, #tpu.memory_space<hbm>>
        %dma_wait3A_127 = tpu.memref_squeeze %dma_wait3A_126 : memref<1x128xi32, #tpu.memory_space<hbm>> -> memref<128xi32, #tpu.memory_space<hbm>>
        tpu.wait_dma2 semaphore(%run_scoped3A_103 : memref<!tpu.dma_semaphore, #tpu.memory_space<semaphore_mem>>) src(%dma_wait3A_127 : memref<128xi32, #tpu.memory_space<hbm>>) dst(%dma_wait3A_124 : memref<128xi32, #tpu.memory_space<vmem>>)
        tpu.yield
      }) : () -> ()
      %run_scoped3A_30 = arith.constant 0 : i32
      "tpu.region"() ({
        %run_scoped3A_103 = tpu.sem_alloc : memref<!tpu.dma_semaphore, #tpu.memory_space<semaphore_mem>>
        %dma_start3A_104 = arith.constant 0 : i32
        %dma_start3A_105 = tpu.memref_slice %arg10[%run_scoped3A_30, %dma_start3A_104] : memref<2x128xi32, #tpu.memory_space<vmem>> -> memref<1x128xi32, #tpu.memory_space<vmem>>
        %dma_start3A_106 = tpu.memref_squeeze %dma_start3A_105 : memref<1x128xi32, #tpu.memory_space<vmem>> -> memref<128xi32, #tpu.memory_space<vmem>>
        %dma_start3A_107 = arith.constant 0 : i32
        %dma_start3A_108 = tpu.memref_slice %arg5[%add3A_27, %dma_start3A_107] : memref<2560x128xi32, #tpu.memory_space<hbm>> -> memref<1x128xi32, #tpu.memory_space<hbm>>
        %dma_start3A_109 = tpu.memref_squeeze %dma_start3A_108 : memref<1x128xi32, #tpu.memory_space<hbm>> -> memref<128xi32, #tpu.memory_space<hbm>>
        %dma_start3A_110 = arith.constant 0 : i32
        %dma_start3A_111 = tpu.memref_slice %arg10[%run_scoped3A_30, %dma_start3A_110] : memref<2x128xi32, #tpu.memory_space<vmem>> -> memref<1x128xi32, #tpu.memory_space<vmem>>
        %dma_start3A_112 = tpu.memref_squeeze %dma_start3A_111 : memref<1x128xi32, #tpu.memory_space<vmem>> -> memref<128xi32, #tpu.memory_space<vmem>>
        %dma_start3A_113 = arith.constant 0 : i32
        %dma_start3A_114 = tpu.memref_slice %arg5[%add3A_27, %dma_start3A_113] : memref<2560x128xi32, #tpu.memory_space<hbm>> -> memref<1x128xi32, #tpu.memory_space<hbm>>
        %dma_start3A_115 = tpu.memref_squeeze %dma_start3A_114 : memref<1x128xi32, #tpu.memory_space<hbm>> -> memref<128xi32, #tpu.memory_space<hbm>>
        tpu.enqueue_dma source(%dma_start3A_115 : memref<128xi32, #tpu.memory_space<hbm>>) target(%dma_start3A_112 : memref<128xi32, #tpu.memory_space<vmem>>) target_semaphore(%run_scoped3A_103 : memref<!tpu.dma_semaphore, #tpu.memory_space<semaphore_mem>>)
        %dma_wait3A_116 = arith.constant 0 : i32
        %dma_wait3A_117 = tpu.memref_slice %arg10[%run_scoped3A_30, %dma_wait3A_116] : memref<2x128xi32, #tpu.memory_space<vmem>> -> memref<1x128xi32, #tpu.memory_space<vmem>>
        %dma_wait3A_118 = tpu.memref_squeeze %dma_wait3A_117 : memref<1x128xi32, #tpu.memory_space<vmem>> -> memref<128xi32, #tpu.memory_space<vmem>>
        %dma_wait3A_119 = arith.constant 0 : i32
        %dma_wait3A_120 = tpu.memref_slice %arg5[%add3A_27, %dma_wait3A_119] : memref<2560x128xi32, #tpu.memory_space<hbm>> -> memref<1x128xi32, #tpu.memory_space<hbm>>
        %dma_wait3A_121 = tpu.memref_squeeze %dma_wait3A_120 : memref<1x128xi32, #tpu.memory_space<hbm>> -> memref<128xi32, #tpu.memory_space<hbm>>
        %dma_wait3A_122 = arith.constant 0 : i32
        %dma_wait3A_123 = tpu.memref_slice %arg10[%run_scoped3A_30, %dma_wait3A_122] : memref<2x128xi32, #tpu.memory_space<vmem>> -> memref<1x128xi32, #tpu.memory_space<vmem>>
        %dma_wait3A_124 = tpu.memref_squeeze %dma_wait3A_123 : memref<1x128xi32, #tpu.memory_space<vmem>> -> memref<128xi32, #tpu.memory_space<vmem>>
        %dma_wait3A_125 = arith.constant 0 : i32
        %dma_wait3A_126 = tpu.memref_slice %arg5[%add3A_27, %dma_wait3A_125] : memref<2560x128xi32, #tpu.memory_space<hbm>> -> memref<1x128xi32, #tpu.memory_space<hbm>>
        %dma_wait3A_127 = tpu.memref_squeeze %dma_wait3A_126 : memref<1x128xi32, #tpu.memory_space<hbm>> -> memref<128xi32, #tpu.memory_space<hbm>>
        tpu.wait_dma2 semaphore(%run_scoped3A_103 : memref<!tpu.dma_semaphore, #tpu.memory_space<semaphore_mem>>) src(%dma_wait3A_127 : memref<128xi32, #tpu.memory_space<hbm>>) dst(%dma_wait3A_124 : memref<128xi32, #tpu.memory_space<vmem>>)
        tpu.yield
      }) : () -> ()
      %mul3A_31 = arith.constant 128 : i32
      %mul3A_32 = arith.muli %add3A_27, %mul3A_31 : i32
      %multiple_of3A_33 = tpu.assume_multiple %mul3A_32, 128 : i32
      %dma_start3A = arith.constant 0 : i32
      %dma_start3A_34 = tpu.memref_slice %arg3[%multiple_of3A_33, %dma_start3A] : memref<327680x128xf32, #tpu.memory_space<hbm>> -> memref<128x128xf32, #tpu.memory_space<hbm>>
      %dma_start3A_35 = arith.constant 0 : i32
      %dma_start3A_36 = tpu.memref_slice %arg3[%multiple_of3A_33, %dma_start3A_35] : memref<327680x128xf32, #tpu.memory_space<hbm>> -> memref<128x128xf32, #tpu.memory_space<hbm>>
      tpu.enqueue_dma source(%dma_start3A_36 : memref<128x128xf32, #tpu.memory_space<hbm>>) target(%arg11 : memref<128x128xf32, #tpu.memory_space<vmem>>) target_semaphore(%arg13 : memref<!tpu.dma_semaphore, #tpu.memory_space<semaphore_mem>>)
      %run_scoped3A_37 = arith.constant 1 : i32
      "tpu.region"() ({
        %run_scoped3A_103 = tpu.sem_alloc : memref<!tpu.dma_semaphore, #tpu.memory_space<semaphore_mem>>
        %dma_start3A_104 = arith.constant 0 : i32
        %dma_start3A_105 = tpu.memref_slice %arg9[%run_scoped3A_37, %dma_start3A_104] : memref<2x128xi32, #tpu.memory_space<vmem>> -> memref<1x128xi32, #tpu.memory_space<vmem>>
        %dma_start3A_106 = tpu.memref_squeeze %dma_start3A_105 : memref<1x128xi32, #tpu.memory_space<vmem>> -> memref<128xi32, #tpu.memory_space<vmem>>
        %dma_start3A_107 = arith.constant 0 : i32
        %dma_start3A_108 = tpu.memref_slice %arg4[%add3A_29, %dma_start3A_107] : memref<2560x128xi32, #tpu.memory_space<hbm>> -> memref<1x128xi32, #tpu.memory_space<hbm>>
        %dma_start3A_109 = tpu.memref_squeeze %dma_start3A_108 : memref<1x128xi32, #tpu.memory_space<hbm>> -> memref<128xi32, #tpu.memory_space<hbm>>
        %dma_start3A_110 = arith.constant 0 : i32
        %dma_start3A_111 = tpu.memref_slice %arg9[%run_scoped3A_37, %dma_start3A_110] : memref<2x128xi32, #tpu.memory_space<vmem>> -> memref<1x128xi32, #tpu.memory_space<vmem>>
        %dma_start3A_112 = tpu.memref_squeeze %dma_start3A_111 : memref<1x128xi32, #tpu.memory_space<vmem>> -> memref<128xi32, #tpu.memory_space<vmem>>
        %dma_start3A_113 = arith.constant 0 : i32
        %dma_start3A_114 = tpu.memref_slice %arg4[%add3A_29, %dma_start3A_113] : memref<2560x128xi32, #tpu.memory_space<hbm>> -> memref<1x128xi32, #tpu.memory_space<hbm>>
        %dma_start3A_115 = tpu.memref_squeeze %dma_start3A_114 : memref<1x128xi32, #tpu.memory_space<hbm>> -> memref<128xi32, #tpu.memory_space<hbm>>
        tpu.enqueue_dma source(%dma_start3A_115 : memref<128xi32, #tpu.memory_space<hbm>>) target(%dma_start3A_112 : memref<128xi32, #tpu.memory_space<vmem>>) target_semaphore(%run_scoped3A_103 : memref<!tpu.dma_semaphore, #tpu.memory_space<semaphore_mem>>)
        %dma_wait3A_116 = arith.constant 0 : i32
        %dma_wait3A_117 = tpu.memref_slice %arg9[%run_scoped3A_37, %dma_wait3A_116] : memref<2x128xi32, #tpu.memory_space<vmem>> -> memref<1x128xi32, #tpu.memory_space<vmem>>
        %dma_wait3A_118 = tpu.memref_squeeze %dma_wait3A_117 : memref<1x128xi32, #tpu.memory_space<vmem>> -> memref<128xi32, #tpu.memory_space<vmem>>
        %dma_wait3A_119 = arith.constant 0 : i32
        %dma_wait3A_120 = tpu.memref_slice %arg4[%add3A_29, %dma_wait3A_119] : memref<2560x128xi32, #tpu.memory_space<hbm>> -> memref<1x128xi32, #tpu.memory_space<hbm>>
        %dma_wait3A_121 = tpu.memref_squeeze %dma_wait3A_120 : memref<1x128xi32, #tpu.memory_space<hbm>> -> memref<128xi32, #tpu.memory_space<hbm>>
        %dma_wait3A_122 = arith.constant 0 : i32
        %dma_wait3A_123 = tpu.memref_slice %arg9[%run_scoped3A_37, %dma_wait3A_122] : memref<2x128xi32, #tpu.memory_space<vmem>> -> memref<1x128xi32, #tpu.memory_space<vmem>>
        %dma_wait3A_124 = tpu.memref_squeeze %dma_wait3A_123 : memref<1x128xi32, #tpu.memory_space<vmem>> -> memref<128xi32, #tpu.memory_space<vmem>>
        %dma_wait3A_125 = arith.constant 0 : i32
        %dma_wait3A_126 = tpu.memref_slice %arg4[%add3A_29, %dma_wait3A_125] : memref<2560x128xi32, #tpu.memory_space<hbm>> -> memref<1x128xi32, #tpu.memory_space<hbm>>
        %dma_wait3A_127 = tpu.memref_squeeze %dma_wait3A_126 : memref<1x128xi32, #tpu.memory_space<hbm>> -> memref<128xi32, #tpu.memory_space<hbm>>
        tpu.wait_dma2 semaphore(%run_scoped3A_103 : memref<!tpu.dma_semaphore, #tpu.memory_space<semaphore_mem>>) src(%dma_wait3A_127 : memref<128xi32, #tpu.memory_space<hbm>>) dst(%dma_wait3A_124 : memref<128xi32, #tpu.memory_space<vmem>>)
        tpu.yield
      }) : () -> ()
      %run_scoped3A_38 = arith.constant 1 : i32
      "tpu.region"() ({
        %run_scoped3A_103 = tpu.sem_alloc : memref<!tpu.dma_semaphore, #tpu.memory_space<semaphore_mem>>
        %dma_start3A_104 = arith.constant 0 : i32
        %dma_start3A_105 = tpu.memref_slice %arg10[%run_scoped3A_38, %dma_start3A_104] : memref<2x128xi32, #tpu.memory_space<vmem>> -> memref<1x128xi32, #tpu.memory_space<vmem>>
        %dma_start3A_106 = tpu.memref_squeeze %dma_start3A_105 : memref<1x128xi32, #tpu.memory_space<vmem>> -> memref<128xi32, #tpu.memory_space<vmem>>
        %dma_start3A_107 = arith.constant 0 : i32
        %dma_start3A_108 = tpu.memref_slice %arg5[%add3A_29, %dma_start3A_107] : memref<2560x128xi32, #tpu.memory_space<hbm>> -> memref<1x128xi32, #tpu.memory_space<hbm>>
        %dma_start3A_109 = tpu.memref_squeeze %dma_start3A_108 : memref<1x128xi32, #tpu.memory_space<hbm>> -> memref<128xi32, #tpu.memory_space<hbm>>
        %dma_start3A_110 = arith.constant 0 : i32
        %dma_start3A_111 = tpu.memref_slice %arg10[%run_scoped3A_38, %dma_start3A_110] : memref<2x128xi32, #tpu.memory_space<vmem>> -> memref<1x128xi32, #tpu.memory_space<vmem>>
        %dma_start3A_112 = tpu.memref_squeeze %dma_start3A_111 : memref<1x128xi32, #tpu.memory_space<vmem>> -> memref<128xi32, #tpu.memory_space<vmem>>
        %dma_start3A_113 = arith.constant 0 : i32
        %dma_start3A_114 = tpu.memref_slice %arg5[%add3A_29, %dma_start3A_113] : memref<2560x128xi32, #tpu.memory_space<hbm>> -> memref<1x128xi32, #tpu.memory_space<hbm>>
        %dma_start3A_115 = tpu.memref_squeeze %dma_start3A_114 : memref<1x128xi32, #tpu.memory_space<hbm>> -> memref<128xi32, #tpu.memory_space<hbm>>
        tpu.enqueue_dma source(%dma_start3A_115 : memref<128xi32, #tpu.memory_space<hbm>>) target(%dma_start3A_112 : memref<128xi32, #tpu.memory_space<vmem>>) target_semaphore(%run_scoped3A_103 : memref<!tpu.dma_semaphore, #tpu.memory_space<semaphore_mem>>)
        %dma_wait3A_116 = arith.constant 0 : i32
        %dma_wait3A_117 = tpu.memref_slice %arg10[%run_scoped3A_38, %dma_wait3A_116] : memref<2x128xi32, #tpu.memory_space<vmem>> -> memref<1x128xi32, #tpu.memory_space<vmem>>
        %dma_wait3A_118 = tpu.memref_squeeze %dma_wait3A_117 : memref<1x128xi32, #tpu.memory_space<vmem>> -> memref<128xi32, #tpu.memory_space<vmem>>
        %dma_wait3A_119 = arith.constant 0 : i32
        %dma_wait3A_120 = tpu.memref_slice %arg5[%add3A_29, %dma_wait3A_119] : memref<2560x128xi32, #tpu.memory_space<hbm>> -> memref<1x128xi32, #tpu.memory_space<hbm>>
        %dma_wait3A_121 = tpu.memref_squeeze %dma_wait3A_120 : memref<1x128xi32, #tpu.memory_space<hbm>> -> memref<128xi32, #tpu.memory_space<hbm>>
        %dma_wait3A_122 = arith.constant 0 : i32
        %dma_wait3A_123 = tpu.memref_slice %arg10[%run_scoped3A_38, %dma_wait3A_122] : memref<2x128xi32, #tpu.memory_space<vmem>> -> memref<1x128xi32, #tpu.memory_space<vmem>>
        %dma_wait3A_124 = tpu.memref_squeeze %dma_wait3A_123 : memref<1x128xi32, #tpu.memory_space<vmem>> -> memref<128xi32, #tpu.memory_space<vmem>>
        %dma_wait3A_125 = arith.constant 0 : i32
        %dma_wait3A_126 = tpu.memref_slice %arg5[%add3A_29, %dma_wait3A_125] : memref<2560x128xi32, #tpu.memory_space<hbm>> -> memref<1x128xi32, #tpu.memory_space<hbm>>
        %dma_wait3A_127 = tpu.memref_squeeze %dma_wait3A_126 : memref<1x128xi32, #tpu.memory_space<hbm>> -> memref<128xi32, #tpu.memory_space<hbm>>
        tpu.wait_dma2 semaphore(%run_scoped3A_103 : memref<!tpu.dma_semaphore, #tpu.memory_space<semaphore_mem>>) src(%dma_wait3A_127 : memref<128xi32, #tpu.memory_space<hbm>>) dst(%dma_wait3A_124 : memref<128xi32, #tpu.memory_space<vmem>>)
        tpu.yield
      }) : () -> ()
      %mul3A_39 = arith.constant 128 : i32
      %mul3A_40 = arith.muli %add3A_29, %mul3A_39 : i32
      %multiple_of3A_41 = tpu.assume_multiple %mul3A_40, 128 : i32
      %dma_start3A_42 = arith.constant 0 : i32
      %dma_start3A_43 = tpu.memref_slice %arg3[%multiple_of3A_41, %dma_start3A_42] : memref<327680x128xf32, #tpu.memory_space<hbm>> -> memref<128x128xf32, #tpu.memory_space<hbm>>
      %dma_start3A_44 = arith.constant 0 : i32
      %dma_start3A_45 = tpu.memref_slice %arg3[%multiple_of3A_41, %dma_start3A_44] : memref<327680x128xf32, #tpu.memory_space<hbm>> -> memref<128x128xf32, #tpu.memory_space<hbm>>
      tpu.enqueue_dma source(%dma_start3A_45 : memref<128x128xf32, #tpu.memory_space<hbm>>) target(%arg12 : memref<128x128xf32, #tpu.memory_space<vmem>>) target_semaphore(%arg14 : memref<!tpu.dma_semaphore, #tpu.memory_space<semaphore_mem>>)
      %dma_wait3A = arith.constant 0 : i32
      %dma_wait3A_46 = tpu.memref_slice %arg3[%multiple_of3A_33, %dma_wait3A] : memref<327680x128xf32, #tpu.memory_space<hbm>> -> memref<128x128xf32, #tpu.memory_space<hbm>>
      %dma_wait3A_47 = arith.constant 0 : i32
      %dma_wait3A_48 = tpu.memref_slice %arg3[%multiple_of3A_33, %dma_wait3A_47] : memref<327680x128xf32, #tpu.memory_space<hbm>> -> memref<128x128xf32, #tpu.memory_space<hbm>>
      tpu.wait_dma2 semaphore(%arg13 : memref<!tpu.dma_semaphore, #tpu.memory_space<semaphore_mem>>) src(%dma_wait3A_48 : memref<128x128xf32, #tpu.memory_space<hbm>>) dst(%arg11 : memref<128x128xf32, #tpu.memory_space<vmem>>)
      %dma_start3A_49 = arith.constant 0 : i32
      %dma_start3A_50 = arith.constant 0 : i32
      %dma_start3A_51 = tpu.memref_slice %arg9[%dma_start3A_49, %dma_start3A_50] : memref<2x128xi32, #tpu.memory_space<vmem>> -> memref<1x128xi32, #tpu.memory_space<vmem>>
      %dma_start3A_52 = tpu.memref_squeeze %dma_start3A_51 : memref<1x128xi32, #tpu.memory_space<vmem>> -> memref<128xi32, #tpu.memory_space<vmem>>
      %dma_start3A_53 = arith.constant 0 : i32
      %dma_start3A_54 = arith.constant 0 : i32
      %dma_start3A_55 = tpu.memref_slice %arg2[%dma_start3A_53, %dma_start3A_54] : memref<10000x128xf32, #tpu.memory_space<hbm>> -> memref<10000x128xf32, #tpu.memory_space<hbm>>
      tpu.enqueue_indirect_dma source(%dma_start3A_55 : memref<10000x128xf32, #tpu.memory_space<hbm>>) target(%arg11 : memref<128x128xf32, #tpu.memory_space<vmem>>) offsets(%dma_start3A_52 : memref<128xi32, #tpu.memory_space<vmem>>) semaphore(%arg15 : memref<!tpu.dma_semaphore, #tpu.memory_space<semaphore_mem>>) {add = true}
      %dma_wait3A_56 = arith.constant 0 : i32
      %dma_wait3A_57 = tpu.memref_slice %arg3[%multiple_of3A_41, %dma_wait3A_56] : memref<327680x128xf32, #tpu.memory_space<hbm>> -> memref<128x128xf32, #tpu.memory_space<hbm>>
      %dma_wait3A_58 = arith.constant 0 : i32
      %dma_wait3A_59 = tpu.memref_slice %arg3[%multiple_of3A_41, %dma_wait3A_58] : memref<327680x128xf32, #tpu.memory_space<hbm>> -> memref<128x128xf32, #tpu.memory_space<hbm>>
      tpu.wait_dma2 semaphore(%arg14 : memref<!tpu.dma_semaphore, #tpu.memory_space<semaphore_mem>>) src(%dma_wait3A_59 : memref<128x128xf32, #tpu.memory_space<hbm>>) dst(%arg12 : memref<128x128xf32, #tpu.memory_space<vmem>>)
      %dma_start3A_60 = arith.constant 1 : i32
      %dma_start3A_61 = arith.constant 0 : i32
      %dma_start3A_62 = tpu.memref_slice %arg9[%dma_start3A_60, %dma_start3A_61] : memref<2x128xi32, #tpu.memory_space<vmem>> -> memref<1x128xi32, #tpu.memory_space<vmem>>
      %dma_start3A_63 = tpu.memref_squeeze %dma_start3A_62 : memref<1x128xi32, #tpu.memory_space<vmem>> -> memref<128xi32, #tpu.memory_space<vmem>>
      %dma_start3A_64 = arith.constant 0 : i32
      %dma_start3A_65 = arith.constant 0 : i32
      %dma_start3A_66 = tpu.memref_slice %arg2[%dma_start3A_64, %dma_start3A_65] : memref<10000x128xf32, #tpu.memory_space<hbm>> -> memref<10000x128xf32, #tpu.memory_space<hbm>>
      tpu.enqueue_indirect_dma source(%dma_start3A_66 : memref<10000x128xf32, #tpu.memory_space<hbm>>) target(%arg12 : memref<128x128xf32, #tpu.memory_space<vmem>>) offsets(%dma_start3A_63 : memref<128xi32, #tpu.memory_space<vmem>>) semaphore(%arg16 : memref<!tpu.dma_semaphore, #tpu.memory_space<semaphore_mem>>) {add = true}
      %dma_wait3A_67 = arith.constant 0 : i32
      %dma_wait3A_68 = arith.constant 0 : i32
      %dma_wait3A_69 = tpu.memref_slice %arg9[%dma_wait3A_67, %dma_wait3A_68] : memref<2x128xi32, #tpu.memory_space<vmem>> -> memref<1x128xi32, #tpu.memory_space<vmem>>
      %dma_wait3A_70 = tpu.memref_squeeze %dma_wait3A_69 : memref<1x128xi32, #tpu.memory_space<vmem>> -> memref<128xi32, #tpu.memory_space<vmem>>
      %dma_wait3A_71 = arith.constant 0 : i32
      %dma_wait3A_72 = arith.constant 0 : i32
      %dma_wait3A_73 = tpu.memref_slice %arg2[%dma_wait3A_71, %dma_wait3A_72] : memref<10000x128xf32, #tpu.memory_space<hbm>> -> memref<10000x128xf32, #tpu.memory_space<hbm>>
      tpu.wait_indirect_dma semaphore(%arg15 : memref<!tpu.dma_semaphore, #tpu.memory_space<semaphore_mem>>) src(%dma_wait3A_73 : memref<10000x128xf32, #tpu.memory_space<hbm>>) dst(%arg11 : memref<128x128xf32, #tpu.memory_space<vmem>>)
      %scan3A = arith.constant 0 : i32
      %scan3A_74 = arith.constant 0 : i32
      %scan3A_75 = arith.constant 128 : i32
      %scan3A_76 = arith.addi %scan3A_74, %scan3A_75 : i32
      %scan3A_77 = arith.constant 1 : i32
      %scan3A_78 = scf.for %scan3A_103 = %scan3A_74 to %scan3A_76 step %scan3A_77 iter_args(%scan3A_104 = %scan3A) -> (i32)  : i32 {
        %get3A = arith.index_cast %scan3A_103 : i32 to index
        %get3A_105 = arith.constant 0 : index
        %get3A_106 = tpu.vector_load %arg11[%get3A, %get3A_105] {strides = array<i32>} : memref<128x128xf32, #tpu.memory_space<vmem>>, vector<1x16xf32>,
        %get3A_107 = vector.shape_cast %get3A_106 : vector<1x16xf32> to vector<16xf32>
        %max3A = arith.constant -1.500000e+01 : f32
        %max3A_108 = vector.broadcast %max3A : f32 to vector<16xf32>
        %max3A_109 = arith.maximumf %get3A_107, %max3A_108 : vector<16xf32>
        %min3A = arith.constant 1.500000e+01 : f32
        %min3A_110 = vector.broadcast %min3A : f32 to vector<16xf32>
        %min3A_111 = arith.minimumf %max3A_109, %min3A_110 : vector<16xf32>
        %mul3A_112 = arith.constant 2.000000e+00 : f32
        %mul3A_113 = vector.broadcast %mul3A_112 : f32 to vector<16xf32>
        %mul3A_114 = arith.mulf %min3A_111, %mul3A_113 : vector<16xf32>
        %exp3A = math.exp %mul3A_114 : vector<16xf32>
        %add3A_115 = arith.constant 1.000000e+00 : f32
        %add3A_116 = vector.broadcast %add3A_115 : f32 to vector<16xf32>
        %add3A_117 = arith.addf %add3A_116, %exp3A : vector<16xf32>
        %div3A = arith.constant 2.000000e+00 : f32
        %div3A_118 = vector.broadcast %div3A : f32 to vector<16xf32>
        %div3A_119 = arith.divf %div3A_118, %add3A_117 : vector<16xf32>
        %sub3A = arith.constant 1.000000e+00 : f32
        %sub3A_120 = vector.broadcast %sub3A : f32 to vector<16xf32>
        %sub3A_121 = arith.subf %sub3A_120, %div3A_119 : vector<16xf32>
        %swap3A = arith.index_cast %scan3A_103 : i32 to index
        %swap3A_122 = arith.constant 0 : index
        %swap3A_123 = tpu.vector_load %arg11[%swap3A, %swap3A_122] {strides = array<i32>} : memref<128x128xf32, #tpu.memory_space<vmem>>, vector<1x16xf32>,
        %swap3A_124 = vector.shape_cast %swap3A_123 : vector<1x16xf32> to vector<16xf32>
        %swap3A_125 = vector.shape_cast %sub3A_121 : vector<16xf32> to vector<1x16xf32>
        tpu.vector_store %arg11[%swap3A, %swap3A_122], %swap3A_125 {strides = array<i32>} : memref<128x128xf32, #tpu.memory_space<vmem>>, vector<1x16xf32>,
        %get3A_126 = arith.index_cast %scan3A_103 : i32 to index
        %get3A_127 = arith.constant 16 : index
        %get3A_128 = tpu.vector_load %arg11[%get3A_126, %get3A_127] {strides = array<i32>} : memref<128x128xf32, #tpu.memory_space<vmem>>, vector<1x16xf32>,
        %get3A_129 = vector.shape_cast %get3A_128 : vector<1x16xf32> to vector<16xf32>
        %max3A_130 = arith.constant -1.500000e+01 : f32
        %max3A_131 = vector.broadcast %max3A_130 : f32 to vector<16xf32>
        %max3A_132 = arith.maximumf %get3A_129, %max3A_131 : vector<16xf32>
        %min3A_133 = arith.constant 1.500000e+01 : f32
        %min3A_134 = vector.broadcast %min3A_133 : f32 to vector<16xf32>
        %min3A_135 = arith.minimumf %max3A_132, %min3A_134 : vector<16xf32>
        %mul3A_136 = arith.constant 2.000000e+00 : f32
        %mul3A_137 = vector.broadcast %mul3A_136 : f32 to vector<16xf32>
        %mul3A_138 = arith.mulf %min3A_135, %mul3A_137 : vector<16xf32>
        %exp3A_139 = math.exp %mul3A_138 : vector<16xf32>
        %add3A_140 = arith.constant 1.000000e+00 : f32
        %add3A_141 = vector.broadcast %add3A_140 : f32 to vector<16xf32>
        %add3A_142 = arith.addf %add3A_141, %exp3A_139 : vector<16xf32>
        %div3A_143 = arith.constant 2.000000e+00 : f32
        %div3A_144 = vector.broadcast %div3A_143 : f32 to vector<16xf32>
        %div3A_145 = arith.divf %div3A_144, %add3A_142 : vector<16xf32>
        %sub3A_146 = arith.constant 1.000000e+00 : f32
        %sub3A_147 = vector.broadcast %sub3A_146 : f32 to vector<16xf32>
        %sub3A_148 = arith.subf %sub3A_147, %div3A_145 : vector<16xf32>
        %swap3A_149 = arith.index_cast %scan3A_103 : i32 to index
        %swap3A_150 = arith.constant 16 : index
        %swap3A_151 = tpu.vector_load %arg11[%swap3A_149, %swap3A_150] {strides = array<i32>} : memref<128x128xf32, #tpu.memory_space<vmem>>, vector<1x16xf32>,
        %swap3A_152 = vector.shape_cast %swap3A_151 : vector<1x16xf32> to vector<16xf32>
        %swap3A_153 = vector.shape_cast %sub3A_148 : vector<16xf32> to vector<1x16xf32>
        tpu.vector_store %arg11[%swap3A_149, %swap3A_150], %swap3A_153 {strides = array<i32>} : memref<128x128xf32, #tpu.memory_space<vmem>>, vector<1x16xf32>,
        %get3A_154 = arith.index_cast %scan3A_103 : i32 to index
        %get3A_155 = arith.constant 32 : index
        %get3A_156 = tpu.vector_load %arg11[%get3A_154, %get3A_155] {strides = array<i32>} : memref<128x128xf32, #tpu.memory_space<vmem>>, vector<1x16xf32>,
        %get3A_157 = vector.shape_cast %get3A_156 : vector<1x16xf32> to vector<16xf32>
        %max3A_158 = arith.constant -1.500000e+01 : f32
        %max3A_159 = vector.broadcast %max3A_158 : f32 to vector<16xf32>
        %max3A_160 = arith.maximumf %get3A_157, %max3A_159 : vector<16xf32>
        %min3A_161 = arith.constant 1.500000e+01 : f32
        %min3A_162 = vector.broadcast %min3A_161 : f32 to vector<16xf32>
        %min3A_163 = arith.minimumf %max3A_160, %min3A_162 : vector<16xf32>
        %mul3A_164 = arith.constant 2.000000e+00 : f32
        %mul3A_165 = vector.broadcast %mul3A_164 : f32 to vector<16xf32>
        %mul3A_166 = arith.mulf %min3A_163, %mul3A_165 : vector<16xf32>
        %exp3A_167 = math.exp %mul3A_166 : vector<16xf32>
        %add3A_168 = arith.constant 1.000000e+00 : f32
        %add3A_169 = vector.broadcast %add3A_168 : f32 to vector<16xf32>
        %add3A_170 = arith.addf %add3A_169, %exp3A_167 : vector<16xf32>
        %div3A_171 = arith.constant 2.000000e+00 : f32
        %div3A_172 = vector.broadcast %div3A_171 : f32 to vector<16xf32>
        %div3A_173 = arith.divf %div3A_172, %add3A_170 : vector<16xf32>
        %sub3A_174 = arith.constant 1.000000e+00 : f32
        %sub3A_175 = vector.broadcast %sub3A_174 : f32 to vector<16xf32>
        %sub3A_176 = arith.subf %sub3A_175, %div3A_173 : vector<16xf32>
        %swap3A_177 = arith.index_cast %scan3A_103 : i32 to index
        %swap3A_178 = arith.constant 32 : index
        %swap3A_179 = tpu.vector_load %arg11[%swap3A_177, %swap3A_178] {strides = array<i32>} : memref<128x128xf32, #tpu.memory_space<vmem>>, vector<1x16xf32>,
        %swap3A_180 = vector.shape_cast %swap3A_179 : vector<1x16xf32> to vector<16xf32>
        %swap3A_181 = vector.shape_cast %sub3A_176 : vector<16xf32> to vector<1x16xf32>
        tpu.vector_store %arg11[%swap3A_177, %swap3A_178], %swap3A_181 {strides = array<i32>} : memref<128x128xf32, #tpu.memory_space<vmem>>, vector<1x16xf32>,
        %get3A_182 = arith.index_cast %scan3A_103 : i32 to index
        %get3A_183 = arith.constant 48 : index
        %get3A_184 = tpu.vector_load %arg11[%get3A_182, %get3A_183] {strides = array<i32>} : memref<128x128xf32, #tpu.memory_space<vmem>>, vector<1x16xf32>,
        %get3A_185 = vector.shape_cast %get3A_184 : vector<1x16xf32> to vector<16xf32>
        %max3A_186 = arith.constant -1.500000e+01 : f32
        %max3A_187 = vector.broadcast %max3A_186 : f32 to vector<16xf32>
        %max3A_188 = arith.maximumf %get3A_185, %max3A_187 : vector<16xf32>
        %min3A_189 = arith.constant 1.500000e+01 : f32
        %min3A_190 = vector.broadcast %min3A_189 : f32 to vector<16xf32>
        %min3A_191 = arith.minimumf %max3A_188, %min3A_190 : vector<16xf32>
        %mul3A_192 = arith.constant 2.000000e+00 : f32
        %mul3A_193 = vector.broadcast %mul3A_192 : f32 to vector<16xf32>
        %mul3A_194 = arith.mulf %min3A_191, %mul3A_193 : vector<16xf32>
        %exp3A_195 = math.exp %mul3A_194 : vector<16xf32>
        %add3A_196 = arith.constant 1.000000e+00 : f32
        %add3A_197 = vector.broadcast %add3A_196 : f32 to vector<16xf32>
        %add3A_198 = arith.addf %add3A_197, %exp3A_195 : vector<16xf32>
        %div3A_199 = arith.constant 2.000000e+00 : f32
        %div3A_200 = vector.broadcast %div3A_199 : f32 to vector<16xf32>
        %div3A_201 = arith.divf %div3A_200, %add3A_198 : vector<16xf32>
        %sub3A_202 = arith.constant 1.000000e+00 : f32
        %sub3A_203 = vector.broadcast %sub3A_202 : f32 to vector<16xf32>
        %sub3A_204 = arith.subf %sub3A_203, %div3A_201 : vector<16xf32>
        %swap3A_205 = arith.index_cast %scan3A_103 : i32 to index
        %swap3A_206 = arith.constant 48 : index
        %swap3A_207 = tpu.vector_load %arg11[%swap3A_205, %swap3A_206] {strides = array<i32>} : memref<128x128xf32, #tpu.memory_space<vmem>>, vector<1x16xf32>,
        %swap3A_208 = vector.shape_cast %swap3A_207 : vector<1x16xf32> to vector<16xf32>
        %swap3A_209 = vector.shape_cast %sub3A_204 : vector<16xf32> to vector<1x16xf32>
        tpu.vector_store %arg11[%swap3A_205, %swap3A_206], %swap3A_209 {strides = array<i32>} : memref<128x128xf32, #tpu.memory_space<vmem>>, vector<1x16xf32>,
        %get3A_210 = arith.index_cast %scan3A_103 : i32 to index
        %get3A_211 = arith.constant 64 : index
        %get3A_212 = tpu.vector_load %arg11[%get3A_210, %get3A_211] {strides = array<i32>} : memref<128x128xf32, #tpu.memory_space<vmem>>, vector<1x16xf32>,
        %get3A_213 = vector.shape_cast %get3A_212 : vector<1x16xf32> to vector<16xf32>
        %max3A_214 = arith.constant -1.500000e+01 : f32
        %max3A_215 = vector.broadcast %max3A_214 : f32 to vector<16xf32>
        %max3A_216 = arith.maximumf %get3A_213, %max3A_215 : vector<16xf32>
        %min3A_217 = arith.constant 1.500000e+01 : f32
        %min3A_218 = vector.broadcast %min3A_217 : f32 to vector<16xf32>
        %min3A_219 = arith.minimumf %max3A_216, %min3A_218 : vector<16xf32>
        %mul3A_220 = arith.constant 2.000000e+00 : f32
        %mul3A_221 = vector.broadcast %mul3A_220 : f32 to vector<16xf32>
        %mul3A_222 = arith.mulf %min3A_219, %mul3A_221 : vector<16xf32>
        %exp3A_223 = math.exp %mul3A_222 : vector<16xf32>
        %add3A_224 = arith.constant 1.000000e+00 : f32
        %add3A_225 = vector.broadcast %add3A_224 : f32 to vector<16xf32>
        %add3A_226 = arith.addf %add3A_225, %exp3A_223 : vector<16xf32>
        %div3A_227 = arith.constant 2.000000e+00 : f32
        %div3A_228 = vector.broadcast %div3A_227 : f32 to vector<16xf32>
        %div3A_229 = arith.divf %div3A_228, %add3A_226 : vector<16xf32>
        %sub3A_230 = arith.constant 1.000000e+00 : f32
        %sub3A_231 = vector.broadcast %sub3A_230 : f32 to vector<16xf32>
        %sub3A_232 = arith.subf %sub3A_231, %div3A_229 : vector<16xf32>
        %swap3A_233 = arith.index_cast %scan3A_103 : i32 to index
        %swap3A_234 = arith.constant 64 : index
        %swap3A_235 = tpu.vector_load %arg11[%swap3A_233, %swap3A_234] {strides = array<i32>} : memref<128x128xf32, #tpu.memory_space<vmem>>, vector<1x16xf32>,
        %swap3A_236 = vector.shape_cast %swap3A_235 : vector<1x16xf32> to vector<16xf32>
        %swap3A_237 = vector.shape_cast %sub3A_232 : vector<16xf32> to vector<1x16xf32>
        tpu.vector_store %arg11[%swap3A_233, %swap3A_234], %swap3A_237 {strides = array<i32>} : memref<128x128xf32, #tpu.memory_space<vmem>>, vector<1x16xf32>,
        %get3A_238 = arith.index_cast %scan3A_103 : i32 to index
        %get3A_239 = arith.constant 80 : index
        %get3A_240 = tpu.vector_load %arg11[%get3A_238, %get3A_239] {strides = array<i32>} : memref<128x128xf32, #tpu.memory_space<vmem>>, vector<1x16xf32>,
        %get3A_241 = vector.shape_cast %get3A_240 : vector<1x16xf32> to vector<16xf32>
        %max3A_242 = arith.constant -1.500000e+01 : f32
        %max3A_243 = vector.broadcast %max3A_242 : f32 to vector<16xf32>
        %max3A_244 = arith.maximumf %get3A_241, %max3A_243 : vector<16xf32>
        %min3A_245 = arith.constant 1.500000e+01 : f32
        %min3A_246 = vector.broadcast %min3A_245 : f32 to vector<16xf32>
        %min3A_247 = arith.minimumf %max3A_244, %min3A_246 : vector<16xf32>
        %mul3A_248 = arith.constant 2.000000e+00 : f32
        %mul3A_249 = vector.broadcast %mul3A_248 : f32 to vector<16xf32>
        %mul3A_250 = arith.mulf %min3A_247, %mul3A_249 : vector<16xf32>
        %exp3A_251 = math.exp %mul3A_250 : vector<16xf32>
        %add3A_252 = arith.constant 1.000000e+00 : f32
        %add3A_253 = vector.broadcast %add3A_252 : f32 to vector<16xf32>
        %add3A_254 = arith.addf %add3A_253, %exp3A_251 : vector<16xf32>
        %div3A_255 = arith.constant 2.000000e+00 : f32
        %div3A_256 = vector.broadcast %div3A_255 : f32 to vector<16xf32>
        %div3A_257 = arith.divf %div3A_256, %add3A_254 : vector<16xf32>
        %sub3A_258 = arith.constant 1.000000e+00 : f32
        %sub3A_259 = vector.broadcast %sub3A_258 : f32 to vector<16xf32>
        %sub3A_260 = arith.subf %sub3A_259, %div3A_257 : vector<16xf32>
        %swap3A_261 = arith.index_cast %scan3A_103 : i32 to index
        %swap3A_262 = arith.constant 80 : index
        %swap3A_263 = tpu.vector_load %arg11[%swap3A_261, %swap3A_262] {strides = array<i32>} : memref<128x128xf32, #tpu.memory_space<vmem>>, vector<1x16xf32>,
        %swap3A_264 = vector.shape_cast %swap3A_263 : vector<1x16xf32> to vector<16xf32>
        %swap3A_265 = vector.shape_cast %sub3A_260 : vector<16xf32> to vector<1x16xf32>
        tpu.vector_store %arg11[%swap3A_261, %swap3A_262], %swap3A_265 {strides = array<i32>} : memref<128x128xf32, #tpu.memory_space<vmem>>, vector<1x16xf32>,
        %get3A_266 = arith.index_cast %scan3A_103 : i32 to index
        %get3A_267 = arith.constant 96 : index
        %get3A_268 = tpu.vector_load %arg11[%get3A_266, %get3A_267] {strides = array<i32>} : memref<128x128xf32, #tpu.memory_space<vmem>>, vector<1x16xf32>,
        %get3A_269 = vector.shape_cast %get3A_268 : vector<1x16xf32> to vector<16xf32>
        %max3A_270 = arith.constant -1.500000e+01 : f32
        %max3A_271 = vector.broadcast %max3A_270 : f32 to vector<16xf32>
        %max3A_272 = arith.maximumf %get3A_269, %max3A_271 : vector<16xf32>
        %min3A_273 = arith.constant 1.500000e+01 : f32
        %min3A_274 = vector.broadcast %min3A_273 : f32 to vector<16xf32>
        %min3A_275 = arith.minimumf %max3A_272, %min3A_274 : vector<16xf32>
        %mul3A_276 = arith.constant 2.000000e+00 : f32
        %mul3A_277 = vector.broadcast %mul3A_276 : f32 to vector<16xf32>
        %mul3A_278 = arith.mulf %min3A_275, %mul3A_277 : vector<16xf32>
        %exp3A_279 = math.exp %mul3A_278 : vector<16xf32>
        %add3A_280 = arith.constant 1.000000e+00 : f32
        %add3A_281 = vector.broadcast %add3A_280 : f32 to vector<16xf32>
        %add3A_282 = arith.addf %add3A_281, %exp3A_279 : vector<16xf32>
        %div3A_283 = arith.constant 2.000000e+00 : f32
        %div3A_284 = vector.broadcast %div3A_283 : f32 to vector<16xf32>
        %div3A_285 = arith.divf %div3A_284, %add3A_282 : vector<16xf32>
        %sub3A_286 = arith.constant 1.000000e+00 : f32
        %sub3A_287 = vector.broadcast %sub3A_286 : f32 to vector<16xf32>
        %sub3A_288 = arith.subf %sub3A_287, %div3A_285 : vector<16xf32>
        %swap3A_289 = arith.index_cast %scan3A_103 : i32 to index
        %swap3A_290 = arith.constant 96 : index
        %swap3A_291 = tpu.vector_load %arg11[%swap3A_289, %swap3A_290] {strides = array<i32>} : memref<128x128xf32, #tpu.memory_space<vmem>>, vector<1x16xf32>,
        %swap3A_292 = vector.shape_cast %swap3A_291 : vector<1x16xf32> to vector<16xf32>
        %swap3A_293 = vector.shape_cast %sub3A_288 : vector<16xf32> to vector<1x16xf32>
        tpu.vector_store %arg11[%swap3A_289, %swap3A_290], %swap3A_293 {strides = array<i32>} : memref<128x128xf32, #tpu.memory_space<vmem>>, vector<1x16xf32>,
        %get3A_294 = arith.index_cast %scan3A_103 : i32 to index
        %get3A_295 = arith.constant 112 : index
        %get3A_296 = tpu.vector_load %arg11[%get3A_294, %get3A_295] {strides = array<i32>} : memref<128x128xf32, #tpu.memory_space<vmem>>, vector<1x16xf32>,
        %get3A_297 = vector.shape_cast %get3A_296 : vector<1x16xf32> to vector<16xf32>
        %max3A_298 = arith.constant -1.500000e+01 : f32
        %max3A_299 = vector.broadcast %max3A_298 : f32 to vector<16xf32>
        %max3A_300 = arith.maximumf %get3A_297, %max3A_299 : vector<16xf32>
        %min3A_301 = arith.constant 1.500000e+01 : f32
        %min3A_302 = vector.broadcast %min3A_301 : f32 to vector<16xf32>
        %min3A_303 = arith.minimumf %max3A_300, %min3A_302 : vector<16xf32>
        %mul3A_304 = arith.constant 2.000000e+00 : f32
        %mul3A_305 = vector.broadcast %mul3A_304 : f32 to vector<16xf32>
        %mul3A_306 = arith.mulf %min3A_303, %mul3A_305 : vector<16xf32>
        %exp3A_307 = math.exp %mul3A_306 : vector<16xf32>
        %add3A_308 = arith.constant 1.000000e+00 : f32
        %add3A_309 = vector.broadcast %add3A_308 : f32 to vector<16xf32>
        %add3A_310 = arith.addf %add3A_309, %exp3A_307 : vector<16xf32>
        %div3A_311 = arith.constant 2.000000e+00 : f32
        %div3A_312 = vector.broadcast %div3A_311 : f32 to vector<16xf32>
        %div3A_313 = arith.divf %div3A_312, %add3A_310 : vector<16xf32>
        %sub3A_314 = arith.constant 1.000000e+00 : f32
        %sub3A_315 = vector.broadcast %sub3A_314 : f32 to vector<16xf32>
        %sub3A_316 = arith.subf %sub3A_315, %div3A_313 : vector<16xf32>
        %swap3A_317 = arith.index_cast %scan3A_103 : i32 to index
        %swap3A_318 = arith.constant 112 : index
        %swap3A_319 = tpu.vector_load %arg11[%swap3A_317, %swap3A_318] {strides = array<i32>} : memref<128x128xf32, #tpu.memory_space<vmem>>, vector<1x16xf32>,
        %swap3A_320 = vector.shape_cast %swap3A_319 : vector<1x16xf32> to vector<16xf32>
        %swap3A_321 = vector.shape_cast %sub3A_316 : vector<16xf32> to vector<1x16xf32>
        tpu.vector_store %arg11[%swap3A_317, %swap3A_318], %swap3A_321 {strides = array<i32>} : memref<128x128xf32, #tpu.memory_space<vmem>>, vector<1x16xf32>,
        %scan3A_322 = arith.constant 0 : i32
        scf.yield %scan3A_322 : i32
      }
      %scan3A_79 = arith.constant 128 : i32
      %mul3A_80 = arith.constant 128 : i32
      %mul3A_81 = arith.muli %add3A_27, %mul3A_80 : i32
      %multiple_of3A_82 = tpu.assume_multiple %mul3A_81, 128 : i32
      %run_scoped3A_83 = arith.constant 0 : i32
      "tpu.region"() ({
        %run_scoped3A_103 = tpu.sem_alloc : memref<!tpu.dma_semaphore, #tpu.memory_space<semaphore_mem>>
        %dma_start3A_104 = arith.constant 0 : i32
        %dma_start3A_105 = tpu.memref_slice %arg10[%run_scoped3A_83, %dma_start3A_104] : memref<2x128xi32, #tpu.memory_space<vmem>> -> memref<1x128xi32, #tpu.memory_space<vmem>>
        %dma_start3A_106 = tpu.memref_squeeze %dma_start3A_105 : memref<1x128xi32, #tpu.memory_space<vmem>> -> memref<128xi32, #tpu.memory_space<vmem>>
        %dma_start3A_107 = arith.constant 0 : i32
        %dma_start3A_108 = arith.constant 0 : i32
        %dma_start3A_109 = tpu.memref_slice %arg8[%dma_start3A_107, %dma_start3A_108] : memref<10112x128xf32, #tpu.memory_space<vmem_shared>> -> memref<10112x128xf32, #tpu.memory_space<vmem_shared>>
        tpu.enqueue_indirect_dma source(%arg11 : memref<128x128xf32, #tpu.memory_space<vmem>>) target(%dma_start3A_109 : memref<10112x128xf32, #tpu.memory_space<vmem_shared>>) offsets(%dma_start3A_106 : memref<128xi32, #tpu.memory_space<vmem>>) semaphore(%run_scoped3A_103 : memref<!tpu.dma_semaphore, #tpu.memory_space<semaphore_mem>>) {add = true}
        %dma_wait3A_110 = arith.constant 0 : i32
        %dma_wait3A_111 = tpu.memref_slice %arg10[%run_scoped3A_83, %dma_wait3A_110] : memref<2x128xi32, #tpu.memory_space<vmem>> -> memref<1x128xi32, #tpu.memory_space<vmem>>
        %dma_wait3A_112 = tpu.memref_squeeze %dma_wait3A_111 : memref<1x128xi32, #tpu.memory_space<vmem>> -> memref<128xi32, #tpu.memory_space<vmem>>
        %dma_wait3A_113 = arith.constant 0 : i32
        %dma_wait3A_114 = arith.constant 0 : i32
        %dma_wait3A_115 = tpu.memref_slice %arg8[%dma_wait3A_113, %dma_wait3A_114] : memref<10112x128xf32, #tpu.memory_space<vmem_shared>> -> memref<10112x128xf32, #tpu.memory_space<vmem_shared>>
        tpu.wait_indirect_dma semaphore(%run_scoped3A_103 : memref<!tpu.dma_semaphore, #tpu.memory_space<semaphore_mem>>) src(%arg11 : memref<128x128xf32, #tpu.memory_space<vmem>>) dst(%dma_wait3A_115 : memref<10112x128xf32, #tpu.memory_space<vmem_shared>>)
        tpu.yield
      }) : () -> ()
      %dma_wait3A_84 = arith.constant 1 : i32
      %dma_wait3A_85 = arith.constant 0 : i32
      %dma_wait3A_86 = tpu.memref_slice %arg9[%dma_wait3A_84, %dma_wait3A_85] : memref<2x128xi32, #tpu.memory_space<vmem>> -> memref<1x128xi32, #tpu.memory_space<vmem>>
      %dma_wait3A_87 = tpu.memref_squeeze %dma_wait3A_86 : memref<1x128xi32, #tpu.memory_space<vmem>> -> memref<128xi32, #tpu.memory_space<vmem>>
      %dma_wait3A_88 = arith.constant 0 : i32
      %dma_wait3A_89 = arith.constant 0 : i32
      %dma_wait3A_90 = tpu.memref_slice %arg2[%dma_wait3A_88, %dma_wait3A_89] : memref<10000x128xf32, #tpu.memory_space<hbm>> -> memref<10000x128xf32, #tpu.memory_space<hbm>>
      tpu.wait_indirect_dma semaphore(%arg16 : memref<!tpu.dma_semaphore, #tpu.memory_space<semaphore_mem>>) src(%dma_wait3A_90 : memref<10000x128xf32, #tpu.memory_space<hbm>>) dst(%arg12 : memref<128x128xf32, #tpu.memory_space<vmem>>)
      %scan3A_91 = arith.constant 0 : i32
      %scan3A_92 = arith.constant 0 : i32
      %scan3A_93 = arith.constant 128 : i32
      %scan3A_94 = arith.addi %scan3A_92, %scan3A_93 : i32
      %scan3A_95 = arith.constant 1 : i32
      %scan3A_96 = scf.for %scan3A_103 = %scan3A_92 to %scan3A_94 step %scan3A_95 iter_args(%scan3A_104 = %scan3A_91) -> (i32)  : i32 {
        %get3A = arith.index_cast %scan3A_103 : i32 to index
        %get3A_105 = arith.constant 0 : index
        %get3A_106 = tpu.vector_load %arg12[%get3A, %get3A_105] {strides = array<i32>} : memref<128x128xf32, #tpu.memory_space<vmem>>, vector<1x16xf32>,
        %get3A_107 = vector.shape_cast %get3A_106 : vector<1x16xf32> to vector<16xf32>
        %max3A = arith.constant -1.500000e+01 : f32
        %max3A_108 = vector.broadcast %max3A : f32 to vector<16xf32>
        %max3A_109 = arith.maximumf %get3A_107, %max3A_108 : vector<16xf32>
        %min3A = arith.constant 1.500000e+01 : f32
        %min3A_110 = vector.broadcast %min3A : f32 to vector<16xf32>
        %min3A_111 = arith.minimumf %max3A_109, %min3A_110 : vector<16xf32>
        %mul3A_112 = arith.constant 2.000000e+00 : f32
        %mul3A_113 = vector.broadcast %mul3A_112 : f32 to vector<16xf32>
        %mul3A_114 = arith.mulf %min3A_111, %mul3A_113 : vector<16xf32>
        %exp3A = math.exp %mul3A_114 : vector<16xf32>
        %add3A_115 = arith.constant 1.000000e+00 : f32
        %add3A_116 = vector.broadcast %add3A_115 : f32 to vector<16xf32>
        %add3A_117 = arith.addf %add3A_116, %exp3A : vector<16xf32>
        %div3A = arith.constant 2.000000e+00 : f32
        %div3A_118 = vector.broadcast %div3A : f32 to vector<16xf32>
        %div3A_119 = arith.divf %div3A_118, %add3A_117 : vector<16xf32>
        %sub3A = arith.constant 1.000000e+00 : f32
        %sub3A_120 = vector.broadcast %sub3A : f32 to vector<16xf32>
        %sub3A_121 = arith.subf %sub3A_120, %div3A_119 : vector<16xf32>
        %swap3A = arith.index_cast %scan3A_103 : i32 to index
        %swap3A_122 = arith.constant 0 : index
        %swap3A_123 = tpu.vector_load %arg12[%swap3A, %swap3A_122] {strides = array<i32>} : memref<128x128xf32, #tpu.memory_space<vmem>>, vector<1x16xf32>,
        %swap3A_124 = vector.shape_cast %swap3A_123 : vector<1x16xf32> to vector<16xf32>
        %swap3A_125 = vector.shape_cast %sub3A_121 : vector<16xf32> to vector<1x16xf32>
        tpu.vector_store %arg12[%swap3A, %swap3A_122], %swap3A_125 {strides = array<i32>} : memref<128x128xf32, #tpu.memory_space<vmem>>, vector<1x16xf32>,
        %get3A_126 = arith.index_cast %scan3A_103 : i32 to index
        %get3A_127 = arith.constant 16 : index
        %get3A_128 = tpu.vector_load %arg12[%get3A_126, %get3A_127] {strides = array<i32>} : memref<128x128xf32, #tpu.memory_space<vmem>>, vector<1x16xf32>,
        %get3A_129 = vector.shape_cast %get3A_128 : vector<1x16xf32> to vector<16xf32>
        %max3A_130 = arith.constant -1.500000e+01 : f32
        %max3A_131 = vector.broadcast %max3A_130 : f32 to vector<16xf32>
        %max3A_132 = arith.maximumf %get3A_129, %max3A_131 : vector<16xf32>
        %min3A_133 = arith.constant 1.500000e+01 : f32
        %min3A_134 = vector.broadcast %min3A_133 : f32 to vector<16xf32>
        %min3A_135 = arith.minimumf %max3A_132, %min3A_134 : vector<16xf32>
        %mul3A_136 = arith.constant 2.000000e+00 : f32
        %mul3A_137 = vector.broadcast %mul3A_136 : f32 to vector<16xf32>
        %mul3A_138 = arith.mulf %min3A_135, %mul3A_137 : vector<16xf32>
        %exp3A_139 = math.exp %mul3A_138 : vector<16xf32>
        %add3A_140 = arith.constant 1.000000e+00 : f32
        %add3A_141 = vector.broadcast %add3A_140 : f32 to vector<16xf32>
        %add3A_142 = arith.addf %add3A_141, %exp3A_139 : vector<16xf32>
        %div3A_143 = arith.constant 2.000000e+00 : f32
        %div3A_144 = vector.broadcast %div3A_143 : f32 to vector<16xf32>
        %div3A_145 = arith.divf %div3A_144, %add3A_142 : vector<16xf32>
        %sub3A_146 = arith.constant 1.000000e+00 : f32
        %sub3A_147 = vector.broadcast %sub3A_146 : f32 to vector<16xf32>
        %sub3A_148 = arith.subf %sub3A_147, %div3A_145 : vector<16xf32>
        %swap3A_149 = arith.index_cast %scan3A_103 : i32 to index
        %swap3A_150 = arith.constant 16 : index
        %swap3A_151 = tpu.vector_load %arg12[%swap3A_149, %swap3A_150] {strides = array<i32>} : memref<128x128xf32, #tpu.memory_space<vmem>>, vector<1x16xf32>,
        %swap3A_152 = vector.shape_cast %swap3A_151 : vector<1x16xf32> to vector<16xf32>
        %swap3A_153 = vector.shape_cast %sub3A_148 : vector<16xf32> to vector<1x16xf32>
        tpu.vector_store %arg12[%swap3A_149, %swap3A_150], %swap3A_153 {strides = array<i32>} : memref<128x128xf32, #tpu.memory_space<vmem>>, vector<1x16xf32>,
        %get3A_154 = arith.index_cast %scan3A_103 : i32 to index
        %get3A_155 = arith.constant 32 : index
        %get3A_156 = tpu.vector_load %arg12[%get3A_154, %get3A_155] {strides = array<i32>} : memref<128x128xf32, #tpu.memory_space<vmem>>, vector<1x16xf32>,
        %get3A_157 = vector.shape_cast %get3A_156 : vector<1x16xf32> to vector<16xf32>
        %max3A_158 = arith.constant -1.500000e+01 : f32
        %max3A_159 = vector.broadcast %max3A_158 : f32 to vector<16xf32>
        %max3A_160 = arith.maximumf %get3A_157, %max3A_159 : vector<16xf32>
        %min3A_161 = arith.constant 1.500000e+01 : f32
        %min3A_162 = vector.broadcast %min3A_161 : f32 to vector<16xf32>
        %min3A_163 = arith.minimumf %max3A_160, %min3A_162 : vector<16xf32>
        %mul3A_164 = arith.constant 2.000000e+00 : f32
        %mul3A_165 = vector.broadcast %mul3A_164 : f32 to vector<16xf32>
        %mul3A_166 = arith.mulf %min3A_163, %mul3A_165 : vector<16xf32>
        %exp3A_167 = math.exp %mul3A_166 : vector<16xf32>
        %add3A_168 = arith.constant 1.000000e+00 : f32
        %add3A_169 = vector.broadcast %add3A_168 : f32 to vector<16xf32>
        %add3A_170 = arith.addf %add3A_169, %exp3A_167 : vector<16xf32>
        %div3A_171 = arith.constant 2.000000e+00 : f32
        %div3A_172 = vector.broadcast %div3A_171 : f32 to vector<16xf32>
        %div3A_173 = arith.divf %div3A_172, %add3A_170 : vector<16xf32>
        %sub3A_174 = arith.constant 1.000000e+00 : f32
        %sub3A_175 = vector.broadcast %sub3A_174 : f32 to vector<16xf32>
        %sub3A_176 = arith.subf %sub3A_175, %div3A_173 : vector<16xf32>
        %swap3A_177 = arith.index_cast %scan3A_103 : i32 to index
        %swap3A_178 = arith.constant 32 : index
        %swap3A_179 = tpu.vector_load %arg12[%swap3A_177, %swap3A_178] {strides = array<i32>} : memref<128x128xf32, #tpu.memory_space<vmem>>, vector<1x16xf32>,
        %swap3A_180 = vector.shape_cast %swap3A_179 : vector<1x16xf32> to vector<16xf32>
        %swap3A_181 = vector.shape_cast %sub3A_176 : vector<16xf32> to vector<1x16xf32>
        tpu.vector_store %arg12[%swap3A_177, %swap3A_178], %swap3A_181 {strides = array<i32>} : memref<128x128xf32, #tpu.memory_space<vmem>>, vector<1x16xf32>,
        %get3A_182 = arith.index_cast %scan3A_103 : i32 to index
        %get3A_183 = arith.constant 48 : index
        %get3A_184 = tpu.vector_load %arg12[%get3A_182, %get3A_183] {strides = array<i32>} : memref<128x128xf32, #tpu.memory_space<vmem>>, vector<1x16xf32>,
        %get3A_185 = vector.shape_cast %get3A_184 : vector<1x16xf32> to vector<16xf32>
        %max3A_186 = arith.constant -1.500000e+01 : f32
        %max3A_187 = vector.broadcast %max3A_186 : f32 to vector<16xf32>
        %max3A_188 = arith.maximumf %get3A_185, %max3A_187 : vector<16xf32>
        %min3A_189 = arith.constant 1.500000e+01 : f32
        %min3A_190 = vector.broadcast %min3A_189 : f32 to vector<16xf32>
        %min3A_191 = arith.minimumf %max3A_188, %min3A_190 : vector<16xf32>
        %mul3A_192 = arith.constant 2.000000e+00 : f32
        %mul3A_193 = vector.broadcast %mul3A_192 : f32 to vector<16xf32>
        %mul3A_194 = arith.mulf %min3A_191, %mul3A_193 : vector<16xf32>
        %exp3A_195 = math.exp %mul3A_194 : vector<16xf32>
        %add3A_196 = arith.constant 1.000000e+00 : f32
        %add3A_197 = vector.broadcast %add3A_196 : f32 to vector<16xf32>
        %add3A_198 = arith.addf %add3A_197, %exp3A_195 : vector<16xf32>
        %div3A_199 = arith.constant 2.000000e+00 : f32
        %div3A_200 = vector.broadcast %div3A_199 : f32 to vector<16xf32>
        %div3A_201 = arith.divf %div3A_200, %add3A_198 : vector<16xf32>
        %sub3A_202 = arith.constant 1.000000e+00 : f32
        %sub3A_203 = vector.broadcast %sub3A_202 : f32 to vector<16xf32>
        %sub3A_204 = arith.subf %sub3A_203, %div3A_201 : vector<16xf32>
        %swap3A_205 = arith.index_cast %scan3A_103 : i32 to index
        %swap3A_206 = arith.constant 48 : index
        %swap3A_207 = tpu.vector_load %arg12[%swap3A_205, %swap3A_206] {strides = array<i32>} : memref<128x128xf32, #tpu.memory_space<vmem>>, vector<1x16xf32>,
        %swap3A_208 = vector.shape_cast %swap3A_207 : vector<1x16xf32> to vector<16xf32>
        %swap3A_209 = vector.shape_cast %sub3A_204 : vector<16xf32> to vector<1x16xf32>
        tpu.vector_store %arg12[%swap3A_205, %swap3A_206], %swap3A_209 {strides = array<i32>} : memref<128x128xf32, #tpu.memory_space<vmem>>, vector<1x16xf32>,
        %get3A_210 = arith.index_cast %scan3A_103 : i32 to index
        %get3A_211 = arith.constant 64 : index
        %get3A_212 = tpu.vector_load %arg12[%get3A_210, %get3A_211] {strides = array<i32>} : memref<128x128xf32, #tpu.memory_space<vmem>>, vector<1x16xf32>,
        %get3A_213 = vector.shape_cast %get3A_212 : vector<1x16xf32> to vector<16xf32>
        %max3A_214 = arith.constant -1.500000e+01 : f32
        %max3A_215 = vector.broadcast %max3A_214 : f32 to vector<16xf32>
        %max3A_216 = arith.maximumf %get3A_213, %max3A_215 : vector<16xf32>
        %min3A_217 = arith.constant 1.500000e+01 : f32
        %min3A_218 = vector.broadcast %min3A_217 : f32 to vector<16xf32>
        %min3A_219 = arith.minimumf %max3A_216, %min3A_218 : vector<16xf32>
        %mul3A_220 = arith.constant 2.000000e+00 : f32
        %mul3A_221 = vector.broadcast %mul3A_220 : f32 to vector<16xf32>
        %mul3A_222 = arith.mulf %min3A_219, %mul3A_221 : vector<16xf32>
        %exp3A_223 = math.exp %mul3A_222 : vector<16xf32>
        %add3A_224 = arith.constant 1.000000e+00 : f32
        %add3A_225 = vector.broadcast %add3A_224 : f32 to vector<16xf32>
        %add3A_226 = arith.addf %add3A_225, %exp3A_223 : vector<16xf32>
        %div3A_227 = arith.constant 2.000000e+00 : f32
        %div3A_228 = vector.broadcast %div3A_227 : f32 to vector<16xf32>
        %div3A_229 = arith.divf %div3A_228, %add3A_226 : vector<16xf32>
        %sub3A_230 = arith.constant 1.000000e+00 : f32
        %sub3A_231 = vector.broadcast %sub3A_230 : f32 to vector<16xf32>
        %sub3A_232 = arith.subf %sub3A_231, %div3A_229 : vector<16xf32>
        %swap3A_233 = arith.index_cast %scan3A_103 : i32 to index
        %swap3A_234 = arith.constant 64 : index
        %swap3A_235 = tpu.vector_load %arg12[%swap3A_233, %swap3A_234] {strides = array<i32>} : memref<128x128xf32, #tpu.memory_space<vmem>>, vector<1x16xf32>,
        %swap3A_236 = vector.shape_cast %swap3A_235 : vector<1x16xf32> to vector<16xf32>
        %swap3A_237 = vector.shape_cast %sub3A_232 : vector<16xf32> to vector<1x16xf32>
        tpu.vector_store %arg12[%swap3A_233, %swap3A_234], %swap3A_237 {strides = array<i32>} : memref<128x128xf32, #tpu.memory_space<vmem>>, vector<1x16xf32>,
        %get3A_238 = arith.index_cast %scan3A_103 : i32 to index
        %get3A_239 = arith.constant 80 : index
        %get3A_240 = tpu.vector_load %arg12[%get3A_238, %get3A_239] {strides = array<i32>} : memref<128x128xf32, #tpu.memory_space<vmem>>, vector<1x16xf32>,
        %get3A_241 = vector.shape_cast %get3A_240 : vector<1x16xf32> to vector<16xf32>
        %max3A_242 = arith.constant -1.500000e+01 : f32
        %max3A_243 = vector.broadcast %max3A_242 : f32 to vector<16xf32>
        %max3A_244 = arith.maximumf %get3A_241, %max3A_243 : vector<16xf32>
        %min3A_245 = arith.constant 1.500000e+01 : f32
        %min3A_246 = vector.broadcast %min3A_245 : f32 to vector<16xf32>
        %min3A_247 = arith.minimumf %max3A_244, %min3A_246 : vector<16xf32>
        %mul3A_248 = arith.constant 2.000000e+00 : f32
        %mul3A_249 = vector.broadcast %mul3A_248 : f32 to vector<16xf32>
        %mul3A_250 = arith.mulf %min3A_247, %mul3A_249 : vector<16xf32>
        %exp3A_251 = math.exp %mul3A_250 : vector<16xf32>
        %add3A_252 = arith.constant 1.000000e+00 : f32
        %add3A_253 = vector.broadcast %add3A_252 : f32 to vector<16xf32>
        %add3A_254 = arith.addf %add3A_253, %exp3A_251 : vector<16xf32>
        %div3A_255 = arith.constant 2.000000e+00 : f32
        %div3A_256 = vector.broadcast %div3A_255 : f32 to vector<16xf32>
        %div3A_257 = arith.divf %div3A_256, %add3A_254 : vector<16xf32>
        %sub3A_258 = arith.constant 1.000000e+00 : f32
        %sub3A_259 = vector.broadcast %sub3A_258 : f32 to vector<16xf32>
        %sub3A_260 = arith.subf %sub3A_259, %div3A_257 : vector<16xf32>
        %swap3A_261 = arith.index_cast %scan3A_103 : i32 to index
        %swap3A_262 = arith.constant 80 : index
        %swap3A_263 = tpu.vector_load %arg12[%swap3A_261, %swap3A_262] {strides = array<i32>} : memref<128x128xf32, #tpu.memory_space<vmem>>, vector<1x16xf32>,
        %swap3A_264 = vector.shape_cast %swap3A_263 : vector<1x16xf32> to vector<16xf32>
        %swap3A_265 = vector.shape_cast %sub3A_260 : vector<16xf32> to vector<1x16xf32>
        tpu.vector_store %arg12[%swap3A_261, %swap3A_262], %swap3A_265 {strides = array<i32>} : memref<128x128xf32, #tpu.memory_space<vmem>>, vector<1x16xf32>,
        %get3A_266 = arith.index_cast %scan3A_103 : i32 to index
        %get3A_267 = arith.constant 96 : index
        %get3A_268 = tpu.vector_load %arg12[%get3A_266, %get3A_267] {strides = array<i32>} : memref<128x128xf32, #tpu.memory_space<vmem>>, vector<1x16xf32>,
        %get3A_269 = vector.shape_cast %get3A_268 : vector<1x16xf32> to vector<16xf32>
        %max3A_270 = arith.constant -1.500000e+01 : f32
        %max3A_271 = vector.broadcast %max3A_270 : f32 to vector<16xf32>
        %max3A_272 = arith.maximumf %get3A_269, %max3A_271 : vector<16xf32>
        %min3A_273 = arith.constant 1.500000e+01 : f32
        %min3A_274 = vector.broadcast %min3A_273 : f32 to vector<16xf32>
        %min3A_275 = arith.minimumf %max3A_272, %min3A_274 : vector<16xf32>
        %mul3A_276 = arith.constant 2.000000e+00 : f32
        %mul3A_277 = vector.broadcast %mul3A_276 : f32 to vector<16xf32>
        %mul3A_278 = arith.mulf %min3A_275, %mul3A_277 : vector<16xf32>
        %exp3A_279 = math.exp %mul3A_278 : vector<16xf32>
        %add3A_280 = arith.constant 1.000000e+00 : f32
        %add3A_281 = vector.broadcast %add3A_280 : f32 to vector<16xf32>
        %add3A_282 = arith.addf %add3A_281, %exp3A_279 : vector<16xf32>
        %div3A_283 = arith.constant 2.000000e+00 : f32
        %div3A_284 = vector.broadcast %div3A_283 : f32 to vector<16xf32>
        %div3A_285 = arith.divf %div3A_284, %add3A_282 : vector<16xf32>
        %sub3A_286 = arith.constant 1.000000e+00 : f32
        %sub3A_287 = vector.broadcast %sub3A_286 : f32 to vector<16xf32>
        %sub3A_288 = arith.subf %sub3A_287, %div3A_285 : vector<16xf32>
        %swap3A_289 = arith.index_cast %scan3A_103 : i32 to index
        %swap3A_290 = arith.constant 96 : index
        %swap3A_291 = tpu.vector_load %arg12[%swap3A_289, %swap3A_290] {strides = array<i32>} : memref<128x128xf32, #tpu.memory_space<vmem>>, vector<1x16xf32>,
        %swap3A_292 = vector.shape_cast %swap3A_291 : vector<1x16xf32> to vector<16xf32>
        %swap3A_293 = vector.shape_cast %sub3A_288 : vector<16xf32> to vector<1x16xf32>
        tpu.vector_store %arg12[%swap3A_289, %swap3A_290], %swap3A_293 {strides = array<i32>} : memref<128x128xf32, #tpu.memory_space<vmem>>, vector<1x16xf32>,
        %get3A_294 = arith.index_cast %scan3A_103 : i32 to index
        %get3A_295 = arith.constant 112 : index
        %get3A_296 = tpu.vector_load %arg12[%get3A_294, %get3A_295] {strides = array<i32>} : memref<128x128xf32, #tpu.memory_space<vmem>>, vector<1x16xf32>,
        %get3A_297 = vector.shape_cast %get3A_296 : vector<1x16xf32> to vector<16xf32>
        %max3A_298 = arith.constant -1.500000e+01 : f32
        %max3A_299 = vector.broadcast %max3A_298 : f32 to vector<16xf32>
        %max3A_300 = arith.maximumf %get3A_297, %max3A_299 : vector<16xf32>
        %min3A_301 = arith.constant 1.500000e+01 : f32
        %min3A_302 = vector.broadcast %min3A_301 : f32 to vector<16xf32>
        %min3A_303 = arith.minimumf %max3A_300, %min3A_302 : vector<16xf32>
        %mul3A_304 = arith.constant 2.000000e+00 : f32
        %mul3A_305 = vector.broadcast %mul3A_304 : f32 to vector<16xf32>
        %mul3A_306 = arith.mulf %min3A_303, %mul3A_305 : vector<16xf32>
        %exp3A_307 = math.exp %mul3A_306 : vector<16xf32>
        %add3A_308 = arith.constant 1.000000e+00 : f32
        %add3A_309 = vector.broadcast %add3A_308 : f32 to vector<16xf32>
        %add3A_310 = arith.addf %add3A_309, %exp3A_307 : vector<16xf32>
        %div3A_311 = arith.constant 2.000000e+00 : f32
        %div3A_312 = vector.broadcast %div3A_311 : f32 to vector<16xf32>
        %div3A_313 = arith.divf %div3A_312, %add3A_310 : vector<16xf32>
        %sub3A_314 = arith.constant 1.000000e+00 : f32
        %sub3A_315 = vector.broadcast %sub3A_314 : f32 to vector<16xf32>
        %sub3A_316 = arith.subf %sub3A_315, %div3A_313 : vector<16xf32>
        %swap3A_317 = arith.index_cast %scan3A_103 : i32 to index
        %swap3A_318 = arith.constant 112 : index
        %swap3A_319 = tpu.vector_load %arg12[%swap3A_317, %swap3A_318] {strides = array<i32>} : memref<128x128xf32, #tpu.memory_space<vmem>>, vector<1x16xf32>,
        %swap3A_320 = vector.shape_cast %swap3A_319 : vector<1x16xf32> to vector<16xf32>
        %swap3A_321 = vector.shape_cast %sub3A_316 : vector<16xf32> to vector<1x16xf32>
        tpu.vector_store %arg12[%swap3A_317, %swap3A_318], %swap3A_321 {strides = array<i32>} : memref<128x128xf32, #tpu.memory_space<vmem>>, vector<1x16xf32>,
        %scan3A_322 = arith.constant 0 : i32
        scf.yield %scan3A_322 : i32
      }
      %scan3A_97 = arith.constant 128 : i32
      %mul3A_98 = arith.constant 128 : i32
      %mul3A_99 = arith.muli %add3A_29, %mul3A_98 : i32
      %multiple_of3A_100 = tpu.assume_multiple %mul3A_99, 128 : i32
      %run_scoped3A_101 = arith.constant 1 : i32
      "tpu.region"() ({
        %run_scoped3A_103 = tpu.sem_alloc : memref<!tpu.dma_semaphore, #tpu.memory_space<semaphore_mem>>
        %dma_start3A_104 = arith.constant 0 : i32
        %dma_start3A_105 = tpu.memref_slice %arg10[%run_scoped3A_101, %dma_start3A_104] : memref<2x128xi32, #tpu.memory_space<vmem>> -> memref<1x128xi32, #tpu.memory_space<vmem>>
        %dma_start3A_106 = tpu.memref_squeeze %dma_start3A_105 : memref<1x128xi32, #tpu.memory_space<vmem>> -> memref<128xi32, #tpu.memory_space<vmem>>
        %dma_start3A_107 = arith.constant 0 : i32
        %dma_start3A_108 = arith.constant 0 : i32
        %dma_start3A_109 = tpu.memref_slice %arg8[%dma_start3A_107, %dma_start3A_108] : memref<10112x128xf32, #tpu.memory_space<vmem_shared>> -> memref<10112x128xf32, #tpu.memory_space<vmem_shared>>
        tpu.enqueue_indirect_dma source(%arg12 : memref<128x128xf32, #tpu.memory_space<vmem>>) target(%dma_start3A_109 : memref<10112x128xf32, #tpu.memory_space<vmem_shared>>) offsets(%dma_start3A_106 : memref<128xi32, #tpu.memory_space<vmem>>) semaphore(%run_scoped3A_103 : memref<!tpu.dma_semaphore, #tpu.memory_space<semaphore_mem>>) {add = true}
        %dma_wait3A_110 = arith.constant 0 : i32
        %dma_wait3A_111 = tpu.memref_slice %arg10[%run_scoped3A_101, %dma_wait3A_110] : memref<2x128xi32, #tpu.memory_space<vmem>> -> memref<1x128xi32, #tpu.memory_space<vmem>>
        %dma_wait3A_112 = tpu.memref_squeeze %dma_wait3A_111 : memref<1x128xi32, #tpu.memory_space<vmem>> -> memref<128xi32, #tpu.memory_space<vmem>>
        %dma_wait3A_113 = arith.constant 0 : i32
        %dma_wait3A_114 = arith.constant 0 : i32
        %dma_wait3A_115 = tpu.memref_slice %arg8[%dma_wait3A_113, %dma_wait3A_114] : memref<10112x128xf32, #tpu.memory_space<vmem_shared>> -> memref<10112x128xf32, #tpu.memory_space<vmem_shared>>
        tpu.wait_indirect_dma semaphore(%run_scoped3A_103 : memref<!tpu.dma_semaphore, #tpu.memory_space<semaphore_mem>>) src(%arg12 : memref<128x128xf32, #tpu.memory_space<vmem>>) dst(%dma_wait3A_115 : memref<10112x128xf32, #tpu.memory_space<vmem_shared>>)
        tpu.yield
      }) : () -> ()
      %while3A_102 = arith.constant 0 : i32
      scf.yield %while3A_102 : i32
    }
    %while3A_20 = arith.constant 1 : i32
    %while3A_21 = scf.for %while3A_23 = %while3A_17 to %while3A_13 step %while3A_20 iter_args(%while3A_24 = %while3A_19) -> (i32)  : i32 {
      %mul3A_25 = arith.constant 2 : i32
      %mul3A_26 = arith.muli %mul3A_25, %while3A_23 : i32
      %add3A_27 = arith.addi %select_n3A, %mul3A_26 : i32
      %add3A_28 = arith.constant 1 : i32
      %add3A_29 = arith.addi %add3A_27, %add3A_28 : i32
      %run_scoped3A = arith.constant 0 : i32
      "tpu.region"() ({
        %run_scoped3A_103 = tpu.sem_alloc : memref<!tpu.dma_semaphore, #tpu.memory_space<semaphore_mem>>
        %dma_start3A_104 = arith.constant 0 : i32
        %dma_start3A_105 = tpu.memref_slice %arg9[%run_scoped3A, %dma_start3A_104] : memref<2x128xi32, #tpu.memory_space<vmem>> -> memref<1x128xi32, #tpu.memory_space<vmem>>
        %dma_start3A_106 = tpu.memref_squeeze %dma_start3A_105 : memref<1x128xi32, #tpu.memory_space<vmem>> -> memref<128xi32, #tpu.memory_space<vmem>>
        %dma_start3A_107 = arith.constant 0 : i32
        %dma_start3A_108 = tpu.memref_slice %arg4[%add3A_27, %dma_start3A_107] : memref<2560x128xi32, #tpu.memory_space<hbm>> -> memref<1x128xi32, #tpu.memory_space<hbm>>
        %dma_start3A_109 = tpu.memref_squeeze %dma_start3A_108 : memref<1x128xi32, #tpu.memory_space<hbm>> -> memref<128xi32, #tpu.memory_space<hbm>>
        %dma_start3A_110 = arith.constant 0 : i32
        %dma_start3A_111 = tpu.memref_slice %arg9[%run_scoped3A, %dma_start3A_110] : memref<2x128xi32, #tpu.memory_space<vmem>> -> memref<1x128xi32, #tpu.memory_space<vmem>>
        %dma_start3A_112 = tpu.memref_squeeze %dma_start3A_111 : memref<1x128xi32, #tpu.memory_space<vmem>> -> memref<128xi32, #tpu.memory_space<vmem>>
        %dma_start3A_113 = arith.constant 0 : i32
        %dma_start3A_114 = tpu.memref_slice %arg4[%add3A_27, %dma_start3A_113] : memref<2560x128xi32, #tpu.memory_space<hbm>> -> memref<1x128xi32, #tpu.memory_space<hbm>>
        %dma_start3A_115 = tpu.memref_squeeze %dma_start3A_114 : memref<1x128xi32, #tpu.memory_space<hbm>> -> memref<128xi32, #tpu.memory_space<hbm>>
        tpu.enqueue_dma source(%dma_start3A_115 : memref<128xi32, #tpu.memory_space<hbm>>) target(%dma_start3A_112 : memref<128xi32, #tpu.memory_space<vmem>>) target_semaphore(%run_scoped3A_103 : memref<!tpu.dma_semaphore, #tpu.memory_space<semaphore_mem>>)
        %dma_wait3A_116 = arith.constant 0 : i32
        %dma_wait3A_117 = tpu.memref_slice %arg9[%run_scoped3A, %dma_wait3A_116] : memref<2x128xi32, #tpu.memory_space<vmem>> -> memref<1x128xi32, #tpu.memory_space<vmem>>
        %dma_wait3A_118 = tpu.memref_squeeze %dma_wait3A_117 : memref<1x128xi32, #tpu.memory_space<vmem>> -> memref<128xi32, #tpu.memory_space<vmem>>
        %dma_wait3A_119 = arith.constant 0 : i32
        %dma_wait3A_120 = tpu.memref_slice %arg4[%add3A_27, %dma_wait3A_119] : memref<2560x128xi32, #tpu.memory_space<hbm>> -> memref<1x128xi32, #tpu.memory_space<hbm>>
        %dma_wait3A_121 = tpu.memref_squeeze %dma_wait3A_120 : memref<1x128xi32, #tpu.memory_space<hbm>> -> memref<128xi32, #tpu.memory_space<hbm>>
        %dma_wait3A_122 = arith.constant 0 : i32
        %dma_wait3A_123 = tpu.memref_slice %arg9[%run_scoped3A, %dma_wait3A_122] : memref<2x128xi32, #tpu.memory_space<vmem>> -> memref<1x128xi32, #tpu.memory_space<vmem>>
        %dma_wait3A_124 = tpu.memref_squeeze %dma_wait3A_123 : memref<1x128xi32, #tpu.memory_space<vmem>> -> memref<128xi32, #tpu.memory_space<vmem>>
        %dma_wait3A_125 = arith.constant 0 : i32
        %dma_wait3A_126 = tpu.memref_slice %arg4[%add3A_27, %dma_wait3A_125] : memref<2560x128xi32, #tpu.memory_space<hbm>> -> memref<1x128xi32, #tpu.memory_space<hbm>>
        %dma_wait3A_127 = tpu.memref_squeeze %dma_wait3A_126 : memref<1x128xi32, #tpu.memory_space<hbm>> -> memref<128xi32, #tpu.memory_space<hbm>>
        tpu.wait_dma2 semaphore(%run_scoped3A_103 : memref<!tpu.dma_semaphore, #tpu.memory_space<semaphore_mem>>) src(%dma_wait3A_127 : memref<128xi32, #tpu.memory_space<hbm>>) dst(%dma_wait3A_124 : memref<128xi32, #tpu.memory_space<vmem>>)
        tpu.yield
      }) : () -> ()
      %run_scoped3A_30 = arith.constant 0 : i32
      "tpu.region"() ({
        %run_scoped3A_103 = tpu.sem_alloc : memref<!tpu.dma_semaphore, #tpu.memory_space<semaphore_mem>>
        %dma_start3A_104 = arith.constant 0 : i32
        %dma_start3A_105 = tpu.memref_slice %arg10[%run_scoped3A_30, %dma_start3A_104] : memref<2x128xi32, #tpu.memory_space<vmem>> -> memref<1x128xi32, #tpu.memory_space<vmem>>
        %dma_start3A_106 = tpu.memref_squeeze %dma_start3A_105 : memref<1x128xi32, #tpu.memory_space<vmem>> -> memref<128xi32, #tpu.memory_space<vmem>>
        %dma_start3A_107 = arith.constant 0 : i32
        %dma_start3A_108 = tpu.memref_slice %arg5[%add3A_27, %dma_start3A_107] : memref<2560x128xi32, #tpu.memory_space<hbm>> -> memref<1x128xi32, #tpu.memory_space<hbm>>
        %dma_start3A_109 = tpu.memref_squeeze %dma_start3A_108 : memref<1x128xi32, #tpu.memory_space<hbm>> -> memref<128xi32, #tpu.memory_space<hbm>>
        %dma_start3A_110 = arith.constant 0 : i32
        %dma_start3A_111 = tpu.memref_slice %arg10[%run_scoped3A_30, %dma_start3A_110] : memref<2x128xi32, #tpu.memory_space<vmem>> -> memref<1x128xi32, #tpu.memory_space<vmem>>
        %dma_start3A_112 = tpu.memref_squeeze %dma_start3A_111 : memref<1x128xi32, #tpu.memory_space<vmem>> -> memref<128xi32, #tpu.memory_space<vmem>>
        %dma_start3A_113 = arith.constant 0 : i32
        %dma_start3A_114 = tpu.memref_slice %arg5[%add3A_27, %dma_start3A_113] : memref<2560x128xi32, #tpu.memory_space<hbm>> -> memref<1x128xi32, #tpu.memory_space<hbm>>
        %dma_start3A_115 = tpu.memref_squeeze %dma_start3A_114 : memref<1x128xi32, #tpu.memory_space<hbm>> -> memref<128xi32, #tpu.memory_space<hbm>>
        tpu.enqueue_dma source(%dma_start3A_115 : memref<128xi32, #tpu.memory_space<hbm>>) target(%dma_start3A_112 : memref<128xi32, #tpu.memory_space<vmem>>) target_semaphore(%run_scoped3A_103 : memref<!tpu.dma_semaphore, #tpu.memory_space<semaphore_mem>>)
        %dma_wait3A_116 = arith.constant 0 : i32
        %dma_wait3A_117 = tpu.memref_slice %arg10[%run_scoped3A_30, %dma_wait3A_116] : memref<2x128xi32, #tpu.memory_space<vmem>> -> memref<1x128xi32, #tpu.memory_space<vmem>>
        %dma_wait3A_118 = tpu.memref_squeeze %dma_wait3A_117 : memref<1x128xi32, #tpu.memory_space<vmem>> -> memref<128xi32, #tpu.memory_space<vmem>>
        %dma_wait3A_119 = arith.constant 0 : i32
        %dma_wait3A_120 = tpu.memref_slice %arg5[%add3A_27, %dma_wait3A_119] : memref<2560x128xi32, #tpu.memory_space<hbm>> -> memref<1x128xi32, #tpu.memory_space<hbm>>
        %dma_wait3A_121 = tpu.memref_squeeze %dma_wait3A_120 : memref<1x128xi32, #tpu.memory_space<hbm>> -> memref<128xi32, #tpu.memory_space<hbm>>
        %dma_wait3A_122 = arith.constant 0 : i32
        %dma_wait3A_123 = tpu.memref_slice %arg10[%run_scoped3A_30, %dma_wait3A_122] : memref<2x128xi32, #tpu.memory_space<vmem>> -> memref<1x128xi32, #tpu.memory_space<vmem>>
        %dma_wait3A_124 = tpu.memref_squeeze %dma_wait3A_123 : memref<1x128xi32, #tpu.memory_space<vmem>> -> memref<128xi32, #tpu.memory_space<vmem>>
        %dma_wait3A_125 = arith.constant 0 : i32
        %dma_wait3A_126 = tpu.memref_slice %arg5[%add3A_27, %dma_wait3A_125] : memref<2560x128xi32, #tpu.memory_space<hbm>> -> memref<1x128xi32, #tpu.memory_space<hbm>>
        %dma_wait3A_127 = tpu.memref_squeeze %dma_wait3A_126 : memref<1x128xi32, #tpu.memory_space<hbm>> -> memref<128xi32, #tpu.memory_space<hbm>>
        tpu.wait_dma2 semaphore(%run_scoped3A_103 : memref<!tpu.dma_semaphore, #tpu.memory_space<semaphore_mem>>) src(%dma_wait3A_127 : memref<128xi32, #tpu.memory_space<hbm>>) dst(%dma_wait3A_124 : memref<128xi32, #tpu.memory_space<vmem>>)
        tpu.yield
      }) : () -> ()
      %mul3A_31 = arith.constant 128 : i32
      %mul3A_32 = arith.muli %add3A_27, %mul3A_31 : i32
      %multiple_of3A_33 = tpu.assume_multiple %mul3A_32, 128 : i32
      %dma_start3A = arith.constant 0 : i32
      %dma_start3A_34 = tpu.memref_slice %arg3[%multiple_of3A_33, %dma_start3A] : memref<327680x128xf32, #tpu.memory_space<hbm>> -> memref<128x128xf32, #tpu.memory_space<hbm>>
      %dma_start3A_35 = arith.constant 0 : i32
      %dma_start3A_36 = tpu.memref_slice %arg3[%multiple_of3A_33, %dma_start3A_35] : memref<327680x128xf32, #tpu.memory_space<hbm>> -> memref<128x128xf32, #tpu.memory_space<hbm>>
      tpu.enqueue_dma source(%dma_start3A_36 : memref<128x128xf32, #tpu.memory_space<hbm>>) target(%arg11 : memref<128x128xf32, #tpu.memory_space<vmem>>) target_semaphore(%arg13 : memref<!tpu.dma_semaphore, #tpu.memory_space<semaphore_mem>>)
      %run_scoped3A_37 = arith.constant 1 : i32
      "tpu.region"() ({
        %run_scoped3A_103 = tpu.sem_alloc : memref<!tpu.dma_semaphore, #tpu.memory_space<semaphore_mem>>
        %dma_start3A_104 = arith.constant 0 : i32
        %dma_start3A_105 = tpu.memref_slice %arg9[%run_scoped3A_37, %dma_start3A_104] : memref<2x128xi32, #tpu.memory_space<vmem>> -> memref<1x128xi32, #tpu.memory_space<vmem>>
        %dma_start3A_106 = tpu.memref_squeeze %dma_start3A_105 : memref<1x128xi32, #tpu.memory_space<vmem>> -> memref<128xi32, #tpu.memory_space<vmem>>
        %dma_start3A_107 = arith.constant 0 : i32
        %dma_start3A_108 = tpu.memref_slice %arg4[%add3A_29, %dma_start3A_107] : memref<2560x128xi32, #tpu.memory_space<hbm>> -> memref<1x128xi32, #tpu.memory_space<hbm>>
        %dma_start3A_109 = tpu.memref_squeeze %dma_start3A_108 : memref<1x128xi32, #tpu.memory_space<hbm>> -> memref<128xi32, #tpu.memory_space<hbm>>
        %dma_start3A_110 = arith.constant 0 : i32
        %dma_start3A_111 = tpu.memref_slice %arg9[%run_scoped3A_37, %dma_start3A_110] : memref<2x128xi32, #tpu.memory_space<vmem>> -> memref<1x128xi32, #tpu.memory_space<vmem>>
        %dma_start3A_112 = tpu.memref_squeeze %dma_start3A_111 : memref<1x128xi32, #tpu.memory_space<vmem>> -> memref<128xi32, #tpu.memory_space<vmem>>
        %dma_start3A_113 = arith.constant 0 : i32
        %dma_start3A_114 = tpu.memref_slice %arg4[%add3A_29, %dma_start3A_113] : memref<2560x128xi32, #tpu.memory_space<hbm>> -> memref<1x128xi32, #tpu.memory_space<hbm>>
        %dma_start3A_115 = tpu.memref_squeeze %dma_start3A_114 : memref<1x128xi32, #tpu.memory_space<hbm>> -> memref<128xi32, #tpu.memory_space<hbm>>
        tpu.enqueue_dma source(%dma_start3A_115 : memref<128xi32, #tpu.memory_space<hbm>>) target(%dma_start3A_112 : memref<128xi32, #tpu.memory_space<vmem>>) target_semaphore(%run_scoped3A_103 : memref<!tpu.dma_semaphore, #tpu.memory_space<semaphore_mem>>)
        %dma_wait3A_116 = arith.constant 0 : i32
        %dma_wait3A_117 = tpu.memref_slice %arg9[%run_scoped3A_37, %dma_wait3A_116] : memref<2x128xi32, #tpu.memory_space<vmem>> -> memref<1x128xi32, #tpu.memory_space<vmem>>
        %dma_wait3A_118 = tpu.memref_squeeze %dma_wait3A_117 : memref<1x128xi32, #tpu.memory_space<vmem>> -> memref<128xi32, #tpu.memory_space<vmem>>
        %dma_wait3A_119 = arith.constant 0 : i32
        %dma_wait3A_120 = tpu.memref_slice %arg4[%add3A_29, %dma_wait3A_119] : memref<2560x128xi32, #tpu.memory_space<hbm>> -> memref<1x128xi32, #tpu.memory_space<hbm>>
        %dma_wait3A_121 = tpu.memref_squeeze %dma_wait3A_120 : memref<1x128xi32, #tpu.memory_space<hbm>> -> memref<128xi32, #tpu.memory_space<hbm>>
        %dma_wait3A_122 = arith.constant 0 : i32
        %dma_wait3A_123 = tpu.memref_slice %arg9[%run_scoped3A_37, %dma_wait3A_122] : memref<2x128xi32, #tpu.memory_space<vmem>> -> memref<1x128xi32, #tpu.memory_space<vmem>>
        %dma_wait3A_124 = tpu.memref_squeeze %dma_wait3A_123 : memref<1x128xi32, #tpu.memory_space<vmem>> -> memref<128xi32, #tpu.memory_space<vmem>>
        %dma_wait3A_125 = arith.constant 0 : i32
        %dma_wait3A_126 = tpu.memref_slice %arg4[%add3A_29, %dma_wait3A_125] : memref<2560x128xi32, #tpu.memory_space<hbm>> -> memref<1x128xi32, #tpu.memory_space<hbm>>
        %dma_wait3A_127 = tpu.memref_squeeze %dma_wait3A_126 : memref<1x128xi32, #tpu.memory_space<hbm>> -> memref<128xi32, #tpu.memory_space<hbm>>
        tpu.wait_dma2 semaphore(%run_scoped3A_103 : memref<!tpu.dma_semaphore, #tpu.memory_space<semaphore_mem>>) src(%dma_wait3A_127 : memref<128xi32, #tpu.memory_space<hbm>>) dst(%dma_wait3A_124 : memref<128xi32, #tpu.memory_space<vmem>>)
        tpu.yield
      }) : () -> ()
      %run_scoped3A_38 = arith.constant 1 : i32
      "tpu.region"() ({
        %run_scoped3A_103 = tpu.sem_alloc : memref<!tpu.dma_semaphore, #tpu.memory_space<semaphore_mem>>
        %dma_start3A_104 = arith.constant 0 : i32
        %dma_start3A_105 = tpu.memref_slice %arg10[%run_scoped3A_38, %dma_start3A_104] : memref<2x128xi32, #tpu.memory_space<vmem>> -> memref<1x128xi32, #tpu.memory_space<vmem>>
        %dma_start3A_106 = tpu.memref_squeeze %dma_start3A_105 : memref<1x128xi32, #tpu.memory_space<vmem>> -> memref<128xi32, #tpu.memory_space<vmem>>
        %dma_start3A_107 = arith.constant 0 : i32
        %dma_start3A_108 = tpu.memref_slice %arg5[%add3A_29, %dma_start3A_107] : memref<2560x128xi32, #tpu.memory_space<hbm>> -> memref<1x128xi32, #tpu.memory_space<hbm>>
        %dma_start3A_109 = tpu.memref_squeeze %dma_start3A_108 : memref<1x128xi32, #tpu.memory_space<hbm>> -> memref<128xi32, #tpu.memory_space<hbm>>
        %dma_start3A_110 = arith.constant 0 : i32
        %dma_start3A_111 = tpu.memref_slice %arg10[%run_scoped3A_38, %dma_start3A_110] : memref<2x128xi32, #tpu.memory_space<vmem>> -> memref<1x128xi32, #tpu.memory_space<vmem>>
        %dma_start3A_112 = tpu.memref_squeeze %dma_start3A_111 : memref<1x128xi32, #tpu.memory_space<vmem>> -> memref<128xi32, #tpu.memory_space<vmem>>
        %dma_start3A_113 = arith.constant 0 : i32
        %dma_start3A_114 = tpu.memref_slice %arg5[%add3A_29, %dma_start3A_113] : memref<2560x128xi32, #tpu.memory_space<hbm>> -> memref<1x128xi32, #tpu.memory_space<hbm>>
        %dma_start3A_115 = tpu.memref_squeeze %dma_start3A_114 : memref<1x128xi32, #tpu.memory_space<hbm>> -> memref<128xi32, #tpu.memory_space<hbm>>
        tpu.enqueue_dma source(%dma_start3A_115 : memref<128xi32, #tpu.memory_space<hbm>>) target(%dma_start3A_112 : memref<128xi32, #tpu.memory_space<vmem>>) target_semaphore(%run_scoped3A_103 : memref<!tpu.dma_semaphore, #tpu.memory_space<semaphore_mem>>)
        %dma_wait3A_116 = arith.constant 0 : i32
        %dma_wait3A_117 = tpu.memref_slice %arg10[%run_scoped3A_38, %dma_wait3A_116] : memref<2x128xi32, #tpu.memory_space<vmem>> -> memref<1x128xi32, #tpu.memory_space<vmem>>
        %dma_wait3A_118 = tpu.memref_squeeze %dma_wait3A_117 : memref<1x128xi32, #tpu.memory_space<vmem>> -> memref<128xi32, #tpu.memory_space<vmem>>
        %dma_wait3A_119 = arith.constant 0 : i32
        %dma_wait3A_120 = tpu.memref_slice %arg5[%add3A_29, %dma_wait3A_119] : memref<2560x128xi32, #tpu.memory_space<hbm>> -> memref<1x128xi32, #tpu.memory_space<hbm>>
        %dma_wait3A_121 = tpu.memref_squeeze %dma_wait3A_120 : memref<1x128xi32, #tpu.memory_space<hbm>> -> memref<128xi32, #tpu.memory_space<hbm>>
        %dma_wait3A_122 = arith.constant 0 : i32
        %dma_wait3A_123 = tpu.memref_slice %arg10[%run_scoped3A_38, %dma_wait3A_122] : memref<2x128xi32, #tpu.memory_space<vmem>> -> memref<1x128xi32, #tpu.memory_space<vmem>>
        %dma_wait3A_124 = tpu.memref_squeeze %dma_wait3A_123 : memref<1x128xi32, #tpu.memory_space<vmem>> -> memref<128xi32, #tpu.memory_space<vmem>>
        %dma_wait3A_125 = arith.constant 0 : i32
        %dma_wait3A_126 = tpu.memref_slice %arg5[%add3A_29, %dma_wait3A_125] : memref<2560x128xi32, #tpu.memory_space<hbm>> -> memref<1x128xi32, #tpu.memory_space<hbm>>
        %dma_wait3A_127 = tpu.memref_squeeze %dma_wait3A_126 : memref<1x128xi32, #tpu.memory_space<hbm>> -> memref<128xi32, #tpu.memory_space<hbm>>
        tpu.wait_dma2 semaphore(%run_scoped3A_103 : memref<!tpu.dma_semaphore, #tpu.memory_space<semaphore_mem>>) src(%dma_wait3A_127 : memref<128xi32, #tpu.memory_space<hbm>>) dst(%dma_wait3A_124 : memref<128xi32, #tpu.memory_space<vmem>>)
        tpu.yield
      }) : () -> ()
      %mul3A_39 = arith.constant 128 : i32
      %mul3A_40 = arith.muli %add3A_29, %mul3A_39 : i32
      %multiple_of3A_41 = tpu.assume_multiple %mul3A_40, 128 : i32
      %dma_start3A_42 = arith.constant 0 : i32
      %dma_start3A_43 = tpu.memref_slice %arg3[%multiple_of3A_41, %dma_start3A_42] : memref<327680x128xf32, #tpu.memory_space<hbm>> -> memref<128x128xf32, #tpu.memory_space<hbm>>
      %dma_start3A_44 = arith.constant 0 : i32
      %dma_start3A_45 = tpu.memref_slice %arg3[%multiple_of3A_41, %dma_start3A_44] : memref<327680x128xf32, #tpu.memory_space<hbm>> -> memref<128x128xf32, #tpu.memory_space<hbm>>
      tpu.enqueue_dma source(%dma_start3A_45 : memref<128x128xf32, #tpu.memory_space<hbm>>) target(%arg12 : memref<128x128xf32, #tpu.memory_space<vmem>>) target_semaphore(%arg14 : memref<!tpu.dma_semaphore, #tpu.memory_space<semaphore_mem>>)
      %dma_wait3A = arith.constant 0 : i32
      %dma_wait3A_46 = tpu.memref_slice %arg3[%multiple_of3A_33, %dma_wait3A] : memref<327680x128xf32, #tpu.memory_space<hbm>> -> memref<128x128xf32, #tpu.memory_space<hbm>>
      %dma_wait3A_47 = arith.constant 0 : i32
      %dma_wait3A_48 = tpu.memref_slice %arg3[%multiple_of3A_33, %dma_wait3A_47] : memref<327680x128xf32, #tpu.memory_space<hbm>> -> memref<128x128xf32, #tpu.memory_space<hbm>>
      tpu.wait_dma2 semaphore(%arg13 : memref<!tpu.dma_semaphore, #tpu.memory_space<semaphore_mem>>) src(%dma_wait3A_48 : memref<128x128xf32, #tpu.memory_space<hbm>>) dst(%arg11 : memref<128x128xf32, #tpu.memory_space<vmem>>)
      %dma_start3A_49 = arith.constant 0 : i32
      %dma_start3A_50 = arith.constant 0 : i32
      %dma_start3A_51 = tpu.memref_slice %arg9[%dma_start3A_49, %dma_start3A_50] : memref<2x128xi32, #tpu.memory_space<vmem>> -> memref<1x128xi32, #tpu.memory_space<vmem>>
      %dma_start3A_52 = tpu.memref_squeeze %dma_start3A_51 : memref<1x128xi32, #tpu.memory_space<vmem>> -> memref<128xi32, #tpu.memory_space<vmem>>
      %dma_start3A_53 = arith.constant 0 : i32
      %dma_start3A_54 = arith.constant 0 : i32
      %dma_start3A_55 = tpu.memref_slice %arg2[%dma_start3A_53, %dma_start3A_54] : memref<10000x128xf32, #tpu.memory_space<hbm>> -> memref<10000x128xf32, #tpu.memory_space<hbm>>
      tpu.enqueue_indirect_dma source(%dma_start3A_55 : memref<10000x128xf32, #tpu.memory_space<hbm>>) target(%arg11 : memref<128x128xf32, #tpu.memory_space<vmem>>) offsets(%dma_start3A_52 : memref<128xi32, #tpu.memory_space<vmem>>) semaphore(%arg15 : memref<!tpu.dma_semaphore, #tpu.memory_space<semaphore_mem>>) {add = true}
      %dma_wait3A_56 = arith.constant 0 : i32
      %dma_wait3A_57 = tpu.memref_slice %arg3[%multiple_of3A_41, %dma_wait3A_56] : memref<327680x128xf32, #tpu.memory_space<hbm>> -> memref<128x128xf32, #tpu.memory_space<hbm>>
      %dma_wait3A_58 = arith.constant 0 : i32
      %dma_wait3A_59 = tpu.memref_slice %arg3[%multiple_of3A_41, %dma_wait3A_58] : memref<327680x128xf32, #tpu.memory_space<hbm>> -> memref<128x128xf32, #tpu.memory_space<hbm>>
      tpu.wait_dma2 semaphore(%arg14 : memref<!tpu.dma_semaphore, #tpu.memory_space<semaphore_mem>>) src(%dma_wait3A_59 : memref<128x128xf32, #tpu.memory_space<hbm>>) dst(%arg12 : memref<128x128xf32, #tpu.memory_space<vmem>>)
      %dma_start3A_60 = arith.constant 1 : i32
      %dma_start3A_61 = arith.constant 0 : i32
      %dma_start3A_62 = tpu.memref_slice %arg9[%dma_start3A_60, %dma_start3A_61] : memref<2x128xi32, #tpu.memory_space<vmem>> -> memref<1x128xi32, #tpu.memory_space<vmem>>
      %dma_start3A_63 = tpu.memref_squeeze %dma_start3A_62 : memref<1x128xi32, #tpu.memory_space<vmem>> -> memref<128xi32, #tpu.memory_space<vmem>>
      %dma_start3A_64 = arith.constant 0 : i32
      %dma_start3A_65 = arith.constant 0 : i32
      %dma_start3A_66 = tpu.memref_slice %arg2[%dma_start3A_64, %dma_start3A_65] : memref<10000x128xf32, #tpu.memory_space<hbm>> -> memref<10000x128xf32, #tpu.memory_space<hbm>>
      tpu.enqueue_indirect_dma source(%dma_start3A_66 : memref<10000x128xf32, #tpu.memory_space<hbm>>) target(%arg12 : memref<128x128xf32, #tpu.memory_space<vmem>>) offsets(%dma_start3A_63 : memref<128xi32, #tpu.memory_space<vmem>>) semaphore(%arg16 : memref<!tpu.dma_semaphore, #tpu.memory_space<semaphore_mem>>) {add = true}
      %dma_wait3A_67 = arith.constant 0 : i32
      %dma_wait3A_68 = arith.constant 0 : i32
      %dma_wait3A_69 = tpu.memref_slice %arg9[%dma_wait3A_67, %dma_wait3A_68] : memref<2x128xi32, #tpu.memory_space<vmem>> -> memref<1x128xi32, #tpu.memory_space<vmem>>
      %dma_wait3A_70 = tpu.memref_squeeze %dma_wait3A_69 : memref<1x128xi32, #tpu.memory_space<vmem>> -> memref<128xi32, #tpu.memory_space<vmem>>
      %dma_wait3A_71 = arith.constant 0 : i32
      %dma_wait3A_72 = arith.constant 0 : i32
      %dma_wait3A_73 = tpu.memref_slice %arg2[%dma_wait3A_71, %dma_wait3A_72] : memref<10000x128xf32, #tpu.memory_space<hbm>> -> memref<10000x128xf32, #tpu.memory_space<hbm>>
      tpu.wait_indirect_dma semaphore(%arg15 : memref<!tpu.dma_semaphore, #tpu.memory_space<semaphore_mem>>) src(%dma_wait3A_73 : memref<10000x128xf32, #tpu.memory_space<hbm>>) dst(%arg11 : memref<128x128xf32, #tpu.memory_space<vmem>>)
      %scan3A = arith.constant 0 : i32
      %scan3A_74 = arith.constant 0 : i32
      %scan3A_75 = arith.constant 128 : i32
      %scan3A_76 = arith.addi %scan3A_74, %scan3A_75 : i32
      %scan3A_77 = arith.constant 1 : i32
      %scan3A_78 = scf.for %scan3A_103 = %scan3A_74 to %scan3A_76 step %scan3A_77 iter_args(%scan3A_104 = %scan3A) -> (i32)  : i32 {
        %get3A = arith.index_cast %scan3A_103 : i32 to index
        %get3A_105 = arith.constant 0 : index
        %get3A_106 = tpu.vector_load %arg11[%get3A, %get3A_105] {strides = array<i32>} : memref<128x128xf32, #tpu.memory_space<vmem>>, vector<1x16xf32>,
        %get3A_107 = vector.shape_cast %get3A_106 : vector<1x16xf32> to vector<16xf32>
        %max3A = arith.constant -1.500000e+01 : f32
        %max3A_108 = vector.broadcast %max3A : f32 to vector<16xf32>
        %max3A_109 = arith.maximumf %get3A_107, %max3A_108 : vector<16xf32>
        %min3A = arith.constant 1.500000e+01 : f32
        %min3A_110 = vector.broadcast %min3A : f32 to vector<16xf32>
        %min3A_111 = arith.minimumf %max3A_109, %min3A_110 : vector<16xf32>
        %mul3A_112 = arith.constant 2.000000e+00 : f32
        %mul3A_113 = vector.broadcast %mul3A_112 : f32 to vector<16xf32>
        %mul3A_114 = arith.mulf %min3A_111, %mul3A_113 : vector<16xf32>
        %exp3A = math.exp %mul3A_114 : vector<16xf32>
        %add3A_115 = arith.constant 1.000000e+00 : f32
        %add3A_116 = vector.broadcast %add3A_115 : f32 to vector<16xf32>
        %add3A_117 = arith.addf %add3A_116, %exp3A : vector<16xf32>
        %div3A = arith.constant 2.000000e+00 : f32
        %div3A_118 = vector.broadcast %div3A : f32 to vector<16xf32>
        %div3A_119 = arith.divf %div3A_118, %add3A_117 : vector<16xf32>
        %sub3A = arith.constant 1.000000e+00 : f32
        %sub3A_120 = vector.broadcast %sub3A : f32 to vector<16xf32>
        %sub3A_121 = arith.subf %sub3A_120, %div3A_119 : vector<16xf32>
        %swap3A = arith.index_cast %scan3A_103 : i32 to index
        %swap3A_122 = arith.constant 0 : index
        %swap3A_123 = tpu.vector_load %arg11[%swap3A, %swap3A_122] {strides = array<i32>} : memref<128x128xf32, #tpu.memory_space<vmem>>, vector<1x16xf32>,
        %swap3A_124 = vector.shape_cast %swap3A_123 : vector<1x16xf32> to vector<16xf32>
        %swap3A_125 = vector.shape_cast %sub3A_121 : vector<16xf32> to vector<1x16xf32>
        tpu.vector_store %arg11[%swap3A, %swap3A_122], %swap3A_125 {strides = array<i32>} : memref<128x128xf32, #tpu.memory_space<vmem>>, vector<1x16xf32>,
        %get3A_126 = arith.index_cast %scan3A_103 : i32 to index
        %get3A_127 = arith.constant 16 : index
        %get3A_128 = tpu.vector_load %arg11[%get3A_126, %get3A_127] {strides = array<i32>} : memref<128x128xf32, #tpu.memory_space<vmem>>, vector<1x16xf32>,
        %get3A_129 = vector.shape_cast %get3A_128 : vector<1x16xf32> to vector<16xf32>
        %max3A_130 = arith.constant -1.500000e+01 : f32
        %max3A_131 = vector.broadcast %max3A_130 : f32 to vector<16xf32>
        %max3A_132 = arith.maximumf %get3A_129, %max3A_131 : vector<16xf32>
        %min3A_133 = arith.constant 1.500000e+01 : f32
        %min3A_134 = vector.broadcast %min3A_133 : f32 to vector<16xf32>
        %min3A_135 = arith.minimumf %max3A_132, %min3A_134 : vector<16xf32>
        %mul3A_136 = arith.constant 2.000000e+00 : f32
        %mul3A_137 = vector.broadcast %mul3A_136 : f32 to vector<16xf32>
        %mul3A_138 = arith.mulf %min3A_135, %mul3A_137 : vector<16xf32>
        %exp3A_139 = math.exp %mul3A_138 : vector<16xf32>
        %add3A_140 = arith.constant 1.000000e+00 : f32
        %add3A_141 = vector.broadcast %add3A_140 : f32 to vector<16xf32>
        %add3A_142 = arith.addf %add3A_141, %exp3A_139 : vector<16xf32>
        %div3A_143 = arith.constant 2.000000e+00 : f32
        %div3A_144 = vector.broadcast %div3A_143 : f32 to vector<16xf32>
        %div3A_145 = arith.divf %div3A_144, %add3A_142 : vector<16xf32>
        %sub3A_146 = arith.constant 1.000000e+00 : f32
        %sub3A_147 = vector.broadcast %sub3A_146 : f32 to vector<16xf32>
        %sub3A_148 = arith.subf %sub3A_147, %div3A_145 : vector<16xf32>
        %swap3A_149 = arith.index_cast %scan3A_103 : i32 to index
        %swap3A_150 = arith.constant 16 : index
        %swap3A_151 = tpu.vector_load %arg11[%swap3A_149, %swap3A_150] {strides = array<i32>} : memref<128x128xf32, #tpu.memory_space<vmem>>, vector<1x16xf32>,
        %swap3A_152 = vector.shape_cast %swap3A_151 : vector<1x16xf32> to vector<16xf32>
        %swap3A_153 = vector.shape_cast %sub3A_148 : vector<16xf32> to vector<1x16xf32>
        tpu.vector_store %arg11[%swap3A_149, %swap3A_150], %swap3A_153 {strides = array<i32>} : memref<128x128xf32, #tpu.memory_space<vmem>>, vector<1x16xf32>,
        %get3A_154 = arith.index_cast %scan3A_103 : i32 to index
        %get3A_155 = arith.constant 32 : index
        %get3A_156 = tpu.vector_load %arg11[%get3A_154, %get3A_155] {strides = array<i32>} : memref<128x128xf32, #tpu.memory_space<vmem>>, vector<1x16xf32>,
        %get3A_157 = vector.shape_cast %get3A_156 : vector<1x16xf32> to vector<16xf32>
        %max3A_158 = arith.constant -1.500000e+01 : f32
        %max3A_159 = vector.broadcast %max3A_158 : f32 to vector<16xf32>
        %max3A_160 = arith.maximumf %get3A_157, %max3A_159 : vector<16xf32>
        %min3A_161 = arith.constant 1.500000e+01 : f32
        %min3A_162 = vector.broadcast %min3A_161 : f32 to vector<16xf32>
        %min3A_163 = arith.minimumf %max3A_160, %min3A_162 : vector<16xf32>
        %mul3A_164 = arith.constant 2.000000e+00 : f32
        %mul3A_165 = vector.broadcast %mul3A_164 : f32 to vector<16xf32>
        %mul3A_166 = arith.mulf %min3A_163, %mul3A_165 : vector<16xf32>
        %exp3A_167 = math.exp %mul3A_166 : vector<16xf32>
        %add3A_168 = arith.constant 1.000000e+00 : f32
        %add3A_169 = vector.broadcast %add3A_168 : f32 to vector<16xf32>
        %add3A_170 = arith.addf %add3A_169, %exp3A_167 : vector<16xf32>
        %div3A_171 = arith.constant 2.000000e+00 : f32
        %div3A_172 = vector.broadcast %div3A_171 : f32 to vector<16xf32>
        %div3A_173 = arith.divf %div3A_172, %add3A_170 : vector<16xf32>
        %sub3A_174 = arith.constant 1.000000e+00 : f32
        %sub3A_175 = vector.broadcast %sub3A_174 : f32 to vector<16xf32>
        %sub3A_176 = arith.subf %sub3A_175, %div3A_173 : vector<16xf32>
        %swap3A_177 = arith.index_cast %scan3A_103 : i32 to index
        %swap3A_178 = arith.constant 32 : index
        %swap3A_179 = tpu.vector_load %arg11[%swap3A_177, %swap3A_178] {strides = array<i32>} : memref<128x128xf32, #tpu.memory_space<vmem>>, vector<1x16xf32>,
        %swap3A_180 = vector.shape_cast %swap3A_179 : vector<1x16xf32> to vector<16xf32>
        %swap3A_181 = vector.shape_cast %sub3A_176 : vector<16xf32> to vector<1x16xf32>
        tpu.vector_store %arg11[%swap3A_177, %swap3A_178], %swap3A_181 {strides = array<i32>} : memref<128x128xf32, #tpu.memory_space<vmem>>, vector<1x16xf32>,
        %get3A_182 = arith.index_cast %scan3A_103 : i32 to index
        %get3A_183 = arith.constant 48 : index
        %get3A_184 = tpu.vector_load %arg11[%get3A_182, %get3A_183] {strides = array<i32>} : memref<128x128xf32, #tpu.memory_space<vmem>>, vector<1x16xf32>,
        %get3A_185 = vector.shape_cast %get3A_184 : vector<1x16xf32> to vector<16xf32>
        %max3A_186 = arith.constant -1.500000e+01 : f32
        %max3A_187 = vector.broadcast %max3A_186 : f32 to vector<16xf32>
        %max3A_188 = arith.maximumf %get3A_185, %max3A_187 : vector<16xf32>
        %min3A_189 = arith.constant 1.500000e+01 : f32
        %min3A_190 = vector.broadcast %min3A_189 : f32 to vector<16xf32>
        %min3A_191 = arith.minimumf %max3A_188, %min3A_190 : vector<16xf32>
        %mul3A_192 = arith.constant 2.000000e+00 : f32
        %mul3A_193 = vector.broadcast %mul3A_192 : f32 to vector<16xf32>
        %mul3A_194 = arith.mulf %min3A_191, %mul3A_193 : vector<16xf32>
        %exp3A_195 = math.exp %mul3A_194 : vector<16xf32>
        %add3A_196 = arith.constant 1.000000e+00 : f32
        %add3A_197 = vector.broadcast %add3A_196 : f32 to vector<16xf32>
        %add3A_198 = arith.addf %add3A_197, %exp3A_195 : vector<16xf32>
        %div3A_199 = arith.constant 2.000000e+00 : f32
        %div3A_200 = vector.broadcast %div3A_199 : f32 to vector<16xf32>
        %div3A_201 = arith.divf %div3A_200, %add3A_198 : vector<16xf32>
        %sub3A_202 = arith.constant 1.000000e+00 : f32
        %sub3A_203 = vector.broadcast %sub3A_202 : f32 to vector<16xf32>
        %sub3A_204 = arith.subf %sub3A_203, %div3A_201 : vector<16xf32>
        %swap3A_205 = arith.index_cast %scan3A_103 : i32 to index
        %swap3A_206 = arith.constant 48 : index
        %swap3A_207 = tpu.vector_load %arg11[%swap3A_205, %swap3A_206] {strides = array<i32>} : memref<128x128xf32, #tpu.memory_space<vmem>>, vector<1x16xf32>,
        %swap3A_208 = vector.shape_cast %swap3A_207 : vector<1x16xf32> to vector<16xf32>
        %swap3A_209 = vector.shape_cast %sub3A_204 : vector<16xf32> to vector<1x16xf32>
        tpu.vector_store %arg11[%swap3A_205, %swap3A_206], %swap3A_209 {strides = array<i32>} : memref<128x128xf32, #tpu.memory_space<vmem>>, vector<1x16xf32>,
        %get3A_210 = arith.index_cast %scan3A_103 : i32 to index
        %get3A_211 = arith.constant 64 : index
        %get3A_212 = tpu.vector_load %arg11[%get3A_210, %get3A_211] {strides = array<i32>} : memref<128x128xf32, #tpu.memory_space<vmem>>, vector<1x16xf32>,
        %get3A_213 = vector.shape_cast %get3A_212 : vector<1x16xf32> to vector<16xf32>
        %max3A_214 = arith.constant -1.500000e+01 : f32
        %max3A_215 = vector.broadcast %max3A_214 : f32 to vector<16xf32>
        %max3A_216 = arith.maximumf %get3A_213, %max3A_215 : vector<16xf32>
        %min3A_217 = arith.constant 1.500000e+01 : f32
        %min3A_218 = vector.broadcast %min3A_217 : f32 to vector<16xf32>
        %min3A_219 = arith.minimumf %max3A_216, %min3A_218 : vector<16xf32>
        %mul3A_220 = arith.constant 2.000000e+00 : f32
        %mul3A_221 = vector.broadcast %mul3A_220 : f32 to vector<16xf32>
        %mul3A_222 = arith.mulf %min3A_219, %mul3A_221 : vector<16xf32>
        %exp3A_223 = math.exp %mul3A_222 : vector<16xf32>
        %add3A_224 = arith.constant 1.000000e+00 : f32
        %add3A_225 = vector.broadcast %add3A_224 : f32 to vector<16xf32>
        %add3A_226 = arith.addf %add3A_225, %exp3A_223 : vector<16xf32>
        %div3A_227 = arith.constant 2.000000e+00 : f32
        %div3A_228 = vector.broadcast %div3A_227 : f32 to vector<16xf32>
        %div3A_229 = arith.divf %div3A_228, %add3A_226 : vector<16xf32>
        %sub3A_230 = arith.constant 1.000000e+00 : f32
        %sub3A_231 = vector.broadcast %sub3A_230 : f32 to vector<16xf32>
        %sub3A_232 = arith.subf %sub3A_231, %div3A_229 : vector<16xf32>
        %swap3A_233 = arith.index_cast %scan3A_103 : i32 to index
        %swap3A_234 = arith.constant 64 : index
        %swap3A_235 = tpu.vector_load %arg11[%swap3A_233, %swap3A_234] {strides = array<i32>} : memref<128x128xf32, #tpu.memory_space<vmem>>, vector<1x16xf32>,
        %swap3A_236 = vector.shape_cast %swap3A_235 : vector<1x16xf32> to vector<16xf32>
        %swap3A_237 = vector.shape_cast %sub3A_232 : vector<16xf32> to vector<1x16xf32>
        tpu.vector_store %arg11[%swap3A_233, %swap3A_234], %swap3A_237 {strides = array<i32>} : memref<128x128xf32, #tpu.memory_space<vmem>>, vector<1x16xf32>,
        %get3A_238 = arith.index_cast %scan3A_103 : i32 to index
        %get3A_239 = arith.constant 80 : index
        %get3A_240 = tpu.vector_load %arg11[%get3A_238, %get3A_239] {strides = array<i32>} : memref<128x128xf32, #tpu.memory_space<vmem>>, vector<1x16xf32>,
        %get3A_241 = vector.shape_cast %get3A_240 : vector<1x16xf32> to vector<16xf32>
        %max3A_242 = arith.constant -1.500000e+01 : f32
        %max3A_243 = vector.broadcast %max3A_242 : f32 to vector<16xf32>
        %max3A_244 = arith.maximumf %get3A_241, %max3A_243 : vector<16xf32>
        %min3A_245 = arith.constant 1.500000e+01 : f32
        %min3A_246 = vector.broadcast %min3A_245 : f32 to vector<16xf32>
        %min3A_247 = arith.minimumf %max3A_244, %min3A_246 : vector<16xf32>
        %mul3A_248 = arith.constant 2.000000e+00 : f32
        %mul3A_249 = vector.broadcast %mul3A_248 : f32 to vector<16xf32>
        %mul3A_250 = arith.mulf %min3A_247, %mul3A_249 : vector<16xf32>
        %exp3A_251 = math.exp %mul3A_250 : vector<16xf32>
        %add3A_252 = arith.constant 1.000000e+00 : f32
        %add3A_253 = vector.broadcast %add3A_252 : f32 to vector<16xf32>
        %add3A_254 = arith.addf %add3A_253, %exp3A_251 : vector<16xf32>
        %div3A_255 = arith.constant 2.000000e+00 : f32
        %div3A_256 = vector.broadcast %div3A_255 : f32 to vector<16xf32>
        %div3A_257 = arith.divf %div3A_256, %add3A_254 : vector<16xf32>
        %sub3A_258 = arith.constant 1.000000e+00 : f32
        %sub3A_259 = vector.broadcast %sub3A_258 : f32 to vector<16xf32>
        %sub3A_260 = arith.subf %sub3A_259, %div3A_257 : vector<16xf32>
        %swap3A_261 = arith.index_cast %scan3A_103 : i32 to index
        %swap3A_262 = arith.constant 80 : index
        %swap3A_263 = tpu.vector_load %arg11[%swap3A_261, %swap3A_262] {strides = array<i32>} : memref<128x128xf32, #tpu.memory_space<vmem>>, vector<1x16xf32>,
        %swap3A_264 = vector.shape_cast %swap3A_263 : vector<1x16xf32> to vector<16xf32>
        %swap3A_265 = vector.shape_cast %sub3A_260 : vector<16xf32> to vector<1x16xf32>
        tpu.vector_store %arg11[%swap3A_261, %swap3A_262], %swap3A_265 {strides = array<i32>} : memref<128x128xf32, #tpu.memory_space<vmem>>, vector<1x16xf32>,
        %get3A_266 = arith.index_cast %scan3A_103 : i32 to index
        %get3A_267 = arith.constant 96 : index
        %get3A_268 = tpu.vector_load %arg11[%get3A_266, %get3A_267] {strides = array<i32>} : memref<128x128xf32, #tpu.memory_space<vmem>>, vector<1x16xf32>,
        %get3A_269 = vector.shape_cast %get3A_268 : vector<1x16xf32> to vector<16xf32>
        %max3A_270 = arith.constant -1.500000e+01 : f32
        %max3A_271 = vector.broadcast %max3A_270 : f32 to vector<16xf32>
        %max3A_272 = arith.maximumf %get3A_269, %max3A_271 : vector<16xf32>
        %min3A_273 = arith.constant 1.500000e+01 : f32
        %min3A_274 = vector.broadcast %min3A_273 : f32 to vector<16xf32>
        %min3A_275 = arith.minimumf %max3A_272, %min3A_274 : vector<16xf32>
        %mul3A_276 = arith.constant 2.000000e+00 : f32
        %mul3A_277 = vector.broadcast %mul3A_276 : f32 to vector<16xf32>
        %mul3A_278 = arith.mulf %min3A_275, %mul3A_277 : vector<16xf32>
        %exp3A_279 = math.exp %mul3A_278 : vector<16xf32>
        %add3A_280 = arith.constant 1.000000e+00 : f32
        %add3A_281 = vector.broadcast %add3A_280 : f32 to vector<16xf32>
        %add3A_282 = arith.addf %add3A_281, %exp3A_279 : vector<16xf32>
        %div3A_283 = arith.constant 2.000000e+00 : f32
        %div3A_284 = vector.broadcast %div3A_283 : f32 to vector<16xf32>
        %div3A_285 = arith.divf %div3A_284, %add3A_282 : vector<16xf32>
        %sub3A_286 = arith.constant 1.000000e+00 : f32
        %sub3A_287 = vector.broadcast %sub3A_286 : f32 to vector<16xf32>
        %sub3A_288 = arith.subf %sub3A_287, %div3A_285 : vector<16xf32>
        %swap3A_289 = arith.index_cast %scan3A_103 : i32 to index
        %swap3A_290 = arith.constant 96 : index
        %swap3A_291 = tpu.vector_load %arg11[%swap3A_289, %swap3A_290] {strides = array<i32>} : memref<128x128xf32, #tpu.memory_space<vmem>>, vector<1x16xf32>,
        %swap3A_292 = vector.shape_cast %swap3A_291 : vector<1x16xf32> to vector<16xf32>
        %swap3A_293 = vector.shape_cast %sub3A_288 : vector<16xf32> to vector<1x16xf32>
        tpu.vector_store %arg11[%swap3A_289, %swap3A_290], %swap3A_293 {strides = array<i32>} : memref<128x128xf32, #tpu.memory_space<vmem>>, vector<1x16xf32>,
        %get3A_294 = arith.index_cast %scan3A_103 : i32 to index
        %get3A_295 = arith.constant 112 : index
        %get3A_296 = tpu.vector_load %arg11[%get3A_294, %get3A_295] {strides = array<i32>} : memref<128x128xf32, #tpu.memory_space<vmem>>, vector<1x16xf32>,
        %get3A_297 = vector.shape_cast %get3A_296 : vector<1x16xf32> to vector<16xf32>
        %max3A_298 = arith.constant -1.500000e+01 : f32
        %max3A_299 = vector.broadcast %max3A_298 : f32 to vector<16xf32>
        %max3A_300 = arith.maximumf %get3A_297, %max3A_299 : vector<16xf32>
        %min3A_301 = arith.constant 1.500000e+01 : f32
        %min3A_302 = vector.broadcast %min3A_301 : f32 to vector<16xf32>
        %min3A_303 = arith.minimumf %max3A_300, %min3A_302 : vector<16xf32>
        %mul3A_304 = arith.constant 2.000000e+00 : f32
        %mul3A_305 = vector.broadcast %mul3A_304 : f32 to vector<16xf32>
        %mul3A_306 = arith.mulf %min3A_303, %mul3A_305 : vector<16xf32>
        %exp3A_307 = math.exp %mul3A_306 : vector<16xf32>
        %add3A_308 = arith.constant 1.000000e+00 : f32
        %add3A_309 = vector.broadcast %add3A_308 : f32 to vector<16xf32>
        %add3A_310 = arith.addf %add3A_309, %exp3A_307 : vector<16xf32>
        %div3A_311 = arith.constant 2.000000e+00 : f32
        %div3A_312 = vector.broadcast %div3A_311 : f32 to vector<16xf32>
        %div3A_313 = arith.divf %div3A_312, %add3A_310 : vector<16xf32>
        %sub3A_314 = arith.constant 1.000000e+00 : f32
        %sub3A_315 = vector.broadcast %sub3A_314 : f32 to vector<16xf32>
        %sub3A_316 = arith.subf %sub3A_315, %div3A_313 : vector<16xf32>
        %swap3A_317 = arith.index_cast %scan3A_103 : i32 to index
        %swap3A_318 = arith.constant 112 : index
        %swap3A_319 = tpu.vector_load %arg11[%swap3A_317, %swap3A_318] {strides = array<i32>} : memref<128x128xf32, #tpu.memory_space<vmem>>, vector<1x16xf32>,
        %swap3A_320 = vector.shape_cast %swap3A_319 : vector<1x16xf32> to vector<16xf32>
        %swap3A_321 = vector.shape_cast %sub3A_316 : vector<16xf32> to vector<1x16xf32>
        tpu.vector_store %arg11[%swap3A_317, %swap3A_318], %swap3A_321 {strides = array<i32>} : memref<128x128xf32, #tpu.memory_space<vmem>>, vector<1x16xf32>,
        %scan3A_322 = arith.constant 0 : i32
        scf.yield %scan3A_322 : i32
      }
      %scan3A_79 = arith.constant 128 : i32
      %mul3A_80 = arith.constant 128 : i32
      %mul3A_81 = arith.muli %add3A_27, %mul3A_80 : i32
      %multiple_of3A_82 = tpu.assume_multiple %mul3A_81, 128 : i32
      %run_scoped3A_83 = arith.constant 0 : i32
      "tpu.region"() ({
        %run_scoped3A_103 = tpu.sem_alloc : memref<!tpu.dma_semaphore, #tpu.memory_space<semaphore_mem>>
        %dma_start3A_104 = arith.constant 0 : i32
        %dma_start3A_105 = tpu.memref_slice %arg10[%run_scoped3A_83, %dma_start3A_104] : memref<2x128xi32, #tpu.memory_space<vmem>> -> memref<1x128xi32, #tpu.memory_space<vmem>>
        %dma_start3A_106 = tpu.memref_squeeze %dma_start3A_105 : memref<1x128xi32, #tpu.memory_space<vmem>> -> memref<128xi32, #tpu.memory_space<vmem>>
        %dma_start3A_107 = arith.constant 0 : i32
        %dma_start3A_108 = arith.constant 0 : i32
        %dma_start3A_109 = tpu.memref_slice %arg8[%dma_start3A_107, %dma_start3A_108] : memref<10112x128xf32, #tpu.memory_space<vmem_shared>> -> memref<10112x128xf32, #tpu.memory_space<vmem_shared>>
        tpu.enqueue_indirect_dma source(%arg11 : memref<128x128xf32, #tpu.memory_space<vmem>>) target(%dma_start3A_109 : memref<10112x128xf32, #tpu.memory_space<vmem_shared>>) offsets(%dma_start3A_106 : memref<128xi32, #tpu.memory_space<vmem>>) semaphore(%run_scoped3A_103 : memref<!tpu.dma_semaphore, #tpu.memory_space<semaphore_mem>>) {add = true}
        %dma_wait3A_110 = arith.constant 0 : i32
        %dma_wait3A_111 = tpu.memref_slice %arg10[%run_scoped3A_83, %dma_wait3A_110] : memref<2x128xi32, #tpu.memory_space<vmem>> -> memref<1x128xi32, #tpu.memory_space<vmem>>
        %dma_wait3A_112 = tpu.memref_squeeze %dma_wait3A_111 : memref<1x128xi32, #tpu.memory_space<vmem>> -> memref<128xi32, #tpu.memory_space<vmem>>
        %dma_wait3A_113 = arith.constant 0 : i32
        %dma_wait3A_114 = arith.constant 0 : i32
        %dma_wait3A_115 = tpu.memref_slice %arg8[%dma_wait3A_113, %dma_wait3A_114] : memref<10112x128xf32, #tpu.memory_space<vmem_shared>> -> memref<10112x128xf32, #tpu.memory_space<vmem_shared>>
        tpu.wait_indirect_dma semaphore(%run_scoped3A_103 : memref<!tpu.dma_semaphore, #tpu.memory_space<semaphore_mem>>) src(%arg11 : memref<128x128xf32, #tpu.memory_space<vmem>>) dst(%dma_wait3A_115 : memref<10112x128xf32, #tpu.memory_space<vmem_shared>>)
        tpu.yield
      }) : () -> ()
      %dma_wait3A_84 = arith.constant 1 : i32
      %dma_wait3A_85 = arith.constant 0 : i32
      %dma_wait3A_86 = tpu.memref_slice %arg9[%dma_wait3A_84, %dma_wait3A_85] : memref<2x128xi32, #tpu.memory_space<vmem>> -> memref<1x128xi32, #tpu.memory_space<vmem>>
      %dma_wait3A_87 = tpu.memref_squeeze %dma_wait3A_86 : memref<1x128xi32, #tpu.memory_space<vmem>> -> memref<128xi32, #tpu.memory_space<vmem>>
      %dma_wait3A_88 = arith.constant 0 : i32
      %dma_wait3A_89 = arith.constant 0 : i32
      %dma_wait3A_90 = tpu.memref_slice %arg2[%dma_wait3A_88, %dma_wait3A_89] : memref<10000x128xf32, #tpu.memory_space<hbm>> -> memref<10000x128xf32, #tpu.memory_space<hbm>>
      tpu.wait_indirect_dma semaphore(%arg16 : memref<!tpu.dma_semaphore, #tpu.memory_space<semaphore_mem>>) src(%dma_wait3A_90 : memref<10000x128xf32, #tpu.memory_space<hbm>>) dst(%arg12 : memref<128x128xf32, #tpu.memory_space<vmem>>)
      %scan3A_91 = arith.constant 0 : i32
      %scan3A_92 = arith.constant 0 : i32
      %scan3A_93 = arith.constant 128 : i32
      %scan3A_94 = arith.addi %scan3A_92, %scan3A_93 : i32
      %scan3A_95 = arith.constant 1 : i32
      %scan3A_96 = scf.for %scan3A_103 = %scan3A_92 to %scan3A_94 step %scan3A_95 iter_args(%scan3A_104 = %scan3A_91) -> (i32)  : i32 {
        %get3A = arith.index_cast %scan3A_103 : i32 to index
        %get3A_105 = arith.constant 0 : index
        %get3A_106 = tpu.vector_load %arg12[%get3A, %get3A_105] {strides = array<i32>} : memref<128x128xf32, #tpu.memory_space<vmem>>, vector<1x16xf32>,
        %get3A_107 = vector.shape_cast %get3A_106 : vector<1x16xf32> to vector<16xf32>
        %max3A = arith.constant -1.500000e+01 : f32
        %max3A_108 = vector.broadcast %max3A : f32 to vector<16xf32>
        %max3A_109 = arith.maximumf %get3A_107, %max3A_108 : vector<16xf32>
        %min3A = arith.constant 1.500000e+01 : f32
        %min3A_110 = vector.broadcast %min3A : f32 to vector<16xf32>
        %min3A_111 = arith.minimumf %max3A_109, %min3A_110 : vector<16xf32>
        %mul3A_112 = arith.constant 2.000000e+00 : f32
        %mul3A_113 = vector.broadcast %mul3A_112 : f32 to vector<16xf32>
        %mul3A_114 = arith.mulf %min3A_111, %mul3A_113 : vector<16xf32>
        %exp3A = math.exp %mul3A_114 : vector<16xf32>
        %add3A_115 = arith.constant 1.000000e+00 : f32
        %add3A_116 = vector.broadcast %add3A_115 : f32 to vector<16xf32>
        %add3A_117 = arith.addf %add3A_116, %exp3A : vector<16xf32>
        %div3A = arith.constant 2.000000e+00 : f32
        %div3A_118 = vector.broadcast %div3A : f32 to vector<16xf32>
        %div3A_119 = arith.divf %div3A_118, %add3A_117 : vector<16xf32>
        %sub3A = arith.constant 1.000000e+00 : f32
        %sub3A_120 = vector.broadcast %sub3A : f32 to vector<16xf32>
        %sub3A_121 = arith.subf %sub3A_120, %div3A_119 : vector<16xf32>
        %swap3A = arith.index_cast %scan3A_103 : i32 to index
        %swap3A_122 = arith.constant 0 : index
        %swap3A_123 = tpu.vector_load %arg12[%swap3A, %swap3A_122] {strides = array<i32>} : memref<128x128xf32, #tpu.memory_space<vmem>>, vector<1x16xf32>,
        %swap3A_124 = vector.shape_cast %swap3A_123 : vector<1x16xf32> to vector<16xf32>
        %swap3A_125 = vector.shape_cast %sub3A_121 : vector<16xf32> to vector<1x16xf32>
        tpu.vector_store %arg12[%swap3A, %swap3A_122], %swap3A_125 {strides = array<i32>} : memref<128x128xf32, #tpu.memory_space<vmem>>, vector<1x16xf32>,
        %get3A_126 = arith.index_cast %scan3A_103 : i32 to index
        %get3A_127 = arith.constant 16 : index
        %get3A_128 = tpu.vector_load %arg12[%get3A_126, %get3A_127] {strides = array<i32>} : memref<128x128xf32, #tpu.memory_space<vmem>>, vector<1x16xf32>,
        %get3A_129 = vector.shape_cast %get3A_128 : vector<1x16xf32> to vector<16xf32>
        %max3A_130 = arith.constant -1.500000e+01 : f32
        %max3A_131 = vector.broadcast %max3A_130 : f32 to vector<16xf32>
        %max3A_132 = arith.maximumf %get3A_129, %max3A_131 : vector<16xf32>
        %min3A_133 = arith.constant 1.500000e+01 : f32
        %min3A_134 = vector.broadcast %min3A_133 : f32 to vector<16xf32>
        %min3A_135 = arith.minimumf %max3A_132, %min3A_134 : vector<16xf32>
        %mul3A_136 = arith.constant 2.000000e+00 : f32
        %mul3A_137 = vector.broadcast %mul3A_136 : f32 to vector<16xf32>
        %mul3A_138 = arith.mulf %min3A_135, %mul3A_137 : vector<16xf32>
        %exp3A_139 = math.exp %mul3A_138 : vector<16xf32>
        %add3A_140 = arith.constant 1.000000e+00 : f32
        %add3A_141 = vector.broadcast %add3A_140 : f32 to vector<16xf32>
        %add3A_142 = arith.addf %add3A_141, %exp3A_139 : vector<16xf32>
        %div3A_143 = arith.constant 2.000000e+00 : f32
        %div3A_144 = vector.broadcast %div3A_143 : f32 to vector<16xf32>
        %div3A_145 = arith.divf %div3A_144, %add3A_142 : vector<16xf32>
        %sub3A_146 = arith.constant 1.000000e+00 : f32
        %sub3A_147 = vector.broadcast %sub3A_146 : f32 to vector<16xf32>
        %sub3A_148 = arith.subf %sub3A_147, %div3A_145 : vector<16xf32>
        %swap3A_149 = arith.index_cast %scan3A_103 : i32 to index
        %swap3A_150 = arith.constant 16 : index
        %swap3A_151 = tpu.vector_load %arg12[%swap3A_149, %swap3A_150] {strides = array<i32>} : memref<128x128xf32, #tpu.memory_space<vmem>>, vector<1x16xf32>,
        %swap3A_152 = vector.shape_cast %swap3A_151 : vector<1x16xf32> to vector<16xf32>
        %swap3A_153 = vector.shape_cast %sub3A_148 : vector<16xf32> to vector<1x16xf32>
        tpu.vector_store %arg12[%swap3A_149, %swap3A_150], %swap3A_153 {strides = array<i32>} : memref<128x128xf32, #tpu.memory_space<vmem>>, vector<1x16xf32>,
        %get3A_154 = arith.index_cast %scan3A_103 : i32 to index
        %get3A_155 = arith.constant 32 : index
        %get3A_156 = tpu.vector_load %arg12[%get3A_154, %get3A_155] {strides = array<i32>} : memref<128x128xf32, #tpu.memory_space<vmem>>, vector<1x16xf32>,
        %get3A_157 = vector.shape_cast %get3A_156 : vector<1x16xf32> to vector<16xf32>
        %max3A_158 = arith.constant -1.500000e+01 : f32
        %max3A_159 = vector.broadcast %max3A_158 : f32 to vector<16xf32>
        %max3A_160 = arith.maximumf %get3A_157, %max3A_159 : vector<16xf32>
        %min3A_161 = arith.constant 1.500000e+01 : f32
        %min3A_162 = vector.broadcast %min3A_161 : f32 to vector<16xf32>
        %min3A_163 = arith.minimumf %max3A_160, %min3A_162 : vector<16xf32>
        %mul3A_164 = arith.constant 2.000000e+00 : f32
        %mul3A_165 = vector.broadcast %mul3A_164 : f32 to vector<16xf32>
        %mul3A_166 = arith.mulf %min3A_163, %mul3A_165 : vector<16xf32>
        %exp3A_167 = math.exp %mul3A_166 : vector<16xf32>
        %add3A_168 = arith.constant 1.000000e+00 : f32
        %add3A_169 = vector.broadcast %add3A_168 : f32 to vector<16xf32>
        %add3A_170 = arith.addf %add3A_169, %exp3A_167 : vector<16xf32>
        %div3A_171 = arith.constant 2.000000e+00 : f32
        %div3A_172 = vector.broadcast %div3A_171 : f32 to vector<16xf32>
        %div3A_173 = arith.divf %div3A_172, %add3A_170 : vector<16xf32>
        %sub3A_174 = arith.constant 1.000000e+00 : f32
        %sub3A_175 = vector.broadcast %sub3A_174 : f32 to vector<16xf32>
        %sub3A_176 = arith.subf %sub3A_175, %div3A_173 : vector<16xf32>
        %swap3A_177 = arith.index_cast %scan3A_103 : i32 to index
        %swap3A_178 = arith.constant 32 : index
        %swap3A_179 = tpu.vector_load %arg12[%swap3A_177, %swap3A_178] {strides = array<i32>} : memref<128x128xf32, #tpu.memory_space<vmem>>, vector<1x16xf32>,
        %swap3A_180 = vector.shape_cast %swap3A_179 : vector<1x16xf32> to vector<16xf32>
        %swap3A_181 = vector.shape_cast %sub3A_176 : vector<16xf32> to vector<1x16xf32>
        tpu.vector_store %arg12[%swap3A_177, %swap3A_178], %swap3A_181 {strides = array<i32>} : memref<128x128xf32, #tpu.memory_space<vmem>>, vector<1x16xf32>,
        %get3A_182 = arith.index_cast %scan3A_103 : i32 to index
        %get3A_183 = arith.constant 48 : index
        %get3A_184 = tpu.vector_load %arg12[%get3A_182, %get3A_183] {strides = array<i32>} : memref<128x128xf32, #tpu.memory_space<vmem>>, vector<1x16xf32>,
        %get3A_185 = vector.shape_cast %get3A_184 : vector<1x16xf32> to vector<16xf32>
        %max3A_186 = arith.constant -1.500000e+01 : f32
        %max3A_187 = vector.broadcast %max3A_186 : f32 to vector<16xf32>
        %max3A_188 = arith.maximumf %get3A_185, %max3A_187 : vector<16xf32>
        %min3A_189 = arith.constant 1.500000e+01 : f32
        %min3A_190 = vector.broadcast %min3A_189 : f32 to vector<16xf32>
        %min3A_191 = arith.minimumf %max3A_188, %min3A_190 : vector<16xf32>
        %mul3A_192 = arith.constant 2.000000e+00 : f32
        %mul3A_193 = vector.broadcast %mul3A_192 : f32 to vector<16xf32>
        %mul3A_194 = arith.mulf %min3A_191, %mul3A_193 : vector<16xf32>
        %exp3A_195 = math.exp %mul3A_194 : vector<16xf32>
        %add3A_196 = arith.constant 1.000000e+00 : f32
        %add3A_197 = vector.broadcast %add3A_196 : f32 to vector<16xf32>
        %add3A_198 = arith.addf %add3A_197, %exp3A_195 : vector<16xf32>
        %div3A_199 = arith.constant 2.000000e+00 : f32
        %div3A_200 = vector.broadcast %div3A_199 : f32 to vector<16xf32>
        %div3A_201 = arith.divf %div3A_200, %add3A_198 : vector<16xf32>
        %sub3A_202 = arith.constant 1.000000e+00 : f32
        %sub3A_203 = vector.broadcast %sub3A_202 : f32 to vector<16xf32>
        %sub3A_204 = arith.subf %sub3A_203, %div3A_201 : vector<16xf32>
        %swap3A_205 = arith.index_cast %scan3A_103 : i32 to index
        %swap3A_206 = arith.constant 48 : index
        %swap3A_207 = tpu.vector_load %arg12[%swap3A_205, %swap3A_206] {strides = array<i32>} : memref<128x128xf32, #tpu.memory_space<vmem>>, vector<1x16xf32>,
        %swap3A_208 = vector.shape_cast %swap3A_207 : vector<1x16xf32> to vector<16xf32>
        %swap3A_209 = vector.shape_cast %sub3A_204 : vector<16xf32> to vector<1x16xf32>
        tpu.vector_store %arg12[%swap3A_205, %swap3A_206], %swap3A_209 {strides = array<i32>} : memref<128x128xf32, #tpu.memory_space<vmem>>, vector<1x16xf32>,
        %get3A_210 = arith.index_cast %scan3A_103 : i32 to index
        %get3A_211 = arith.constant 64 : index
        %get3A_212 = tpu.vector_load %arg12[%get3A_210, %get3A_211] {strides = array<i32>} : memref<128x128xf32, #tpu.memory_space<vmem>>, vector<1x16xf32>,
        %get3A_213 = vector.shape_cast %get3A_212 : vector<1x16xf32> to vector<16xf32>
        %max3A_214 = arith.constant -1.500000e+01 : f32
        %max3A_215 = vector.broadcast %max3A_214 : f32 to vector<16xf32>
        %max3A_216 = arith.maximumf %get3A_213, %max3A_215 : vector<16xf32>
        %min3A_217 = arith.constant 1.500000e+01 : f32
        %min3A_218 = vector.broadcast %min3A_217 : f32 to vector<16xf32>
        %min3A_219 = arith.minimumf %max3A_216, %min3A_218 : vector<16xf32>
        %mul3A_220 = arith.constant 2.000000e+00 : f32
        %mul3A_221 = vector.broadcast %mul3A_220 : f32 to vector<16xf32>
        %mul3A_222 = arith.mulf %min3A_219, %mul3A_221 : vector<16xf32>
        %exp3A_223 = math.exp %mul3A_222 : vector<16xf32>
        %add3A_224 = arith.constant 1.000000e+00 : f32
        %add3A_225 = vector.broadcast %add3A_224 : f32 to vector<16xf32>
        %add3A_226 = arith.addf %add3A_225, %exp3A_223 : vector<16xf32>
        %div3A_227 = arith.constant 2.000000e+00 : f32
        %div3A_228 = vector.broadcast %div3A_227 : f32 to vector<16xf32>
        %div3A_229 = arith.divf %div3A_228, %add3A_226 : vector<16xf32>
        %sub3A_230 = arith.constant 1.000000e+00 : f32
        %sub3A_231 = vector.broadcast %sub3A_230 : f32 to vector<16xf32>
        %sub3A_232 = arith.subf %sub3A_231, %div3A_229 : vector<16xf32>
        %swap3A_233 = arith.index_cast %scan3A_103 : i32 to index
        %swap3A_234 = arith.constant 64 : index
        %swap3A_235 = tpu.vector_load %arg12[%swap3A_233, %swap3A_234] {strides = array<i32>} : memref<128x128xf32, #tpu.memory_space<vmem>>, vector<1x16xf32>,
        %swap3A_236 = vector.shape_cast %swap3A_235 : vector<1x16xf32> to vector<16xf32>
        %swap3A_237 = vector.shape_cast %sub3A_232 : vector<16xf32> to vector<1x16xf32>
        tpu.vector_store %arg12[%swap3A_233, %swap3A_234], %swap3A_237 {strides = array<i32>} : memref<128x128xf32, #tpu.memory_space<vmem>>, vector<1x16xf32>,
        %get3A_238 = arith.index_cast %scan3A_103 : i32 to index
        %get3A_239 = arith.constant 80 : index
        %get3A_240 = tpu.vector_load %arg12[%get3A_238, %get3A_239] {strides = array<i32>} : memref<128x128xf32, #tpu.memory_space<vmem>>, vector<1x16xf32>,
        %get3A_241 = vector.shape_cast %get3A_240 : vector<1x16xf32> to vector<16xf32>
        %max3A_242 = arith.constant -1.500000e+01 : f32
        %max3A_243 = vector.broadcast %max3A_242 : f32 to vector<16xf32>
        %max3A_244 = arith.maximumf %get3A_241, %max3A_243 : vector<16xf32>
        %min3A_245 = arith.constant 1.500000e+01 : f32
        %min3A_246 = vector.broadcast %min3A_245 : f32 to vector<16xf32>
        %min3A_247 = arith.minimumf %max3A_244, %min3A_246 : vector<16xf32>
        %mul3A_248 = arith.constant 2.000000e+00 : f32
        %mul3A_249 = vector.broadcast %mul3A_248 : f32 to vector<16xf32>
        %mul3A_250 = arith.mulf %min3A_247, %mul3A_249 : vector<16xf32>
        %exp3A_251 = math.exp %mul3A_250 : vector<16xf32>
        %add3A_252 = arith.constant 1.000000e+00 : f32
        %add3A_253 = vector.broadcast %add3A_252 : f32 to vector<16xf32>
        %add3A_254 = arith.addf %add3A_253, %exp3A_251 : vector<16xf32>
        %div3A_255 = arith.constant 2.000000e+00 : f32
        %div3A_256 = vector.broadcast %div3A_255 : f32 to vector<16xf32>
        %div3A_257 = arith.divf %div3A_256, %add3A_254 : vector<16xf32>
        %sub3A_258 = arith.constant 1.000000e+00 : f32
        %sub3A_259 = vector.broadcast %sub3A_258 : f32 to vector<16xf32>
        %sub3A_260 = arith.subf %sub3A_259, %div3A_257 : vector<16xf32>
        %swap3A_261 = arith.index_cast %scan3A_103 : i32 to index
        %swap3A_262 = arith.constant 80 : index
        %swap3A_263 = tpu.vector_load %arg12[%swap3A_261, %swap3A_262] {strides = array<i32>} : memref<128x128xf32, #tpu.memory_space<vmem>>, vector<1x16xf32>,
        %swap3A_264 = vector.shape_cast %swap3A_263 : vector<1x16xf32> to vector<16xf32>
        %swap3A_265 = vector.shape_cast %sub3A_260 : vector<16xf32> to vector<1x16xf32>
        tpu.vector_store %arg12[%swap3A_261, %swap3A_262], %swap3A_265 {strides = array<i32>} : memref<128x128xf32, #tpu.memory_space<vmem>>, vector<1x16xf32>,
        %get3A_266 = arith.index_cast %scan3A_103 : i32 to index
        %get3A_267 = arith.constant 96 : index
        %get3A_268 = tpu.vector_load %arg12[%get3A_266, %get3A_267] {strides = array<i32>} : memref<128x128xf32, #tpu.memory_space<vmem>>, vector<1x16xf32>,
        %get3A_269 = vector.shape_cast %get3A_268 : vector<1x16xf32> to vector<16xf32>
        %max3A_270 = arith.constant -1.500000e+01 : f32
        %max3A_271 = vector.broadcast %max3A_270 : f32 to vector<16xf32>
        %max3A_272 = arith.maximumf %get3A_269, %max3A_271 : vector<16xf32>
        %min3A_273 = arith.constant 1.500000e+01 : f32
        %min3A_274 = vector.broadcast %min3A_273 : f32 to vector<16xf32>
        %min3A_275 = arith.minimumf %max3A_272, %min3A_274 : vector<16xf32>
        %mul3A_276 = arith.constant 2.000000e+00 : f32
        %mul3A_277 = vector.broadcast %mul3A_276 : f32 to vector<16xf32>
        %mul3A_278 = arith.mulf %min3A_275, %mul3A_277 : vector<16xf32>
        %exp3A_279 = math.exp %mul3A_278 : vector<16xf32>
        %add3A_280 = arith.constant 1.000000e+00 : f32
        %add3A_281 = vector.broadcast %add3A_280 : f32 to vector<16xf32>
        %add3A_282 = arith.addf %add3A_281, %exp3A_279 : vector<16xf32>
        %div3A_283 = arith.constant 2.000000e+00 : f32
        %div3A_284 = vector.broadcast %div3A_283 : f32 to vector<16xf32>
        %div3A_285 = arith.divf %div3A_284, %add3A_282 : vector<16xf32>
        %sub3A_286 = arith.constant 1.000000e+00 : f32
        %sub3A_287 = vector.broadcast %sub3A_286 : f32 to vector<16xf32>
        %sub3A_288 = arith.subf %sub3A_287, %div3A_285 : vector<16xf32>
        %swap3A_289 = arith.index_cast %scan3A_103 : i32 to index
        %swap3A_290 = arith.constant 96 : index
        %swap3A_291 = tpu.vector_load %arg12[%swap3A_289, %swap3A_290] {strides = array<i32>} : memref<128x128xf32, #tpu.memory_space<vmem>>, vector<1x16xf32>,
        %swap3A_292 = vector.shape_cast %swap3A_291 : vector<1x16xf32> to vector<16xf32>
        %swap3A_293 = vector.shape_cast %sub3A_288 : vector<16xf32> to vector<1x16xf32>
        tpu.vector_store %arg12[%swap3A_289, %swap3A_290], %swap3A_293 {strides = array<i32>} : memref<128x128xf32, #tpu.memory_space<vmem>>, vector<1x16xf32>,
        %get3A_294 = arith.index_cast %scan3A_103 : i32 to index
        %get3A_295 = arith.constant 112 : index
        %get3A_296 = tpu.vector_load %arg12[%get3A_294, %get3A_295] {strides = array<i32>} : memref<128x128xf32, #tpu.memory_space<vmem>>, vector<1x16xf32>,
        %get3A_297 = vector.shape_cast %get3A_296 : vector<1x16xf32> to vector<16xf32>
        %max3A_298 = arith.constant -1.500000e+01 : f32
        %max3A_299 = vector.broadcast %max3A_298 : f32 to vector<16xf32>
        %max3A_300 = arith.maximumf %get3A_297, %max3A_299 : vector<16xf32>
        %min3A_301 = arith.constant 1.500000e+01 : f32
        %min3A_302 = vector.broadcast %min3A_301 : f32 to vector<16xf32>
        %min3A_303 = arith.minimumf %max3A_300, %min3A_302 : vector<16xf32>
        %mul3A_304 = arith.constant 2.000000e+00 : f32
        %mul3A_305 = vector.broadcast %mul3A_304 : f32 to vector<16xf32>
        %mul3A_306 = arith.mulf %min3A_303, %mul3A_305 : vector<16xf32>
        %exp3A_307 = math.exp %mul3A_306 : vector<16xf32>
        %add3A_308 = arith.constant 1.000000e+00 : f32
        %add3A_309 = vector.broadcast %add3A_308 : f32 to vector<16xf32>
        %add3A_310 = arith.addf %add3A_309, %exp3A_307 : vector<16xf32>
        %div3A_311 = arith.constant 2.000000e+00 : f32
        %div3A_312 = vector.broadcast %div3A_311 : f32 to vector<16xf32>
        %div3A_313 = arith.divf %div3A_312, %add3A_310 : vector<16xf32>
        %sub3A_314 = arith.constant 1.000000e+00 : f32
        %sub3A_315 = vector.broadcast %sub3A_314 : f32 to vector<16xf32>
        %sub3A_316 = arith.subf %sub3A_315, %div3A_313 : vector<16xf32>
        %swap3A_317 = arith.index_cast %scan3A_103 : i32 to index
        %swap3A_318 = arith.constant 112 : index
        %swap3A_319 = tpu.vector_load %arg12[%swap3A_317, %swap3A_318] {strides = array<i32>} : memref<128x128xf32, #tpu.memory_space<vmem>>, vector<1x16xf32>,
        %swap3A_320 = vector.shape_cast %swap3A_319 : vector<1x16xf32> to vector<16xf32>
        %swap3A_321 = vector.shape_cast %sub3A_316 : vector<16xf32> to vector<1x16xf32>
        tpu.vector_store %arg12[%swap3A_317, %swap3A_318], %swap3A_321 {strides = array<i32>} : memref<128x128xf32, #tpu.memory_space<vmem>>, vector<1x16xf32>,
        %scan3A_322 = arith.constant 0 : i32
        scf.yield %scan3A_322 : i32
      }
      %scan3A_97 = arith.constant 128 : i32
      %mul3A_98 = arith.constant 128 : i32
      %mul3A_99 = arith.muli %add3A_29, %mul3A_98 : i32
      %multiple_of3A_100 = tpu.assume_multiple %mul3A_99, 128 : i32
      %run_scoped3A_101 = arith.constant 1 : i32
      "tpu.region"() ({
        %run_scoped3A_103 = tpu.sem_alloc : memref<!tpu.dma_semaphore, #tpu.memory_space<semaphore_mem>>
        %dma_start3A_104 = arith.constant 0 : i32
        %dma_start3A_105 = tpu.memref_slice %arg10[%run_scoped3A_101, %dma_start3A_104] : memref<2x128xi32, #tpu.memory_space<vmem>> -> memref<1x128xi32, #tpu.memory_space<vmem>>
        %dma_start3A_106 = tpu.memref_squeeze %dma_start3A_105 : memref<1x128xi32, #tpu.memory_space<vmem>> -> memref<128xi32, #tpu.memory_space<vmem>>
        %dma_start3A_107 = arith.constant 0 : i32
        %dma_start3A_108 = arith.constant 0 : i32
        %dma_start3A_109 = tpu.memref_slice %arg8[%dma_start3A_107, %dma_start3A_108] : memref<10112x128xf32, #tpu.memory_space<vmem_shared>> -> memref<10112x128xf32, #tpu.memory_space<vmem_shared>>
        tpu.enqueue_indirect_dma source(%arg12 : memref<128x128xf32, #tpu.memory_space<vmem>>) target(%dma_start3A_109 : memref<10112x128xf32, #tpu.memory_space<vmem_shared>>) offsets(%dma_start3A_106 : memref<128xi32, #tpu.memory_space<vmem>>) semaphore(%run_scoped3A_103 : memref<!tpu.dma_semaphore, #tpu.memory_space<semaphore_mem>>) {add = true}
        %dma_wait3A_110 = arith.constant 0 : i32
        %dma_wait3A_111 = tpu.memref_slice %arg10[%run_scoped3A_101, %dma_wait3A_110] : memref<2x128xi32, #tpu.memory_space<vmem>> -> memref<1x128xi32, #tpu.memory_space<vmem>>
        %dma_wait3A_112 = tpu.memref_squeeze %dma_wait3A_111 : memref<1x128xi32, #tpu.memory_space<vmem>> -> memref<128xi32, #tpu.memory_space<vmem>>
        %dma_wait3A_113 = arith.constant 0 : i32
        %dma_wait3A_114 = arith.constant 0 : i32
        %dma_wait3A_115 = tpu.memref_slice %arg8[%dma_wait3A_113, %dma_wait3A_114] : memref<10112x128xf32, #tpu.memory_space<vmem_shared>> -> memref<10112x128xf32, #tpu.memory_space<vmem_shared>>
        tpu.wait_indirect_dma semaphore(%run_scoped3A_103 : memref<!tpu.dma_semaphore, #tpu.memory_space<semaphore_mem>>) src(%arg12 : memref<128x128xf32, #tpu.memory_space<vmem>>) dst(%dma_wait3A_115 : memref<10112x128xf32, #tpu.memory_space<vmem_shared>>)
        tpu.yield
      }) : () -> ()
      %while3A_102 = arith.constant 0 : i32
      scf.yield %while3A_102 : i32
    }
    %barrier3A_22 = arith.constant 0 : index
    tpu.barrier barrier_id(%barrier3A_22)
    "tpu.region"() ({
      %run_scoped3A = tpu.sem_alloc : memref<!tpu.dma_semaphore, #tpu.memory_space<semaphore_mem>>
      %dma_start3A = arith.constant 0 : i32
      %dma_start3A_23 = tpu.memref_slice %arg7[%arg0, %multiple_of3A, %dma_start3A] : memref<2x10112x128xf32, #tpu.memory_space<hbm>> -> memref<1x632x128xf32, #tpu.memory_space<hbm>>
      %dma_start3A_24 = tpu.memref_squeeze %dma_start3A_23 : memref<1x632x128xf32, #tpu.memory_space<hbm>> -> memref<632x128xf32, #tpu.memory_space<hbm>>
      %dma_start3A_25 = arith.constant 0 : i32
      %dma_start3A_26 = tpu.memref_slice %arg8[%multiple_of3A, %dma_start3A_25] : memref<10112x128xf32, #tpu.memory_space<vmem_shared>> -> memref<632x128xf32, #tpu.memory_space<vmem_shared>>
      tpu.enqueue_dma source(%dma_start3A_26 : memref<632x128xf32, #tpu.memory_space<vmem_shared>>) target(%dma_start3A_24 : memref<632x128xf32, #tpu.memory_space<hbm>>) target_semaphore(%run_scoped3A : memref<!tpu.dma_semaphore, #tpu.memory_space<semaphore_mem>>)
      %dma_wait3A = arith.constant 0 : i32
      %dma_wait3A_27 = tpu.memref_slice %arg7[%arg0, %multiple_of3A, %dma_wait3A] : memref<2x10112x128xf32, #tpu.memory_space<hbm>> -> memref<1x632x128xf32, #tpu.memory_space<hbm>>
      %dma_wait3A_28 = tpu.memref_squeeze %dma_wait3A_27 : memref<1x632x128xf32, #tpu.memory_space<hbm>> -> memref<632x128xf32, #tpu.memory_space<hbm>>
      %dma_wait3A_29 = arith.constant 0 : i32
      %dma_wait3A_30 = tpu.memref_slice %arg8[%multiple_of3A, %dma_wait3A_29] : memref<10112x128xf32, #tpu.memory_space<vmem_shared>> -> memref<632x128xf32, #tpu.memory_space<vmem_shared>>
      tpu.wait_dma2 semaphore(%run_scoped3A : memref<!tpu.dma_semaphore, #tpu.memory_space<semaphore_mem>>) src(%dma_wait3A_30 : memref<632x128xf32, #tpu.memory_space<vmem_shared>>) dst(%dma_wait3A_28 : memref<632x128xf32, #tpu.memory_space<hbm>>)
      tpu.yield
    }) : () -> ()
    return
  }
}

module attributes {stable_mosaic.version = 14 : i64} {
  func.func @_y_body(%arg0: i32, %arg1: memref<2000x128xf32, #tpu.memory_space<vmem>>, %arg2: memref<128x128xf32, #tpu.memory_space<vmem>>, %arg3: memref<2000x128xf32, #tpu.memory_space<vmem>>) attributes {dimension_semantics = [#tpu.dimension_semantics<arbitrary>], iteration_bounds = array<i64: 5>, scalar_prefetch = 0 : i64, scratch_operands = 0 : i64, tpu.core_type = #tpu.core_type<tc>, window_params = [{transform_indices = @transform_0, window_bounds = array<i64: 2000, 128>}, {pipeline_mode = #tpu.pipeline_mode<synchronous>, transform_indices = @transform_1, window_bounds = array<i64: 128, 128>}, {transform_indices = @transform_2, window_bounds = array<i64: 2000, 128>}]} {
    %get3A = arith.constant 0 : index
    %get3A_0 = arith.constant 0 : index
    %get3A_1 = vector.load %arg1[%get3A, %get3A_0] : memref<2000x128xf32, #tpu.memory_space<vmem>>, vector<2000x128xf32>
    %get3A_2 = arith.constant 0 : index
    %get3A_3 = arith.constant 0 : index
    %get3A_4 = vector.load %arg2[%get3A_2, %get3A_3] : memref<128x128xf32, #tpu.memory_space<vmem>>, vector<128x128xf32>
    %dot_general3A = arith.constant dense<0.000000e+00> : vector<2000x128xf32>
    %dot_general3A_5 = tpu.matmul %get3A_1, %get3A_4, %dot_general3A {dimension_numbers = #tpu.dot_dimension_numbers<[1], [0], [0], [1], [0, 0, 1, 1], [], []>, transpose_lhs_hint = false} : vector<2000x128xf32>, vector<128x128xf32>, vector<2000x128xf32> -> vector<2000x128xf32>
    %swap3A = arith.constant 0 : index
    %swap3A_6 = arith.constant 0 : index
    %swap3A_7 = vector.load %arg3[%swap3A, %swap3A_6] : memref<2000x128xf32, #tpu.memory_space<vmem>>, vector<2000x128xf32>
    tpu.vector_store %arg3[%swap3A, %swap3A_6], %dot_general3A_5 {strides = array<i32>} : memref<2000x128xf32, #tpu.memory_space<vmem>>, vector<2000x128xf32>,
    return
  }
  func.func @transform_0(%arg0: i32) -> (i32, i32) {
    %c0_i32 = arith.constant 0 : i32
    %c0_i32_0 = arith.constant 0 : i32
    return %arg0, %c0_i32 : i32, i32
  }
  func.func @transform_1(%arg0: i32) -> (i32, i32) {
    %c0_i32 = arith.constant 0 : i32
    %c0_i32_0 = arith.constant 0 : i32
    %c0_i32_1 = arith.constant 0 : i32
    return %c0_i32, %c0_i32_0 : i32, i32
  }
  func.func @transform_2(%arg0: i32) -> (i32, i32) {
    %c0_i32 = arith.constant 0 : i32
    %c0_i32_0 = arith.constant 0 : i32
    return %arg0, %c0_i32 : i32, i32
  }
}

module attributes {stable_mosaic.version = 14 : i64} {
  func.func @_z0_body(%arg0: i32, %arg1: memref<2048x4xf32, #tpu.memory_space<vmem>>, %arg2: memref<4x128xf32, #tpu.memory_space<vmem>>, %arg3: memref<1x128xf32, #tpu.memory_space<vmem>>, %arg4: memref<128x128xf32, #tpu.memory_space<vmem>>, %arg5: memref<1x128xf32, #tpu.memory_space<vmem>>, %arg6: memref<2048x128xf32, #tpu.memory_space<vmem>>) attributes {dimension_semantics = [#tpu.dimension_semantics<arbitrary>], iteration_bounds = array<i64: 160>, scalar_prefetch = 0 : i64, scratch_operands = 0 : i64, tpu.core_type = #tpu.core_type<tc>, window_params = [{transform_indices = @transform_0, window_bounds = array<i64: 2048, 4>}, {pipeline_mode = #tpu.pipeline_mode<synchronous>, transform_indices = @transform_1, window_bounds = array<i64: 4, 128>}, {pipeline_mode = #tpu.pipeline_mode<synchronous>, transform_indices = @transform_2, window_bounds = array<i64: 1, 128>}, {pipeline_mode = #tpu.pipeline_mode<synchronous>, transform_indices = @transform_3, window_bounds = array<i64: 128, 128>}, {pipeline_mode = #tpu.pipeline_mode<synchronous>, transform_indices = @transform_4, window_bounds = array<i64: 1, 128>}, {transform_indices = @transform_5, window_bounds = array<i64: 2048, 128>}]} {
    %get3A = arith.constant 0 : index
    %get3A_0 = arith.constant 0 : index
    %get3A_1 = vector.load %arg1[%get3A, %get3A_0] : memref<2048x4xf32, #tpu.memory_space<vmem>>, vector<2048x4xf32>
    %get3A_2 = arith.constant 0 : index
    %get3A_3 = arith.constant 0 : index
    %get3A_4 = vector.load %arg2[%get3A_2, %get3A_3] : memref<4x128xf32, #tpu.memory_space<vmem>>, vector<4x128xf32>
    %dot_general3A = arith.constant dense<0.000000e+00> : vector<2048x128xf32>
    %dot_general3A_5 = tpu.matmul %get3A_1, %get3A_4, %dot_general3A {dimension_numbers = #tpu.dot_dimension_numbers<[1], [0], [0], [1], [0, 0, 1, 1], [], []>, transpose_lhs_hint = false} : vector<2048x4xf32>, vector<4x128xf32>, vector<2048x128xf32> -> vector<2048x128xf32>
    %get3A_6 = arith.constant 0 : index
    %get3A_7 = arith.constant 0 : index
    %get3A_8 = vector.load %arg3[%get3A_6, %get3A_7] : memref<1x128xf32, #tpu.memory_space<vmem>>, vector<1x128xf32>
    %add3A = vector.broadcast %get3A_8 : vector<1x128xf32> to vector<2048x128xf32>
    %add3A_9 = arith.addf %dot_general3A_5, %add3A : vector<2048x128xf32>
    %tanh3A = math.tanh %add3A_9 : vector<2048x128xf32>
    %get3A_10 = arith.constant 0 : index
    %get3A_11 = arith.constant 0 : index
    %get3A_12 = vector.load %arg4[%get3A_10, %get3A_11] : memref<128x128xf32, #tpu.memory_space<vmem>>, vector<128x128xf32>
    %dot_general3A_13 = arith.constant dense<0.000000e+00> : vector<2048x128xf32>
    %dot_general3A_14 = tpu.matmul %tanh3A, %get3A_12, %dot_general3A_13 {dimension_numbers = #tpu.dot_dimension_numbers<[1], [0], [0], [1], [0, 0, 1, 1], [], []>, transpose_lhs_hint = false} : vector<2048x128xf32>, vector<128x128xf32>, vector<2048x128xf32> -> vector<2048x128xf32>
    %get3A_15 = arith.constant 0 : index
    %get3A_16 = arith.constant 0 : index
    %get3A_17 = vector.load %arg5[%get3A_15, %get3A_16] : memref<1x128xf32, #tpu.memory_space<vmem>>, vector<1x128xf32>
    %add3A_18 = vector.broadcast %get3A_17 : vector<1x128xf32> to vector<2048x128xf32>
    %add3A_19 = arith.addf %dot_general3A_14, %add3A_18 : vector<2048x128xf32>
    %swap3A = arith.constant 0 : index
    %swap3A_20 = arith.constant 0 : index
    %swap3A_21 = vector.load %arg6[%swap3A, %swap3A_20] : memref<2048x128xf32, #tpu.memory_space<vmem>>, vector<2048x128xf32>
    tpu.vector_store %arg6[%swap3A, %swap3A_20], %add3A_19 {strides = array<i32>} : memref<2048x128xf32, #tpu.memory_space<vmem>>, vector<2048x128xf32>,
    return
  }
  func.func @transform_0(%arg0: i32) -> (i32, i32) {
    %c0_i32 = arith.constant 0 : i32
    %c0_i32_0 = arith.constant 0 : i32
    return %arg0, %c0_i32 : i32, i32
  }
  func.func @transform_1(%arg0: i32) -> (i32, i32) {
    %c0_i32 = arith.constant 0 : i32
    %c0_i32_0 = arith.constant 0 : i32
    %c0_i32_1 = arith.constant 0 : i32
    return %c0_i32, %c0_i32_0 : i32, i32
  }
  func.func @transform_2(%arg0: i32) -> (i32, i32) {
    %c0_i32 = arith.constant 0 : i32
    %c0_i32_0 = arith.constant 0 : i32
    %c0_i32_1 = arith.constant 0 : i32
    return %c0_i32, %c0_i32_0 : i32, i32
  }
  func.func @transform_3(%arg0: i32) -> (i32, i32) {
    %c0_i32 = arith.constant 0 : i32
    %c0_i32_0 = arith.constant 0 : i32
    %c0_i32_1 = arith.constant 0 : i32
    return %c0_i32, %c0_i32_0 : i32, i32
  }
  func.func @transform_4(%arg0: i32) -> (i32, i32) {
    %c0_i32 = arith.constant 0 : i32
    %c0_i32_0 = arith.constant 0 : i32
    %c0_i32_1 = arith.constant 0 : i32
    return %c0_i32, %c0_i32_0 : i32, i32
  }
  func.func @transform_5(%arg0: i32) -> (i32, i32) {
    %c0_i32 = arith.constant 0 : i32
    %c0_i32_0 = arith.constant 0 : i32
    return %arg0, %c0_i32 : i32, i32
  }
}

module attributes {stable_mosaic.version = 14 : i64} {
  func.func @_z1_body(%arg0: i32, %arg1: memref<2048x128xf32, #tpu.memory_space<vmem>>, %arg2: memref<128x128xf32, #tpu.memory_space<vmem>>, %arg3: memref<1x128xf32, #tpu.memory_space<vmem>>, %arg4: memref<2048x128xf32, #tpu.memory_space<vmem>>) attributes {dimension_semantics = [#tpu.dimension_semantics<arbitrary>], iteration_bounds = array<i64: 160>, scalar_prefetch = 0 : i64, scratch_operands = 0 : i64, tpu.core_type = #tpu.core_type<tc>, window_params = [{transform_indices = @transform_0, window_bounds = array<i64: 2048, 128>}, {pipeline_mode = #tpu.pipeline_mode<synchronous>, transform_indices = @transform_1, window_bounds = array<i64: 128, 128>}, {pipeline_mode = #tpu.pipeline_mode<synchronous>, transform_indices = @transform_2, window_bounds = array<i64: 1, 128>}, {transform_indices = @transform_3, window_bounds = array<i64: 2048, 128>}]} {
    %get3A = arith.constant 0 : index
    %get3A_0 = arith.constant 0 : index
    %get3A_1 = vector.load %arg1[%get3A, %get3A_0] : memref<2048x128xf32, #tpu.memory_space<vmem>>, vector<2048x128xf32>
    %get3A_2 = arith.constant 0 : index
    %get3A_3 = arith.constant 0 : index
    %get3A_4 = vector.load %arg2[%get3A_2, %get3A_3] : memref<128x128xf32, #tpu.memory_space<vmem>>, vector<128x128xf32>
    %dot_general3A = arith.constant dense<0.000000e+00> : vector<2048x128xf32>
    %dot_general3A_5 = tpu.matmul %get3A_1, %get3A_4, %dot_general3A {dimension_numbers = #tpu.dot_dimension_numbers<[1], [0], [0], [1], [0, 0, 1, 1], [], []>, transpose_lhs_hint = false} : vector<2048x128xf32>, vector<128x128xf32>, vector<2048x128xf32> -> vector<2048x128xf32>
    %get3A_6 = arith.constant 0 : index
    %get3A_7 = arith.constant 0 : index
    %get3A_8 = vector.load %arg3[%get3A_6, %get3A_7] : memref<1x128xf32, #tpu.memory_space<vmem>>, vector<1x128xf32>
    %add3A = vector.broadcast %get3A_8 : vector<1x128xf32> to vector<2048x128xf32>
    %add3A_9 = arith.addf %dot_general3A_5, %add3A : vector<2048x128xf32>
    %swap3A = arith.constant 0 : index
    %swap3A_10 = arith.constant 0 : index
    %swap3A_11 = vector.load %arg4[%swap3A, %swap3A_10] : memref<2048x128xf32, #tpu.memory_space<vmem>>, vector<2048x128xf32>
    tpu.vector_store %arg4[%swap3A, %swap3A_10], %add3A_9 {strides = array<i32>} : memref<2048x128xf32, #tpu.memory_space<vmem>>, vector<2048x128xf32>,
    return
  }
  func.func @transform_0(%arg0: i32) -> (i32, i32) {
    %c0_i32 = arith.constant 0 : i32
    %c0_i32_0 = arith.constant 0 : i32
    return %arg0, %c0_i32 : i32, i32
  }
  func.func @transform_1(%arg0: i32) -> (i32, i32) {
    %c0_i32 = arith.constant 0 : i32
    %c0_i32_0 = arith.constant 0 : i32
    %c0_i32_1 = arith.constant 0 : i32
    return %c0_i32, %c0_i32_0 : i32, i32
  }
  func.func @transform_2(%arg0: i32) -> (i32, i32) {
    %c0_i32 = arith.constant 0 : i32
    %c0_i32_0 = arith.constant 0 : i32
    %c0_i32_1 = arith.constant 0 : i32
    return %c0_i32, %c0_i32_0 : i32, i32
  }
  func.func @transform_3(%arg0: i32) -> (i32, i32) {
    %c0_i32 = arith.constant 0 : i32
    %c0_i32_0 = arith.constant 0 : i32
    return %arg0, %c0_i32 : i32, i32
  }
}

module attributes {stable_mosaic.version = 14 : i64} {
  func.func @_upd_body(%arg0: i32, %arg1: memref<2000x128xf32, #tpu.memory_space<vmem>>, %arg2: memref<2x2000x128xf32, #tpu.memory_space<vmem>>, %arg3: memref<128x128xf32, #tpu.memory_space<vmem>>, %arg4: memref<128x128xf32, #tpu.memory_space<vmem>>, %arg5: memref<1x128xf32, #tpu.memory_space<vmem>>, %arg6: memref<128x128xf32, #tpu.memory_space<vmem>>, %arg7: memref<2000x128xf32, #tpu.memory_space<vmem>>, %arg8: memref<2000x128xf32, #tpu.memory_space<vmem>>) attributes {dimension_semantics = [#tpu.dimension_semantics<arbitrary>], iteration_bounds = array<i64: 5>, scalar_prefetch = 0 : i64, scratch_operands = 0 : i64, tpu.core_type = #tpu.core_type<tc>, window_params = [{transform_indices = @transform_0, window_bounds = array<i64: 2000, 128>}, {transform_indices = @transform_1, window_bounds = array<i64: 2, 2000, 128>}, {pipeline_mode = #tpu.pipeline_mode<synchronous>, transform_indices = @transform_2, window_bounds = array<i64: 128, 128>}, {pipeline_mode = #tpu.pipeline_mode<synchronous>, transform_indices = @transform_3, window_bounds = array<i64: 128, 128>}, {pipeline_mode = #tpu.pipeline_mode<synchronous>, transform_indices = @transform_4, window_bounds = array<i64: 1, 128>}, {pipeline_mode = #tpu.pipeline_mode<synchronous>, transform_indices = @transform_5, window_bounds = array<i64: 128, 128>}, {transform_indices = @transform_6, window_bounds = array<i64: 2000, 128>}, {transform_indices = @transform_7, window_bounds = array<i64: 2000, 128>}]} {
    %get3A = arith.constant 0 : index
    %get3A_0 = arith.constant 0 : index
    %get3A_1 = arith.constant 0 : index
    %get3A_2 = vector.load %arg2[%get3A, %get3A_0, %get3A_1] : memref<2x2000x128xf32, #tpu.memory_space<vmem>>, vector<1x2000x128xf32>
    %get3A_3 = vector.shape_cast %get3A_2 : vector<1x2000x128xf32> to vector<2000x128xf32>
    %get3A_4 = arith.constant 1 : index
    %get3A_5 = arith.constant 0 : index
    %get3A_6 = arith.constant 0 : index
    %get3A_7 = vector.load %arg2[%get3A_4, %get3A_5, %get3A_6] : memref<2x2000x128xf32, #tpu.memory_space<vmem>>, vector<1x2000x128xf32>
    %get3A_8 = vector.shape_cast %get3A_7 : vector<1x2000x128xf32> to vector<2000x128xf32>
    %add3A = arith.addf %get3A_3, %get3A_8 : vector<2000x128xf32>
    %get3A_9 = arith.constant 0 : index
    %get3A_10 = arith.constant 0 : index
    %get3A_11 = vector.load %arg1[%get3A_9, %get3A_10] : memref<2000x128xf32, #tpu.memory_space<vmem>>, vector<2000x128xf32>
    %get3A_12 = arith.constant 0 : index
    %get3A_13 = arith.constant 0 : index
    %get3A_14 = vector.load %arg3[%get3A_12, %get3A_13] : memref<128x128xf32, #tpu.memory_space<vmem>>, vector<128x128xf32>
    %dot_general3A = arith.constant dense<0.000000e+00> : vector<2000x128xf32>
    %dot_general3A_15 = tpu.matmul %get3A_11, %get3A_14, %dot_general3A {dimension_numbers = #tpu.dot_dimension_numbers<[1], [0], [0], [1], [0, 0, 1, 1], [], []>, transpose_lhs_hint = false} : vector<2000x128xf32>, vector<128x128xf32>, vector<2000x128xf32> -> vector<2000x128xf32>
    %get3A_16 = arith.constant 0 : index
    %get3A_17 = arith.constant 0 : index
    %get3A_18 = vector.load %arg4[%get3A_16, %get3A_17] : memref<128x128xf32, #tpu.memory_space<vmem>>, vector<128x128xf32>
    %dot_general3A_19 = arith.constant dense<0.000000e+00> : vector<2000x128xf32>
    %dot_general3A_20 = tpu.matmul %add3A, %get3A_18, %dot_general3A_19 {dimension_numbers = #tpu.dot_dimension_numbers<[1], [0], [0], [1], [0, 0, 1, 1], [], []>, transpose_lhs_hint = false} : vector<2000x128xf32>, vector<128x128xf32>, vector<2000x128xf32> -> vector<2000x128xf32>
    %add3A_21 = arith.addf %dot_general3A_15, %dot_general3A_20 : vector<2000x128xf32>
    %get3A_22 = arith.constant 0 : index
    %get3A_23 = arith.constant 0 : index
    %get3A_24 = vector.load %arg5[%get3A_22, %get3A_23] : memref<1x128xf32, #tpu.memory_space<vmem>>, vector<1x128xf32>
    %add3A_25 = vector.broadcast %get3A_24 : vector<1x128xf32> to vector<2000x128xf32>
    %add3A_26 = arith.addf %add3A_21, %add3A_25 : vector<2000x128xf32>
    %tanh3A = math.tanh %add3A_26 : vector<2000x128xf32>
    %swap3A = arith.constant 0 : index
    %swap3A_27 = arith.constant 0 : index
    %swap3A_28 = vector.load %arg7[%swap3A, %swap3A_27] : memref<2000x128xf32, #tpu.memory_space<vmem>>, vector<2000x128xf32>
    tpu.vector_store %arg7[%swap3A, %swap3A_27], %tanh3A {strides = array<i32>} : memref<2000x128xf32, #tpu.memory_space<vmem>>, vector<2000x128xf32>,
    %get3A_29 = arith.constant 0 : index
    %get3A_30 = arith.constant 0 : index
    %get3A_31 = vector.load %arg6[%get3A_29, %get3A_30] : memref<128x128xf32, #tpu.memory_space<vmem>>, vector<128x128xf32>
    %dot_general3A_32 = arith.constant dense<0.000000e+00> : vector<2000x128xf32>
    %dot_general3A_33 = tpu.matmul %tanh3A, %get3A_31, %dot_general3A_32 {dimension_numbers = #tpu.dot_dimension_numbers<[1], [0], [0], [1], [0, 0, 1, 1], [], []>, transpose_lhs_hint = false} : vector<2000x128xf32>, vector<128x128xf32>, vector<2000x128xf32> -> vector<2000x128xf32>
    %swap3A_34 = arith.constant 0 : index
    %swap3A_35 = arith.constant 0 : index
    %swap3A_36 = vector.load %arg8[%swap3A_34, %swap3A_35] : memref<2000x128xf32, #tpu.memory_space<vmem>>, vector<2000x128xf32>
    tpu.vector_store %arg8[%swap3A_34, %swap3A_35], %dot_general3A_33 {strides = array<i32>} : memref<2000x128xf32, #tpu.memory_space<vmem>>, vector<2000x128xf32>,
    return
  }
  func.func @transform_0(%arg0: i32) -> (i32, i32) {
    %c0_i32 = arith.constant 0 : i32
    %c0_i32_0 = arith.constant 0 : i32
    return %arg0, %c0_i32 : i32, i32
  }
  func.func @transform_1(%arg0: i32) -> (i32, i32, i32) {
    %c0_i32 = arith.constant 0 : i32
    %c0_i32_0 = arith.constant 0 : i32
    %c0_i32_1 = arith.constant 0 : i32
    return %c0_i32, %arg0, %c0_i32_0 : i32, i32, i32
  }
  func.func @transform_2(%arg0: i32) -> (i32, i32) {
    %c0_i32 = arith.constant 0 : i32
    %c0_i32_0 = arith.constant 0 : i32
    %c0_i32_1 = arith.constant 0 : i32
    return %c0_i32, %c0_i32_0 : i32, i32
  }
  func.func @transform_3(%arg0: i32) -> (i32, i32) {
    %c0_i32 = arith.constant 0 : i32
    %c0_i32_0 = arith.constant 0 : i32
    %c0_i32_1 = arith.constant 0 : i32
    return %c0_i32, %c0_i32_0 : i32, i32
  }
  func.func @transform_4(%arg0: i32) -> (i32, i32) {
    %c0_i32 = arith.constant 0 : i32
    %c0_i32_0 = arith.constant 0 : i32
    %c0_i32_1 = arith.constant 0 : i32
    return %c0_i32, %c0_i32_0 : i32, i32
  }
  func.func @transform_5(%arg0: i32) -> (i32, i32) {
    %c0_i32 = arith.constant 0 : i32
    %c0_i32_0 = arith.constant 0 : i32
    %c0_i32_1 = arith.constant 0 : i32
    return %c0_i32, %c0_i32_0 : i32, i32
  }
  func.func @transform_6(%arg0: i32) -> (i32, i32) {
    %c0_i32 = arith.constant 0 : i32
    %c0_i32_0 = arith.constant 0 : i32
    return %arg0, %c0_i32 : i32, i32
  }
  func.func @transform_7(%arg0: i32) -> (i32, i32) {
    %c0_i32 = arith.constant 0 : i32
    %c0_i32_0 = arith.constant 0 : i32
    return %arg0, %c0_i32 : i32, i32
  }
}

module attributes {stable_mosaic.version = 14 : i64} {
  func.func @_fin_body(%arg0: i32, %arg1: memref<2000x128xf32, #tpu.memory_space<vmem>>, %arg2: memref<2x2000x128xf32, #tpu.memory_space<vmem>>, %arg3: memref<128x128xf32, #tpu.memory_space<vmem>>, %arg4: memref<128x128xf32, #tpu.memory_space<vmem>>, %arg5: memref<1x128xf32, #tpu.memory_space<vmem>>, %arg6: memref<128x64xf32, #tpu.memory_space<vmem>>, %arg7: memref<1x64xf32, #tpu.memory_space<vmem>>, %arg8: memref<64x1xf32, #tpu.memory_space<vmem>>, %arg9: memref<1x1xf32, #tpu.memory_space<vmem>>, %arg10: memref<2000x1xf32, #tpu.memory_space<vmem>>) attributes {dimension_semantics = [#tpu.dimension_semantics<arbitrary>], iteration_bounds = array<i64: 5>, scalar_prefetch = 0 : i64, scratch_operands = 0 : i64, tpu.core_type = #tpu.core_type<tc>, window_params = [{transform_indices = @transform_0, window_bounds = array<i64: 2000, 128>}, {transform_indices = @transform_1, window_bounds = array<i64: 2, 2000, 128>}, {pipeline_mode = #tpu.pipeline_mode<synchronous>, transform_indices = @transform_2, window_bounds = array<i64: 128, 128>}, {pipeline_mode = #tpu.pipeline_mode<synchronous>, transform_indices = @transform_3, window_bounds = array<i64: 128, 128>}, {pipeline_mode = #tpu.pipeline_mode<synchronous>, transform_indices = @transform_4, window_bounds = array<i64: 1, 128>}, {pipeline_mode = #tpu.pipeline_mode<synchronous>, transform_indices = @transform_5, window_bounds = array<i64: 128, 64>}, {pipeline_mode = #tpu.pipeline_mode<synchronous>, transform_indices = @transform_6, window_bounds = array<i64: 1, 64>}, {pipeline_mode = #tpu.pipeline_mode<synchronous>, transform_indices = @transform_7, window_bounds = array<i64: 64, 1>}, {pipeline_mode = #tpu.pipeline_mode<synchronous>, transform_indices = @transform_8, window_bounds = array<i64: 1, 1>}, {transform_indices = @transform_9, window_bounds = array<i64: 2000, 1>}]} {
    %get3A = arith.constant 0 : index
    %get3A_0 = arith.constant 0 : index
    %get3A_1 = arith.constant 0 : index
    %get3A_2 = vector.load %arg2[%get3A, %get3A_0, %get3A_1] : memref<2x2000x128xf32, #tpu.memory_space<vmem>>, vector<1x2000x128xf32>
    %get3A_3 = vector.shape_cast %get3A_2 : vector<1x2000x128xf32> to vector<2000x128xf32>
    %get3A_4 = arith.constant 1 : index
    %get3A_5 = arith.constant 0 : index
    %get3A_6 = arith.constant 0 : index
    %get3A_7 = vector.load %arg2[%get3A_4, %get3A_5, %get3A_6] : memref<2x2000x128xf32, #tpu.memory_space<vmem>>, vector<1x2000x128xf32>
    %get3A_8 = vector.shape_cast %get3A_7 : vector<1x2000x128xf32> to vector<2000x128xf32>
    %add3A = arith.addf %get3A_3, %get3A_8 : vector<2000x128xf32>
    %get3A_9 = arith.constant 0 : index
    %get3A_10 = arith.constant 0 : index
    %get3A_11 = vector.load %arg1[%get3A_9, %get3A_10] : memref<2000x128xf32, #tpu.memory_space<vmem>>, vector<2000x128xf32>
    %get3A_12 = arith.constant 0 : index
    %get3A_13 = arith.constant 0 : index
    %get3A_14 = vector.load %arg3[%get3A_12, %get3A_13] : memref<128x128xf32, #tpu.memory_space<vmem>>, vector<128x128xf32>
    %dot_general3A = arith.constant dense<0.000000e+00> : vector<2000x128xf32>
    %dot_general3A_15 = tpu.matmul %get3A_11, %get3A_14, %dot_general3A {dimension_numbers = #tpu.dot_dimension_numbers<[1], [0], [0], [1], [0, 0, 1, 1], [], []>, transpose_lhs_hint = false} : vector<2000x128xf32>, vector<128x128xf32>, vector<2000x128xf32> -> vector<2000x128xf32>
    %get3A_16 = arith.constant 0 : index
    %get3A_17 = arith.constant 0 : index
    %get3A_18 = vector.load %arg4[%get3A_16, %get3A_17] : memref<128x128xf32, #tpu.memory_space<vmem>>, vector<128x128xf32>
    %dot_general3A_19 = arith.constant dense<0.000000e+00> : vector<2000x128xf32>
    %dot_general3A_20 = tpu.matmul %add3A, %get3A_18, %dot_general3A_19 {dimension_numbers = #tpu.dot_dimension_numbers<[1], [0], [0], [1], [0, 0, 1, 1], [], []>, transpose_lhs_hint = false} : vector<2000x128xf32>, vector<128x128xf32>, vector<2000x128xf32> -> vector<2000x128xf32>
    %add3A_21 = arith.addf %dot_general3A_15, %dot_general3A_20 : vector<2000x128xf32>
    %get3A_22 = arith.constant 0 : index
    %get3A_23 = arith.constant 0 : index
    %get3A_24 = vector.load %arg5[%get3A_22, %get3A_23] : memref<1x128xf32, #tpu.memory_space<vmem>>, vector<1x128xf32>
    %add3A_25 = vector.broadcast %get3A_24 : vector<1x128xf32> to vector<2000x128xf32>
    %add3A_26 = arith.addf %add3A_21, %add3A_25 : vector<2000x128xf32>
    %tanh3A = math.tanh %add3A_26 : vector<2000x128xf32>
    %get3A_27 = arith.constant 0 : index
    %get3A_28 = arith.constant 0 : index
    %get3A_29 = vector.load %arg6[%get3A_27, %get3A_28] : memref<128x64xf32, #tpu.memory_space<vmem>>, vector<128x64xf32>
    %dot_general3A_30 = arith.constant dense<0.000000e+00> : vector<2000x64xf32>
    %dot_general3A_31 = tpu.matmul %tanh3A, %get3A_29, %dot_general3A_30 {dimension_numbers = #tpu.dot_dimension_numbers<[1], [0], [0], [1], [0, 0, 1, 1], [], []>, transpose_lhs_hint = false} : vector<2000x128xf32>, vector<128x64xf32>, vector<2000x64xf32> -> vector<2000x64xf32>
    %get3A_32 = arith.constant 0 : index
    %get3A_33 = arith.constant 0 : index
    %get3A_34 = vector.load %arg7[%get3A_32, %get3A_33] : memref<1x64xf32, #tpu.memory_space<vmem>>, vector<1x64xf32>
    %add3A_35 = vector.broadcast %get3A_34 : vector<1x64xf32> to vector<2000x64xf32>
    %add3A_36 = arith.addf %dot_general3A_31, %add3A_35 : vector<2000x64xf32>
    %tanh3A_37 = math.tanh %add3A_36 : vector<2000x64xf32>
    %get3A_38 = arith.constant 0 : index
    %get3A_39 = arith.constant 0 : index
    %get3A_40 = vector.load %arg8[%get3A_38, %get3A_39] : memref<64x1xf32, #tpu.memory_space<vmem>>, vector<64x1xf32>
    %dot_general3A_41 = arith.constant dense<0.000000e+00> : vector<2000x1xf32>
    %dot_general3A_42 = tpu.matmul %tanh3A_37, %get3A_40, %dot_general3A_41 {dimension_numbers = #tpu.dot_dimension_numbers<[1], [0], [0], [1], [0, 0, 1, 1], [], []>, transpose_lhs_hint = false} : vector<2000x64xf32>, vector<64x1xf32>, vector<2000x1xf32> -> vector<2000x1xf32>
    %get3A_43 = arith.constant 0 : index
    %get3A_44 = arith.constant 0 : index
    %get3A_45 = vector.load %arg9[%get3A_43, %get3A_44] : memref<1x1xf32, #tpu.memory_space<vmem>>, vector<1x1xf32>
    %add3A_46 = vector.broadcast %get3A_45 : vector<1x1xf32> to vector<2000x1xf32>
    %add3A_47 = arith.addf %dot_general3A_42, %add3A_46 : vector<2000x1xf32>
    %swap3A = arith.constant 0 : index
    %swap3A_48 = arith.constant 0 : index
    %swap3A_49 = vector.load %arg10[%swap3A, %swap3A_48] : memref<2000x1xf32, #tpu.memory_space<vmem>>, vector<2000x1xf32>
    tpu.vector_store %arg10[%swap3A, %swap3A_48], %add3A_47 {strides = array<i32>} : memref<2000x1xf32, #tpu.memory_space<vmem>>, vector<2000x1xf32>,
    return
  }
  func.func @transform_0(%arg0: i32) -> (i32, i32) {
    %c0_i32 = arith.constant 0 : i32
    %c0_i32_0 = arith.constant 0 : i32
    return %arg0, %c0_i32 : i32, i32
  }
  func.func @transform_1(%arg0: i32) -> (i32, i32, i32) {
    %c0_i32 = arith.constant 0 : i32
    %c0_i32_0 = arith.constant 0 : i32
    %c0_i32_1 = arith.constant 0 : i32
    return %c0_i32, %arg0, %c0_i32_0 : i32, i32, i32
  }
  func.func @transform_2(%arg0: i32) -> (i32, i32) {
    %c0_i32 = arith.constant 0 : i32
    %c0_i32_0 = arith.constant 0 : i32
    %c0_i32_1 = arith.constant 0 : i32
    return %c0_i32, %c0_i32_0 : i32, i32
  }
  func.func @transform_3(%arg0: i32) -> (i32, i32) {
    %c0_i32 = arith.constant 0 : i32
    %c0_i32_0 = arith.constant 0 : i32
    %c0_i32_1 = arith.constant 0 : i32
    return %c0_i32, %c0_i32_0 : i32, i32
  }
  func.func @transform_4(%arg0: i32) -> (i32, i32) {
    %c0_i32 = arith.constant 0 : i32
    %c0_i32_0 = arith.constant 0 : i32
    %c0_i32_1 = arith.constant 0 : i32
    return %c0_i32, %c0_i32_0 : i32, i32
  }
  func.func @transform_5(%arg0: i32) -> (i32, i32) {
    %c0_i32 = arith.constant 0 : i32
    %c0_i32_0 = arith.constant 0 : i32
    %c0_i32_1 = arith.constant 0 : i32
    return %c0_i32, %c0_i32_0 : i32, i32
  }
  func.func @transform_6(%arg0: i32) -> (i32, i32) {
    %c0_i32 = arith.constant 0 : i32
    %c0_i32_0 = arith.constant 0 : i32
    %c0_i32_1 = arith.constant 0 : i32
    return %c0_i32, %c0_i32_0 : i32, i32
  }
  func.func @transform_7(%arg0: i32) -> (i32, i32) {
    %c0_i32 = arith.constant 0 : i32
    %c0_i32_0 = arith.constant 0 : i32
    %c0_i32_1 = arith.constant 0 : i32
    return %c0_i32, %c0_i32_0 : i32, i32
  }
  func.func @transform_8(%arg0: i32) -> (i32, i32) {
    %c0_i32 = arith.constant 0 : i32
    %c0_i32_0 = arith.constant 0 : i32
    %c0_i32_1 = arith.constant 0 : i32
    return %c0_i32, %c0_i32_0 : i32, i32
  }
  func.func @transform_9(%arg0: i32) -> (i32, i32) {
    %c0_i32 = arith.constant 0 : i32
    %c0_i32_0 = arith.constant 0 : i32
    return %arg0, %c0_i32 : i32, i32
  }
}

</mosaic_0001>

<sc_bundles>
// kernel: kernel.12.cloned.1.call-start
scs
__scs_entry_jumppad:
0x0: {  	(pc) =	sbr.rel $0x88, $3  }
0x1: {  	(tag) =	ssettag $0x0;
	lr =	simm.s32 $0x1  }
0x2: {  	[smem:$0x3F90] =	sst lr;
	_ =	strace $0xD0000000  }
0x3: {  	_ = 	snop  }
0x4: {  	_ = 	snop  }
0x5: {  	_ = 	snop  }
0x6: {  	_ = 	snop  }
0x7: {  	_ = 	snop  }
__scs_overlays_trampoline_lowered:
0x8: {  	[smem:$0x3F9F] =	sst s0  }
0x9: {  	[smem:$0x3FA0] =	sst s1  }
0xa: {  	[smem:$0x3FA1] =	sst s2  }
0xb: {  	[smem:$0x3FA2] =	sst s3  }
0xc: {  	[smem:$0x3FA3] =	sst s4  }
0xd: {  	[smem:$0x3FA4] =	sst s5  }
0xe: {  	[smem:$0x3FA5] =	sst s6  }
0xf: {  	[smem:$0x3FA6] =	sst s7  }
0x10: {  	[smem:$0x3FA7] =	sst s8  }
0x11: {  	[smem:$0x3FA8] =	sst s9;
	s0 =	simm.s32 @!p0 $0x0  }
0x12: {  	s1 =	sld [smem:$0x3F8E];
	s0 =	simm.s32 @p0 $0x1  }
0x13: {  	[smem:$0x3FA9] =	sst s0;
	s0 =	simm.s32 @!p1 $0x0  }
0x14: {  	s2 =	sld [smem:$0x3F8D];
	s0 =	simm.s32 @p1 $0x1  }
0x15: {  	[smem:$0x3FAA] =	sst s0;
	s0 =	simm.s32 @!p2 $0x0  }
0x16: {  	s3 =	sld [smem:$0x3FDB];
	s0 =	simm.s32 @p2 $0x1  }
0x17: {  	s4 =	simm.s32 $0x1BF5;
	[smem:$0x3FAC] =	sst s0  }
0x18: {  	s0 =	sld [smem:$0x3F8F];
	_ =	swait.ge [sflag:s4], $0x0  }
0x19: {  	s7 =	sld [smem:$0x3F90]  }
0x1a: {  	s8 =	sadd.s32 $0xFFFFE003, lr  }
0x1b: {  	s9 =	sadd.s32 $0xFFFFFEF7, lr;
	s5 =	simm.s32 $0xFFFFFFFF;
	p2 =	slt.u32 s8, $0xFFFFF086  }
0x1c: {  	p1 =	slt.u32 s9, $0xF7A;
	s5 =	simm.s32 @!p2 $0x0  }
0x1d: {  	s5 =	simm.s32 @p1 $0x1;
	p0 =	seq.s32 s7, s2  }
0x1e: {  	s7 =	smul.u32 @!p0 $0xF7A, s2;
	p2 =	seq.s32 @!p0 s5, $0x0  }
0x1f: {  	s9 =	smul.u32 $0xF7A, s1;
	s8 =	simm.s32 @!p0 $0x1BF5;
	p2 =	por !p2, p0  }
0x20: {  	[sflag:s8] =	ssyncset.s32 @!p0 $0xFFFFF086;
	s6 =	sadd.s32 @!p0 s3, s7;
	s7 =	simm.s32 @!p0 $0x108  }
0x21: {  	s3 =	sadd.s32 s3, s9;
	s6 =	sadd.s32 @!p0 $0x88, s6;
	s7 =	simm.s32 @p2 $0x1082  }
0x22: {  	[simem:s7], [sflag:s8] =	dma.local @!p0 [hbm:s6], $0xF7A  }
0x23: {  	s9 =	sor.u32 $0xD0000000, s2;
	s6 =	simm.s32 $0x108;
	_ =	swait.ge @!p0 [sflag:s8], $0x0  }
0x24: {  	s3 =	sadd.s32 $0x88, s3;
	s6 =	simm.s32 @!p1 $0x1082;
	[sflag:s4] =	ssyncset.s32 $0xFFFFF086  }
0x25: {  	[simem:s6], [sflag:s4] =	dma.local [hbm:s3], $0xF7A  }
0x26: {  	[smem:$0x3F90] =	sst s1;
	(tag) =	ssettag s2;
	_ =	strace s9  }
0x27: {  	s1 =	sld [smem:$0x3FA0]  }
0x28: {  	s2 =	sld [smem:$0x3FA1]  }
0x29: {  	s4 =	sld [smem:$0x3FA3]  }
0x2a: {  	p0 =	seq.s32 s5, $0x0;
	s5 =	sld [smem:$0x3FA4]  }
0x2b: {  	s6 =	sld [smem:$0x3FA5]  }
0x2c: {  	s7 =	sld [smem:$0x3FA6]  }
0x2d: {  	s3 =	simm.s32 $0x108;
	s8 =	sld [smem:$0x3FA7]  }
0x2e: {  	s3 =	simm.s32 @!p0 $0x1082;
	s9 =	sld [smem:$0x3FA8]  }
0x2f: {  	lr =	sadd.s32 s0, s3;
	s0 =	sld [smem:$0x3F9F]  }
0x30: {  	s3 =	sld [smem:$0x3FA2]  }
0x31: {  	[smem:$0x3FAB] =	sst s10  }
0x32: {  	s10 =	sld [smem:$0x3FA9];
	_ =	sdelay $0x3  }
0x33: {  	p0 =	seq.s32 s10, $0x1;
	s10 =	sld [smem:$0x3FAB];
	_ =	sdelay $0x3  }
0x34: {  	[smem:$0x3FAB] =	sst s10  }
0x35: {  	s10 =	sld [smem:$0x3FAA];
	_ =	sdelay $0x3  }
0x36: {  	p1 =	seq.s32 s10, $0x1;
	s10 =	sld [smem:$0x3FAB];
	_ =	sdelay $0x3  }
0x37: {  	[smem:$0x3FAB] =	sst s10  }
0x38: {  	s10 =	sld [smem:$0x3FAC]  }
0x39: {  	_ = 	snop;
	(pc) =	sbr.ind lr, $3  }
0x3a: {  	_ = 	snop  }
0x3b: {  	_ = 	snop  }
0x3c: {  	p2 =	seq.s32 s10, $0x1;
	s10 =	sld [smem:$0x3FAB]  }
0x3d: {  	_ =	shalt  }
0x3e: {  	_ =	shalt  }
0x3f: {  	_ =	shalt  }
0x40: {  	_ =	shalt  }
0x41: {  	_ =	shalt  }
0x42: {  	_ =	shalt  }
0x43: {  	_ =	shalt  }
0x44: {  	_ =	shalt  }
0x45: {  	_ =	shalt  }
0x46: {  	_ =	shalt  }
0x47: {  	_ =	shalt  }
0x48: {  	_ =	shalt  }
0x49: {  	_ =	shalt  }
0x4a: {  	_ =	shalt  }
0x4b: {  	_ =	shalt  }
0x4c: {  	_ =	shalt  }
0x4d: {  	_ =	shalt  }
0x4e: {  	_ =	shalt  }
0x4f: {  	_ =	shalt  }
0x50: {  	_ =	shalt  }
0x51: {  	_ =	shalt  }
0x52: {  	_ =	shalt  }
0x53: {  	_ =	shalt  }
0x54: {  	_ =	shalt  }
0x55: {  	_ =	shalt  }
0x56: {  	_ =	shalt  }
0x57: {  	_ =	shalt  }
0x58: {  	_ =	shalt  }
0x59: {  	_ =	shalt  }
0x5a: {  	_ =	shalt  }
0x5b: {  	_ =	shalt  }
0x5c: {  	_ =	shalt  }
0x5d: {  	_ =	shalt  }
0x5e: {  	_ =	shalt  }
0x5f: {  	_ =	shalt  }
0x60: {  	_ =	shalt  }
0x61: {  	_ =	shalt  }
0x62: {  	_ =	shalt  }
0x63: {  	_ =	shalt  }
0x64: {  	_ =	shalt  }
0x65: {  	_ =	shalt  }
0x66: {  	_ =	shalt  }
0x67: {  	_ =	shalt  }
0x68: {  	_ =	shalt  }
0x69: {  	_ =	shalt  }
0x6a: {  	_ =	shalt  }
0x6b: {  	_ =	shalt  }
0x6c: {  	_ =	shalt  }
0x6d: {  	_ =	shalt  }
0x6e: {  	_ =	shalt  }
0x6f: {  	_ =	shalt  }
0x70: {  	_ =	shalt  }
0x71: {  	_ =	shalt  }
0x72: {  	_ =	shalt  }
0x73: {  	_ =	shalt  }
0x74: {  	_ =	shalt  }
0x75: {  	_ =	shalt  }
0x76: {  	_ =	shalt  }
0x77: {  	_ =	shalt  }
0x78: {  	_ =	shalt  }
0x79: {  	_ =	shalt  }
0x7a: {  	_ =	shalt  }
0x7b: {  	_ =	shalt  }
0x7c: {  	_ =	shalt  }
0x7d: {  	_ =	shalt  }
0x7e: {  	_ =	shalt  }
0x7f: {  	_ =	shalt  }
0x80: {  	_ =	shalt  }
0x81: {  	_ =	shalt  }
0x82: {  	_ =	shalt  }
0x83: {  	_ =	shalt  }
0x84: {  	_ =	shalt  }
0x85: {  	_ =	shalt  }
0x86: {  	_ =	shalt  }
0x87: {  	_ =	shalt  }
.Lfunc_end0:
.L_simem_size_0:
called_computation.1_lowered:
.L_overlay_start_0:
0x88: {  	s2 =	sld [smem:$0x3FD9]  }
0x89: {  	s3 =	sld [smem:$0x3FFE];
	_ =	sdelay $0x1  }
0x8a: {  	s1 =	srdreg.scid  }
0x8b: {  	s0 =	sand.u32 $0x1, s1  }
0x8c: {  	s16 =	sshll.u32 s0, $0xA;
	s2 =	sadd.s32 s3, s2  }
0x8d: {  	s2 =	sadd.s32 s2, s16  }
0x8e: {  	[smem:$0x3FB7] =	sst s2  }
0x8f: {  	_ = 	snop  }
0x90: {  	(tm) =	ssettm $0x1  }
0x91: {  	s17 =	sld [smem:$0x3FFB];
	_ =	sdelay $0x3  }
0x92: {  	_ =	strace s17  }
0x93: {  	s2 =	sld [smem:$0x3FFC];
	_ =	sdelay $0x3  }
0x94: {  	_ =	strace s2  }
0x95: {  	s2 =	sld [smem:$0x3FFD];
	_ =	sdelay $0x3  }
0x96: {  	_ =	strace s2  }
0x97: {  	_ =	strace $0x8FFFFFFF  }
0x98: {  	s18 =	sld [smem:$0x3FDB];
	_ =	sdelay $0x1  }
0x99: {  	s19 =	simm.s32 $_scs_section_size  }
0x9a: {  	s4 =	simm.s32 $_size__tile_overlayer_lowered;
	s5 =	simm.s32 $_tile_overlayer_lowered  }
0x9b: {  	s22 =	simm.s32 $0x1BFF;
	s21 =	sshll.u32 s5, $0x1;
	s2 =	sadd.s32 s19, s18  }
0x9c: {  	s6 =	simm.s32 $0x0;
	s20 =	sshll.u32 s4, $0x1;
	s4 =	sadd.s32 s21, s2  }
0x9d: {  	[timem:s6], [sflag:s22] =	dma.local [hbm:s4], s20  }
0x9e: {  	_ =	swait.ge [sflag:s22], s20  }
0x9f: {  	s3 =	ssub.s32 $0x0, s20;
	[sflag:s22] =	ssyncset.done $0x0  }
0xa0: {  	[sflag:s22] =	ssyncadd.s32 s3;
	_ =	sdelay $0x1  }
0xa1: {  	s23 =	simm.s32 $0x1B8B  }
0xa2: {  	_ =	swait.ge [sflag:s23], $0x1  }
0xa3: {  	[sflag:s23] =	ssyncset.done $0x0  }
0xa4: {  	s25 =	simm.s32 $0x1B8E;
	s24 =	sld [smem:$0x3FFE];
	[sflag:s23] =	ssyncadd.s32 $0xFFFFFFFF  }
0xa5: {  	s26 =	simm.s32 $execute0_lowered;
	[smem:$0x3FD2] =	sst s25  }
0xa6: {  	s4 =	sshll.u32 s26, $0x1;
	_ =	strace $0x80000049;
	[dreg:$0x1] =	wrdreg $0xFFFFFFFF  }
0xa7: {  	s28 =	simm.s32 $_size_execute0_lowered;
	s2 =	sadd.s32 s2, s4;
	[dreg:$0x0] =	wrdreg $0x0  }
0xa8: {  	s4 =	sshll.u32 s28, $0x1;
	[dreg:$0x2] =	wrdreg s2  }
0xa9: {  	[dreg:$0x3] =	wrdreg s4  }
0xaa: {  	[dreg:$0x4] =	wrdreg $0xC0  }
0xab: {  	_ =	task [dreg:s6], $0x5FFFF  }
0xac: {  	[dreg:$0x1] =	wrdreg $0xFFFFFFFF  }
0xad: {  	[dreg:$0x0] =	wrdreg $0x60  }
0xae: {  	[dreg:$0x2] =	wrdreg s24  }
0xaf: {  	[dreg:$0x3] =	wrdreg $0x0  }
0xb0: {  	[dreg:$0x4] =	wrdreg $0x9  }
0xb1: {  	_ =	task.clear_ibuf [dreg:s6], $0x5FFFF;
	_ =	strace $0x90000049  }
0xb2: {  	s29 =	simm.s32 $0x9;
	_ =	strace $0x8000004B  }
0xb3: {  	_ =	swait.ge [sflag:s29], $0x1  }
0xb4: {  	[sflag:s29] =	ssyncadd.s32 $0xFFFFFFFF  }
0xb5: {  	_ =	strace $0x9000004B  }
0xb6: {  	_ =	sfence  }
0xb7: {  	s30 =	sld [smem:$0x0];
	_ =	sdelay $0x2  }
0xb8: {  	s31 =	sshll.u32 s1, $0xD;
	s1 =	sshrl.u32 s1, $0x2  }
0xb9: {  	s3 =	sand.u32 $0x4000, s31;
	s1 =	sadd.s32 s1, s30  }
0xba: {  	s0 =	sor.u32 s3, s0;
	s1 =	sshll.u32 s1, $0x11  }
0xbb: {  	s0 =	sor.u32 s1, s0  }
0xbc: {  	s0 =	sadd.s32 $0x8F2B, s0  }
0xbd: {  	[sflag:s0] =	ssyncadd.remote.s32 $0x1  }
0xbe: {  	_ =	sfence.sel $0xFFFF  }
0xbf: {  	[dreg:$0x0] =	wrdreg $0xFFFFFFFF;
	(pc) =	sbr.abs _section_cstart, $3  }
0xc0: {  	[dreg:$0x1] =	wrdreg $0xFFFFFFFF  }
0xc1: {  	_ =	task.clear_ibuf [dreg:s6], $0x2FFFF;
	_ =	strace $0x9FFFFFFF  }
0xc2: {  	(tm) =	ssettm $0x7FFFFFFF  }
0xc3: {  	_ =	shalt  }
tec
execute0_lowered:
.L_overlay_start_1:
0x0: {  	(tag) =	ssettag $0x1  }
0x1: {  	s0 =	rddreg [dreg:$0x0]  }
0x2: {  	s1 =	rddreg [dreg:$0x1]  }
0x3: {  	s3 =	simm.s32 $0x0;
	s2 =	stileid.u32;
	s5 =	srdreg.scid  }
0x4: {  	s15 =	simm.s32 $0x5;
	s16 =	simm.s32 $0x13C00;
	s17 =	simm.s32 $0x13D00  }
0x5: {  	s18 =	simm.s32 $0x13E00;
	s19 =	simm.s32 $0x13C80;
	s20 =	simm.s32 $0x13D80  }
0x6: {  	s21 =	simm.s32 $0x17E00;
	s22 =	simm.s32 $0x1;
	s23 =	simm.s32 $0x80  }
0x7: {  	s24 =	simm.s32 $0x2;
	s25 =	simm.s32 $0x3;
	s26 =	simm.s32 $0x4  }
0x8: {  	[smem:$0x7FF] =	sst s3;
	s4 =	sadd.s32 $0x9F9E00, s0;
	s8 =	smul.u32 $0x13C00, s2  }
0x9: {  	s9 =	sand.u32 $0x1, s5;
	s5 =	sadd.s32 $0x3E00, s0;
	s6 =	sadd.s32 $0x4EFE00, s0  }
0xa: {  	s7 =	sadd.s32 $0x4E5E00, s0;
	s12 =	smul.u32 $0x4F000, s2;
	s31 =	sshll.u32 s2, $0x6  }
0xb: {  	_ =	strace $0x8000004A;
	s10 =	smul.u32 $0x13C000, s9;
	s30 =	ssub.s32 $0x2, s9  }
0xc: {  	p0 =	seq.s32 s9, $0x0;
	s9 =	sadd.s32 $0x600, s31;
	s11 =	sshrl.u32 s8, $0x3  }
0xd: {  	s13 =	sshrl.u32 s30, $0x1;
	s12 =	sshrl.u32 s12, $0x2;
	s11 =	sadd.s32 s11, s0  }
0xe: {  	s8 =	sadd.s32 s8, s10;
	s13 =	ssub.s32 s30, s13;
	s14 =	sadd.s32 s12, s1  }
0xf: {  	s12 =	smul.u32 $0x60, s2;
	s10 =	simm.s32 $0x30;
	s2 =	simm.s32 $0x0  }
0x10: {  	s8 =	sshrl.u32 s8, $0x3;
	s10 =	simm.s32 @!p0 $0x20;
	s13 =	smax.u32 s13, $0x1  }
0x11: {  	s14 =	sshrl.u32 s14, $0x3;
	s0 =	sadd.s32 s8, s0;
	s8 =	sadd.s32 $0x2B000, s11  }
0x12: {  	s11 =	sor.u32 $0x1C05, s31;
	s9 =	smov.u32 @p0 s12;
	s12 =	sadd.s32 $0x79A00, s0  }
.LBB2_1:
0x13: {  	[spmem:s14], [sflag:s11] =	dma.local [hbm:s8], $0x2780  }
0x14: {  	_ =	swait.ge [sflag:s15], $0x2780  }
0x15: {  	[sflag:s15] =	ssyncset.done $0x0  }
0x16: {  	[sflag:s15] =	ssyncadd.s32 $0xFFFFD880  }
0x17: {  	s28 =	simm.s32 $0x0;
	[bflag:$0x0] =	sbarrier.arrive $0xFFFF  }
.LBB2_2:
0x18: {  	s0 =	sshll.u32 s28, $0x1  }
0x19: {  	s0 =	sadd.s32 s9, s0  }
0x1a: {  	s30 =	sshll.u32 s28, $0x8;
	s29 =	sshll.u32 s0, $0x7  }
0x1b: {  	s30 =	sand.u32 $0x300, s30;
	s29 =	sand.u32 $0xFFFFFC00, s29  }
0x1c: {  	s30 =	sor.u32 s30, s29  }
0x1d: {  	s30 =	sshrl.u32 s30, $0x3  }
0x1e: {  	s31 =	sadd.s32 s6, s30  }
0x1f: {  	[tilespmem:s16], [sflag:$0x5] =	stream.linear.gather [hbm4b:s31+s2], $0x80, $0x38;
	[tilespmem:$0x1BE00] =	vst v63  }
0x20: {  	_ =	swait.ge [sflag:s15], $0x80  }
0x21: {  	[sflag:s15] =	ssyncset.done $0x0  }
0x22: {  	s30 =	sadd.s32 s7, s30;
	[sflag:s15] =	ssyncadd.s32 $0xFFFFFF80  }
0x23: {  	[tilespmem:s17], [sflag:$0x5] =	stream.linear.gather [hbm4b:s30+s2], $0x80, $0x38;
	[tilespmem:$0x1BE00] =	vst v63  }
0x24: {  	s30 =	sshll.u32 s0, $0xB;
	_ =	swait.ge [sflag:s15], $0x80  }
0x25: {  	s30 =	sand.u32 $0x1FFFF000, s30;
	[sflag:s15] =	ssyncset.done $0x0  }
0x26: {  	s0 =	sor.u32 $0x1, s0;
	s30 =	sadd.s32 s4, s30;
	[sflag:s15] =	ssyncadd.s32 $0xFFFFFF80  }
0x27: {  	[tilespmem:s18], [sflag:$0x1] =	stream.linear.gather [hbm4b:s30+s2], $0x4000, $0x38;
	[tilespmem:$0x1BE00] =	vst v63  }
0x28: {  	s30 =	sshll.u32 s0, $0x7  }
0x29: {  	s30 =	sand.u32 $0x380, s30  }
0x2a: {  	s29 =	sor.u32 s29, s30  }
0x2b: {  	s29 =	sshrl.u32 s29, $0x3  }
0x2c: {  	s30 =	sadd.s32 s6, s29  }
0x2d: {  	[tilespmem:s19], [sflag:$0x5] =	stream.linear.gather [hbm4b:s30+s2], $0x80, $0x38;
	[tilespmem:$0x1BE00] =	vst v63  }
0x2e: {  	_ =	swait.ge [sflag:s15], $0x80  }
0x2f: {  	[sflag:s15] =	ssyncset.done $0x0  }
0x30: {  	s29 =	sadd.s32 s7, s29;
	[sflag:s15] =	ssyncadd.s32 $0xFFFFFF80  }
0x31: {  	[tilespmem:s20], [sflag:$0x5] =	stream.linear.gather [hbm4b:s29+s2], $0x80, $0x38;
	[tilespmem:$0x1BE00] =	vst v63  }
0x32: {  	_ =	swait.ge [sflag:s15], $0x80  }
0x33: {  	s0 =	sshll.u32 s0, $0xB;
	[sflag:s15] =	ssyncset.done $0x0  }
0x34: {  	s0 =	sadd.s32 s4, s0;
	[sflag:s15] =	ssyncadd.s32 $0xFFFFFF80  }
0x35: {  	[tilespmem:s21], [sflag:$0x2] =	stream.linear.gather [hbm4b:s0+s2], $0x4000, $0x38;
	[tilespmem:$0x1BE00] =	vst v63  }
0x36: {  	_ =	swait.ge [sflag:s22], $0x4000  }
0x37: {  	[sflag:s22] =	ssyncset.done $0x0  }
0x38: {  	[sflag:s22] =	ssyncadd.s32 $0xFFFFC000  }
0x39: {  	[tilespmem:s18], [sflag:$0x3] =	stream.indirect.gather.add.f32 [hbm:s5], $0x80, s16, s23, $0xb8;
	[tilespmem:$0x1BE00] =	vst v63  }
0x3a: {  	_ =	swait.ge [sflag:s24], $0x4000  }
0x3b: {  	[sflag:s24] =	ssyncset.done $0x0  }
0x3c: {  	[sflag:s24] =	ssyncadd.s32 $0xFFFFC000  }
0x3d: {  	[tilespmem:s21], [sflag:$0x4] =	stream.indirect.gather.add.f32 [hbm:s5], $0x80, s19, s23, $0xb8;
	[tilespmem:$0x1BE00] =	vst v63  }
0x3e: {  	_ =	swait.ge [sflag:s25], $0x4000  }
0x3f: {  	[sflag:s25] =	ssyncset.done $0x0  }
0x40: {  	s29 =	simm.s32 $0x0;
	[sflag:s25] =	ssyncadd.s32 $0xFFFFC000  }
0x41: {  	v0 =	vld [tilespmem:s29+$0x13E70];
	_ =	sdelay $0x1  }
0x42: {  	v1 =	vld [tilespmem:s29+$0x13E60];
	_ =	sdelay $0x2  }
0x43: {  	v2 =	vld [tilespmem:s29+$0x13E40];
	v0 =	vmax.f32 v0, $-1.500000000e+01  }
0x44: {  	v3 =	vld [tilespmem:s29+$0x13E00];
	v0 =	vmin.f32 v0, $1.500000000e+01  }
0x45: {  	v4 =	vld [tilespmem:s29+$0x13E50];
	v1 =	vmax.f32 v1, $-1.500000000e+01;
	v0 =	vadd.f32 v0, v0  }
0x46: {  	v1 =	vmin.f32 v1, $1.500000000e+01  }
0x47: {  	v1 =	vadd.f32 v1, v1;
	v0 =	vmul.f32 $1.442695020e+00, v0;
	_ =	sdelay $0x1  }
0x48: {  	v2 =	vmax.f32 v2, $-1.500000000e+01;
	v1 =	vmul.f32 $1.442695020e+00, v1;
	(erf) = vpow2.f32 v0  }
0x49: {  	v2 =	vmin.f32 v2, $1.500000000e+01;
	v0 =	vmax.f32 v3, $-1.500000000e+01;
	v3 =	vmax.f32 v4, $-1.500000000e+01  }
0x4a: {  	v2 =	vadd.f32 v2, v2;
	(erf) = vpow2.f32 v1;
	v1 =	vmin.f32 v3, $1.500000000e+01  }
0x4b: {  	v4 =	vld [tilespmem:s29+$0x13E30];
	v0 =	vmin.f32 v0, $1.500000000e+01;
	v1 =	vadd.f32 v1, v1  }
0x4c: {  	v2 =	vmul.f32 $1.442695020e+00, v2;
	v0 =	vadd.f32 v0, v0  }
0x4d: {  	v1 =	vmul.f32 $1.442695020e+00, v1  }
0x4e: {  	(erf) = vpow2.f32 v2;
	v0 =	vmul.f32 $1.442695020e+00, v0;
	_ =	sdelay $0x1  }
0x4f: {  	v2 =	vld [tilespmem:s29+$0x13E20];
	(erf) = vpow2.f32 v0;
	v0 =	vmax.f32 v4, $-1.500000000e+01  }
0x50: {  	(erf) = vpow2.f32 v1;
	v0 =	vmin.f32 v0, $1.500000000e+01;
	v1 =	vpop (erf)  }
0x51: {  	v3 =	vld [tilespmem:s29+$0x13E10];
	v0 =	vadd.f32 v0, v0;
	v1 =	vadd.f32 $1.000000000e+00, v1;
	_ =	sdelay $0x1  }
0x52: {  	v0 =	vmul.f32 $1.442695020e+00, v0;
	v4 =	vpop (erf);
	(erf) = vrcp.f32 v1  }
0x53: {  	v2 =	vmax.f32 v2, $-1.500000000e+01;
	v1 =	vadd.f32 $1.000000000e+00, v4  }
0x54: {  	v2 =	vmin.f32 v2, $1.500000000e+01;
	(erf) = vpow2.f32 v0  }
0x55: {  	v4 =	vpop (erf);
	(erf) = vrcp.f32 v1;
	v1 =	vmax.f32 v3, $-1.500000000e+01;
	v3 =	vadd.f32 v2, v2  }
0x56: {  	v0 =	vadd.f32 $1.000000000e+00, v4;
	_ =	sdelay $0x1  }
0x57: {  	v2 =	vpop (erf);
	(erf) = vrcp.f32 v0;
	v0 =	vmin.f32 v1, $1.500000000e+01  }
0x58: {  	s31 =	simm.s32 $0x400;
	s30 =	simm.s32 $0x200;
	v2 =	vadd.f32 $1.000000000e+00, v2;
	v1 =	vadd.f32 v0, v0;
	v0 =	vmul.f32 $1.442695020e+00, v3;
	v3 =	vpop (erf)  }
.LBB2_3:
0x59: {  	p0 =	sne.s32 s31, $0xFE00  }
0x5a: {  	s0 =	sshra.s32 s30, $0x2;
	v3 =	vadd.f32 $1.000000000e+00, v3;
	(erf) = vrcp.f32 v2;
	v2 =	vpop (erf);
	s30 =	smov.u32 s31;
	s31 =	sadd.s32 $0x200, s31  }
0x5b: {  	v4 =	vmul.f32 $1.442695020e+00, v1;
	v2 =	vadd.f32 v2, v2;
	(erf) = vpow2.f32 v0  }
0x5c: {  	(erf) = vrcp.f32 v3  }
0x5d: {  	v2 =	vsub.f32 $1.000000000e+00, v2;
	(erf) = vpow2.f32 v4;
	v1 =	vpop (erf)  }
0x5e: {  	v3 =	vadd.f32 $1.000000000e+00, v1  }
0x5f: {  	[tilespmem:s29+$0x13E70] =	vst v2;
	v0 =	vpop (erf)  }
0x60: {  	v2 =	vld [tilespmem:s0+$0x13E70];
	v0 =	vadd.f32 v0, v0;
	(erf) = vrcp.f32 v3;
	v1 =	vpop (erf)  }
0x61: {  	v1 =	vadd.f32 v1, v1  }
0x62: {  	v4 =	vsub.f32 $1.000000000e+00, v0  }
0x63: {  	v5 =	vsub.f32 $1.000000000e+00, v1;
	v3 =	vpop (erf)  }
0x64: {  	v3 =	vadd.f32 v3, v3;
	[tilespmem:s29+$0x13E60] =	vst v4;
	v0 =	vpop (erf)  }
0x65: {  	v4 =	vld [tilespmem:s0+$0x13E60];
	v2 =	vmax.f32 v2, $-1.500000000e+01;
	v0 =	vadd.f32 $1.000000000e+00, v0;
	[tilespmem:s29+$0x13E40] =	vst v5;
	v1 =	vpop (erf)  }
0x66: {  	v5 =	vld [tilespmem:s0+$0x13E40];
	v2 =	vmin.f32 v2, $1.500000000e+01;
	v7 =	vsub.f32 $1.000000000e+00, v3;
	v1 =	vadd.f32 v1, v1;
	v6 =	vpop (erf)  }
0x67: {  	v2 =	vadd.f32 v2, v2;
	v6 =	vadd.f32 $1.000000000e+00, v6;
	(erf) = vrcp.f32 v0  }
0x68: {  	[tilespmem:s29+$0x13E00] =	vst v7;
	v0 =	vsub.f32 $1.000000000e+00, v1  }
0x69: {  	v1 =	vld [tilespmem:s0+$0x13E00];
	v2 =	vmul.f32 $1.442695020e+00, v2;
	(erf) = vrcp.f32 v6;
	v3 =	vpop (erf)  }
0x6a: {  	v4 =	vmax.f32 v4, $-1.500000000e+01;
	v3 =	vadd.f32 v3, v3;
	[tilespmem:s29+$0x13E50] =	vst v0  }
0x6b: {  	v0 =	vmax.f32 v5, $-1.500000000e+01;
	v5 =	vld [tilespmem:s0+$0x13E50];
	v4 =	vmin.f32 v4, $1.500000000e+01;
	(erf) = vpow2.f32 v2  }
0x6c: {  	v0 =	vmin.f32 v0, $1.500000000e+01;
	v2 =	vadd.f32 v4, v4;
	v3 =	vsub.f32 $1.000000000e+00, v3  }
0x6d: {  	v0 =	vadd.f32 v0, v0  }
0x6e: {  	v1 =	vmax.f32 v1, $-1.500000000e+01;
	v6 =	vmul.f32 $1.442695020e+00, v2;
	[tilespmem:s29+$0x13E30] =	vst v3  }
0x6f: {  	v1 =	vmin.f32 v1, $1.500000000e+01;
	v3 =	vld [tilespmem:s0+$0x13E30];
	v0 =	vmul.f32 $1.442695020e+00, v0  }
0x70: {  	v1 =	vadd.f32 v1, v1;
	v7 =	vmax.f32 v5, $-1.500000000e+01;
	(erf) = vpow2.f32 v6;
	v2 =	vpop (erf)  }
0x71: {  	v5 =	vmin.f32 v7, $1.500000000e+01;
	(erf) = vpow2.f32 v0;
	v0 =	vadd.f32 v2, v2  }
0x72: {  	v6 =	vmul.f32 $1.442695020e+00, v1;
	v2 =	vadd.f32 v5, v5;
	v4 =	vpop (erf)  }
0x73: {  	v4 =	vadd.f32 v4, v4;
	v0 =	vsub.f32 $1.000000000e+00, v0  }
0x74: {  	v3 =	vmax.f32 v3, $-1.500000000e+01;
	v2 =	vmul.f32 $1.442695020e+00, v2;
	(erf) = vpow2.f32 v6;
	v1 =	vpop (erf)  }
0x75: {  	v3 =	vmin.f32 v3, $1.500000000e+01;
	v1 =	vadd.f32 $1.000000000e+00, v1;
	v4 =	vsub.f32 $1.000000000e+00, v4;
	[tilespmem:s29+$0x13E20] =	vst v0  }
0x76: {  	v0 =	vld [tilespmem:s0+$0x13E20];
	v5 =	vadd.f32 v3, v3;
	(erf) = vpow2.f32 v2  }
0x77: {  	(erf) = vrcp.f32 v1;
	[tilespmem:s29+$0x13E10] =	vst v4;
	s29 =	smov.u32 s0  }
0x78: {  	v1 =	vld [tilespmem:s29+$0x13E10];
	v4 =	vmul.f32 $1.442695020e+00, v5  }
0x79: {  	v3 =	vpop (erf)  }
0x7a: {  	v5 =	vadd.f32 $1.000000000e+00, v3;
	(erf) = vpow2.f32 v4;
	v2 =	vpop (erf)  }
.Ltmp0:
0x7b: {  	v0 =	vmax.f32 v0, $-1.500000000e+01;
	v2 =	vadd.f32 $1.000000000e+00, v2;
	(pc) =	sbr.rel @p0 .LBB2_3-.Ltmp0, $4  }
0x7c: {  	v0 =	vmin.f32 v0, $1.500000000e+01;
	(erf) = vrcp.f32 v5  }
0x7d: {  	v1 =	vmax.f32 v1, $-1.500000000e+01;
	v0 =	vadd.f32 v0, v0;
	v3 =	vpop (erf);
	(erf) = vrcp.f32 v2  }
0x7e: {  	v2 =	vadd.f32 $1.000000000e+00, v3;
	v1 =	vmin.f32 v1, $1.500000000e+01  }
0x7f: {  	v1 =	vadd.f32 v1, v1;
	v0 =	vmul.f32 $1.442695020e+00, v0;
	v3 =	vpop (erf)  }
0x80: {  	_ = 	snop  }
0x81: {  	v1 =	vmul.f32 $1.442695020e+00, v1  }
0x82: {  	v3 =	vadd.f32 $1.000000000e+00, v3;
	(erf) = vrcp.f32 v2  }
0x83: {  	(erf) = vpow2.f32 v0  }
0x84: {  	v0 =	vpop (erf);
	(erf) = vrcp.f32 v3  }
0x85: {  	(erf) = vpow2.f32 v1;
	v1 =	vpop (erf)  }
0x86: {  	v0 =	vadd.f32 v0, v0;
	v2 =	vpop (erf)  }
0x87: {  	v1 =	vadd.f32 $1.000000000e+00, v1;
	v2 =	vadd.f32 v2, v2  }
0x88: {  	v0 =	vsub.f32 $1.000000000e+00, v0  }
0x89: {  	v3 =	vpop (erf);
	(erf) = vrcp.f32 v1;
	v1 =	vsub.f32 $1.000000000e+00, v2  }
0x8a: {  	[tilespmem:s29+$0x13E70] =	vst v0;
	v0 =	vadd.f32 v3, v3  }
0x8b: {  	s30 =	sshra.s32 s30, $0x2;
	v3 =	vpop (erf)  }
0x8c: {  	v2 =	vld [tilespmem:s30+$0x13E70];
	v0 =	vsub.f32 $1.000000000e+00, v0;
	v3 =	vadd.f32 v3, v3  }
0x8d: {  	[tilespmem:s29+$0x13E60] =	vst v1;
	v1 =	vpop (erf)  }
0x8e: {  	v4 =	vld [tilespmem:s30+$0x13E60];
	[tilespmem:s29+$0x13E40] =	vst v0;
	v0 =	vsub.f32 $1.000000000e+00, v3;
	v5 =	vpop (erf)  }
0x8f: {  	v1 =	vadd.f32 $1.000000000e+00, v1;
	v3 =	vadd.f32 v5, v5;
	v5 =	vpop (erf)  }
0x90: {  	v5 =	vadd.f32 $1.000000000e+00, v5  }
0x91: {  	v6 =	vld [tilespmem:s30+$0x13E40];
	[tilespmem:s29+$0x13E00] =	vst v0;
	(erf) = vrcp.f32 v1;
	v1 =	vmax.f32 v2, $-1.500000000e+01  }
0x92: {  	v2 =	vld [tilespmem:s30+$0x13E00];
	v0 =	vsub.f32 $1.000000000e+00, v3;
	v1 =	vmin.f32 v1, $1.500000000e+01;
	(erf) = vrcp.f32 v5  }
0x93: {  	v4 =	vmax.f32 v4, $-1.500000000e+01  }
0x94: {  	v4 =	vmin.f32 v4, $1.500000000e+01;
	[tilespmem:s29+$0x13E50] =	vst v0;
	v0 =	vadd.f32 v1, v1  }
0x95: {  	v4 =	vadd.f32 v4, v4;
	v1 =	vpop (erf);
	v3 =	vld [tilespmem:s30+$0x13E50]  }
0x96: {  	v5 =	vmax.f32 v6, $-1.500000000e+01;
	v1 =	vadd.f32 v1, v1;
	v0 =	vmul.f32 $1.442695020e+00, v0  }
0x97: {  	v5 =	vmin.f32 v5, $1.500000000e+01;
	v2 =	vmax.f32 v2, $-1.500000000e+01;
	v4 =	vmul.f32 $1.442695020e+00, v4  }
0x98: {  	v1 =	vsub.f32 $1.000000000e+00, v1;
	(erf) = vpow2.f32 v0;
	v0 =	vadd.f32 v5, v5  }
0x99: {  	v2 =	vmin.f32 v2, $1.500000000e+01  }
0x9a: {  	[tilespmem:s29+$0x13E30] =	vst v1;
	v1 =	vadd.f32 v2, v2;
	v2 =	vmax.f32 v3, $-1.500000000e+01;
	v3 =	vpop (erf);
	v0 =	vmul.f32 $1.442695020e+00, v0  }
0x9b: {  	(erf) = vpow2.f32 v4;
	v5 =	vld [tilespmem:s30+$0x13E30];
	v3 =	vadd.f32 v3, v3;
	v4 =	vpop (erf)  }
0x9c: {  	(erf) = vpow2.f32 v0;
	v0 =	vadd.f32 v4, v4  }
0x9d: {  	v2 =	vmin.f32 v2, $1.500000000e+01;
	v3 =	vsub.f32 $1.000000000e+00, v3  }
0x9e: {  	v1 =	vmul.f32 $1.442695020e+00, v1;
	v2 =	vadd.f32 v2, v2;
	v0 =	vsub.f32 $1.000000000e+00, v0  }
0x9f: {  	[tilespmem:s29+$0x13E20] =	vst v3  }
0xa0: {  	v2 =	vmul.f32 $1.442695020e+00, v2;
	(erf) = vpow2.f32 v1;
	v1 =	vmax.f32 v5, $-1.500000000e+01;
	v3 =	vld [tilespmem:s30+$0x13E20]  }
0xa1: {  	v1 =	vmin.f32 v1, $1.500000000e+01  }
0xa2: {  	(erf) = vpow2.f32 v2;
	[tilespmem:s29+$0x13E10] =	vst v0;
	v1 =	vadd.f32 v1, v1;
	v0 =	vpop (erf)  }
0xa3: {  	v0 =	vadd.f32 $1.000000000e+00, v0  }
0xa4: {  	v2 =	vld [tilespmem:s30+$0x13E10];
	v1 =	vmul.f32 $1.442695020e+00, v1  }
0xa5: {  	v3 =	vmax.f32 v3, $-1.500000000e+01  }
0xa6: {  	v3 =	vmin.f32 v3, $1.500000000e+01  }
0xa7: {  	(erf) = vrcp.f32 v0;
	v3 =	vadd.f32 v3, v3;
	v0 =	vpop (erf)  }
0xa8: {  	(erf) = vpow2.f32 v1;
	v0 =	vadd.f32 $1.000000000e+00, v0;
	v1 =	vpop (erf)  }
0xa9: {  	v2 =	vmax.f32 v2, $-1.500000000e+01;
	v1 =	vadd.f32 $1.000000000e+00, v1;
	v4 =	vpop (erf)  }
0xaa: {  	v2 =	vmin.f32 v2, $1.500000000e+01;
	(erf) = vrcp.f32 v0;
	v0 =	vadd.f32 $1.000000000e+00, v4  }
0xab: {  	(erf) = vrcp.f32 v1;
	v1 =	vadd.f32 v2, v2;
	v2 =	vmul.f32 $1.442695020e+00, v3;
	v3 =	vpop (erf)  }
0xac: {  	v3 =	vadd.f32 $1.000000000e+00, v3;
	(erf) = vrcp.f32 v0  }
0xad: {  	v0 =	vmul.f32 $1.442695020e+00, v1;
	(erf) = vpow2.f32 v2  }
0xae: {  	(erf) = vrcp.f32 v3  }
0xaf: {  	(erf) = vpow2.f32 v0;
	_ =	sdelay $0x1  }
0xb0: {  	v0 =	vpop (erf)  }
0xb1: {  	v1 =	vpop (erf)  }
0xb2: {  	v2 =	vpop (erf)  }
0xb3: {  	v3 =	vpop (erf)  }
0xb4: {  	v4 =	vpop (erf)  }
0xb5: {  	v5 =	vpop (erf)  }
0xb6: {  	v1 =	vadd.f32 $1.000000000e+00, v1;
	v63 =	vpop (erf)  }
0xb7: {  	v5 =	vadd.f32 $1.000000000e+00, v5;
	v7 =	vpop (erf)  }
0xb8: {  	(erf) = vrcp.f32 v1;
	v1 =	vadd.f32 $1.000000000e+00, v7  }
0xb9: {  	(erf) = vrcp.f32 v5  }
0xba: {  	(erf) = vrcp.f32 v1;
	_ =	sdelay $0x2  }
0xbb: {  	v0 =	vadd.f32 v0, v0  }
0xbc: {  	v1 =	vadd.f32 v2, v2  }
0xbd: {  	v0 =	vsub.f32 $1.000000000e+00, v0;
	v2 =	vadd.f32 v3, v3  }
0xbe: {  	v3 =	vadd.f32 v4, v4;
	v1 =	vsub.f32 $1.000000000e+00, v1  }
0xbf: {  	[tilespmem:s30+$0x13E70] =	vst v0;
	v0 =	vsub.f32 $1.000000000e+00, v2;
	v2 =	vadd.f32 v63, v63;
	v4 =	vpop (erf)  }
0xc0: {  	[tilespmem:s30+$0x13E60] =	vst v1;
	v1 =	vsub.f32 $1.000000000e+00, v3;
	v3 =	vadd.f32 v4, v4;
	v4 =	vpop (erf)  }
0xc1: {  	[tilespmem:s30+$0x13E40] =	vst v0;
	v0 =	vsub.f32 $1.000000000e+00, v2;
	v2 =	vadd.f32 v4, v4;
	v4 =	vpop (erf)  }
0xc2: {  	[tilespmem:s30+$0x13E00] =	vst v1;
	v1 =	vsub.f32 $1.000000000e+00, v3;
	v3 =	vadd.f32 v4, v4  }
0xc3: {  	[tilespmem:s30+$0x13E50] =	vst v0;
	v0 =	vsub.f32 $1.000000000e+00, v2  }
0xc4: {  	[tilespmem:s30+$0x13E30] =	vst v1;
	v1 =	vsub.f32 $1.000000000e+00, v3  }
0xc5: {  	[tilespmem:s30+$0x13E20] =	vst v0  }
0xc6: {  	[tilespmem:s30+$0x13E10] =	vst v1  }
0xc7: {  	[spmem:s1] =	stream.indirect.scatter.add.f32 [tilespmem:s18], [sflag:$0x5], $0x80, s17, s23, $0xb8;
	[tilespmem:$0x1BE00] =	vst v63  }
0xc8: {  	_ =	swait.ge [sflag:s15], $0x4000  }
0xc9: {  	[sflag:s15] =	ssyncset.done $0x0  }
0xca: {  	[sflag:s15] =	ssyncadd.s32 $0xFFFFC000  }
0xcb: {  	_ =	swait.ge [sflag:s26], $0x4000  }
0xcc: {  	[sflag:s26] =	ssyncset.done $0x0  }
0xcd: {  	s29 =	simm.s32 $0x0;
	[sflag:s26] =	ssyncadd.s32 $0xFFFFC000  }
0xce: {  	v0 =	vld [tilespmem:s29+$0x17E70];
	_ =	sdelay $0x1  }
0xcf: {  	v1 =	vld [tilespmem:s29+$0x17E60];
	_ =	sdelay $0x2  }
0xd0: {  	v2 =	vld [tilespmem:s29+$0x17E40];
	v0 =	vmax.f32 v0, $-1.500000000e+01  }
0xd1: {  	v3 =	vld [tilespmem:s29+$0x17E00];
	v0 =	vmin.f32 v0, $1.500000000e+01  }
0xd2: {  	v4 =	vld [tilespmem:s29+$0x17E50];
	v1 =	vmax.f32 v1, $-1.500000000e+01;
	v0 =	vadd.f32 v0, v0  }
0xd3: {  	v1 =	vmin.f32 v1, $1.500000000e+01  }
0xd4: {  	v1 =	vadd.f32 v1, v1;
	v0 =	vmul.f32 $1.442695020e+00, v0;
	_ =	sdelay $0x1  }
0xd5: {  	v2 =	vmax.f32 v2, $-1.500000000e+01;
	v1 =	vmul.f32 $1.442695020e+00, v1;
	(erf) = vpow2.f32 v0  }
0xd6: {  	v2 =	vmin.f32 v2, $1.500000000e+01;
	v0 =	vmax.f32 v3, $-1.500000000e+01;
	v3 =	vmax.f32 v4, $-1.500000000e+01  }
0xd7: {  	v2 =	vadd.f32 v2, v2;
	(erf) = vpow2.f32 v1;
	v1 =	vmin.f32 v3, $1.500000000e+01  }
0xd8: {  	v4 =	vld [tilespmem:s29+$0x17E30];
	v0 =	vmin.f32 v0, $1.500000000e+01;
	v1 =	vadd.f32 v1, v1  }
0xd9: {  	v2 =	vmul.f32 $1.442695020e+00, v2;
	v0 =	vadd.f32 v0, v0  }
0xda: {  	v1 =	vmul.f32 $1.442695020e+00, v1  }
0xdb: {  	(erf) = vpow2.f32 v2;
	v0 =	vmul.f32 $1.442695020e+00, v0;
	_ =	sdelay $0x1  }
0xdc: {  	v2 =	vld [tilespmem:s29+$0x17E20];
	(erf) = vpow2.f32 v0;
	v0 =	vmax.f32 v4, $-1.500000000e+01  }
0xdd: {  	(erf) = vpow2.f32 v1;
	v0 =	vmin.f32 v0, $1.500000000e+01;
	v1 =	vpop (erf)  }
0xde: {  	v3 =	vld [tilespmem:s29+$0x17E10];
	v0 =	vadd.f32 v0, v0;
	v1 =	vadd.f32 $1.000000000e+00, v1;
	_ =	sdelay $0x1  }
0xdf: {  	v0 =	vmul.f32 $1.442695020e+00, v0;
	v4 =	vpop (erf);
	(erf) = vrcp.f32 v1  }
0xe0: {  	v2 =	vmax.f32 v2, $-1.500000000e+01;
	v1 =	vadd.f32 $1.000000000e+00, v4  }
0xe1: {  	v2 =	vmin.f32 v2, $1.500000000e+01;
	(erf) = vpow2.f32 v0  }
0xe2: {  	v4 =	vpop (erf);
	(erf) = vrcp.f32 v1;
	v1 =	vmax.f32 v3, $-1.500000000e+01;
	v3 =	vadd.f32 v2, v2  }
0xe3: {  	v0 =	vadd.f32 $1.000000000e+00, v4;
	_ =	sdelay $0x1  }
0xe4: {  	v2 =	vpop (erf);
	(erf) = vrcp.f32 v0;
	v0 =	vmin.f32 v1, $1.500000000e+01  }
0xe5: {  	s31 =	simm.s32 $0x400;
	s30 =	simm.s32 $0x200;
	v2 =	vadd.f32 $1.000000000e+00, v2;
	v1 =	vadd.f32 v0, v0;
	v0 =	vmul.f32 $1.442695020e+00, v3;
	v3 =	vpop (erf)  }
.LBB2_5:
0xe6: {  	p0 =	sne.s32 s31, $0xFE00  }
0xe7: {  	s0 =	sshra.s32 s30, $0x2;
	v3 =	vadd.f32 $1.000000000e+00, v3;
	(erf) = vrcp.f32 v2;
	v2 =	vpop (erf);
	s30 =	smov.u32 s31;
	s31 =	sadd.s32 $0x200, s31  }
0xe8: {  	v4 =	vmul.f32 $1.442695020e+00, v1;
	v2 =	vadd.f32 v2, v2;
	(erf) = vpow2.f32 v0  }
0xe9: {  	(erf) = vrcp.f32 v3  }
0xea: {  	v2 =	vsub.f32 $1.000000000e+00, v2;
	(erf) = vpow2.f32 v4;
	v1 =	vpop (erf)  }
0xeb: {  	v3 =	vadd.f32 $1.000000000e+00, v1  }
0xec: {  	[tilespmem:s29+$0x17E70] =	vst v2;
	v0 =	vpop (erf)  }
0xed: {  	v2 =	vld [tilespmem:s0+$0x17E70];
	v0 =	vadd.f32 v0, v0;
	(erf) = vrcp.f32 v3;
	v1 =	vpop (erf)  }
0xee: {  	v1 =	vadd.f32 v1, v1  }
0xef: {  	v4 =	vsub.f32 $1.000000000e+00, v0  }
0xf0: {  	v5 =	vsub.f32 $1.000000000e+00, v1;
	v3 =	vpop (erf)  }
0xf1: {  	v3 =	vadd.f32 v3, v3;
	[tilespmem:s29+$0x17E60] =	vst v4;
	v0 =	vpop (erf)  }
0xf2: {  	v4 =	vld [tilespmem:s0+$0x17E60];
	v2 =	vmax.f32 v2, $-1.500000000e+01;
	v0 =	vadd.f32 $1.000000000e+00, v0;
	[tilespmem:s29+$0x17E40] =	vst v5;
	v1 =	vpop (erf)  }
0xf3: {  	v5 =	vld [tilespmem:s0+$0x17E40];
	v2 =	vmin.f32 v2, $1.500000000e+01;
	v7 =	vsub.f32 $1.000000000e+00, v3;
	v1 =	vadd.f32 v1, v1;
	v6 =	vpop (erf)  }
0xf4: {  	v2 =	vadd.f32 v2, v2;
	v6 =	vadd.f32 $1.000000000e+00, v6;
	(erf) = vrcp.f32 v0  }
0xf5: {  	[tilespmem:s29+$0x17E00] =	vst v7;
	v0 =	vsub.f32 $1.000000000e+00, v1  }
0xf6: {  	v1 =	vld [tilespmem:s0+$0x17E00];
	v2 =	vmul.f32 $1.442695020e+00, v2;
	(erf) = vrcp.f32 v6;
	v3 =	vpop (erf)  }
0xf7: {  	v4 =	vmax.f32 v4, $-1.500000000e+01;
	v3 =	vadd.f32 v3, v3;
	[tilespmem:s29+$0x17E50] =	vst v0  }
0xf8: {  	v0 =	vmax.f32 v5, $-1.500000000e+01;
	v5 =	vld [tilespmem:s0+$0x17E50];
	v4 =	vmin.f32 v4, $1.500000000e+01;
	(erf) = vpow2.f32 v2  }
0xf9: {  	v0 =	vmin.f32 v0, $1.500000000e+01;
	v2 =	vadd.f32 v4, v4;
	v3 =	vsub.f32 $1.000000000e+00, v3  }
0xfa: {  	v0 =	vadd.f32 v0, v0  }
0xfb: {  	v1 =	vmax.f32 v1, $-1.500000000e+01;
	v6 =	vmul.f32 $1.442695020e+00, v2;
	[tilespmem:s29+$0x17E30] =	vst v3  }
0xfc: {  	v1 =	vmin.f32 v1, $1.500000000e+01;
	v3 =	vld [tilespmem:s0+$0x17E30];
	v0 =	vmul.f32 $1.442695020e+00, v0  }
0xfd: {  	v1 =	vadd.f32 v1, v1;
	v7 =	vmax.f32 v5, $-1.500000000e+01;
	(erf) = vpow2.f32 v6;
	v2 =	vpop (erf)  }
0xfe: {  	v5 =	vmin.f32 v7, $1.500000000e+01;
	(erf) = vpow2.f32 v0;
	v0 =	vadd.f32 v2, v2  }
0xff: {  	v6 =	vmul.f32 $1.442695020e+00, v1;
	v2 =	vadd.f32 v5, v5;
	v4 =	vpop (erf)  }
0x100: {  	v4 =	vadd.f32 v4, v4;
	v0 =	vsub.f32 $1.000000000e+00, v0  }
0x101: {  	v3 =	vmax.f32 v3, $-1.500000000e+01;
	v2 =	vmul.f32 $1.442695020e+00, v2;
	(erf) = vpow2.f32 v6;
	v1 =	vpop (erf)  }
0x102: {  	v3 =	vmin.f32 v3, $1.500000000e+01;
	v1 =	vadd.f32 $1.000000000e+00, v1;
	v4 =	vsub.f32 $1.000000000e+00, v4;
	[tilespmem:s29+$0x17E20] =	vst v0  }
0x103: {  	v0 =	vld [tilespmem:s0+$0x17E20];
	v5 =	vadd.f32 v3, v3;
	(erf) = vpow2.f32 v2  }
0x104: {  	(erf) = vrcp.f32 v1;
	[tilespmem:s29+$0x17E10] =	vst v4;
	s29 =	smov.u32 s0  }
0x105: {  	v1 =	vld [tilespmem:s29+$0x17E10];
	v4 =	vmul.f32 $1.442695020e+00, v5  }
0x106: {  	v3 =	vpop (erf)  }
0x107: {  	v5 =	vadd.f32 $1.000000000e+00, v3;
	(erf) = vpow2.f32 v4;
	v2 =	vpop (erf)  }
.Ltmp1:
0x108: {  	v0 =	vmax.f32 v0, $-1.500000000e+01;
	v2 =	vadd.f32 $1.000000000e+00, v2;
	(pc) =	sbr.rel @p0 .LBB2_5-.Ltmp1, $4  }
0x109: {  	v0 =	vmin.f32 v0, $1.500000000e+01;
	(erf) = vrcp.f32 v5  }
0x10a: {  	v1 =	vmax.f32 v1, $-1.500000000e+01;
	v0 =	vadd.f32 v0, v0;
	v3 =	vpop (erf);
	(erf) = vrcp.f32 v2  }
0x10b: {  	v2 =	vadd.f32 $1.000000000e+00, v3;
	v1 =	vmin.f32 v1, $1.500000000e+01  }
0x10c: {  	v1 =	vadd.f32 v1, v1;
	v0 =	vmul.f32 $1.442695020e+00, v0;
	v3 =	vpop (erf)  }
0x10d: {  	v3 =	vadd.f32 $1.000000000e+00, v3;
	(erf) = vrcp.f32 v2  }
0x10e: {  	v1 =	vmul.f32 $1.442695020e+00, v1;
	(erf) = vpow2.f32 v0  }
0x10f: {  	(erf) = vrcp.f32 v3  }
0x110: {  	(erf) = vpow2.f32 v1  }
0x111: {  	v63 =	vpop (erf)  }
0x112: {  	v0 =	vadd.f32 v63, v63;
	v4 =	vpop (erf)  }
0x113: {  	v1 =	vadd.f32 $1.000000000e+00, v4;
	v5 =	vpop (erf)  }
0x114: {  	v0 =	vsub.f32 $1.000000000e+00, v0;
	v2 =	vadd.f32 v5, v5;
	v6 =	vpop (erf)  }
0x115: {  	(erf) = vrcp.f32 v1;
	v7 =	vadd.f32 v6, v6  }
0x116: {  	s30 =	sshra.s32 s30, $0x2;
	[tilespmem:s29+$0x17E70] =	vst v0;
	v8 =	vsub.f32 $1.000000000e+00, v2;
	v10 =	vpop (erf)  }
0x117: {  	v9 =	vld [tilespmem:s30+$0x17E70];
	v0 =	vsub.f32 $1.000000000e+00, v7;
	v3 =	vadd.f32 v10, v10;
	v11 =	vpop (erf)  }
0x118: {  	[tilespmem:s29+$0x17E60] =	vst v8;
	v1 =	vadd.f32 $1.000000000e+00, v11;
	v5 =	vpop (erf)  }
0x119: {  	v4 =	vld [tilespmem:s30+$0x17E60];
	[tilespmem:s29+$0x17E40] =	vst v0;
	v12 =	vsub.f32 $1.000000000e+00, v3;
	v13 =	vadd.f32 v5, v5;
	v14 =	vpop (erf)  }
0x11a: {  	v6 =	vld [tilespmem:s30+$0x17E40];
	v5 =	vadd.f32 $1.000000000e+00, v14;
	(erf) = vrcp.f32 v1  }
0x11b: {  	[tilespmem:s29+$0x17E00] =	vst v12;
	v15 =	vsub.f32 $1.000000000e+00, v13  }
0x11c: {  	v16 =	vmax.f32 v9, $-1.500000000e+01;
	v17 =	vld [tilespmem:s30+$0x17E00];
	(erf) = vrcp.f32 v5  }
0x11d: {  	v1 =	vmin.f32 v16, $1.500000000e+01;
	[tilespmem:s29+$0x17E50] =	vst v15  }
0x11e: {  	v18 =	vadd.f32 v1, v1;
	v19 =	vpop (erf);
	v20 =	vld [tilespmem:s30+$0x17E50]  }
0x11f: {  	v4 =	vmax.f32 v4, $-1.500000000e+01;
	v1 =	vadd.f32 v19, v19;
	v21 =	vmax.f32 v6, $-1.500000000e+01  }
0x120: {  	v0 =	vmul.f32 $1.442695020e+00, v18;
	v4 =	vmin.f32 v4, $1.500000000e+01;
	v5 =	vmin.f32 v21, $1.500000000e+01  }
0x121: {  	v4 =	vadd.f32 v4, v4;
	v1 =	vsub.f32 $1.000000000e+00, v1;
	v2 =	vmax.f32 v17, $-1.500000000e+01  }
0x122: {  	(erf) = vpow2.f32 v0;
	v22 =	vadd.f32 v5, v5;
	v2 =	vmin.f32 v2, $1.500000000e+01  }
0x123: {  	v4 =	vmul.f32 $1.442695020e+00, v4;
	[tilespmem:s29+$0x17E30] =	vst v1;
	v23 =	vadd.f32 v2, v2;
	v24 =	vmax.f32 v20, $-1.500000000e+01;
	v25 =	vpop (erf)  }
0x124: {  	v26 =	vld [tilespmem:s30+$0x17E30];
	v0 =	vmul.f32 $1.442695020e+00, v22;
	v2 =	vmin.f32 v24, $1.500000000e+01;
	v3 =	vadd.f32 v25, v25  }
0x125: {  	(erf) = vpow2.f32 v4;
	v1 =	vmul.f32 $1.442695020e+00, v23;
	v2 =	vadd.f32 v2, v2;
	v27 =	vpop (erf)  }
0x126: {  	(erf) = vpow2.f32 v0;
	v28 =	vadd.f32 v27, v27;
	v3 =	vsub.f32 $1.000000000e+00, v3  }
0x127: {  	v2 =	vmul.f32 $1.442695020e+00, v2;
	(erf) = vpow2.f32 v1  }
0x128: {  	v0 =	vsub.f32 $1.000000000e+00, v28;
	[tilespmem:s29+$0x17E20] =	vst v3  }
0x129: {  	v29 =	vmax.f32 v26, $-1.500000000e+01;
	v3 =	vld [tilespmem:s30+$0x17E20];
	(erf) = vpow2.f32 v2  }
0x12a: {  	v1 =	vmin.f32 v29, $1.500000000e+01;
	[tilespmem:s29+$0x17E10] =	vst v0  }
0x12b: {  	v30 =	vpop (erf);
	v1 =	vadd.f32 v1, v1;
	v31 =	vld [tilespmem:s30+$0x17E10]  }
0x12c: {  	v0 =	vadd.f32 $1.000000000e+00, v30  }
0x12d: {  	v1 =	vmul.f32 $1.442695020e+00, v1  }
0x12e: {  	(erf) = vrcp.f32 v0;
	v32 =	vpop (erf);
	v3 =	vmax.f32 v3, $-1.500000000e+01  }
0x12f: {  	v0 =	vadd.f32 $1.000000000e+00, v32;
	(erf) = vpow2.f32 v1;
	v33 =	vpop (erf);
	v3 =	vmin.f32 v3, $1.500000000e+01  }
0x130: {  	v1 =	vadd.f32 $1.000000000e+00, v33;
	v2 =	vmax.f32 v31, $-1.500000000e+01;
	v3 =	vadd.f32 v3, v3;
	v34 =	vpop (erf)  }
0x131: {  	(erf) = vrcp.f32 v0;
	v35 =	vadd.f32 $1.000000000e+00, v34;
	v2 =	vmin.f32 v2, $1.500000000e+01  }
0x132: {  	(erf) = vrcp.f32 v1;
	v36 =	vadd.f32 v2, v2;
	v37 =	vmul.f32 $1.442695020e+00, v3;
	v38 =	vpop (erf)  }
0x133: {  	v3 =	vadd.f32 $1.000000000e+00, v38;
	(erf) = vrcp.f32 v35  }
0x134: {  	v39 =	vmul.f32 $1.442695020e+00, v36;
	(erf) = vpow2.f32 v37  }
0x135: {  	(erf) = vrcp.f32 v3  }
0x136: {  	(erf) = vpow2.f32 v39;
	_ =	sdelay $0x1  }
0x137: {  	v40 =	vpop (erf)  }
0x138: {  	v41 =	vpop (erf)  }
0x139: {  	v42 =	vpop (erf)  }
0x13a: {  	v43 =	vpop (erf)  }
0x13b: {  	v44 =	vpop (erf)  }
0x13c: {  	v45 =	vpop (erf)  }
0x13d: {  	v1 =	vadd.f32 $1.000000000e+00, v41;
	v46 =	vpop (erf)  }
0x13e: {  	v5 =	vadd.f32 $1.000000000e+00, v45;
	v7 =	vpop (erf)  }
0x13f: {  	(erf) = vrcp.f32 v1;
	v47 =	vadd.f32 $1.000000000e+00, v7  }
0x140: {  	(erf) = vrcp.f32 v5  }
0x141: {  	(erf) = vrcp.f32 v47;
	_ =	sdelay $0x2  }
0x142: {  	v0 =	vadd.f32 v40, v40  }
0x143: {  	v48 =	vadd.f32 v42, v42  }
0x144: {  	v0 =	vsub.f32 $1.000000000e+00, v0;
	v49 =	vadd.f32 v43, v43  }
0x145: {  	v1 =	vsub.f32 $1.000000000e+00, v48;
	v50 =	vadd.f32 v44, v44  }
0x146: {  	[tilespmem:s30+$0x17E70] =	vst v0;
	v51 =	vsub.f32 $1.000000000e+00, v49;
	v52 =	vadd.f32 v46, v46;
	v53 =	vpop (erf)  }
0x147: {  	[tilespmem:s30+$0x17E60] =	vst v1;
	v54 =	vsub.f32 $1.000000000e+00, v50;
	v55 =	vadd.f32 v53, v53;
	v56 =	vpop (erf)  }
0x148: {  	[tilespmem:s30+$0x17E40] =	vst v51;
	v57 =	vsub.f32 $1.000000000e+00, v52;
	v58 =	vadd.f32 v56, v56;
	v59 =	vpop (erf)  }
0x149: {  	[tilespmem:s30+$0x17E00] =	vst v54;
	v60 =	vsub.f32 $1.000000000e+00, v55;
	v61 =	vadd.f32 v59, v59  }
0x14a: {  	[tilespmem:s30+$0x17E50] =	vst v57;
	v62 =	vsub.f32 $1.000000000e+00, v58  }
0x14b: {  	s28 =	sadd.s32 $0x1, s28;
	[tilespmem:s30+$0x17E30] =	vst v60;
	v63 =	vsub.f32 $1.000000000e+00, v61  }
0x14c: {  	p0 =	sne.s32 s28, s10;
	[tilespmem:s30+$0x17E20] =	vst v62  }
.Ltmp2:
0x14d: {  	[tilespmem:s30+$0x17E10] =	vst v63;
	(pc) =	sbr.rel @p0 .LBB2_2-.Ltmp2, $4  }
0x14e: {  	[spmem:s1] =	stream.indirect.scatter.add.f32 [tilespmem:s21], [sflag:$0x5], $0x80, s20, s23, $0xb8;
	[tilespmem:$0x1BE00] =	vst v63  }
0x14f: {  	_ =	swait.ge [sflag:s15], $0x4000  }
0x150: {  	[sflag:s15] =	ssyncset.done $0x0  }
0x151: {  	[sflag:s15] =	ssyncadd.s32 $0xFFFFC000  }
0x152: {  	s3 =	sadd.s32 $0x1, s3  }
0x153: {  	p0 =	sne.s32 s3, s13  }
.Ltmp3:
0x154: {  	[bflag:$0x0] =	sbarrier.arrive $0xFFFF;
	(pc) =	sbr.rel @p0 .LBB2_1-.Ltmp3, $4  }
0x155: {  	[hbm:s12], [sflag:s11] =	dma.local [spmem:s14], $0x2780  }
0x156: {  	_ =	swait.ge [sflag:s15], $0x2780  }
0x157: {  	[sflag:s15] =	ssyncset.done $0x0  }
0x158: {  	[sflag:s15] =	ssyncadd.s32 $0xFFFFD880  }
0x159: {  	_ =	sfence.sel $0x180000  }
0x15a: {  	[bflag:$0x0] =	sbarrier.arrive $0xFFFF  }
0x15b: {  	_ =	strace $0x9000004A  }
0x15c: {  	s0 =	stileid.u32;
	[bflag:$0x2] =	sbarrier.arrive $0xFFFF  }
0x15d: {  	p0 =	sne.s32 s0, $0x0;
	s0 =	rddreg [dreg:$0x2]  }
0x15e: {  	s0 =	sadd.s32 @!p0 $0x100000, s0  }
0x15f: {  	[sflag:s0] =	ssyncadd.tile.s32 @!p0 $0x1;
	_ =	shalt  }
.Lfunc_end2:
_tile_overlayer_lowered:
.L_overlay_start_2:
0x160: {  	(tag) =	ssettag $0x2  }
0x161: {  	s0 =	rddreg [dreg:$0x0];
	s2 =	stileid.u32  }
0x162: {  	s1 =	rddreg [dreg:$0x1];
	p0 =	sne.s32 s2, $0x0  }
0x163: {  	s3 =	rddreg [dreg:$0x2];
	[bflag:$0x3] =	sbarrier.arrive $0xFFFF;
	s2 =	simm.s32 @!p0 $0x1C05  }
0x164: {  	[timem:s3], [sflag:s2] =	dma.local @!p0 [hbm:s0], s1  }
0x165: {  	s0 =	simm.s32 @!p0 $0x5  }
0x166: {  	_ =	swait.ge @!p0 [sflag:s0], s1  }
0x167: {  	s1 =	ssub.s32 @!p0 $0x0, s1;
	[sflag:s0] =	ssyncset.done @!p0 $0x0  }
0x168: {  	[sflag:s0] =	ssyncadd.s32 @!p0 s1  }
0x169: {  	[bflag:$0x3] =	sbarrier.arrive $0xFFFF  }
0x16a: {  	_ =	shalt  }

// kernel: kernel.9.cloned.1.call-start
scs
__scs_entry_jumppad:
0x0: {  	(pc) =	sbr.rel $0x88, $3  }
0x1: {  	(tag) =	ssettag $0x0;
	lr =	simm.s32 $0x1  }
0x2: {  	[smem:$0x3F90] =	sst lr;
	_ =	strace $0xD0000000  }
0x3: {  	_ = 	snop  }
0x4: {  	_ = 	snop  }
0x5: {  	_ = 	snop  }
0x6: {  	_ = 	snop  }
0x7: {  	_ = 	snop  }
__scs_overlays_trampoline_lowered:
0x8: {  	[smem:$0x3F9F] =	sst s0  }
0x9: {  	[smem:$0x3FA0] =	sst s1  }
0xa: {  	[smem:$0x3FA1] =	sst s2  }
0xb: {  	[smem:$0x3FA2] =	sst s3  }
0xc: {  	[smem:$0x3FA3] =	sst s4  }
0xd: {  	[smem:$0x3FA4] =	sst s5  }
0xe: {  	[smem:$0x3FA5] =	sst s6  }
0xf: {  	[smem:$0x3FA6] =	sst s7  }
0x10: {  	[smem:$0x3FA7] =	sst s8  }
0x11: {  	[smem:$0x3FA8] =	sst s9;
	s0 =	simm.s32 @!p0 $0x0  }
0x12: {  	s1 =	sld [smem:$0x3F8E];
	s0 =	simm.s32 @p0 $0x1  }
0x13: {  	[smem:$0x3FA9] =	sst s0;
	s0 =	simm.s32 @!p1 $0x0  }
0x14: {  	s2 =	sld [smem:$0x3F8D];
	s0 =	simm.s32 @p1 $0x1  }
0x15: {  	[smem:$0x3FAA] =	sst s0;
	s0 =	simm.s32 @!p2 $0x0  }
0x16: {  	s3 =	sld [smem:$0x3FDB];
	s0 =	simm.s32 @p2 $0x1  }
0x17: {  	s4 =	simm.s32 $0x1BF5;
	[smem:$0x3FAC] =	sst s0  }
0x18: {  	s0 =	sld [smem:$0x3F8F];
	_ =	swait.ge [sflag:s4], $0x0  }
0x19: {  	s7 =	sld [smem:$0x3F90]  }
0x1a: {  	s8 =	sadd.s32 $0xFFFFE003, lr  }
0x1b: {  	s9 =	sadd.s32 $0xFFFFFEF7, lr;
	s5 =	simm.s32 $0xFFFFFFFF;
	p2 =	slt.u32 s8, $0xFFFFF086  }
0x1c: {  	p1 =	slt.u32 s9, $0xF7A;
	s5 =	simm.s32 @!p2 $0x0  }
0x1d: {  	s5 =	simm.s32 @p1 $0x1;
	p0 =	seq.s32 s7, s2  }
0x1e: {  	s7 =	smul.u32 @!p0 $0xF7A, s2;
	p2 =	seq.s32 @!p0 s5, $0x0  }
0x1f: {  	s9 =	smul.u32 $0xF7A, s1;
	s8 =	simm.s32 @!p0 $0x1BF5;
	p2 =	por !p2, p0  }
0x20: {  	[sflag:s8] =	ssyncset.s32 @!p0 $0xFFFFF086;
	s6 =	sadd.s32 @!p0 s3, s7;
	s7 =	simm.s32 @!p0 $0x108  }
0x21: {  	s3 =	sadd.s32 s3, s9;
	s6 =	sadd.s32 @!p0 $0x88, s6;
	s7 =	simm.s32 @p2 $0x1082  }
0x22: {  	[simem:s7], [sflag:s8] =	dma.local @!p0 [hbm:s6], $0xF7A  }
0x23: {  	s9 =	sor.u32 $0xD0000000, s2;
	s6 =	simm.s32 $0x108;
	_ =	swait.ge @!p0 [sflag:s8], $0x0  }
0x24: {  	s3 =	sadd.s32 $0x88, s3;
	s6 =	simm.s32 @!p1 $0x1082;
	[sflag:s4] =	ssyncset.s32 $0xFFFFF086  }
0x25: {  	[simem:s6], [sflag:s4] =	dma.local [hbm:s3], $0xF7A  }
0x26: {  	[smem:$0x3F90] =	sst s1;
	(tag) =	ssettag s2;
	_ =	strace s9  }
0x27: {  	s1 =	sld [smem:$0x3FA0]  }
0x28: {  	s2 =	sld [smem:$0x3FA1]  }
0x29: {  	s4 =	sld [smem:$0x3FA3]  }
0x2a: {  	p0 =	seq.s32 s5, $0x0;
	s5 =	sld [smem:$0x3FA4]  }
0x2b: {  	s6 =	sld [smem:$0x3FA5]  }
0x2c: {  	s7 =	sld [smem:$0x3FA6]  }
0x2d: {  	s3 =	simm.s32 $0x108;
	s8 =	sld [smem:$0x3FA7]  }
0x2e: {  	s3 =	simm.s32 @!p0 $0x1082;
	s9 =	sld [smem:$0x3FA8]  }
0x2f: {  	lr =	sadd.s32 s0, s3;
	s0 =	sld [smem:$0x3F9F]  }
0x30: {  	s3 =	sld [smem:$0x3FA2]  }
0x31: {  	[smem:$0x3FAB] =	sst s10  }
0x32: {  	s10 =	sld [smem:$0x3FA9];
	_ =	sdelay $0x3  }
0x33: {  	p0 =	seq.s32 s10, $0x1;
	s10 =	sld [smem:$0x3FAB];
	_ =	sdelay $0x3  }
0x34: {  	[smem:$0x3FAB] =	sst s10  }
0x35: {  	s10 =	sld [smem:$0x3FAA];
	_ =	sdelay $0x3  }
0x36: {  	p1 =	seq.s32 s10, $0x1;
	s10 =	sld [smem:$0x3FAB];
	_ =	sdelay $0x3  }
0x37: {  	[smem:$0x3FAB] =	sst s10  }
0x38: {  	s10 =	sld [smem:$0x3FAC]  }
0x39: {  	_ = 	snop;
	(pc) =	sbr.ind lr, $3  }
0x3a: {  	_ = 	snop  }
0x3b: {  	_ = 	snop  }
0x3c: {  	p2 =	seq.s32 s10, $0x1;
	s10 =	sld [smem:$0x3FAB]  }
0x3d: {  	_ =	shalt  }
0x3e: {  	_ =	shalt  }
0x3f: {  	_ =	shalt  }
0x40: {  	_ =	shalt  }
0x41: {  	_ =	shalt  }
0x42: {  	_ =	shalt  }
0x43: {  	_ =	shalt  }
0x44: {  	_ =	shalt  }
0x45: {  	_ =	shalt  }
0x46: {  	_ =	shalt  }
0x47: {  	_ =	shalt  }
0x48: {  	_ =	shalt  }
0x49: {  	_ =	shalt  }
0x4a: {  	_ =	shalt  }
0x4b: {  	_ =	shalt  }
0x4c: {  	_ =	shalt  }
0x4d: {  	_ =	shalt  }
0x4e: {  	_ =	shalt  }
0x4f: {  	_ =	shalt  }
0x50: {  	_ =	shalt  }
0x51: {  	_ =	shalt  }
0x52: {  	_ =	shalt  }
0x53: {  	_ =	shalt  }
0x54: {  	_ =	shalt  }
0x55: {  	_ =	shalt  }
0x56: {  	_ =	shalt  }
0x57: {  	_ =	shalt  }
0x58: {  	_ =	shalt  }
0x59: {  	_ =	shalt  }
0x5a: {  	_ =	shalt  }
0x5b: {  	_ =	shalt  }
0x5c: {  	_ =	shalt  }
0x5d: {  	_ =	shalt  }
0x5e: {  	_ =	shalt  }
0x5f: {  	_ =	shalt  }
0x60: {  	_ =	shalt  }
0x61: {  	_ =	shalt  }
0x62: {  	_ =	shalt  }
0x63: {  	_ =	shalt  }
0x64: {  	_ =	shalt  }
0x65: {  	_ =	shalt  }
0x66: {  	_ =	shalt  }
0x67: {  	_ =	shalt  }
0x68: {  	_ =	shalt  }
0x69: {  	_ =	shalt  }
0x6a: {  	_ =	shalt  }
0x6b: {  	_ =	shalt  }
0x6c: {  	_ =	shalt  }
0x6d: {  	_ =	shalt  }
0x6e: {  	_ =	shalt  }
0x6f: {  	_ =	shalt  }
0x70: {  	_ =	shalt  }
0x71: {  	_ =	shalt  }
0x72: {  	_ =	shalt  }
0x73: {  	_ =	shalt  }
0x74: {  	_ =	shalt  }
0x75: {  	_ =	shalt  }
0x76: {  	_ =	shalt  }
0x77: {  	_ =	shalt  }
0x78: {  	_ =	shalt  }
0x79: {  	_ =	shalt  }
0x7a: {  	_ =	shalt  }
0x7b: {  	_ =	shalt  }
0x7c: {  	_ =	shalt  }
0x7d: {  	_ =	shalt  }
0x7e: {  	_ =	shalt  }
0x7f: {  	_ =	shalt  }
0x80: {  	_ =	shalt  }
0x81: {  	_ =	shalt  }
0x82: {  	_ =	shalt  }
0x83: {  	_ =	shalt  }
0x84: {  	_ =	shalt  }
0x85: {  	_ =	shalt  }
0x86: {  	_ =	shalt  }
0x87: {  	_ =	shalt  }
.Lfunc_end0:
.L_simem_size_0:
called_computation_lowered:
.L_overlay_start_0:
0x88: {  	s2 =	sld [smem:$0x3FD9]  }
0x89: {  	s3 =	sld [smem:$0x3FFE];
	_ =	sdelay $0x1  }
0x8a: {  	s1 =	srdreg.scid  }
0x8b: {  	s0 =	sand.u32 $0x1, s1  }
0x8c: {  	s16 =	sshll.u32 s0, $0xA;
	s2 =	sadd.s32 s3, s2  }
0x8d: {  	s2 =	sadd.s32 s2, s16  }
0x8e: {  	[smem:$0x3FB7] =	sst s2  }
0x8f: {  	_ = 	snop  }
0x90: {  	(tm) =	ssettm $0x1  }
0x91: {  	s17 =	sld [smem:$0x3FFB];
	_ =	sdelay $0x3  }
0x92: {  	_ =	strace s17  }
0x93: {  	s2 =	sld [smem:$0x3FFC];
	_ =	sdelay $0x3  }
0x94: {  	_ =	strace s2  }
0x95: {  	s2 =	sld [smem:$0x3FFD];
	_ =	sdelay $0x3  }
0x96: {  	_ =	strace s2  }
0x97: {  	_ =	strace $0x8FFFFFFF  }
0x98: {  	s18 =	sld [smem:$0x3FDB];
	_ =	sdelay $0x1  }
0x99: {  	s19 =	simm.s32 $_scs_section_size  }
0x9a: {  	s4 =	simm.s32 $_size__tile_overlayer_lowered;
	s5 =	simm.s32 $_tile_overlayer_lowered  }
0x9b: {  	s22 =	simm.s32 $0x1BFF;
	s21 =	sshll.u32 s5, $0x1;
	s2 =	sadd.s32 s19, s18  }
0x9c: {  	s6 =	simm.s32 $0x0;
	s20 =	sshll.u32 s4, $0x1;
	s4 =	sadd.s32 s21, s2  }
0x9d: {  	[timem:s6], [sflag:s22] =	dma.local [hbm:s4], s20  }
0x9e: {  	_ =	swait.ge [sflag:s22], s20  }
0x9f: {  	s3 =	ssub.s32 $0x0, s20;
	[sflag:s22] =	ssyncset.done $0x0  }
0xa0: {  	[sflag:s22] =	ssyncadd.s32 s3;
	_ =	sdelay $0x1  }
0xa1: {  	s23 =	simm.s32 $0x1B8B  }
0xa2: {  	_ =	swait.ge [sflag:s23], $0x1  }
0xa3: {  	[sflag:s23] =	ssyncset.done $0x0  }
0xa4: {  	s25 =	simm.s32 $0x1B8E;
	s24 =	sld [smem:$0x3FFE];
	[sflag:s23] =	ssyncadd.s32 $0xFFFFFFFF  }
0xa5: {  	s26 =	simm.s32 $execute0_lowered;
	[smem:$0x3FD2] =	sst s25  }
0xa6: {  	s4 =	sshll.u32 s26, $0x1;
	_ =	strace $0x80000046;
	[dreg:$0x1] =	wrdreg $0xFFFFFFFF  }
0xa7: {  	s28 =	simm.s32 $_size_execute0_lowered;
	s2 =	sadd.s32 s2, s4;
	[dreg:$0x0] =	wrdreg $0x0  }
0xa8: {  	s4 =	sshll.u32 s28, $0x1;
	[dreg:$0x2] =	wrdreg s2  }
0xa9: {  	[dreg:$0x3] =	wrdreg s4  }
0xaa: {  	[dreg:$0x4] =	wrdreg $0xC0  }
0xab: {  	_ =	task [dreg:s6], $0x5FFFF  }
0xac: {  	[dreg:$0x1] =	wrdreg $0xFFFFFFFF  }
0xad: {  	[dreg:$0x0] =	wrdreg $0x60  }
0xae: {  	[dreg:$0x2] =	wrdreg s24  }
0xaf: {  	[dreg:$0x3] =	wrdreg $0x0  }
0xb0: {  	[dreg:$0x4] =	wrdreg $0x9  }
0xb1: {  	_ =	task.clear_ibuf [dreg:s6], $0x5FFFF;
	_ =	strace $0x90000046  }
0xb2: {  	s29 =	simm.s32 $0x9;
	_ =	strace $0x80000048  }
0xb3: {  	_ =	swait.ge [sflag:s29], $0x1  }
0xb4: {  	[sflag:s29] =	ssyncadd.s32 $0xFFFFFFFF  }
0xb5: {  	_ =	strace $0x90000048  }
0xb6: {  	_ =	sfence  }
0xb7: {  	s30 =	sld [smem:$0x0];
	_ =	sdelay $0x2  }
0xb8: {  	s31 =	sshll.u32 s1, $0xD;
	s1 =	sshrl.u32 s1, $0x2  }
0xb9: {  	s3 =	sand.u32 $0x4000, s31;
	s1 =	sadd.s32 s1, s30  }
0xba: {  	s0 =	sor.u32 s3, s0;
	s1 =	sshll.u32 s1, $0x11  }
0xbb: {  	s0 =	sor.u32 s1, s0  }
0xbc: {  	s0 =	sadd.s32 $0x8F2B, s0  }
0xbd: {  	[sflag:s0] =	ssyncadd.remote.s32 $0x1  }
0xbe: {  	_ =	sfence.sel $0xFFFF  }
0xbf: {  	[dreg:$0x0] =	wrdreg $0xFFFFFFFF;
	(pc) =	sbr.abs _section_cstart, $3  }
0xc0: {  	[dreg:$0x1] =	wrdreg $0xFFFFFFFF  }
0xc1: {  	_ =	task.clear_ibuf [dreg:s6], $0x2FFFF;
	_ =	strace $0x9FFFFFFF  }
0xc2: {  	(tm) =	ssettm $0x7FFFFFFF  }
0xc3: {  	_ =	shalt  }
tec
execute0_lowered:
.L_overlay_start_1:
0x0: {  	(tag) =	ssettag $0x1  }
0x1: {  	s0 =	rddreg [dreg:$0x0]  }
0x2: {  	s2 =	rddreg [dreg:$0x1];
	s3 =	simm.s32 $0x0  }
0x3: {  	s14 =	stileid.u32;
	s1 =	srdreg.scid;
	s16 =	simm.s32 $0x5  }
0x4: {  	s17 =	simm.s32 $0x13C00;
	s18 =	simm.s32 $0x13D00;
	s19 =	simm.s32 $0x13E00  }
0x5: {  	s20 =	simm.s32 $0x13C80;
	s21 =	simm.s32 $0x13D80;
	s22 =	simm.s32 $0x17E00  }
0x6: {  	s23 =	simm.s32 $0x1;
	s24 =	simm.s32 $0x80;
	s25 =	simm.s32 $0x2  }
0x7: {  	s28 =	simm.s32 $0x4;
	s29 =	simm.s32 $0x0;
	[smem:$0x7FF] =	sst s3  }
0x8: {  	s8 =	smul.u32 $0x13C00, s14;
	s1 =	sand.u32 $0x1, s1;
	s5 =	sadd.s32 $0x9F9E00, s0  }
0x9: {  	s4 =	sadd.s32 $0x3E00, s0;
	s6 =	sadd.s32 $0x4EFE00, s0;
	s11 =	smul.u32 $0x4F000, s14  }
0xa: {  	s7 =	sadd.s32 $0x4E5E00, s0;
	s30 =	sshll.u32 s14, $0x6;
	s14 =	smul.u32 $0x60, s14  }
0xb: {  	_ =	strace $0x80000047;
	s9 =	smul.u32 $0x13C000, s1;
	s12 =	ssub.s32 $0x2, s1  }
0xc: {  	p0 =	seq.s32 s1, $0x0;
	s10 =	sshrl.u32 s8, $0x3;
	s26 =	sshrl.u32 s12, $0x1  }
0xd: {  	s11 =	sshrl.u32 s11, $0x2;
	s10 =	sadd.s32 s10, s0;
	s9 =	sadd.s32 s8, s9  }
0xe: {  	s8 =	sadd.s32 $0x4F9E00, s0;
	s13 =	sadd.s32 s11, s2;
	s11 =	sadd.s32 $0x600, s30  }
0xf: {  	s9 =	sshrl.u32 s9, $0x3;
	s10 =	sadd.s32 $0x2B000, s10;
	s11 =	smov.u32 @p0 s14  }
0x10: {  	s15 =	sshrl.u32 s13, $0x3;
	s0 =	sadd.s32 s9, s0;
	s9 =	ssub.s32 s12, s26  }
0x11: {  	[dreg:$0x3] =	wrdreg s10;
	s10 =	sor.u32 $0x1C05, s30;
	s0 =	sadd.s32 $0x52800, s0  }
0x12: {  	s12 =	simm.s32 $0x30;
	s31 =	smax.u32 s9, $0x1;
	[dreg:$0x4] =	wrdreg s0  }
0x13: {  	s26 =	simm.s32 $0x3;
	s12 =	simm.s32 @!p0 $0x20;
	[dreg:$0x5] =	wrdreg s31  }
.LBB2_1:
0x14: {  	s0 =	rddreg [dreg:$0x3]  }
0x15: {  	[spmem:s15], [sflag:s10] =	dma.local [hbm:s0], $0x2780  }
0x16: {  	_ =	swait.ge [sflag:s16], $0x2780  }
0x17: {  	[sflag:s16] =	ssyncset.done $0x0  }
0x18: {  	[sflag:s16] =	ssyncadd.s32 $0xFFFFD880  }
0x19: {  	s30 =	simm.s32 $0x0;
	[bflag:$0x0] =	sbarrier.arrive $0xFFFF  }
.LBB2_2:
0x1a: {  	s0 =	sshll.u32 s30, $0x1  }
0x1b: {  	s1 =	sadd.s32 s11, s0  }
0x1c: {  	s9 =	sshll.u32 s30, $0x8;
	s0 =	sshll.u32 s1, $0x7  }
0x1d: {  	s14 =	sand.u32 $0x300, s9;
	s13 =	sand.u32 $0xFFFFFC00, s0  }
0x1e: {  	s0 =	sor.u32 s14, s13  }
0x1f: {  	s0 =	sshrl.u32 s0, $0x3  }
0x20: {  	s14 =	simm.s32 $0x0;
	s9 =	sadd.s32 s6, s0  }
0x21: {  	[tilespmem:s17], [sflag:$0x5] =	stream.linear.gather [hbm4b:s9+s14], $0x80, $0x38;
	[tilespmem:$0x1BE00] =	vst v63  }
0x22: {  	_ =	swait.ge [sflag:s16], $0x80  }
0x23: {  	[sflag:s16] =	ssyncset.done $0x0  }
0x24: {  	s0 =	sadd.s32 s7, s0;
	[sflag:s16] =	ssyncadd.s32 $0xFFFFFF80  }
0x25: {  	[tilespmem:s18], [sflag:$0x5] =	stream.linear.gather [hbm4b:s0+s14], $0x80, $0x38;
	[tilespmem:$0x1BE00] =	vst v63  }
0x26: {  	s9 =	sshll.u32 s1, $0xB;
	_ =	swait.ge [sflag:s16], $0x80  }
0x27: {  	s0 =	sand.u32 $0x1FFFF000, s9;
	[sflag:s16] =	ssyncset.done $0x0  }
0x28: {  	s1 =	sor.u32 $0x1, s1;
	s9 =	sadd.s32 s5, s0;
	[sflag:s16] =	ssyncadd.s32 $0xFFFFFF80  }
0x29: {  	[tilespmem:s19], [sflag:$0x1] =	stream.linear.gather [hbm4b:s9+s14], $0x4000, $0x38;
	[tilespmem:$0x1BE00] =	vst v63  }
0x2a: {  	s9 =	sshll.u32 s1, $0x7  }
0x2b: {  	s9 =	sand.u32 $0x380, s9  }
0x2c: {  	s9 =	sor.u32 s13, s9  }
0x2d: {  	s9 =	sshrl.u32 s9, $0x3  }
0x2e: {  	s13 =	sadd.s32 s6, s9  }
0x2f: {  	[tilespmem:s20], [sflag:$0x5] =	stream.linear.gather [hbm4b:s13+s14], $0x80, $0x38;
	[tilespmem:$0x1BE00] =	vst v63  }
0x30: {  	_ =	swait.ge [sflag:s16], $0x80  }
0x31: {  	[sflag:s16] =	ssyncset.done $0x0  }
0x32: {  	s9 =	sadd.s32 s7, s9;
	[sflag:s16] =	ssyncadd.s32 $0xFFFFFF80  }
0x33: {  	[tilespmem:s21], [sflag:$0x5] =	stream.linear.gather [hbm4b:s9+s14], $0x80, $0x38;
	[tilespmem:$0x1BE00] =	vst v63  }
0x34: {  	_ =	swait.ge [sflag:s16], $0x80  }
0x35: {  	s31 =	sshll.u32 s1, $0xB;
	[sflag:s16] =	ssyncset.done $0x0  }
0x36: {  	s1 =	sadd.s32 s5, s31;
	[sflag:s16] =	ssyncadd.s32 $0xFFFFFF80  }
0x37: {  	[tilespmem:s22], [sflag:$0x2] =	stream.linear.gather [hbm4b:s1+s14], $0x4000, $0x38;
	[tilespmem:$0x1BE00] =	vst v63  }
0x38: {  	_ =	swait.ge [sflag:s23], $0x4000  }
0x39: {  	[sflag:s23] =	ssyncset.done $0x0  }
0x3a: {  	[sflag:s23] =	ssyncadd.s32 $0xFFFFC000  }
0x3b: {  	[tilespmem:s19], [sflag:$0x3] =	stream.indirect.gather.add.f32 [hbm:s4], $0x80, s17, s24, $0xb8;
	[tilespmem:$0x1BE00] =	vst v63  }
0x3c: {  	_ =	swait.ge [sflag:s25], $0x4000  }
0x3d: {  	[sflag:s25] =	ssyncset.done $0x0  }
0x3e: {  	[sflag:s25] =	ssyncadd.s32 $0xFFFFC000  }
0x3f: {  	[tilespmem:s22], [sflag:$0x4] =	stream.indirect.gather.add.f32 [hbm:s4], $0x80, s20, s24, $0xb8;
	[tilespmem:$0x1BE00] =	vst v63  }
0x40: {  	_ =	swait.ge [sflag:s26], $0x4000  }
0x41: {  	[sflag:s26] =	ssyncset.done $0x0  }
0x42: {  	s1 =	simm.s32 $0x0;
	[sflag:s26] =	ssyncadd.s32 $0xFFFFC000  }
0x43: {  	v0 =	vld [tilespmem:s1+$0x13E70];
	_ =	sdelay $0x1  }
0x44: {  	v1 =	vld [tilespmem:s1+$0x13E60];
	_ =	sdelay $0x2  }
0x45: {  	v2 =	vld [tilespmem:s1+$0x13E40];
	v0 =	vmax.f32 v0, $-1.500000000e+01  }
0x46: {  	v3 =	vld [tilespmem:s1+$0x13E00];
	v0 =	vmin.f32 v0, $1.500000000e+01  }
0x47: {  	v4 =	vld [tilespmem:s1+$0x13E50];
	v1 =	vmax.f32 v1, $-1.500000000e+01;
	v0 =	vadd.f32 v0, v0  }
0x48: {  	v1 =	vmin.f32 v1, $1.500000000e+01  }
0x49: {  	v1 =	vadd.f32 v1, v1;
	v0 =	vmul.f32 $1.442695020e+00, v0;
	_ =	sdelay $0x1  }
0x4a: {  	v2 =	vmax.f32 v2, $-1.500000000e+01;
	v1 =	vmul.f32 $1.442695020e+00, v1;
	(erf) = vpow2.f32 v0  }
0x4b: {  	v2 =	vmin.f32 v2, $1.500000000e+01;
	v0 =	vmax.f32 v3, $-1.500000000e+01;
	v3 =	vmax.f32 v4, $-1.500000000e+01  }
0x4c: {  	v2 =	vadd.f32 v2, v2;
	(erf) = vpow2.f32 v1;
	v1 =	vmin.f32 v3, $1.500000000e+01  }
0x4d: {  	v4 =	vld [tilespmem:s1+$0x13E30];
	v0 =	vmin.f32 v0, $1.500000000e+01;
	v1 =	vadd.f32 v1, v1  }
0x4e: {  	v2 =	vmul.f32 $1.442695020e+00, v2;
	v0 =	vadd.f32 v0, v0  }
0x4f: {  	v1 =	vmul.f32 $1.442695020e+00, v1  }
0x50: {  	(erf) = vpow2.f32 v2;
	v0 =	vmul.f32 $1.442695020e+00, v0;
	_ =	sdelay $0x1  }
0x51: {  	v2 =	vld [tilespmem:s1+$0x13E20];
	(erf) = vpow2.f32 v0;
	v0 =	vmax.f32 v4, $-1.500000000e+01  }
0x52: {  	(erf) = vpow2.f32 v1;
	v0 =	vmin.f32 v0, $1.500000000e+01;
	v1 =	vpop (erf)  }
0x53: {  	v3 =	vld [tilespmem:s1+$0x13E10];
	v0 =	vadd.f32 v0, v0;
	v1 =	vadd.f32 $1.000000000e+00, v1;
	_ =	sdelay $0x1  }
0x54: {  	v0 =	vmul.f32 $1.442695020e+00, v0;
	v4 =	vpop (erf);
	(erf) = vrcp.f32 v1  }
0x55: {  	v2 =	vmax.f32 v2, $-1.500000000e+01;
	v1 =	vadd.f32 $1.000000000e+00, v4  }
0x56: {  	v2 =	vmin.f32 v2, $1.500000000e+01;
	(erf) = vpow2.f32 v0  }
0x57: {  	v4 =	vpop (erf);
	(erf) = vrcp.f32 v1;
	v1 =	vmax.f32 v3, $-1.500000000e+01;
	v3 =	vadd.f32 v2, v2  }
0x58: {  	v0 =	vadd.f32 $1.000000000e+00, v4;
	_ =	sdelay $0x1  }
0x59: {  	v2 =	vpop (erf);
	(erf) = vrcp.f32 v0;
	v0 =	vmin.f32 v1, $1.500000000e+01  }
0x5a: {  	s13 =	simm.s32 $0x400;
	s9 =	simm.s32 $0x200;
	v2 =	vadd.f32 $1.000000000e+00, v2;
	v1 =	vadd.f32 v0, v0;
	v0 =	vmul.f32 $1.442695020e+00, v3;
	v3 =	vpop (erf)  }
.LBB2_3:
0x5b: {  	p0 =	sne.s32 s13, $0xFE00  }
0x5c: {  	s14 =	sshra.s32 s9, $0x2;
	v3 =	vadd.f32 $1.000000000e+00, v3;
	(erf) = vrcp.f32 v2;
	v2 =	vpop (erf);
	s9 =	smov.u32 s13;
	s13 =	sadd.s32 $0x200, s13  }
0x5d: {  	v4 =	vmul.f32 $1.442695020e+00, v1;
	v2 =	vadd.f32 v2, v2;
	(erf) = vpow2.f32 v0  }
0x5e: {  	(erf) = vrcp.f32 v3  }
0x5f: {  	v2 =	vsub.f32 $1.000000000e+00, v2;
	(erf) = vpow2.f32 v4;
	v1 =	vpop (erf)  }
0x60: {  	v3 =	vadd.f32 $1.000000000e+00, v1  }
0x61: {  	[tilespmem:s1+$0x13E70] =	vst v2;
	v0 =	vpop (erf)  }
0x62: {  	v2 =	vld [tilespmem:s14+$0x13E70];
	v0 =	vadd.f32 v0, v0;
	(erf) = vrcp.f32 v3;
	v1 =	vpop (erf)  }
0x63: {  	v1 =	vadd.f32 v1, v1  }
0x64: {  	v4 =	vsub.f32 $1.000000000e+00, v0  }
0x65: {  	v5 =	vsub.f32 $1.000000000e+00, v1;
	v3 =	vpop (erf)  }
0x66: {  	v3 =	vadd.f32 v3, v3;
	[tilespmem:s1+$0x13E60] =	vst v4;
	v0 =	vpop (erf)  }
0x67: {  	v4 =	vld [tilespmem:s14+$0x13E60];
	v2 =	vmax.f32 v2, $-1.500000000e+01;
	v0 =	vadd.f32 $1.000000000e+00, v0;
	[tilespmem:s1+$0x13E40] =	vst v5;
	v1 =	vpop (erf)  }
0x68: {  	v5 =	vld [tilespmem:s14+$0x13E40];
	v2 =	vmin.f32 v2, $1.500000000e+01;
	v7 =	vsub.f32 $1.000000000e+00, v3;
	v1 =	vadd.f32 v1, v1;
	v6 =	vpop (erf)  }
0x69: {  	v2 =	vadd.f32 v2, v2;
	v6 =	vadd.f32 $1.000000000e+00, v6;
	(erf) = vrcp.f32 v0  }
0x6a: {  	[tilespmem:s1+$0x13E00] =	vst v7;
	v0 =	vsub.f32 $1.000000000e+00, v1  }
0x6b: {  	v1 =	vld [tilespmem:s14+$0x13E00];
	v2 =	vmul.f32 $1.442695020e+00, v2;
	(erf) = vrcp.f32 v6;
	v3 =	vpop (erf)  }
0x6c: {  	v4 =	vmax.f32 v4, $-1.500000000e+01;
	v3 =	vadd.f32 v3, v3;
	[tilespmem:s1+$0x13E50] =	vst v0  }
0x6d: {  	v0 =	vmax.f32 v5, $-1.500000000e+01;
	v5 =	vld [tilespmem:s14+$0x13E50];
	v4 =	vmin.f32 v4, $1.500000000e+01;
	(erf) = vpow2.f32 v2  }
0x6e: {  	v0 =	vmin.f32 v0, $1.500000000e+01;
	v2 =	vadd.f32 v4, v4;
	v3 =	vsub.f32 $1.000000000e+00, v3  }
0x6f: {  	v0 =	vadd.f32 v0, v0  }
0x70: {  	v1 =	vmax.f32 v1, $-1.500000000e+01;
	v6 =	vmul.f32 $1.442695020e+00, v2;
	[tilespmem:s1+$0x13E30] =	vst v3  }
0x71: {  	v1 =	vmin.f32 v1, $1.500000000e+01;
	v3 =	vld [tilespmem:s14+$0x13E30];
	v0 =	vmul.f32 $1.442695020e+00, v0  }
0x72: {  	v1 =	vadd.f32 v1, v1;
	v7 =	vmax.f32 v5, $-1.500000000e+01;
	(erf) = vpow2.f32 v6;
	v2 =	vpop (erf)  }
0x73: {  	v5 =	vmin.f32 v7, $1.500000000e+01;
	(erf) = vpow2.f32 v0;
	v0 =	vadd.f32 v2, v2  }
0x74: {  	v6 =	vmul.f32 $1.442695020e+00, v1;
	v2 =	vadd.f32 v5, v5;
	v4 =	vpop (erf)  }
0x75: {  	v4 =	vadd.f32 v4, v4;
	v0 =	vsub.f32 $1.000000000e+00, v0  }
0x76: {  	v3 =	vmax.f32 v3, $-1.500000000e+01;
	v2 =	vmul.f32 $1.442695020e+00, v2;
	(erf) = vpow2.f32 v6;
	v1 =	vpop (erf)  }
0x77: {  	v3 =	vmin.f32 v3, $1.500000000e+01;
	v1 =	vadd.f32 $1.000000000e+00, v1;
	v4 =	vsub.f32 $1.000000000e+00, v4;
	[tilespmem:s1+$0x13E20] =	vst v0  }
0x78: {  	v0 =	vld [tilespmem:s14+$0x13E20];
	v5 =	vadd.f32 v3, v3;
	(erf) = vpow2.f32 v2  }
0x79: {  	(erf) = vrcp.f32 v1;
	[tilespmem:s1+$0x13E10] =	vst v4;
	s1 =	smov.u32 s14  }
0x7a: {  	v1 =	vld [tilespmem:s1+$0x13E10];
	v4 =	vmul.f32 $1.442695020e+00, v5  }
0x7b: {  	v3 =	vpop (erf)  }
0x7c: {  	v5 =	vadd.f32 $1.000000000e+00, v3;
	(erf) = vpow2.f32 v4;
	v2 =	vpop (erf)  }
.Ltmp0:
0x7d: {  	v0 =	vmax.f32 v0, $-1.500000000e+01;
	v2 =	vadd.f32 $1.000000000e+00, v2;
	(pc) =	sbr.rel @p0 .LBB2_3-.Ltmp0, $4  }
0x7e: {  	v0 =	vmin.f32 v0, $1.500000000e+01;
	(erf) = vrcp.f32 v5  }
0x7f: {  	v1 =	vmax.f32 v1, $-1.500000000e+01;
	v0 =	vadd.f32 v0, v0;
	v3 =	vpop (erf);
	(erf) = vrcp.f32 v2  }
0x80: {  	v2 =	vadd.f32 $1.000000000e+00, v3;
	v1 =	vmin.f32 v1, $1.500000000e+01  }
0x81: {  	v1 =	vadd.f32 v1, v1;
	v0 =	vmul.f32 $1.442695020e+00, v0;
	v3 =	vpop (erf)  }
0x82: {  	_ = 	snop  }
0x83: {  	v1 =	vmul.f32 $1.442695020e+00, v1  }
0x84: {  	v3 =	vadd.f32 $1.000000000e+00, v3;
	(erf) = vrcp.f32 v2  }
0x85: {  	(erf) = vpow2.f32 v0  }
0x86: {  	v0 =	vpop (erf);
	(erf) = vrcp.f32 v3  }
0x87: {  	(erf) = vpow2.f32 v1;
	v1 =	vpop (erf)  }
0x88: {  	v0 =	vadd.f32 v0, v0;
	v2 =	vpop (erf)  }
0x89: {  	v1 =	vadd.f32 $1.000000000e+00, v1;
	v2 =	vadd.f32 v2, v2  }
0x8a: {  	v0 =	vsub.f32 $1.000000000e+00, v0  }
0x8b: {  	v3 =	vpop (erf);
	(erf) = vrcp.f32 v1;
	v1 =	vsub.f32 $1.000000000e+00, v2  }
0x8c: {  	[tilespmem:s1+$0x13E70] =	vst v0;
	v0 =	vadd.f32 v3, v3  }
0x8d: {  	s9 =	sshra.s32 s9, $0x2;
	v3 =	vpop (erf)  }
0x8e: {  	v2 =	vld [tilespmem:s9+$0x13E70];
	v0 =	vsub.f32 $1.000000000e+00, v0;
	v3 =	vadd.f32 v3, v3  }
0x8f: {  	[tilespmem:s1+$0x13E60] =	vst v1;
	v1 =	vpop (erf)  }
0x90: {  	v4 =	vld [tilespmem:s9+$0x13E60];
	[tilespmem:s1+$0x13E40] =	vst v0;
	v0 =	vsub.f32 $1.000000000e+00, v3;
	v5 =	vpop (erf)  }
0x91: {  	v1 =	vadd.f32 $1.000000000e+00, v1;
	v3 =	vadd.f32 v5, v5;
	v5 =	vpop (erf)  }
0x92: {  	v5 =	vadd.f32 $1.000000000e+00, v5  }
0x93: {  	v6 =	vld [tilespmem:s9+$0x13E40];
	[tilespmem:s1+$0x13E00] =	vst v0;
	(erf) = vrcp.f32 v1;
	v1 =	vmax.f32 v2, $-1.500000000e+01  }
0x94: {  	v2 =	vld [tilespmem:s9+$0x13E00];
	v0 =	vsub.f32 $1.000000000e+00, v3;
	v1 =	vmin.f32 v1, $1.500000000e+01;
	(erf) = vrcp.f32 v5  }
0x95: {  	v4 =	vmax.f32 v4, $-1.500000000e+01  }
0x96: {  	v4 =	vmin.f32 v4, $1.500000000e+01;
	[tilespmem:s1+$0x13E50] =	vst v0;
	v0 =	vadd.f32 v1, v1  }
0x97: {  	v4 =	vadd.f32 v4, v4;
	v1 =	vpop (erf);
	v3 =	vld [tilespmem:s9+$0x13E50]  }
0x98: {  	v5 =	vmax.f32 v6, $-1.500000000e+01;
	v1 =	vadd.f32 v1, v1;
	v0 =	vmul.f32 $1.442695020e+00, v0  }
0x99: {  	v5 =	vmin.f32 v5, $1.500000000e+01;
	v2 =	vmax.f32 v2, $-1.500000000e+01;
	v4 =	vmul.f32 $1.442695020e+00, v4  }
0x9a: {  	v1 =	vsub.f32 $1.000000000e+00, v1;
	(erf) = vpow2.f32 v0;
	v0 =	vadd.f32 v5, v5  }
0x9b: {  	v2 =	vmin.f32 v2, $1.500000000e+01  }
0x9c: {  	[tilespmem:s1+$0x13E30] =	vst v1;
	v1 =	vadd.f32 v2, v2;
	v2 =	vmax.f32 v3, $-1.500000000e+01;
	v3 =	vpop (erf);
	v0 =	vmul.f32 $1.442695020e+00, v0  }
0x9d: {  	(erf) = vpow2.f32 v4;
	v5 =	vld [tilespmem:s9+$0x13E30];
	v3 =	vadd.f32 v3, v3;
	v4 =	vpop (erf)  }
0x9e: {  	(erf) = vpow2.f32 v0;
	v0 =	vadd.f32 v4, v4  }
0x9f: {  	v2 =	vmin.f32 v2, $1.500000000e+01;
	v3 =	vsub.f32 $1.000000000e+00, v3  }
0xa0: {  	v1 =	vmul.f32 $1.442695020e+00, v1;
	v2 =	vadd.f32 v2, v2;
	v0 =	vsub.f32 $1.000000000e+00, v0  }
0xa1: {  	[tilespmem:s1+$0x13E20] =	vst v3  }
0xa2: {  	v2 =	vmul.f32 $1.442695020e+00, v2;
	(erf) = vpow2.f32 v1;
	v1 =	vmax.f32 v5, $-1.500000000e+01;
	v3 =	vld [tilespmem:s9+$0x13E20]  }
0xa3: {  	v1 =	vmin.f32 v1, $1.500000000e+01  }
0xa4: {  	(erf) = vpow2.f32 v2;
	[tilespmem:s1+$0x13E10] =	vst v0;
	v1 =	vadd.f32 v1, v1;
	v0 =	vpop (erf)  }
0xa5: {  	v0 =	vadd.f32 $1.000000000e+00, v0  }
0xa6: {  	v2 =	vld [tilespmem:s9+$0x13E10];
	v1 =	vmul.f32 $1.442695020e+00, v1  }
0xa7: {  	v3 =	vmax.f32 v3, $-1.500000000e+01  }
0xa8: {  	v3 =	vmin.f32 v3, $1.500000000e+01  }
0xa9: {  	(erf) = vrcp.f32 v0;
	v3 =	vadd.f32 v3, v3;
	v0 =	vpop (erf)  }
0xaa: {  	(erf) = vpow2.f32 v1;
	v0 =	vadd.f32 $1.000000000e+00, v0;
	v1 =	vpop (erf)  }
0xab: {  	v2 =	vmax.f32 v2, $-1.500000000e+01;
	v1 =	vadd.f32 $1.000000000e+00, v1;
	v4 =	vpop (erf)  }
0xac: {  	v2 =	vmin.f32 v2, $1.500000000e+01;
	(erf) = vrcp.f32 v0;
	v0 =	vadd.f32 $1.000000000e+00, v4  }
0xad: {  	(erf) = vrcp.f32 v1;
	v1 =	vadd.f32 v2, v2;
	v2 =	vmul.f32 $1.442695020e+00, v3;
	v3 =	vpop (erf)  }
0xae: {  	v3 =	vadd.f32 $1.000000000e+00, v3;
	(erf) = vrcp.f32 v0  }
0xaf: {  	v0 =	vmul.f32 $1.442695020e+00, v1;
	(erf) = vpow2.f32 v2  }
0xb0: {  	(erf) = vrcp.f32 v3  }
0xb1: {  	(erf) = vpow2.f32 v0;
	_ =	sdelay $0x1  }
0xb2: {  	v0 =	vpop (erf)  }
0xb3: {  	v1 =	vpop (erf)  }
0xb4: {  	v2 =	vpop (erf)  }
0xb5: {  	v3 =	vpop (erf)  }
0xb6: {  	v4 =	vpop (erf)  }
0xb7: {  	v5 =	vpop (erf)  }
0xb8: {  	v1 =	vadd.f32 $1.000000000e+00, v1;
	v63 =	vpop (erf)  }
0xb9: {  	v5 =	vadd.f32 $1.000000000e+00, v5;
	v7 =	vpop (erf)  }
0xba: {  	(erf) = vrcp.f32 v1;
	v1 =	vadd.f32 $1.000000000e+00, v7  }
0xbb: {  	(erf) = vrcp.f32 v5  }
0xbc: {  	(erf) = vrcp.f32 v1;
	_ =	sdelay $0x2  }
0xbd: {  	v0 =	vadd.f32 v0, v0  }
0xbe: {  	v1 =	vadd.f32 v2, v2  }
0xbf: {  	v0 =	vsub.f32 $1.000000000e+00, v0;
	v2 =	vadd.f32 v3, v3  }
0xc0: {  	v3 =	vadd.f32 v4, v4;
	v1 =	vsub.f32 $1.000000000e+00, v1  }
0xc1: {  	[tilespmem:s9+$0x13E70] =	vst v0;
	v0 =	vsub.f32 $1.000000000e+00, v2;
	v2 =	vadd.f32 v63, v63;
	v4 =	vpop (erf)  }
0xc2: {  	[tilespmem:s9+$0x13E60] =	vst v1;
	v1 =	vsub.f32 $1.000000000e+00, v3;
	v3 =	vadd.f32 v4, v4;
	v4 =	vpop (erf)  }
0xc3: {  	[tilespmem:s9+$0x13E40] =	vst v0;
	v0 =	vsub.f32 $1.000000000e+00, v2;
	v2 =	vadd.f32 v4, v4;
	v4 =	vpop (erf)  }
0xc4: {  	[tilespmem:s9+$0x13E00] =	vst v1;
	v1 =	vsub.f32 $1.000000000e+00, v3;
	v3 =	vadd.f32 v4, v4  }
0xc5: {  	[tilespmem:s9+$0x13E50] =	vst v0;
	v0 =	vsub.f32 $1.000000000e+00, v2  }
0xc6: {  	[tilespmem:s9+$0x13E30] =	vst v1;
	v1 =	vsub.f32 $1.000000000e+00, v3  }
0xc7: {  	[tilespmem:s9+$0x13E20] =	vst v0  }
0xc8: {  	s0 =	sadd.s32 s8, s0;
	s14 =	simm.s32 $0x0;
	[tilespmem:s9+$0x13E10] =	vst v1  }
0xc9: {  	[hbm4b:s0+s14] =	stream.linear.scatter [tilespmem:s19], [sflag:$0x5], $0x4000, $0x38;
	[tilespmem:$0x1BE00] =	vst v63  }
0xca: {  	_ =	swait.ge [sflag:s16], $0x4000  }
0xcb: {  	[sflag:s16] =	ssyncset.done $0x0  }
0xcc: {  	[sflag:s16] =	ssyncadd.s32 $0xFFFFC000  }
0xcd: {  	[spmem:s2] =	stream.indirect.scatter.add.f32 [tilespmem:s19], [sflag:$0x5], $0x80, s18, s24, $0xb8;
	[tilespmem:$0x1BE00] =	vst v63  }
0xce: {  	_ =	swait.ge [sflag:s16], $0x4000  }
0xcf: {  	[sflag:s16] =	ssyncset.done $0x0  }
0xd0: {  	[sflag:s16] =	ssyncadd.s32 $0xFFFFC000  }
0xd1: {  	_ =	swait.ge [sflag:s28], $0x4000  }
0xd2: {  	[sflag:s28] =	ssyncset.done $0x0  }
0xd3: {  	s0 =	simm.s32 $0x0;
	[sflag:s28] =	ssyncadd.s32 $0xFFFFC000  }
0xd4: {  	v0 =	vld [tilespmem:s0+$0x17E70];
	_ =	sdelay $0x1  }
0xd5: {  	v1 =	vld [tilespmem:s0+$0x17E60];
	_ =	sdelay $0x2  }
0xd6: {  	v2 =	vld [tilespmem:s0+$0x17E40];
	v0 =	vmax.f32 v0, $-1.500000000e+01  }
0xd7: {  	v3 =	vld [tilespmem:s0+$0x17E00];
	v0 =	vmin.f32 v0, $1.500000000e+01  }
0xd8: {  	v4 =	vld [tilespmem:s0+$0x17E50];
	v1 =	vmax.f32 v1, $-1.500000000e+01;
	v0 =	vadd.f32 v0, v0  }
0xd9: {  	v1 =	vmin.f32 v1, $1.500000000e+01  }
0xda: {  	v1 =	vadd.f32 v1, v1;
	v0 =	vmul.f32 $1.442695020e+00, v0;
	_ =	sdelay $0x1  }
0xdb: {  	v2 =	vmax.f32 v2, $-1.500000000e+01;
	v1 =	vmul.f32 $1.442695020e+00, v1;
	(erf) = vpow2.f32 v0  }
0xdc: {  	v2 =	vmin.f32 v2, $1.500000000e+01;
	v0 =	vmax.f32 v3, $-1.500000000e+01;
	v3 =	vmax.f32 v4, $-1.500000000e+01  }
0xdd: {  	v2 =	vadd.f32 v2, v2;
	(erf) = vpow2.f32 v1;
	v1 =	vmin.f32 v3, $1.500000000e+01  }
0xde: {  	v4 =	vld [tilespmem:s0+$0x17E30];
	v0 =	vmin.f32 v0, $1.500000000e+01;
	v1 =	vadd.f32 v1, v1  }
0xdf: {  	v2 =	vmul.f32 $1.442695020e+00, v2;
	v0 =	vadd.f32 v0, v0  }
0xe0: {  	v1 =	vmul.f32 $1.442695020e+00, v1  }
0xe1: {  	(erf) = vpow2.f32 v2;
	v0 =	vmul.f32 $1.442695020e+00, v0;
	_ =	sdelay $0x1  }
0xe2: {  	v2 =	vld [tilespmem:s0+$0x17E20];
	(erf) = vpow2.f32 v0;
	v0 =	vmax.f32 v4, $-1.500000000e+01  }
0xe3: {  	(erf) = vpow2.f32 v1;
	v0 =	vmin.f32 v0, $1.500000000e+01;
	v1 =	vpop (erf)  }
0xe4: {  	v3 =	vld [tilespmem:s0+$0x17E10];
	v0 =	vadd.f32 v0, v0;
	v1 =	vadd.f32 $1.000000000e+00, v1;
	_ =	sdelay $0x1  }
0xe5: {  	v0 =	vmul.f32 $1.442695020e+00, v0;
	v4 =	vpop (erf);
	(erf) = vrcp.f32 v1  }
0xe6: {  	v2 =	vmax.f32 v2, $-1.500000000e+01;
	v1 =	vadd.f32 $1.000000000e+00, v4  }
0xe7: {  	v2 =	vmin.f32 v2, $1.500000000e+01;
	(erf) = vpow2.f32 v0  }
0xe8: {  	v4 =	vpop (erf);
	(erf) = vrcp.f32 v1;
	v1 =	vmax.f32 v3, $-1.500000000e+01;
	v3 =	vadd.f32 v2, v2  }
0xe9: {  	v0 =	vadd.f32 $1.000000000e+00, v4;
	_ =	sdelay $0x1  }
0xea: {  	v2 =	vpop (erf);
	(erf) = vrcp.f32 v0;
	v0 =	vmin.f32 v1, $1.500000000e+01  }
0xeb: {  	s1 =	simm.s32 $0x200;
	s9 =	simm.s32 $0x400;
	v2 =	vadd.f32 $1.000000000e+00, v2;
	v1 =	vadd.f32 v0, v0;
	v0 =	vmul.f32 $1.442695020e+00, v3;
	v3 =	vpop (erf)  }
.LBB2_5:
0xec: {  	p0 =	sne.s32 s9, $0xFE00  }
0xed: {  	s13 =	sshra.s32 s1, $0x2;
	v3 =	vadd.f32 $1.000000000e+00, v3;
	(erf) = vrcp.f32 v2;
	v2 =	vpop (erf);
	s1 =	smov.u32 s9;
	s9 =	sadd.s32 $0x200, s9  }
0xee: {  	v4 =	vmul.f32 $1.442695020e+00, v1;
	v2 =	vadd.f32 v2, v2;
	(erf) = vpow2.f32 v0  }
0xef: {  	(erf) = vrcp.f32 v3  }
0xf0: {  	v2 =	vsub.f32 $1.000000000e+00, v2;
	(erf) = vpow2.f32 v4;
	v1 =	vpop (erf)  }
0xf1: {  	v3 =	vadd.f32 $1.000000000e+00, v1  }
0xf2: {  	[tilespmem:s0+$0x17E70] =	vst v2;
	v0 =	vpop (erf)  }
0xf3: {  	v2 =	vld [tilespmem:s13+$0x17E70];
	v0 =	vadd.f32 v0, v0;
	(erf) = vrcp.f32 v3;
	v1 =	vpop (erf)  }
0xf4: {  	v1 =	vadd.f32 v1, v1  }
0xf5: {  	v4 =	vsub.f32 $1.000000000e+00, v0  }
0xf6: {  	v5 =	vsub.f32 $1.000000000e+00, v1;
	v3 =	vpop (erf)  }
0xf7: {  	v3 =	vadd.f32 v3, v3;
	[tilespmem:s0+$0x17E60] =	vst v4;
	v0 =	vpop (erf)  }
0xf8: {  	v4 =	vld [tilespmem:s13+$0x17E60];
	v2 =	vmax.f32 v2, $-1.500000000e+01;
	v0 =	vadd.f32 $1.000000000e+00, v0;
	[tilespmem:s0+$0x17E40] =	vst v5;
	v1 =	vpop (erf)  }
0xf9: {  	v5 =	vld [tilespmem:s13+$0x17E40];
	v2 =	vmin.f32 v2, $1.500000000e+01;
	v7 =	vsub.f32 $1.000000000e+00, v3;
	v1 =	vadd.f32 v1, v1;
	v6 =	vpop (erf)  }
0xfa: {  	v2 =	vadd.f32 v2, v2;
	v6 =	vadd.f32 $1.000000000e+00, v6;
	(erf) = vrcp.f32 v0  }
0xfb: {  	[tilespmem:s0+$0x17E00] =	vst v7;
	v0 =	vsub.f32 $1.000000000e+00, v1  }
0xfc: {  	v1 =	vld [tilespmem:s13+$0x17E00];
	v2 =	vmul.f32 $1.442695020e+00, v2;
	(erf) = vrcp.f32 v6;
	v3 =	vpop (erf)  }
0xfd: {  	v4 =	vmax.f32 v4, $-1.500000000e+01;
	v3 =	vadd.f32 v3, v3;
	[tilespmem:s0+$0x17E50] =	vst v0  }
0xfe: {  	v0 =	vmax.f32 v5, $-1.500000000e+01;
	v5 =	vld [tilespmem:s13+$0x17E50];
	v4 =	vmin.f32 v4, $1.500000000e+01;
	(erf) = vpow2.f32 v2  }
0xff: {  	v0 =	vmin.f32 v0, $1.500000000e+01;
	v2 =	vadd.f32 v4, v4;
	v3 =	vsub.f32 $1.000000000e+00, v3  }
0x100: {  	v0 =	vadd.f32 v0, v0  }
0x101: {  	v1 =	vmax.f32 v1, $-1.500000000e+01;
	v6 =	vmul.f32 $1.442695020e+00, v2;
	[tilespmem:s0+$0x17E30] =	vst v3  }
0x102: {  	v1 =	vmin.f32 v1, $1.500000000e+01;
	v3 =	vld [tilespmem:s13+$0x17E30];
	v0 =	vmul.f32 $1.442695020e+00, v0  }
0x103: {  	v1 =	vadd.f32 v1, v1;
	v7 =	vmax.f32 v5, $-1.500000000e+01;
	(erf) = vpow2.f32 v6;
	v2 =	vpop (erf)  }
0x104: {  	v5 =	vmin.f32 v7, $1.500000000e+01;
	(erf) = vpow2.f32 v0;
	v0 =	vadd.f32 v2, v2  }
0x105: {  	v6 =	vmul.f32 $1.442695020e+00, v1;
	v2 =	vadd.f32 v5, v5;
	v4 =	vpop (erf)  }
0x106: {  	v4 =	vadd.f32 v4, v4;
	v0 =	vsub.f32 $1.000000000e+00, v0  }
0x107: {  	v3 =	vmax.f32 v3, $-1.500000000e+01;
	v2 =	vmul.f32 $1.442695020e+00, v2;
	(erf) = vpow2.f32 v6;
	v1 =	vpop (erf)  }
0x108: {  	v3 =	vmin.f32 v3, $1.500000000e+01;
	v1 =	vadd.f32 $1.000000000e+00, v1;
	v4 =	vsub.f32 $1.000000000e+00, v4;
	[tilespmem:s0+$0x17E20] =	vst v0  }
0x109: {  	v0 =	vld [tilespmem:s13+$0x17E20];
	v5 =	vadd.f32 v3, v3;
	(erf) = vpow2.f32 v2  }
0x10a: {  	(erf) = vrcp.f32 v1;
	[tilespmem:s0+$0x17E10] =	vst v4;
	s0 =	smov.u32 s13  }
0x10b: {  	v1 =	vld [tilespmem:s0+$0x17E10];
	v4 =	vmul.f32 $1.442695020e+00, v5  }
0x10c: {  	v3 =	vpop (erf)  }
0x10d: {  	v5 =	vadd.f32 $1.000000000e+00, v3;
	(erf) = vpow2.f32 v4;
	v2 =	vpop (erf)  }
.Ltmp1:
0x10e: {  	v0 =	vmax.f32 v0, $-1.500000000e+01;
	v2 =	vadd.f32 $1.000000000e+00, v2;
	(pc) =	sbr.rel @p0 .LBB2_5-.Ltmp1, $4  }
0x10f: {  	v0 =	vmin.f32 v0, $1.500000000e+01;
	(erf) = vrcp.f32 v5  }
0x110: {  	v1 =	vmax.f32 v1, $-1.500000000e+01;
	v0 =	vadd.f32 v0, v0;
	v3 =	vpop (erf);
	(erf) = vrcp.f32 v2  }
0x111: {  	v2 =	vadd.f32 $1.000000000e+00, v3;
	v1 =	vmin.f32 v1, $1.500000000e+01  }
0x112: {  	v1 =	vadd.f32 v1, v1;
	v0 =	vmul.f32 $1.442695020e+00, v0;
	v3 =	vpop (erf)  }
0x113: {  	v3 =	vadd.f32 $1.000000000e+00, v3;
	(erf) = vrcp.f32 v2  }
0x114: {  	v1 =	vmul.f32 $1.442695020e+00, v1;
	(erf) = vpow2.f32 v0  }
0x115: {  	(erf) = vrcp.f32 v3  }
0x116: {  	(erf) = vpow2.f32 v1  }
0x117: {  	v63 =	vpop (erf)  }
0x118: {  	v0 =	vadd.f32 v63, v63;
	v4 =	vpop (erf)  }
0x119: {  	v1 =	vadd.f32 $1.000000000e+00, v4;
	v5 =	vpop (erf)  }
0x11a: {  	v0 =	vsub.f32 $1.000000000e+00, v0;
	v2 =	vadd.f32 v5, v5;
	v6 =	vpop (erf)  }
0x11b: {  	(erf) = vrcp.f32 v1;
	v7 =	vadd.f32 v6, v6  }
0x11c: {  	s1 =	sshra.s32 s1, $0x2;
	[tilespmem:s0+$0x17E70] =	vst v0;
	v8 =	vsub.f32 $1.000000000e+00, v2;
	v10 =	vpop (erf)  }
0x11d: {  	v9 =	vld [tilespmem:s1+$0x17E70];
	v0 =	vsub.f32 $1.000000000e+00, v7;
	v3 =	vadd.f32 v10, v10;
	v11 =	vpop (erf)  }
0x11e: {  	[tilespmem:s0+$0x17E60] =	vst v8;
	v1 =	vadd.f32 $1.000000000e+00, v11;
	v5 =	vpop (erf)  }
0x11f: {  	v4 =	vld [tilespmem:s1+$0x17E60];
	[tilespmem:s0+$0x17E40] =	vst v0;
	v12 =	vsub.f32 $1.000000000e+00, v3;
	v13 =	vadd.f32 v5, v5;
	v14 =	vpop (erf)  }
0x120: {  	v6 =	vld [tilespmem:s1+$0x17E40];
	v5 =	vadd.f32 $1.000000000e+00, v14;
	(erf) = vrcp.f32 v1  }
0x121: {  	[tilespmem:s0+$0x17E00] =	vst v12;
	v15 =	vsub.f32 $1.000000000e+00, v13  }
0x122: {  	v16 =	vmax.f32 v9, $-1.500000000e+01;
	v17 =	vld [tilespmem:s1+$0x17E00];
	(erf) = vrcp.f32 v5  }
0x123: {  	v1 =	vmin.f32 v16, $1.500000000e+01;
	[tilespmem:s0+$0x17E50] =	vst v15  }
0x124: {  	v18 =	vadd.f32 v1, v1;
	v19 =	vpop (erf);
	v20 =	vld [tilespmem:s1+$0x17E50]  }
0x125: {  	v4 =	vmax.f32 v4, $-1.500000000e+01;
	v1 =	vadd.f32 v19, v19;
	v21 =	vmax.f32 v6, $-1.500000000e+01  }
0x126: {  	v0 =	vmul.f32 $1.442695020e+00, v18;
	v4 =	vmin.f32 v4, $1.500000000e+01;
	v5 =	vmin.f32 v21, $1.500000000e+01  }
0x127: {  	v4 =	vadd.f32 v4, v4;
	v1 =	vsub.f32 $1.000000000e+00, v1;
	v2 =	vmax.f32 v17, $-1.500000000e+01  }
0x128: {  	(erf) = vpow2.f32 v0;
	v22 =	vadd.f32 v5, v5;
	v2 =	vmin.f32 v2, $1.500000000e+01  }
0x129: {  	v4 =	vmul.f32 $1.442695020e+00, v4;
	[tilespmem:s0+$0x17E30] =	vst v1;
	v23 =	vadd.f32 v2, v2;
	v24 =	vmax.f32 v20, $-1.500000000e+01;
	v25 =	vpop (erf)  }
0x12a: {  	v26 =	vld [tilespmem:s1+$0x17E30];
	v0 =	vmul.f32 $1.442695020e+00, v22;
	v2 =	vmin.f32 v24, $1.500000000e+01;
	v3 =	vadd.f32 v25, v25  }
0x12b: {  	(erf) = vpow2.f32 v4;
	v1 =	vmul.f32 $1.442695020e+00, v23;
	v2 =	vadd.f32 v2, v2;
	v27 =	vpop (erf)  }
0x12c: {  	(erf) = vpow2.f32 v0;
	v28 =	vadd.f32 v27, v27;
	v3 =	vsub.f32 $1.000000000e+00, v3  }
0x12d: {  	v2 =	vmul.f32 $1.442695020e+00, v2;
	(erf) = vpow2.f32 v1  }
0x12e: {  	v0 =	vsub.f32 $1.000000000e+00, v28;
	[tilespmem:s0+$0x17E20] =	vst v3  }
0x12f: {  	v29 =	vmax.f32 v26, $-1.500000000e+01;
	v3 =	vld [tilespmem:s1+$0x17E20];
	(erf) = vpow2.f32 v2  }
0x130: {  	v1 =	vmin.f32 v29, $1.500000000e+01;
	[tilespmem:s0+$0x17E10] =	vst v0  }
0x131: {  	v30 =	vpop (erf);
	v1 =	vadd.f32 v1, v1;
	v31 =	vld [tilespmem:s1+$0x17E10]  }
0x132: {  	v0 =	vadd.f32 $1.000000000e+00, v30  }
0x133: {  	v1 =	vmul.f32 $1.442695020e+00, v1  }
0x134: {  	(erf) = vrcp.f32 v0;
	v32 =	vpop (erf);
	v3 =	vmax.f32 v3, $-1.500000000e+01  }
0x135: {  	v0 =	vadd.f32 $1.000000000e+00, v32;
	(erf) = vpow2.f32 v1;
	v33 =	vpop (erf);
	v3 =	vmin.f32 v3, $1.500000000e+01  }
0x136: {  	v1 =	vadd.f32 $1.000000000e+00, v33;
	v2 =	vmax.f32 v31, $-1.500000000e+01;
	v3 =	vadd.f32 v3, v3;
	v34 =	vpop (erf)  }
0x137: {  	(erf) = vrcp.f32 v0;
	v35 =	vadd.f32 $1.000000000e+00, v34;
	v2 =	vmin.f32 v2, $1.500000000e+01  }
0x138: {  	(erf) = vrcp.f32 v1;
	v36 =	vadd.f32 v2, v2;
	v37 =	vmul.f32 $1.442695020e+00, v3;
	v38 =	vpop (erf)  }
0x139: {  	v3 =	vadd.f32 $1.000000000e+00, v38;
	(erf) = vrcp.f32 v35  }
0x13a: {  	v39 =	vmul.f32 $1.442695020e+00, v36;
	(erf) = vpow2.f32 v37  }
0x13b: {  	(erf) = vrcp.f32 v3  }
0x13c: {  	(erf) = vpow2.f32 v39;
	_ =	sdelay $0x1  }
0x13d: {  	v40 =	vpop (erf)  }
0x13e: {  	v41 =	vpop (erf)  }
0x13f: {  	v42 =	vpop (erf)  }
0x140: {  	v43 =	vpop (erf)  }
0x141: {  	v44 =	vpop (erf)  }
0x142: {  	v45 =	vpop (erf)  }
0x143: {  	v1 =	vadd.f32 $1.000000000e+00, v41;
	v46 =	vpop (erf)  }
0x144: {  	v5 =	vadd.f32 $1.000000000e+00, v45;
	v7 =	vpop (erf)  }
0x145: {  	(erf) = vrcp.f32 v1;
	v47 =	vadd.f32 $1.000000000e+00, v7  }
0x146: {  	(erf) = vrcp.f32 v5  }
0x147: {  	(erf) = vrcp.f32 v47;
	_ =	sdelay $0x2  }
0x148: {  	v0 =	vadd.f32 v40, v40  }
0x149: {  	v48 =	vadd.f32 v42, v42  }
0x14a: {  	v0 =	vsub.f32 $1.000000000e+00, v0;
	v49 =	vadd.f32 v43, v43  }
0x14b: {  	v1 =	vsub.f32 $1.000000000e+00, v48;
	v50 =	vadd.f32 v44, v44  }
0x14c: {  	[tilespmem:s1+$0x17E70] =	vst v0;
	v51 =	vsub.f32 $1.000000000e+00, v49;
	v52 =	vadd.f32 v46, v46;
	v53 =	vpop (erf)  }
0x14d: {  	[tilespmem:s1+$0x17E60] =	vst v1;
	v54 =	vsub.f32 $1.000000000e+00, v50;
	v55 =	vadd.f32 v53, v53;
	v56 =	vpop (erf)  }
0x14e: {  	[tilespmem:s1+$0x17E40] =	vst v51;
	v57 =	vsub.f32 $1.000000000e+00, v52;
	v58 =	vadd.f32 v56, v56;
	v59 =	vpop (erf)  }
0x14f: {  	[tilespmem:s1+$0x17E00] =	vst v54;
	v60 =	vsub.f32 $1.000000000e+00, v55;
	v61 =	vadd.f32 v59, v59  }
0x150: {  	[tilespmem:s1+$0x17E50] =	vst v57;
	v62 =	vsub.f32 $1.000000000e+00, v58  }
0x151: {  	[tilespmem:s1+$0x17E30] =	vst v60;
	v63 =	vsub.f32 $1.000000000e+00, v61  }
0x152: {  	[tilespmem:s1+$0x17E20] =	vst v62  }
0x153: {  	s31 =	sadd.s32 s8, s31;
	[tilespmem:s1+$0x17E10] =	vst v63  }
0x154: {  	[hbm4b:s31+s3] =	stream.linear.scatter [tilespmem:s22], [sflag:$0x5], $0x4000, $0x38;
	[tilespmem:$0x1BE00] =	vst v63  }
0x155: {  	s30 =	sadd.s32 $0x1, s30;
	_ =	swait.ge [sflag:s16], $0x4000  }
0x156: {  	p0 =	sne.s32 s30, s12;
	[sflag:s16] =	ssyncset.done $0x0  }
.Ltmp2:
0x157: {  	[sflag:s16] =	ssyncadd.s32 $0xFFFFC000;
	(pc) =	sbr.rel @p0 .LBB2_2-.Ltmp2, $4  }
0x158: {  	[spmem:s2] =	stream.indirect.scatter.add.f32 [tilespmem:s22], [sflag:$0x5], $0x80, s21, s24, $0xb8;
	[tilespmem:$0x1BE00] =	vst v63  }
0x159: {  	_ =	swait.ge [sflag:s16], $0x4000  }
0x15a: {  	[sflag:s16] =	ssyncset.done $0x0  }
0x15b: {  	[sflag:s16] =	ssyncadd.s32 $0xFFFFC000  }
0x15c: {  	[bflag:$0x0] =	sbarrier.arrive $0xFFFF  }
0x15d: {  	s0 =	rddreg [dreg:$0x4]  }
0x15e: {  	[hbm:s0], [sflag:s10] =	dma.local [spmem:s15], $0x2780  }
0x15f: {  	_ =	swait.ge [sflag:s16], $0x2780  }
0x160: {  	s29 =	sadd.s32 $0x1, s29;
	s31 =	rddreg [dreg:$0x5]  }
0x161: {  	p0 =	sne.s32 s29, s31  }
.Ltmp3:
0x162: {  	_ = 	snop;
	(pc) =	sbr.rel @p0 .LBB2_1-.Ltmp3, $3  }
0x163: {  	_ =	sdelay $0x1  }
0x164: {  	[sflag:s16] =	ssyncset.done $0x0  }
0x165: {  	[sflag:s16] =	ssyncadd.s32 $0xFFFFD880  }
0x166: {  	_ =	sfence.sel $0x180000  }
0x167: {  	[bflag:$0x0] =	sbarrier.arrive $0xFFFF  }
0x168: {  	_ =	strace $0x90000047  }
0x169: {  	s0 =	stileid.u32;
	[bflag:$0x2] =	sbarrier.arrive $0xFFFF  }
0x16a: {  	p0 =	sne.s32 s0, $0x0;
	s0 =	rddreg [dreg:$0x2]  }
0x16b: {  	s0 =	sadd.s32 @!p0 $0x100000, s0  }
0x16c: {  	[sflag:s0] =	ssyncadd.tile.s32 @!p0 $0x1;
	_ =	shalt  }
.Lfunc_end2:
_tile_overlayer_lowered:
.L_overlay_start_2:
0x16d: {  	(tag) =	ssettag $0x2  }
0x16e: {  	s0 =	rddreg [dreg:$0x0];
	s2 =	stileid.u32  }
0x16f: {  	s1 =	rddreg [dreg:$0x1];
	p0 =	sne.s32 s2, $0x0  }
0x170: {  	s3 =	rddreg [dreg:$0x2];
	[bflag:$0x3] =	sbarrier.arrive $0xFFFF;
	s2 =	simm.s32 @!p0 $0x1C05  }
0x171: {  	[timem:s3], [sflag:s2] =	dma.local @!p0 [hbm:s0], s1  }
0x172: {  	s0 =	simm.s32 @!p0 $0x5  }
0x173: {  	_ =	swait.ge @!p0 [sflag:s0], s1  }
0x174: {  	s1 =	ssub.s32 @!p0 $0x0, s1;
	[sflag:s0] =	ssyncset.done @!p0 $0x0  }
0x175: {  	[sflag:s0] =	ssyncadd.s32 @!p0 s1  }
0x176: {  	[bflag:$0x3] =	sbarrier.arrive $0xFFFF  }
0x177: {  	_ =	shalt  }

</sc_bundles>
